<compile_context>
chip_gen: v7x
topology: tpu7x:2x2x1
jax: 0.10.2.dev20260603
libtpu: 0.0.44.dev20260713+nightly
codegen_flags: <defaults>
</compile_context>

<pallas_src>
import functools

import jax
import jax.numpy as jnp
import numpy as np
from jax import lax
from jax.experimental import pallas as pl
from jax.experimental.pallas import tpu as pltpu
from jax.experimental.pallas import tpu_sc as plsc

_NODES = [8, 32, 128, 512, 2048]
_BAND_BLK = 256
_BAND_HALO = 128
_BSZ = 32


def _pool_matrix(v):
    h = int(round((v / 2) ** 0.5))
    w = 2 * h
    p = np.zeros((v, v // 4), np.float32)
    for h2 in range(h // 2):
        for w2 in range(w // 2):
            col = h2 * (w // 2) + w2
            for dh in (0, 1):
                for dw in (0, 1):
                    p[(2 * h2 + dh) * w + (2 * w2 + dw), col] = 0.25
    return p


_POOL = {v: _pool_matrix(v) for v in _NODES[1:]}
_UNPOOL = {v: (4.0 * _POOL[v].T).copy() for v in _NODES[1:]}
_EYE = np.eye(_BSZ, dtype=np.float32)
_PK32 = np.kron(_EYE, _POOL[32])
_UK32 = np.kron(_EYE, _UNPOOL[32])


_SC_TECS = 32


def _sc_build_flat(dst, vals, pad_total, ch):
    tot = dst.shape[0]
    mesh = plsc.VectorSubcoreMesh(core_axis_name="c", subcore_axis_name="s")

    def body(dst_hbm, vals_hbm, out_hbm, dst_v, vals_v, chunk_v):
        wid = lax.axis_index("s") * 2 + lax.axis_index("c")
        lo = wid * ch
        pltpu.sync_copy(dst_hbm, dst_v)
        pltpu.sync_copy(vals_hbm, vals_v)
        zv = jnp.zeros((16,), jnp.float32)

        def zbody(i, carry):
            chunk_v[pl.ds(i * 16, 16)] = zv
            return carry

        lax.fori_loop(0, ch // 16, zbody, 0)

        def sbody(i, carry):
            d = dst_v[pl.ds(i * 16, 16)]
            v = vals_v[pl.ds(i * 16, 16)]
            dl = d - lo
            m = (d >= lo) & (dl < ch)
            plsc.store_scatter(chunk_v, [dl], v, mask=m)
            return carry

        lax.fori_loop(0, tot // 16, sbody, 0)
        pltpu.sync_copy(chunk_v, out_hbm.at[pl.ds(lo, ch)])

    return pl.kernel(
        body,
        out_type=jax.ShapeDtypeStruct((pad_total,), jnp.float32),
        mesh=mesh,
        compiler_params=pltpu.CompilerParams(needs_layout_passes=False),
        scratch_types=[
            pltpu.VMEM((tot,), jnp.int32),
            pltpu.VMEM((tot,), jnp.float32),
            pltpu.VMEM((ch,), jnp.float32),
        ],
    )(dst, vals)


def _dst_dense(lap, v, base):
    rows, cols, _ = lap
    return base + rows * v + cols


def _dst_band(lap, base):
    rows, cols, _ = lap
    j = cols // _BAND_BLK
    rloc = rows - j * _BAND_BLK + _BAND_HALO
    win = _BAND_BLK + 2 * _BAND_HALO
    return base + (j * win + rloc) * _BAND_BLK + cols % _BAND_BLK


def _kron_lift(d, bsz):
    v = d.shape[0]
    eye = jnp.asarray(np.eye(bsz, dtype=np.float32))
    return (eye[:, None, :, None] * d[None, :, None, :]).reshape(
        bsz * v, bsz * v)


def _dot(a, b):
    return jnp.dot(a, b, preferred_element_type=jnp.float32)


def _apply_l(z, l_ref, banded):
    if not banded:
        return _dot(z, l_ref[...])
    nblk = l_ref.shape[0]
    zp = jnp.pad(z, ((0, 0), (_BAND_HALO, _BAND_HALO)))
    win = _BAND_BLK + 2 * _BAND_HALO
    outs = []
    for j in range(nblk):
        outs.append(_dot(zp[:, j * _BAND_BLK:j * _BAND_BLK + win], l_ref[j]))
    return jnp.concatenate(outs, axis=1)


def _coarse_body(x_ref, *refs, relu, has_pm, has_skip, post, fo):
    i = 0
    s_ref = pm_ref = None
    if has_skip:
        s_ref = refs[i]; i += 1
    if has_pm:
        pm_ref = refs[i]; i += 1
    l_ref, w_ref, b_ref = refs[i:i + 3]
    i += 3
    ws_ref = None
    if has_skip and post:
        ws_ref = refs[i]; i += 1
    o_ref = refs[i]

    x = x_ref[...]
    if not post:
        if has_pm:
            x = _dot(x, pm_ref[...])
        if has_skip:
            x = jnp.concatenate([x, s_ref[...]], axis=0)
        x0 = x
        x1 = _dot(x0, l_ref[...])
        x2 = 2.0 * _dot(x1, l_ref[...]) - x0
        y = _dot(w_ref[...], jnp.concatenate([x0, x1, x2], axis=0))
    else:
        y3 = _dot(w_ref[...], x)
        if has_skip:
            y3 = y3 + _dot(ws_ref[...], s_ref[...])
        if has_pm:
            y3 = _dot(y3, pm_ref[...])
        y0, y1, y2 = y3[:fo], y3[fo:2 * fo], y3[2 * fo:]
        t = _dot(y2, l_ref[...])
        y = (y0 - y2) + _dot(y1 + 2.0 * t, l_ref[...])

    y = y + b_ref[...]
    if relu:
        y = jnp.maximum(y, 0.0)
    o_ref[...] = y


def _cheb_pre(x, l, w, b, relu):
    x1 = _dot(x, l)
    x2 = 2.0 * _dot(x1, l) - x
    y = _dot(w, jnp.concatenate([x, x1, x2], axis=0)) + b
    return jnp.maximum(y, 0.0) if relu else y


def _cheb_post(y3, l, b, fo, relu):
    y0, y1, y2 = y3[:fo], y3[fo:2 * fo], y3[2 * fo:]
    t = _dot(y2, l)
    y = (y0 - y2) + _dot(y1 + 2.0 * t, l) + b
    return jnp.maximum(y, 0.0) if relu else y


def _coarse_chain_body(x2f_ref, lk1_ref, lk2_ref, pk_ref, uk_ref,
                       w1_ref, b1_ref, w2_ref, b2_ref, w3_ref, b3_ref,
                       w4_ref, b4_ref, w5_ref, b5_ref,
                       w6h_ref, w6s_ref, b6_ref, o_ref):
    x2f = x2f_ref[...]
    lk1 = lk1_ref[...]
    lk2 = lk2_ref[...]
    x1f = _cheb_pre(_dot(x2f, pk_ref[...]), lk1, w1_ref[...], b1_ref[...],
                    True)
    x0f = _cheb_pre(x1f, lk1, w2_ref[...], b2_ref[...], False)
    h = _cheb_pre(x0f, lk1, w3_ref[...], b3_ref[...], True)
    h = _cheb_pre(jnp.concatenate([h, x1f], axis=0), lk1, w4_ref[...],
                  b4_ref[...], True)
    y3 = _dot(_dot(w5_ref[...], h), uk_ref[...])
    fo = b5_ref.shape[0]
    h = _cheb_post(y3, lk2, b5_ref[...], fo, True)
    y3 = _dot(w6h_ref[...], h) + _dot(w6s_ref[...], x2f)
    o_ref[...] = _cheb_post(y3, lk2, b6_ref[...], fo, True)


def _enc5_pair_body(x_ref, l_ref, w1_ref, b1_ref, w2_ref, b2_ref, o_ref, *,
                    nb):
    def cheb(x3, w, b):
        f, v = x3.shape[1], x3.shape[2]
        xm = x3.reshape(nb * f, v)
        x1 = _apply_l(xm, l_ref, True)
        x2 = 2.0 * _apply_l(x1, l_ref, True) - xm
        ys = []
        for bi in range(nb):
            s = slice(bi * f, (bi + 1) * f)
            ys.append(_dot(w, jnp.concatenate([xm[s], x1[s], x2[s]], axis=0)))
        return jnp.stack(ys) + b

    y = jnp.maximum(cheb(x_ref[...], w1_ref[...], b1_ref[...]), 0.0)
    o_ref[...] = jnp.maximum(cheb(y, w2_ref[...], b2_ref[...]), 0.0)


def _dec5_pair_body(x_ref, l_ref, pm_ref, w1_ref, b1_ref, w2_ref, b2_ref,
                    o_ref, *, nb):
    def cheb_post(x3, w, b, pm):
        fo3 = w.shape[0]
        fo = fo3 // 3
        y3m = jnp.concatenate([_dot(w, x3[bi]) for bi in range(nb)], axis=0)
        if pm is not None:
            y3m = _dot(y3m, pm)
        v = y3m.shape[1]
        y3d = y3m.reshape(nb, fo3, v)
        y0 = y3d[:, :fo, :].reshape(nb * fo, v)
        y1 = y3d[:, fo:2 * fo, :].reshape(nb * fo, v)
        y2 = y3d[:, 2 * fo:, :].reshape(nb * fo, v)
        t = _apply_l(y2, l_ref, True)
        y = (y0 - y2) + _apply_l(y1 + 2.0 * t, l_ref, True)
        return y.reshape(nb, fo, v) + b

    y = cheb_post(x_ref[...], w1_ref[...], b1_ref[...], pm_ref[...])
    o_ref[...] = cheb_post(y, w2_ref[...], b2_ref[...], None)


def _dec_pair_body(x_ref, l_ref, pm_ref, s_ref, w1_ref, b1_ref, w2h_ref,
                   w2s_ref, b2_ref, o_ref, *, nb):
    def cheb_post(x3, w, b, pm, skip3, ws):
        fo3 = w.shape[0]
        fo = fo3 // 3
        parts = []
        for bi in range(nb):
            yb = _dot(w, x3[bi])
            if skip3 is not None:
                yb = yb + _dot(ws, skip3[bi])
            parts.append(yb)
        y3m = jnp.concatenate(parts, axis=0)
        if pm is not None:
            y3m = _dot(y3m, pm)
        v = y3m.shape[1]
        y3d = y3m.reshape(nb, fo3, v)
        y0 = y3d[:, :fo, :].reshape(nb * fo, v)
        y1 = y3d[:, fo:2 * fo, :].reshape(nb * fo, v)
        y2 = y3d[:, 2 * fo:, :].reshape(nb * fo, v)
        t = _dot(y2, l_ref[...])
        y = (y0 - y2) + _dot(y1 + 2.0 * t, l_ref[...])
        return jnp.maximum(y.reshape(nb, fo, v) + b, 0.0)

    y = cheb_post(x_ref[...], w1_ref[...], b1_ref[...], pm_ref[...],
                  None, None)
    o_ref[...] = cheb_post(y, w2h_ref[...], b2_ref[...], None,
                           s_ref[...], w2s_ref[...])


def _fine_body(x_ref, *refs, relu, has_pm, has_skip, post, banded, fo, nb):
    i = 0
    s_ref = pm_ref = None
    if has_skip:
        s_ref = refs[i]; i += 1
    if has_pm:
        pm_ref = refs[i]; i += 1
    l_ref, w_ref, b_ref = refs[i:i + 3]
    i += 3
    ws_ref = None
    if has_skip and post:
        ws_ref = refs[i]; i += 1
    o_ref = refs[i]

    x3 = x_ref[...]
    fin_raw, vin = x3.shape[1], x3.shape[2]

    if not post:
        xm = x3.reshape(nb * fin_raw, vin)
        if has_pm:
            xm = _dot(xm, pm_ref[...])
        vout = xm.shape[1]
        if has_skip:
            s3 = s_ref[...]
            xm = jnp.concatenate(
                [xm.reshape(nb, fin_raw, vout), s3], axis=1)
            fin = fin_raw + s3.shape[1]
            xm = xm.reshape(nb * fin, vout)
        else:
            fin = fin_raw
        x0 = xm
        x1 = _apply_l(x0, l_ref, banded)
        x2 = 2.0 * _apply_l(x1, l_ref, banded) - x0
        w = w_ref[...]
        ys = []
        for b in range(nb):
            xcb = jnp.concatenate(
                [x0[b * fin:(b + 1) * fin],
                 x1[b * fin:(b + 1) * fin],
                 x2[b * fin:(b + 1) * fin]], axis=0)
            ys.append(_dot(w, xcb))
        y = jnp.stack(ys)
    else:
        w = w_ref[...]
        pieces = []
        for b in range(nb):
            yb = _dot(w, x3[b])
            if has_skip:
                yb = yb + _dot(ws_ref[...], s_ref[b])
            pieces.append(yb)
        y3m = jnp.concatenate(pieces, axis=0)
        if has_pm:
            y3m = _dot(y3m, pm_ref[...])
        vout = y3m.shape[1]
        y3d = y3m.reshape(nb, 3 * fo, vout)
        y0 = y3d[:, :fo, :].reshape(nb * fo, vout)
        y1 = y3d[:, fo:2 * fo, :].reshape(nb * fo, vout)
        y2 = y3d[:, 2 * fo:, :].reshape(nb * fo, vout)
        t = _apply_l(y2, l_ref, banded)
        y = (y0 - y2) + _apply_l(y1 + 2.0 * t, l_ref, banded)
        y = y.reshape(nb, fo, vout)

    y = y + b_ref[...]
    if relu:
        y = jnp.maximum(y, 0.0)
    o_ref[...] = y


def _conv(x, ld, w, b, *, skip=None, pm=None, relu=True, post=False,
          banded=False, coarse=False, nb=1):
    if post:
        (w_main, ws) = w if skip is not None else (w, None)
        fo = w_main.shape[0] // 3
    else:
        w_main, ws = w, None
        fo = w.shape[0]
    vout = ld.shape[0] * ld.shape[2] if banded else ld.shape[-1]

    def const(s):
        return pl.BlockSpec(s, lambda i: tuple(0 for _ in s))

    if coarse:
        bv_out = (pm.shape[1] if pm is not None else x.shape[1])
        inputs = [x]
        in_specs = [const(x.shape)]
        if skip is not None:
            inputs.append(skip); in_specs.append(const(skip.shape))
        if pm is not None:
            inputs.append(pm); in_specs.append(const(pm.shape))
        inputs += [ld, w_main, b.reshape(fo, 1)]
        in_specs += [const(ld.shape), const(w_main.shape), const((fo, 1))]
        if ws is not None:
            inputs.append(ws); in_specs.append(const(ws.shape))
        body = functools.partial(
            _coarse_body, relu=relu, has_pm=pm is not None,
            has_skip=skip is not None, post=post, fo=fo)
        return pl.pallas_call(
            body, grid=(1,), in_specs=in_specs,
            out_specs=const((fo, bv_out)),
            out_shape=jax.ShapeDtypeStruct((fo, bv_out), jnp.float32),
        )(*inputs)

    bsz, fin_raw, vin = x.shape
    inputs = [x]
    in_specs = [pl.BlockSpec((nb, fin_raw, vin), lambda i: (i, 0, 0))]
    if skip is not None:
        fs = skip.shape[1]
        inputs.append(skip)
        in_specs.append(pl.BlockSpec((nb, fs, vout), lambda i: (i, 0, 0)))
    if pm is not None:
        inputs.append(pm)
        in_specs.append(const(pm.shape))
    inputs += [ld, w_main, b.reshape(fo, 1)]
    in_specs += [const(ld.shape), const(w_main.shape), const((fo, 1))]
    if ws is not None:
        inputs.append(ws)
        in_specs.append(const(ws.shape))

    body = functools.partial(
        _fine_body, relu=relu, has_pm=pm is not None,
        has_skip=skip is not None, post=post, banded=banded, fo=fo, nb=nb)
    return pl.pallas_call(
        body, grid=(bsz // nb,), in_specs=in_specs,
        out_specs=pl.BlockSpec((nb, fo, vout), lambda i: (i, 0, 0)),
        out_shape=jax.ShapeDtypeStruct((bsz, fo, vout), jnp.float32),
    )(*inputs)


def _w_pre(params, name):
    w = params[name + '_w']
    k, fin, fo = w.shape
    return w.reshape(k * fin, fo).T, params[name + '_b']


def _w_post(params, name, split=None):
    w = params[name + '_w']
    k, fin, fo = w.shape
    if split is None:
        return w.transpose(0, 2, 1).reshape(k * fo, fin), params[name + '_b']
    wh = w[:, :split, :].transpose(0, 2, 1).reshape(k * fo, split)
    ws = w[:, split:, :].transpose(0, 2, 1).reshape(k * fo, fin - split)
    return (wh, ws), params[name + '_b']


@jax.jit
def kernel(x, params, laps):
    bsz = x.shape[0]

    sizes = [v * v for v in _NODES[:4]]
    win = _BAND_BLK + 2 * _BAND_HALO
    sizes.append((_NODES[4] // _BAND_BLK) * win * _BAND_BLK)
    bases = list(np.cumsum([0] + sizes[:-1]))
    total = int(np.sum(sizes))
    ch = -(-total // (_SC_TECS * 16)) * 16
    pad_total = ch * _SC_TECS

    dst = jnp.concatenate(
        [_dst_dense(laps[i], _NODES[i], int(bases[i])) for i in range(4)]
        + [_dst_band(laps[4], int(bases[4]))])
    vals = jnp.concatenate([laps[i][2] for i in range(5)])
    pad = -(-dst.shape[0] // 16) * 16 - dst.shape[0]
    dst = jnp.pad(dst, (0, pad), constant_values=-1)
    vals = jnp.pad(vals, (0, pad))
    flat = _sc_build_flat(dst, vals, pad_total, ch)

    o = [int(b) for b in bases]
    ld2 = flat[o[1]:o[1] + sizes[1]].reshape(_NODES[1], _NODES[1])
    ld3 = flat[o[2]:o[2] + sizes[2]].reshape(_NODES[2], _NODES[2])
    ld4 = flat[o[3]:o[3] + sizes[3]].reshape(_NODES[3], _NODES[3])
    lw5 = flat[o[4]:o[4] + sizes[4]].reshape(-1, win, _BAND_BLK)
    ld1 = flat[o[0]:o[0] + sizes[0]].reshape(_NODES[0], _NODES[0])
    lk1 = _kron_lift(ld1, bsz)
    lk2 = _kron_lift(ld2, bsz)

    pk32 = jnp.asarray(_PK32)
    uk32 = jnp.asarray(_UK32)
    p2048 = jnp.asarray(_POOL[2048])
    p512 = jnp.asarray(_POOL[512])
    p128 = jnp.asarray(_POOL[128])
    u128 = jnp.asarray(_UNPOOL[128])
    u512 = jnp.asarray(_UNPOOL[512])
    u2048 = jnp.asarray(_UNPOOL[2048])

    xt = jnp.transpose(x, (0, 2, 1))

    def pre(name, ld, h, **kw):
        wt, b = _w_pre(params, name)
        return _conv(h, ld, wt, b, **kw)

    def post(name, ld, h, split=None, **kw):
        wt, b = _w_post(params, name, split)
        return _conv(h, ld, wt, b, post=True, **kw)

    we1, be1 = _w_pre(params, 'conv1_enc_l5')
    we2, be2 = _w_pre(params, 'conv2_enc_l5')
    eins = [xt, lw5, we1, be1.reshape(-1, 1), we2, be2.reshape(-1, 1)]
    especs = [pl.BlockSpec((8, 16, 2048), lambda i: (i, 0, 0))] + [
        pl.BlockSpec(a.shape, lambda i, s=a.shape: tuple(0 for _ in s))
        for a in eins[1:]]
    x5 = pl.pallas_call(
        functools.partial(_enc5_pair_body, nb=8), grid=(bsz // 8,),
        in_specs=especs,
        out_specs=pl.BlockSpec((8, 64, 2048), lambda i: (i, 0, 0)),
        out_shape=jax.ShapeDtypeStruct((bsz, 64, 2048), jnp.float32),
    )(*eins)
    x4 = pre('conv_enc_l4', ld4, x5, pm=p2048, nb=16)
    x3 = pre('conv_enc_l3', ld3, x4, pm=p512, nb=32)
    x2 = pre('conv_enc_l2', ld2, x3, pm=p128, nb=32)
    x2f = jnp.transpose(x2, (1, 0, 2)).reshape(512, bsz * 32)
    wt1, b1 = _w_pre(params, 'conv_enc_l1')
    wt2, b2 = _w_pre(params, 'conv_enc_l0')
    wt3, b3 = _w_pre(params, 'conv1_dec_l1')
    wt4, b4 = _w_pre(params, 'conv2_dec_l1')
    wt5, b5 = _w_post(params, 'conv1_dec_l2')
    (w6h, w6s), b6 = _w_post(params, 'conv2_dec_l2', 256)
    ins = [x2f, lk1, lk2, pk32, uk32,
           wt1, b1.reshape(-1, 1), wt2, b2.reshape(-1, 1),
           wt3, b3.reshape(-1, 1), wt4, b4.reshape(-1, 1),
           wt5, b5.reshape(-1, 1), w6h, w6s, b6.reshape(-1, 1)]

    def cspec(s):
        return pl.BlockSpec(s, lambda i: tuple(0 for _ in s))

    h = pl.pallas_call(
        _coarse_chain_body, grid=(1,),
        in_specs=[cspec(a.shape) for a in ins],
        out_specs=cspec((256, bsz * 32)),
        out_shape=jax.ShapeDtypeStruct((256, bsz * 32), jnp.float32),
    )(*ins)
    h = jnp.transpose(h.reshape(256, bsz, 32), (1, 0, 2))
    def dec_pair(n1, n2, split, h, ld, pm, skip, nb):
        w1, b1 = _w_post(params, n1)
        (w2h, w2s), b2 = _w_post(params, n2, split)
        fo = b2.shape[0]
        vout = pm.shape[1]
        ins = [h, ld, pm, skip, w1, b1.reshape(-1, 1),
               w2h, w2s, b2.reshape(-1, 1)]
        specs = [pl.BlockSpec((nb,) + h.shape[1:], lambda i: (i, 0, 0))]
        specs += [pl.BlockSpec(a.shape,
                               lambda i, s=a.shape: tuple(0 for _ in s))
                  for a in ins[1:3]]
        specs.append(pl.BlockSpec((nb,) + skip.shape[1:],
                                  lambda i: (i, 0, 0)))
        specs += [pl.BlockSpec(a.shape,
                               lambda i, s=a.shape: tuple(0 for _ in s))
                  for a in ins[4:]]
        return pl.pallas_call(
            functools.partial(_dec_pair_body, nb=nb), grid=(bsz // nb,),
            in_specs=specs,
            out_specs=pl.BlockSpec((nb, fo, vout), lambda i: (i, 0, 0)),
            out_shape=jax.ShapeDtypeStruct((bsz, fo, vout), jnp.float32),
        )(*ins)

    h = dec_pair('conv1_dec_l3', 'conv2_dec_l3', 128, h, ld3, u128, x3, 32)
    h = dec_pair('conv1_dec_l4', 'conv2_dec_l4', 64, h, ld4, u512, x4, 16)
    wd1, bd1 = _w_post(params, 'conv1_dec_l5')
    wd2, bd2 = _w_post(params, 'conv2_dec_l5')
    dins = [h, lw5, u2048, wd1, bd1.reshape(-1, 1), wd2, bd2.reshape(-1, 1)]
    dspecs = [pl.BlockSpec((8, 64, 512), lambda i: (i, 0, 0))] + [
        pl.BlockSpec(a.shape, lambda i, s=a.shape: tuple(0 for _ in s))
        for a in dins[1:]]
    h = pl.pallas_call(
        functools.partial(_dec5_pair_body, nb=8), grid=(bsz // 8,),
        in_specs=dspecs,
        out_specs=pl.BlockSpec((8, 16, 2048), lambda i: (i, 0, 0)),
        out_shape=jax.ShapeDtypeStruct((bsz, 16, 2048), jnp.float32),
    )(*dins)

    return jnp.transpose(h, (0, 2, 1))

# --- scband reference (transcript-rebuilt; emitter-appended) ---
"""Pipeline reference for scband-unet-no-bnspherical-27015344292186 (READ-ONLY COPY).

The authoritative reference and input builder live on the scoring server;
editing this copy changes nothing except your own understanding.
"""

import jax
import jax.numpy as jnp
import numpy as np

RATIO = 2
KSIZE = 3
NODES = [8, 32, 128, 512, 2048]
CH = [('conv1_enc_l5', 16, 32), ('conv2_enc_l5', 32, 64), ('conv_enc_l4', 64, 128), ('conv_enc_l3', 128, 256), ('conv_enc_l2', 256, 512), ('conv_enc_l1', 512, 512), ('conv_enc_l0', 512, 512), ('conv1_dec_l1', 512, 512), ('conv2_dec_l1', 1024, 512), ('conv1_dec_l2', 512, 256), ('conv2_dec_l2', 768, 256), ('conv1_dec_l3', 256, 128), ('conv2_dec_l3', 384, 128), ('conv1_dec_l4', 128, 64), ('conv2_dec_l4', 192, 64), ('conv1_dec_l5', 64, 32), ('conv2_dec_l5', 32, 16)]


def _equiangular_laplacian(n, ratio):
    H = int(round((n / ratio) ** 0.5))
    W = ratio * H
    lat = (np.arange(H) + 0.5) / H * np.pi
    lon = np.arange(W) / W * 2.0 * np.pi
    lat_g, lon_g = np.meshgrid(lat, lon, indexing='ij')
    lat_f = lat_g.reshape(-1)
    lon_f = lon_g.reshape(-1)
    coords = np.stack([np.sin(lat_f) * np.cos(lon_f), np.sin(lat_f) * np.sin(lon_f), np.cos(lat_f)], axis=1)
    d2 = ((coords[:, None, :] - coords[None, :, :]) ** 2).sum(-1)
    k = min(8, n - 1)
    order = np.argsort(d2, axis=1)[:, 1:k + 1]
    rows = np.repeat(np.arange(n), k)
    cols = order.reshape(-1)
    sig2 = d2[rows, cols].mean()
    A = np.zeros((n, n))
    A[rows, cols] = np.exp(-d2[rows, cols] / sig2)
    A = np.maximum(A, A.T)
    dinv = 1.0 / np.sqrt(np.maximum(A.sum(1), 1e-12))
    L = -dinv[:, None] * A * dinv[None, :]
    r, c = np.nonzero(np.abs(L) > 1e-12)
    return (jnp.asarray(r, jnp.int32), jnp.asarray(c, jnp.int32), jnp.asarray(L[r, c], jnp.float32))


def _sp_mm(lap, x):
    rows, cols, vals = lap
    xg = x[:, cols, :] * vals[None, :, None]
    return jnp.zeros_like(x).at[:, rows, :].add(xg)


def _cheb(lap, x, w, b):
    x0 = x
    out = jnp.einsum('bvf,fo->bvo', x0, w[0])
    x1 = _sp_mm(lap, x0)
    out = out + jnp.einsum('bvf,fo->bvo', x1, w[1])
    for k in range(2, w.shape[0]):
        x2 = 2.0 * _sp_mm(lap, x1) - x0
        out = out + jnp.einsum('bvf,fo->bvo', x2, w[k])
        x0, x1 = x1, x2
    return out + b


def _pool(x):
    B, V, F = x.shape
    H = int(round((V / RATIO) ** 0.5))
    W = RATIO * H
    g = x.reshape(B, H // 2, 2, W // 2, 2, F)
    return g.mean(axis=(2, 4)).reshape(B, V // 4, F)


def _unpool(x):
    B, V, F = x.shape
    H = int(round((V / RATIO) ** 0.5))
    W = RATIO * H
    g = x.reshape(B, H, W, F)
    g = jnp.repeat(jnp.repeat(g, 2, axis=1), 2, axis=2)
    return g.reshape(B, 4 * V, F)


def _forward(x, params, laps):
    L1, L2, L3, L4, L5 = laps
    r = jax.nn.relu

    def cv(name, L, h):
        return _cheb(L, h, params[name + '_w'], params[name + '_b'])

    x5 = r(cv('conv1_enc_l5', L5, x))
    x5 = r(cv('conv2_enc_l5', L5, x5))
    x4 = r(cv('conv_enc_l4', L4, _pool(x5)))
    x3 = r(cv('conv_enc_l3', L3, _pool(x4)))
    x2 = r(cv('conv_enc_l2', L2, _pool(x3)))
    x1 = r(cv('conv_enc_l1', L1, _pool(x2)))
    x0 = cv('conv_enc_l0', L1, x1)
    h = r(cv('conv1_dec_l1', L1, x0))
    h = jnp.concatenate([h, x1], axis=2)
    h = r(cv('conv2_dec_l1', L1, h))
    h = _unpool(h)
    h = r(cv('conv1_dec_l2', L2, h))
    h = jnp.concatenate([h, x2], axis=2)
    h = r(cv('conv2_dec_l2', L2, h))
    h = _unpool(h)
    h = r(cv('conv1_dec_l3', L3, h))
    h = jnp.concatenate([h, x3], axis=2)
    h = r(cv('conv2_dec_l3', L3, h))
    h = _unpool(h)
    h = r(cv('conv1_dec_l4', L4, h))
    h = jnp.concatenate([h, x4], axis=2)
    h = r(cv('conv2_dec_l4', L4, h))
    h = _unpool(h)
    h = cv('conv1_dec_l5', L5, h)
    h = cv('conv2_dec_l5', L5, h)
    return h


def setup_inputs(seed: int = 0):
    key = jax.random.key(seed)
    laps = tuple(_equiangular_laplacian(n, RATIO) for n in NODES)
    params = {}
    for i, (name, fin, fout) in enumerate(CH):
        kw = jax.random.fold_in(key, i)
        scale = (2.0 / (fin * KSIZE)) ** 0.5
        params[name + '_w'] = jax.random.normal(kw, (KSIZE, fin, fout), jnp.float32) * scale
        params[name + '_b'] = jnp.zeros((fout,), jnp.float32)
    x = jax.random.normal(jax.random.fold_in(key, 7777), (32, 2048, 16), jnp.float32)
    return {'x': x, 'params': params, 'laps': laps}


def reference(x, params, laps):
    return _forward(x, params, laps)

if __name__ == "__main__":
    import jax
    _d = setup_inputs()
    print(jax.jit(kernel)(*tuple(_d.values())))

</pallas_src>

<mosaic_0001>
#map = affine_map<(d0, d1) -> (0)>
module attributes {stable_mosaic.version = 14 : i64} {
  func.func @body(%arg0: i32, %arg1: i32, %arg2: memref<23232xi32, #tpu.memory_space<hbm>>, %arg3: memref<23232xf32, #tpu.memory_space<hbm>>, %arg4: memref<1328640xf32, #tpu.memory_space<hbm>>, %arg5: memref<23232xi32, #tpu.memory_space<vmem>>, %arg6: memref<23232xf32, #tpu.memory_space<vmem>>, %arg7: memref<41520xf32, #tpu.memory_space<vmem>>) attributes {dimension_semantics = [#tpu.dimension_semantics<core_parallel>, #tpu.dimension_semantics<subcore_parallel>], iteration_bounds = array<i64: 2, 16>, scalar_prefetch = 0 : i64, scratch_operands = 3 : i64, tpu.core_type = #tpu.core_type<sc_vector_subcore>, window_params = [{transform_indices = #map}, {transform_indices = #map}, {transform_indices = #map}]} {
    %mul3A = arith.constant 2 : i32
    %mul3A_0 = arith.muli %arg1, %mul3A : i32
    %add3A = arith.addi %mul3A_0, %arg0 : i32
    %mul3A_1 = arith.constant 41520 : i32
    %mul3A_2 = arith.muli %add3A, %mul3A_1 : i32
    "tpu.region"() ({
      %run_scoped3A = tpu.sem_alloc : memref<!tpu.dma_semaphore, #tpu.memory_space<semaphore_mem>>
      tpu.enqueue_dma source(%arg2 : memref<23232xi32, #tpu.memory_space<hbm>>) target(%arg5 : memref<23232xi32, #tpu.memory_space<vmem>>) target_semaphore(%run_scoped3A : memref<!tpu.dma_semaphore, #tpu.memory_space<semaphore_mem>>)
      tpu.wait_dma2 semaphore(%run_scoped3A : memref<!tpu.dma_semaphore, #tpu.memory_space<semaphore_mem>>) src(%arg2 : memref<23232xi32, #tpu.memory_space<hbm>>) dst(%arg5 : memref<23232xi32, #tpu.memory_space<vmem>>)
      tpu.yield
    }) : () -> ()
    "tpu.region"() ({
      %run_scoped3A = tpu.sem_alloc : memref<!tpu.dma_semaphore, #tpu.memory_space<semaphore_mem>>
      tpu.enqueue_dma source(%arg3 : memref<23232xf32, #tpu.memory_space<hbm>>) target(%arg6 : memref<23232xf32, #tpu.memory_space<vmem>>) target_semaphore(%run_scoped3A : memref<!tpu.dma_semaphore, #tpu.memory_space<semaphore_mem>>)
      tpu.wait_dma2 semaphore(%run_scoped3A : memref<!tpu.dma_semaphore, #tpu.memory_space<semaphore_mem>>) src(%arg3 : memref<23232xf32, #tpu.memory_space<hbm>>) dst(%arg6 : memref<23232xf32, #tpu.memory_space<vmem>>)
      tpu.yield
    }) : () -> ()
    %broadcast_in_dim3A = arith.constant 0.000000e+00 : f32
    %broadcast_in_dim3A_3 = vector.broadcast %broadcast_in_dim3A : f32 to vector<16xf32>
    %scan3A = arith.constant 0 : i32
    %scan3A_4 = arith.constant 0 : i32
    %scan3A_5 = arith.constant 2595 : i32
    %scan3A_6 = arith.addi %scan3A_4, %scan3A_5 : i32
    %scan3A_7 = arith.constant 1 : i32
    scf.for %scan3A_15 = %scan3A_4 to %scan3A_6 step %scan3A_7  : i32 {
      %mul3A_16 = arith.constant 16 : i32
      %mul3A_17 = arith.muli %scan3A_15, %mul3A_16 : i32
      %swap3A = arith.index_cast %mul3A_17 : i32 to index
      %swap3A_18 = tpu.vector_load %arg7[%swap3A] {strides = array<i32>} : memref<41520xf32, #tpu.memory_space<vmem>>, vector<16xf32>,
      tpu.vector_store %arg7[%swap3A], %broadcast_in_dim3A_3 {strides = array<i32>} : memref<41520xf32, #tpu.memory_space<vmem>>, vector<16xf32>,
    }
    %scan3A_8 = arith.constant 2595 : i32
    %scan3A_9 = arith.constant 0 : i32
    %scan3A_10 = arith.constant 0 : i32
    %scan3A_11 = arith.constant 1452 : i32
    %scan3A_12 = arith.addi %scan3A_10, %scan3A_11 : i32
    %scan3A_13 = arith.constant 1 : i32
    scf.for %scan3A_15 = %scan3A_10 to %scan3A_12 step %scan3A_13  : i32 {
      %mul3A_16 = arith.constant 16 : i32
      %mul3A_17 = arith.muli %scan3A_15, %mul3A_16 : i32
      %get3A = arith.index_cast %mul3A_17 : i32 to index
      %get3A_18 = tpu.vector_load %arg5[%get3A] {strides = array<i32>} : memref<23232xi32, #tpu.memory_space<vmem>>, vector<16xi32>,
      %mul3A_19 = arith.constant 16 : i32
      %mul3A_20 = arith.muli %scan3A_15, %mul3A_19 : i32
      %get3A_21 = arith.index_cast %mul3A_20 : i32 to index
      %get3A_22 = tpu.vector_load %arg6[%get3A_21] {strides = array<i32>} : memref<23232xf32, #tpu.memory_space<vmem>>, vector<16xf32>,
      %sub3A = vector.broadcast %mul3A_2 : i32 to vector<16xi32>
      %sub3A_23 = arith.subi %get3A_18, %sub3A : vector<16xi32>
      %ge3A = vector.broadcast %mul3A_2 : i32 to vector<16xi32>
      %ge3A_24 = arith.cmpi sge, %get3A_18, %ge3A : vector<16xi32>
      %lt3A = arith.constant 41520 : i32
      %lt3A_25 = vector.broadcast %lt3A : i32 to vector<16xi32>
      %lt3A_26 = arith.cmpi slt, %sub3A_23, %lt3A_25 : vector<16xi32>
      %and3A = arith.andi %ge3A_24, %lt3A_26 : vector<16xi1>
      tpu.vector_store_idx %arg7[%sub3A_23], %get3A_22 masked %and3A : memref<41520xf32, #tpu.memory_space<vmem>>[vector<16xi32>], vector<16xf32>, vector<16xi1>
    }
    %scan3A_14 = arith.constant 1452 : i32
    "tpu.region"() ({
      %run_scoped3A = tpu.sem_alloc : memref<!tpu.dma_semaphore, #tpu.memory_space<semaphore_mem>>
      %dma_start3A = tpu.memref_slice %arg4[%mul3A_2] : memref<1328640xf32, #tpu.memory_space<hbm>> -> memref<41520xf32, #tpu.memory_space<hbm>>
      %dma_start3A_15 = tpu.memref_slice %arg4[%mul3A_2] : memref<1328640xf32, #tpu.memory_space<hbm>> -> memref<41520xf32, #tpu.memory_space<hbm>>
      tpu.enqueue_dma source(%arg7 : memref<41520xf32, #tpu.memory_space<vmem>>) target(%dma_start3A_15 : memref<41520xf32, #tpu.memory_space<hbm>>) target_semaphore(%run_scoped3A : memref<!tpu.dma_semaphore, #tpu.memory_space<semaphore_mem>>)
      %dma_wait3A = tpu.memref_slice %arg4[%mul3A_2] : memref<1328640xf32, #tpu.memory_space<hbm>> -> memref<41520xf32, #tpu.memory_space<hbm>>
      %dma_wait3A_16 = tpu.memref_slice %arg4[%mul3A_2] : memref<1328640xf32, #tpu.memory_space<hbm>> -> memref<41520xf32, #tpu.memory_space<hbm>>
      tpu.wait_dma2 semaphore(%run_scoped3A : memref<!tpu.dma_semaphore, #tpu.memory_space<semaphore_mem>>) src(%arg7 : memref<41520xf32, #tpu.memory_space<vmem>>) dst(%dma_wait3A_16 : memref<41520xf32, #tpu.memory_space<hbm>>)
      tpu.yield
    }) : () -> ()
    return
  }
}

module attributes {stable_mosaic.version = 14 : i64} {
  func.func @_enc5_pair_body(%arg0: i32, %arg1: memref<8x16x2048xf32, #tpu.memory_space<vmem>>, %arg2: memref<8x512x256xf32, #tpu.memory_space<vmem>>, %arg3: memref<32x48xf32, #tpu.memory_space<vmem>>, %arg4: memref<32x1xf32, #tpu.memory_space<vmem>>, %arg5: memref<64x96xf32, #tpu.memory_space<vmem>>, %arg6: memref<64x1xf32, #tpu.memory_space<vmem>>, %arg7: memref<8x64x2048xf32, #tpu.memory_space<vmem>>) attributes {dimension_semantics = [#tpu.dimension_semantics<arbitrary>], iteration_bounds = array<i64: 4>, scalar_prefetch = 0 : i64, scratch_operands = 0 : i64, tpu.core_type = #tpu.core_type<tc>, window_params = [{transform_indices = @transform_0, window_bounds = array<i64: 8, 16, 2048>}, {pipeline_mode = #tpu.pipeline_mode<synchronous>, transform_indices = @transform_1, window_bounds = array<i64: 8, 512, 256>}, {pipeline_mode = #tpu.pipeline_mode<synchronous>, transform_indices = @transform_2, window_bounds = array<i64: 32, 48>}, {pipeline_mode = #tpu.pipeline_mode<synchronous>, transform_indices = @transform_3, window_bounds = array<i64: 32, 1>}, {pipeline_mode = #tpu.pipeline_mode<synchronous>, transform_indices = @transform_4, window_bounds = array<i64: 64, 96>}, {pipeline_mode = #tpu.pipeline_mode<synchronous>, transform_indices = @transform_5, window_bounds = array<i64: 64, 1>}, {transform_indices = @transform_6, window_bounds = array<i64: 8, 64, 2048>}]} {
    %get3A = arith.constant 0 : index
    %get3A_0 = arith.constant 0 : index
    %get3A_1 = arith.constant 0 : index
    %get3A_2 = vector.load %arg1[%get3A, %get3A_0, %get3A_1] : memref<8x16x2048xf32, #tpu.memory_space<vmem>>, vector<8x16x2048xf32>
    %get3A_3 = arith.constant 0 : index
    %get3A_4 = arith.constant 0 : index
    %get3A_5 = vector.load %arg3[%get3A_3, %get3A_4] : memref<32x48xf32, #tpu.memory_space<vmem>>, vector<32x48xf32>
    %get3A_6 = arith.constant 0 : index
    %get3A_7 = arith.constant 0 : index
    %get3A_8 = vector.load %arg4[%get3A_6, %get3A_7] : memref<32x1xf32, #tpu.memory_space<vmem>>, vector<32x1xf32>
    %reshape3A = vector.shape_cast %get3A_2 : vector<8x16x2048xf32> to vector<128x2048xf32>
    %jit3A = arith.constant 0 : i32
    %convert_element_type3A = arith.sitofp %jit3A : i32 to f32
    %pad3A = vector.broadcast %convert_element_type3A : f32 to vector<128x128xf32>
    %pad3A_9 = tpu.concatenate %pad3A, %reshape3A in 1 : vector<128x128xf32>, vector<128x2048xf32> -> vector<128x2176xf32>
    %pad3A_10 = vector.broadcast %convert_element_type3A : f32 to vector<128x128xf32>
    %pad3A_11 = tpu.concatenate %pad3A_9, %pad3A_10 in 1 : vector<128x2176xf32>, vector<128x128xf32> -> vector<128x2304xf32>
    %slice3A = vector.extract_strided_slice %pad3A_11 {offsets = [0, 0], sizes = [128, 512], strides = [1, 1]} : vector<128x2304xf32> to vector<128x512xf32>
    %get3A_12 = arith.constant 0 : index
    %get3A_13 = arith.constant 0 : index
    %get3A_14 = arith.constant 0 : index
    %get3A_15 = vector.load %arg2[%get3A_12, %get3A_13, %get3A_14] : memref<8x512x256xf32, #tpu.memory_space<vmem>>, vector<1x512x256xf32>
    %get3A_16 = vector.shape_cast %get3A_15 : vector<1x512x256xf32> to vector<512x256xf32>
    %dot_general3A = arith.constant dense<0.000000e+00> : vector<128x256xf32>
    %dot_general3A_17 = tpu.matmul %slice3A, %get3A_16, %dot_general3A {dimension_numbers = #tpu.dot_dimension_numbers<[1], [0], [0], [1], [0, 0, 1, 1], [], []>, transpose_lhs_hint = false} : vector<128x512xf32>, vector<512x256xf32>, vector<128x256xf32> -> vector<128x256xf32>
    %slice3A_18 = vector.extract_strided_slice %pad3A_11 {offsets = [0, 256], sizes = [128, 512], strides = [1, 1]} : vector<128x2304xf32> to vector<128x512xf32>
    %get3A_19 = arith.constant 1 : index
    %get3A_20 = arith.constant 0 : index
    %get3A_21 = arith.constant 0 : index
    %get3A_22 = vector.load %arg2[%get3A_19, %get3A_20, %get3A_21] : memref<8x512x256xf32, #tpu.memory_space<vmem>>, vector<1x512x256xf32>
    %get3A_23 = vector.shape_cast %get3A_22 : vector<1x512x256xf32> to vector<512x256xf32>
    %dot_general3A_24 = arith.constant dense<0.000000e+00> : vector<128x256xf32>
    %dot_general3A_25 = tpu.matmul %slice3A_18, %get3A_23, %dot_general3A_24 {dimension_numbers = #tpu.dot_dimension_numbers<[1], [0], [0], [1], [0, 0, 1, 1], [], []>, transpose_lhs_hint = false} : vector<128x512xf32>, vector<512x256xf32>, vector<128x256xf32> -> vector<128x256xf32>
    %slice3A_26 = vector.extract_strided_slice %pad3A_11 {offsets = [0, 512], sizes = [128, 512], strides = [1, 1]} : vector<128x2304xf32> to vector<128x512xf32>
    %get3A_27 = arith.constant 2 : index
    %get3A_28 = arith.constant 0 : index
    %get3A_29 = arith.constant 0 : index
    %get3A_30 = vector.load %arg2[%get3A_27, %get3A_28, %get3A_29] : memref<8x512x256xf32, #tpu.memory_space<vmem>>, vector<1x512x256xf32>
    %get3A_31 = vector.shape_cast %get3A_30 : vector<1x512x256xf32> to vector<512x256xf32>
    %dot_general3A_32 = arith.constant dense<0.000000e+00> : vector<128x256xf32>
    %dot_general3A_33 = tpu.matmul %slice3A_26, %get3A_31, %dot_general3A_32 {dimension_numbers = #tpu.dot_dimension_numbers<[1], [0], [0], [1], [0, 0, 1, 1], [], []>, transpose_lhs_hint = false} : vector<128x512xf32>, vector<512x256xf32>, vector<128x256xf32> -> vector<128x256xf32>
    %slice3A_34 = vector.extract_strided_slice %pad3A_11 {offsets = [0, 768], sizes = [128, 512], strides = [1, 1]} : vector<128x2304xf32> to vector<128x512xf32>
    %get3A_35 = arith.constant 3 : index
    %get3A_36 = arith.constant 0 : index
    %get3A_37 = arith.constant 0 : index
    %get3A_38 = vector.load %arg2[%get3A_35, %get3A_36, %get3A_37] : memref<8x512x256xf32, #tpu.memory_space<vmem>>, vector<1x512x256xf32>
    %get3A_39 = vector.shape_cast %get3A_38 : vector<1x512x256xf32> to vector<512x256xf32>
    %dot_general3A_40 = arith.constant dense<0.000000e+00> : vector<128x256xf32>
    %dot_general3A_41 = tpu.matmul %slice3A_34, %get3A_39, %dot_general3A_40 {dimension_numbers = #tpu.dot_dimension_numbers<[1], [0], [0], [1], [0, 0, 1, 1], [], []>, transpose_lhs_hint = false} : vector<128x512xf32>, vector<512x256xf32>, vector<128x256xf32> -> vector<128x256xf32>
    %slice3A_42 = vector.extract_strided_slice %pad3A_11 {offsets = [0, 1024], sizes = [128, 512], strides = [1, 1]} : vector<128x2304xf32> to vector<128x512xf32>
    %get3A_43 = arith.constant 4 : index
    %get3A_44 = arith.constant 0 : index
    %get3A_45 = arith.constant 0 : index
    %get3A_46 = vector.load %arg2[%get3A_43, %get3A_44, %get3A_45] : memref<8x512x256xf32, #tpu.memory_space<vmem>>, vector<1x512x256xf32>
    %get3A_47 = vector.shape_cast %get3A_46 : vector<1x512x256xf32> to vector<512x256xf32>
    %dot_general3A_48 = arith.constant dense<0.000000e+00> : vector<128x256xf32>
    %dot_general3A_49 = tpu.matmul %slice3A_42, %get3A_47, %dot_general3A_48 {dimension_numbers = #tpu.dot_dimension_numbers<[1], [0], [0], [1], [0, 0, 1, 1], [], []>, transpose_lhs_hint = false} : vector<128x512xf32>, vector<512x256xf32>, vector<128x256xf32> -> vector<128x256xf32>
    %slice3A_50 = vector.extract_strided_slice %pad3A_11 {offsets = [0, 1280], sizes = [128, 512], strides = [1, 1]} : vector<128x2304xf32> to vector<128x512xf32>
    %get3A_51 = arith.constant 5 : index
    %get3A_52 = arith.constant 0 : index
    %get3A_53 = arith.constant 0 : index
    %get3A_54 = vector.load %arg2[%get3A_51, %get3A_52, %get3A_53] : memref<8x512x256xf32, #tpu.memory_space<vmem>>, vector<1x512x256xf32>
    %get3A_55 = vector.shape_cast %get3A_54 : vector<1x512x256xf32> to vector<512x256xf32>
    %dot_general3A_56 = arith.constant dense<0.000000e+00> : vector<128x256xf32>
    %dot_general3A_57 = tpu.matmul %slice3A_50, %get3A_55, %dot_general3A_56 {dimension_numbers = #tpu.dot_dimension_numbers<[1], [0], [0], [1], [0, 0, 1, 1], [], []>, transpose_lhs_hint = false} : vector<128x512xf32>, vector<512x256xf32>, vector<128x256xf32> -> vector<128x256xf32>
    %slice3A_58 = vector.extract_strided_slice %pad3A_11 {offsets = [0, 1536], sizes = [128, 512], strides = [1, 1]} : vector<128x2304xf32> to vector<128x512xf32>
    %get3A_59 = arith.constant 6 : index
    %get3A_60 = arith.constant 0 : index
    %get3A_61 = arith.constant 0 : index
    %get3A_62 = vector.load %arg2[%get3A_59, %get3A_60, %get3A_61] : memref<8x512x256xf32, #tpu.memory_space<vmem>>, vector<1x512x256xf32>
    %get3A_63 = vector.shape_cast %get3A_62 : vector<1x512x256xf32> to vector<512x256xf32>
    %dot_general3A_64 = arith.constant dense<0.000000e+00> : vector<128x256xf32>
    %dot_general3A_65 = tpu.matmul %slice3A_58, %get3A_63, %dot_general3A_64 {dimension_numbers = #tpu.dot_dimension_numbers<[1], [0], [0], [1], [0, 0, 1, 1], [], []>, transpose_lhs_hint = false} : vector<128x512xf32>, vector<512x256xf32>, vector<128x256xf32> -> vector<128x256xf32>
    %slice3A_66 = vector.extract_strided_slice %pad3A_11 {offsets = [0, 1792], sizes = [128, 512], strides = [1, 1]} : vector<128x2304xf32> to vector<128x512xf32>
    %get3A_67 = arith.constant 7 : index
    %get3A_68 = arith.constant 0 : index
    %get3A_69 = arith.constant 0 : index
    %get3A_70 = vector.load %arg2[%get3A_67, %get3A_68, %get3A_69] : memref<8x512x256xf32, #tpu.memory_space<vmem>>, vector<1x512x256xf32>
    %get3A_71 = vector.shape_cast %get3A_70 : vector<1x512x256xf32> to vector<512x256xf32>
    %dot_general3A_72 = arith.constant dense<0.000000e+00> : vector<128x256xf32>
    %dot_general3A_73 = tpu.matmul %slice3A_66, %get3A_71, %dot_general3A_72 {dimension_numbers = #tpu.dot_dimension_numbers<[1], [0], [0], [1], [0, 0, 1, 1], [], []>, transpose_lhs_hint = false} : vector<128x512xf32>, vector<512x256xf32>, vector<128x256xf32> -> vector<128x256xf32>
    %concatenate3A = tpu.concatenate %dot_general3A_17, %dot_general3A_25, %dot_general3A_33, %dot_general3A_41, %dot_general3A_49, %dot_general3A_57, %dot_general3A_65, %dot_general3A_73 in 1 : vector<128x256xf32>, vector<128x256xf32>, vector<128x256xf32>, vector<128x256xf32>, vector<128x256xf32>, vector<128x256xf32>, vector<128x256xf32>, vector<128x256xf32> -> vector<128x2048xf32>
    %jit3A_74 = arith.constant 0 : i32
    %convert_element_type3A_75 = arith.sitofp %jit3A_74 : i32 to f32
    %pad3A_76 = vector.broadcast %convert_element_type3A_75 : f32 to vector<128x128xf32>
    %pad3A_77 = tpu.concatenate %pad3A_76, %concatenate3A in 1 : vector<128x128xf32>, vector<128x2048xf32> -> vector<128x2176xf32>
    %pad3A_78 = vector.broadcast %convert_element_type3A_75 : f32 to vector<128x128xf32>
    %pad3A_79 = tpu.concatenate %pad3A_77, %pad3A_78 in 1 : vector<128x2176xf32>, vector<128x128xf32> -> vector<128x2304xf32>
    %slice3A_80 = vector.extract_strided_slice %pad3A_79 {offsets = [0, 0], sizes = [128, 512], strides = [1, 1]} : vector<128x2304xf32> to vector<128x512xf32>
    %get3A_81 = arith.constant 0 : index
    %get3A_82 = arith.constant 0 : index
    %get3A_83 = arith.constant 0 : index
    %get3A_84 = vector.load %arg2[%get3A_81, %get3A_82, %get3A_83] : memref<8x512x256xf32, #tpu.memory_space<vmem>>, vector<1x512x256xf32>
    %get3A_85 = vector.shape_cast %get3A_84 : vector<1x512x256xf32> to vector<512x256xf32>
    %dot_general3A_86 = arith.constant dense<0.000000e+00> : vector<128x256xf32>
    %dot_general3A_87 = tpu.matmul %slice3A_80, %get3A_85, %dot_general3A_86 {dimension_numbers = #tpu.dot_dimension_numbers<[1], [0], [0], [1], [0, 0, 1, 1], [], []>, transpose_lhs_hint = false} : vector<128x512xf32>, vector<512x256xf32>, vector<128x256xf32> -> vector<128x256xf32>
    %slice3A_88 = vector.extract_strided_slice %pad3A_79 {offsets = [0, 256], sizes = [128, 512], strides = [1, 1]} : vector<128x2304xf32> to vector<128x512xf32>
    %get3A_89 = arith.constant 1 : index
    %get3A_90 = arith.constant 0 : index
    %get3A_91 = arith.constant 0 : index
    %get3A_92 = vector.load %arg2[%get3A_89, %get3A_90, %get3A_91] : memref<8x512x256xf32, #tpu.memory_space<vmem>>, vector<1x512x256xf32>
    %get3A_93 = vector.shape_cast %get3A_92 : vector<1x512x256xf32> to vector<512x256xf32>
    %dot_general3A_94 = arith.constant dense<0.000000e+00> : vector<128x256xf32>
    %dot_general3A_95 = tpu.matmul %slice3A_88, %get3A_93, %dot_general3A_94 {dimension_numbers = #tpu.dot_dimension_numbers<[1], [0], [0], [1], [0, 0, 1, 1], [], []>, transpose_lhs_hint = false} : vector<128x512xf32>, vector<512x256xf32>, vector<128x256xf32> -> vector<128x256xf32>
    %slice3A_96 = vector.extract_strided_slice %pad3A_79 {offsets = [0, 512], sizes = [128, 512], strides = [1, 1]} : vector<128x2304xf32> to vector<128x512xf32>
    %get3A_97 = arith.constant 2 : index
    %get3A_98 = arith.constant 0 : index
    %get3A_99 = arith.constant 0 : index
    %get3A_100 = vector.load %arg2[%get3A_97, %get3A_98, %get3A_99] : memref<8x512x256xf32, #tpu.memory_space<vmem>>, vector<1x512x256xf32>
    %get3A_101 = vector.shape_cast %get3A_100 : vector<1x512x256xf32> to vector<512x256xf32>
    %dot_general3A_102 = arith.constant dense<0.000000e+00> : vector<128x256xf32>
    %dot_general3A_103 = tpu.matmul %slice3A_96, %get3A_101, %dot_general3A_102 {dimension_numbers = #tpu.dot_dimension_numbers<[1], [0], [0], [1], [0, 0, 1, 1], [], []>, transpose_lhs_hint = false} : vector<128x512xf32>, vector<512x256xf32>, vector<128x256xf32> -> vector<128x256xf32>
    %slice3A_104 = vector.extract_strided_slice %pad3A_79 {offsets = [0, 768], sizes = [128, 512], strides = [1, 1]} : vector<128x2304xf32> to vector<128x512xf32>
    %get3A_105 = arith.constant 3 : index
    %get3A_106 = arith.constant 0 : index
    %get3A_107 = arith.constant 0 : index
    %get3A_108 = vector.load %arg2[%get3A_105, %get3A_106, %get3A_107] : memref<8x512x256xf32, #tpu.memory_space<vmem>>, vector<1x512x256xf32>
    %get3A_109 = vector.shape_cast %get3A_108 : vector<1x512x256xf32> to vector<512x256xf32>
    %dot_general3A_110 = arith.constant dense<0.000000e+00> : vector<128x256xf32>
    %dot_general3A_111 = tpu.matmul %slice3A_104, %get3A_109, %dot_general3A_110 {dimension_numbers = #tpu.dot_dimension_numbers<[1], [0], [0], [1], [0, 0, 1, 1], [], []>, transpose_lhs_hint = false} : vector<128x512xf32>, vector<512x256xf32>, vector<128x256xf32> -> vector<128x256xf32>
    %slice3A_112 = vector.extract_strided_slice %pad3A_79 {offsets = [0, 1024], sizes = [128, 512], strides = [1, 1]} : vector<128x2304xf32> to vector<128x512xf32>
    %get3A_113 = arith.constant 4 : index
    %get3A_114 = arith.constant 0 : index
    %get3A_115 = arith.constant 0 : index
    %get3A_116 = vector.load %arg2[%get3A_113, %get3A_114, %get3A_115] : memref<8x512x256xf32, #tpu.memory_space<vmem>>, vector<1x512x256xf32>
    %get3A_117 = vector.shape_cast %get3A_116 : vector<1x512x256xf32> to vector<512x256xf32>
    %dot_general3A_118 = arith.constant dense<0.000000e+00> : vector<128x256xf32>
    %dot_general3A_119 = tpu.matmul %slice3A_112, %get3A_117, %dot_general3A_118 {dimension_numbers = #tpu.dot_dimension_numbers<[1], [0], [0], [1], [0, 0, 1, 1], [], []>, transpose_lhs_hint = false} : vector<128x512xf32>, vector<512x256xf32>, vector<128x256xf32> -> vector<128x256xf32>
    %slice3A_120 = vector.extract_strided_slice %pad3A_79 {offsets = [0, 1280], sizes = [128, 512], strides = [1, 1]} : vector<128x2304xf32> to vector<128x512xf32>
    %get3A_121 = arith.constant 5 : index
    %get3A_122 = arith.constant 0 : index
    %get3A_123 = arith.constant 0 : index
    %get3A_124 = vector.load %arg2[%get3A_121, %get3A_122, %get3A_123] : memref<8x512x256xf32, #tpu.memory_space<vmem>>, vector<1x512x256xf32>
    %get3A_125 = vector.shape_cast %get3A_124 : vector<1x512x256xf32> to vector<512x256xf32>
    %dot_general3A_126 = arith.constant dense<0.000000e+00> : vector<128x256xf32>
    %dot_general3A_127 = tpu.matmul %slice3A_120, %get3A_125, %dot_general3A_126 {dimension_numbers = #tpu.dot_dimension_numbers<[1], [0], [0], [1], [0, 0, 1, 1], [], []>, transpose_lhs_hint = false} : vector<128x512xf32>, vector<512x256xf32>, vector<128x256xf32> -> vector<128x256xf32>
    %slice3A_128 = vector.extract_strided_slice %pad3A_79 {offsets = [0, 1536], sizes = [128, 512], strides = [1, 1]} : vector<128x2304xf32> to vector<128x512xf32>
    %get3A_129 = arith.constant 6 : index
    %get3A_130 = arith.constant 0 : index
    %get3A_131 = arith.constant 0 : index
    %get3A_132 = vector.load %arg2[%get3A_129, %get3A_130, %get3A_131] : memref<8x512x256xf32, #tpu.memory_space<vmem>>, vector<1x512x256xf32>
    %get3A_133 = vector.shape_cast %get3A_132 : vector<1x512x256xf32> to vector<512x256xf32>
    %dot_general3A_134 = arith.constant dense<0.000000e+00> : vector<128x256xf32>
    %dot_general3A_135 = tpu.matmul %slice3A_128, %get3A_133, %dot_general3A_134 {dimension_numbers = #tpu.dot_dimension_numbers<[1], [0], [0], [1], [0, 0, 1, 1], [], []>, transpose_lhs_hint = false} : vector<128x512xf32>, vector<512x256xf32>, vector<128x256xf32> -> vector<128x256xf32>
    %slice3A_136 = vector.extract_strided_slice %pad3A_79 {offsets = [0, 1792], sizes = [128, 512], strides = [1, 1]} : vector<128x2304xf32> to vector<128x512xf32>
    %get3A_137 = arith.constant 7 : index
    %get3A_138 = arith.constant 0 : index
    %get3A_139 = arith.constant 0 : index
    %get3A_140 = vector.load %arg2[%get3A_137, %get3A_138, %get3A_139] : memref<8x512x256xf32, #tpu.memory_space<vmem>>, vector<1x512x256xf32>
    %get3A_141 = vector.shape_cast %get3A_140 : vector<1x512x256xf32> to vector<512x256xf32>
    %dot_general3A_142 = arith.constant dense<0.000000e+00> : vector<128x256xf32>
    %dot_general3A_143 = tpu.matmul %slice3A_136, %get3A_141, %dot_general3A_142 {dimension_numbers = #tpu.dot_dimension_numbers<[1], [0], [0], [1], [0, 0, 1, 1], [], []>, transpose_lhs_hint = false} : vector<128x512xf32>, vector<512x256xf32>, vector<128x256xf32> -> vector<128x256xf32>
    %concatenate3A_144 = tpu.concatenate %dot_general3A_87, %dot_general3A_95, %dot_general3A_103, %dot_general3A_111, %dot_general3A_119, %dot_general3A_127, %dot_general3A_135, %dot_general3A_143 in 1 : vector<128x256xf32>, vector<128x256xf32>, vector<128x256xf32>, vector<128x256xf32>, vector<128x256xf32>, vector<128x256xf32>, vector<128x256xf32>, vector<128x256xf32> -> vector<128x2048xf32>
    %mul3A = arith.constant 2.000000e+00 : f32
    %mul3A_145 = vector.broadcast %mul3A : f32 to vector<128x2048xf32>
    %mul3A_146 = arith.mulf %mul3A_145, %concatenate3A_144 : vector<128x2048xf32>
    %sub3A = arith.subf %mul3A_146, %reshape3A : vector<128x2048xf32>
    %slice3A_147 = vector.extract_strided_slice %reshape3A {offsets = [0, 0], sizes = [16, 2048], strides = [1, 1]} : vector<128x2048xf32> to vector<16x2048xf32>
    %slice3A_148 = vector.extract_strided_slice %concatenate3A {offsets = [0, 0], sizes = [16, 2048], strides = [1, 1]} : vector<128x2048xf32> to vector<16x2048xf32>
    %slice3A_149 = vector.extract_strided_slice %sub3A {offsets = [0, 0], sizes = [16, 2048], strides = [1, 1]} : vector<128x2048xf32> to vector<16x2048xf32>
    %concatenate3A_150 = tpu.concatenate %slice3A_147, %slice3A_148, %slice3A_149 in 0 : vector<16x2048xf32>, vector<16x2048xf32>, vector<16x2048xf32> -> vector<48x2048xf32>
    %dot_general3A_151 = arith.constant dense<0.000000e+00> : vector<32x2048xf32>
    %dot_general3A_152 = tpu.matmul %get3A_5, %concatenate3A_150, %dot_general3A_151 {dimension_numbers = #tpu.dot_dimension_numbers<[1], [0], [0], [1], [0, 0, 1, 1], [], []>, transpose_lhs_hint = false} : vector<32x48xf32>, vector<48x2048xf32>, vector<32x2048xf32> -> vector<32x2048xf32>
    %slice3A_153 = vector.extract_strided_slice %reshape3A {offsets = [16, 0], sizes = [16, 2048], strides = [1, 1]} : vector<128x2048xf32> to vector<16x2048xf32>
    %slice3A_154 = vector.extract_strided_slice %concatenate3A {offsets = [16, 0], sizes = [16, 2048], strides = [1, 1]} : vector<128x2048xf32> to vector<16x2048xf32>
    %slice3A_155 = vector.extract_strided_slice %sub3A {offsets = [16, 0], sizes = [16, 2048], strides = [1, 1]} : vector<128x2048xf32> to vector<16x2048xf32>
    %concatenate3A_156 = tpu.concatenate %slice3A_153, %slice3A_154, %slice3A_155 in 0 : vector<16x2048xf32>, vector<16x2048xf32>, vector<16x2048xf32> -> vector<48x2048xf32>
    %dot_general3A_157 = arith.constant dense<0.000000e+00> : vector<32x2048xf32>
    %dot_general3A_158 = tpu.matmul %get3A_5, %concatenate3A_156, %dot_general3A_157 {dimension_numbers = #tpu.dot_dimension_numbers<[1], [0], [0], [1], [0, 0, 1, 1], [], []>, transpose_lhs_hint = false} : vector<32x48xf32>, vector<48x2048xf32>, vector<32x2048xf32> -> vector<32x2048xf32>
    %slice3A_159 = vector.extract_strided_slice %reshape3A {offsets = [32, 0], sizes = [16, 2048], strides = [1, 1]} : vector<128x2048xf32> to vector<16x2048xf32>
    %slice3A_160 = vector.extract_strided_slice %concatenate3A {offsets = [32, 0], sizes = [16, 2048], strides = [1, 1]} : vector<128x2048xf32> to vector<16x2048xf32>
    %slice3A_161 = vector.extract_strided_slice %sub3A {offsets = [32, 0], sizes = [16, 2048], strides = [1, 1]} : vector<128x2048xf32> to vector<16x2048xf32>
    %concatenate3A_162 = tpu.concatenate %slice3A_159, %slice3A_160, %slice3A_161 in 0 : vector<16x2048xf32>, vector<16x2048xf32>, vector<16x2048xf32> -> vector<48x2048xf32>
    %dot_general3A_163 = arith.constant dense<0.000000e+00> : vector<32x2048xf32>
    %dot_general3A_164 = tpu.matmul %get3A_5, %concatenate3A_162, %dot_general3A_163 {dimension_numbers = #tpu.dot_dimension_numbers<[1], [0], [0], [1], [0, 0, 1, 1], [], []>, transpose_lhs_hint = false} : vector<32x48xf32>, vector<48x2048xf32>, vector<32x2048xf32> -> vector<32x2048xf32>
    %slice3A_165 = vector.extract_strided_slice %reshape3A {offsets = [48, 0], sizes = [16, 2048], strides = [1, 1]} : vector<128x2048xf32> to vector<16x2048xf32>
    %slice3A_166 = vector.extract_strided_slice %concatenate3A {offsets = [48, 0], sizes = [16, 2048], strides = [1, 1]} : vector<128x2048xf32> to vector<16x2048xf32>
    %slice3A_167 = vector.extract_strided_slice %sub3A {offsets = [48, 0], sizes = [16, 2048], strides = [1, 1]} : vector<128x2048xf32> to vector<16x2048xf32>
    %concatenate3A_168 = tpu.concatenate %slice3A_165, %slice3A_166, %slice3A_167 in 0 : vector<16x2048xf32>, vector<16x2048xf32>, vector<16x2048xf32> -> vector<48x2048xf32>
    %dot_general3A_169 = arith.constant dense<0.000000e+00> : vector<32x2048xf32>
    %dot_general3A_170 = tpu.matmul %get3A_5, %concatenate3A_168, %dot_general3A_169 {dimension_numbers = #tpu.dot_dimension_numbers<[1], [0], [0], [1], [0, 0, 1, 1], [], []>, transpose_lhs_hint = false} : vector<32x48xf32>, vector<48x2048xf32>, vector<32x2048xf32> -> vector<32x2048xf32>
    %slice3A_171 = vector.extract_strided_slice %reshape3A {offsets = [64, 0], sizes = [16, 2048], strides = [1, 1]} : vector<128x2048xf32> to vector<16x2048xf32>
    %slice3A_172 = vector.extract_strided_slice %concatenate3A {offsets = [64, 0], sizes = [16, 2048], strides = [1, 1]} : vector<128x2048xf32> to vector<16x2048xf32>
    %slice3A_173 = vector.extract_strided_slice %sub3A {offsets = [64, 0], sizes = [16, 2048], strides = [1, 1]} : vector<128x2048xf32> to vector<16x2048xf32>
    %concatenate3A_174 = tpu.concatenate %slice3A_171, %slice3A_172, %slice3A_173 in 0 : vector<16x2048xf32>, vector<16x2048xf32>, vector<16x2048xf32> -> vector<48x2048xf32>
    %dot_general3A_175 = arith.constant dense<0.000000e+00> : vector<32x2048xf32>
    %dot_general3A_176 = tpu.matmul %get3A_5, %concatenate3A_174, %dot_general3A_175 {dimension_numbers = #tpu.dot_dimension_numbers<[1], [0], [0], [1], [0, 0, 1, 1], [], []>, transpose_lhs_hint = false} : vector<32x48xf32>, vector<48x2048xf32>, vector<32x2048xf32> -> vector<32x2048xf32>
    %slice3A_177 = vector.extract_strided_slice %reshape3A {offsets = [80, 0], sizes = [16, 2048], strides = [1, 1]} : vector<128x2048xf32> to vector<16x2048xf32>
    %slice3A_178 = vector.extract_strided_slice %concatenate3A {offsets = [80, 0], sizes = [16, 2048], strides = [1, 1]} : vector<128x2048xf32> to vector<16x2048xf32>
    %slice3A_179 = vector.extract_strided_slice %sub3A {offsets = [80, 0], sizes = [16, 2048], strides = [1, 1]} : vector<128x2048xf32> to vector<16x2048xf32>
    %concatenate3A_180 = tpu.concatenate %slice3A_177, %slice3A_178, %slice3A_179 in 0 : vector<16x2048xf32>, vector<16x2048xf32>, vector<16x2048xf32> -> vector<48x2048xf32>
    %dot_general3A_181 = arith.constant dense<0.000000e+00> : vector<32x2048xf32>
    %dot_general3A_182 = tpu.matmul %get3A_5, %concatenate3A_180, %dot_general3A_181 {dimension_numbers = #tpu.dot_dimension_numbers<[1], [0], [0], [1], [0, 0, 1, 1], [], []>, transpose_lhs_hint = false} : vector<32x48xf32>, vector<48x2048xf32>, vector<32x2048xf32> -> vector<32x2048xf32>
    %slice3A_183 = vector.extract_strided_slice %reshape3A {offsets = [96, 0], sizes = [16, 2048], strides = [1, 1]} : vector<128x2048xf32> to vector<16x2048xf32>
    %slice3A_184 = vector.extract_strided_slice %concatenate3A {offsets = [96, 0], sizes = [16, 2048], strides = [1, 1]} : vector<128x2048xf32> to vector<16x2048xf32>
    %slice3A_185 = vector.extract_strided_slice %sub3A {offsets = [96, 0], sizes = [16, 2048], strides = [1, 1]} : vector<128x2048xf32> to vector<16x2048xf32>
    %concatenate3A_186 = tpu.concatenate %slice3A_183, %slice3A_184, %slice3A_185 in 0 : vector<16x2048xf32>, vector<16x2048xf32>, vector<16x2048xf32> -> vector<48x2048xf32>
    %dot_general3A_187 = arith.constant dense<0.000000e+00> : vector<32x2048xf32>
    %dot_general3A_188 = tpu.matmul %get3A_5, %concatenate3A_186, %dot_general3A_187 {dimension_numbers = #tpu.dot_dimension_numbers<[1], [0], [0], [1], [0, 0, 1, 1], [], []>, transpose_lhs_hint = false} : vector<32x48xf32>, vector<48x2048xf32>, vector<32x2048xf32> -> vector<32x2048xf32>
    %slice3A_189 = vector.extract_strided_slice %reshape3A {offsets = [112, 0], sizes = [16, 2048], strides = [1, 1]} : vector<128x2048xf32> to vector<16x2048xf32>
    %slice3A_190 = vector.extract_strided_slice %concatenate3A {offsets = [112, 0], sizes = [16, 2048], strides = [1, 1]} : vector<128x2048xf32> to vector<16x2048xf32>
    %slice3A_191 = vector.extract_strided_slice %sub3A {offsets = [112, 0], sizes = [16, 2048], strides = [1, 1]} : vector<128x2048xf32> to vector<16x2048xf32>
    %concatenate3A_192 = tpu.concatenate %slice3A_189, %slice3A_190, %slice3A_191 in 0 : vector<16x2048xf32>, vector<16x2048xf32>, vector<16x2048xf32> -> vector<48x2048xf32>
    %dot_general3A_193 = arith.constant dense<0.000000e+00> : vector<32x2048xf32>
    %dot_general3A_194 = tpu.matmul %get3A_5, %concatenate3A_192, %dot_general3A_193 {dimension_numbers = #tpu.dot_dimension_numbers<[1], [0], [0], [1], [0, 0, 1, 1], [], []>, transpose_lhs_hint = false} : vector<32x48xf32>, vector<48x2048xf32>, vector<32x2048xf32> -> vector<32x2048xf32>
    %stack3A = vector.shape_cast %dot_general3A_152 : vector<32x2048xf32> to vector<1x32x2048xf32>
    %stack3A_195 = vector.shape_cast %dot_general3A_158 : vector<32x2048xf32> to vector<1x32x2048xf32>
    %stack3A_196 = vector.shape_cast %dot_general3A_164 : vector<32x2048xf32> to vector<1x32x2048xf32>
    %stack3A_197 = vector.shape_cast %dot_general3A_170 : vector<32x2048xf32> to vector<1x32x2048xf32>
    %stack3A_198 = vector.shape_cast %dot_general3A_176 : vector<32x2048xf32> to vector<1x32x2048xf32>
    %stack3A_199 = vector.shape_cast %dot_general3A_182 : vector<32x2048xf32> to vector<1x32x2048xf32>
    %stack3A_200 = vector.shape_cast %dot_general3A_188 : vector<32x2048xf32> to vector<1x32x2048xf32>
    %stack3A_201 = vector.shape_cast %dot_general3A_194 : vector<32x2048xf32> to vector<1x32x2048xf32>
    %stack3A_202 = tpu.concatenate %stack3A, %stack3A_195, %stack3A_196, %stack3A_197, %stack3A_198, %stack3A_199, %stack3A_200, %stack3A_201 in 0 : vector<1x32x2048xf32>, vector<1x32x2048xf32>, vector<1x32x2048xf32>, vector<1x32x2048xf32>, vector<1x32x2048xf32>, vector<1x32x2048xf32>, vector<1x32x2048xf32>, vector<1x32x2048xf32> -> vector<8x32x2048xf32>
    %broadcast_in_dim3A = vector.shape_cast %get3A_8 : vector<32x1xf32> to vector<1x32x1xf32>
    %add3A = vector.broadcast %broadcast_in_dim3A : vector<1x32x1xf32> to vector<8x32x2048xf32>
    %add3A_203 = arith.addf %stack3A_202, %add3A : vector<8x32x2048xf32>
    %max3A = arith.constant 0.000000e+00 : f32
    %max3A_204 = vector.broadcast %max3A : f32 to vector<8x32x2048xf32>
    %max3A_205 = arith.maximumf %add3A_203, %max3A_204 : vector<8x32x2048xf32>
    %get3A_206 = arith.constant 0 : index
    %get3A_207 = arith.constant 0 : index
    %get3A_208 = vector.load %arg5[%get3A_206, %get3A_207] : memref<64x96xf32, #tpu.memory_space<vmem>>, vector<64x96xf32>
    %get3A_209 = arith.constant 0 : index
    %get3A_210 = arith.constant 0 : index
    %get3A_211 = vector.load %arg6[%get3A_209, %get3A_210] : memref<64x1xf32, #tpu.memory_space<vmem>>, vector<64x1xf32>
    %reshape3A_212 = vector.shape_cast %max3A_205 : vector<8x32x2048xf32> to vector<256x2048xf32>
    %jit3A_213 = arith.constant 0 : i32
    %convert_element_type3A_214 = arith.sitofp %jit3A_213 : i32 to f32
    %pad3A_215 = vector.broadcast %convert_element_type3A_214 : f32 to vector<256x128xf32>
    %pad3A_216 = tpu.concatenate %pad3A_215, %reshape3A_212 in 1 : vector<256x128xf32>, vector<256x2048xf32> -> vector<256x2176xf32>
    %pad3A_217 = vector.broadcast %convert_element_type3A_214 : f32 to vector<256x128xf32>
    %pad3A_218 = tpu.concatenate %pad3A_216, %pad3A_217 in 1 : vector<256x2176xf32>, vector<256x128xf32> -> vector<256x2304xf32>
    %slice3A_219 = vector.extract_strided_slice %pad3A_218 {offsets = [0, 0], sizes = [256, 512], strides = [1, 1]} : vector<256x2304xf32> to vector<256x512xf32>
    %get3A_220 = arith.constant 0 : index
    %get3A_221 = arith.constant 0 : index
    %get3A_222 = arith.constant 0 : index
    %get3A_223 = vector.load %arg2[%get3A_220, %get3A_221, %get3A_222] : memref<8x512x256xf32, #tpu.memory_space<vmem>>, vector<1x512x256xf32>
    %get3A_224 = vector.shape_cast %get3A_223 : vector<1x512x256xf32> to vector<512x256xf32>
    %dot_general3A_225 = arith.constant dense<0.000000e+00> : vector<256x256xf32>
    %dot_general3A_226 = tpu.matmul %slice3A_219, %get3A_224, %dot_general3A_225 {dimension_numbers = #tpu.dot_dimension_numbers<[1], [0], [0], [1], [0, 0, 1, 1], [], []>, transpose_lhs_hint = false} : vector<256x512xf32>, vector<512x256xf32>, vector<256x256xf32> -> vector<256x256xf32>
    %slice3A_227 = vector.extract_strided_slice %pad3A_218 {offsets = [0, 256], sizes = [256, 512], strides = [1, 1]} : vector<256x2304xf32> to vector<256x512xf32>
    %get3A_228 = arith.constant 1 : index
    %get3A_229 = arith.constant 0 : index
    %get3A_230 = arith.constant 0 : index
    %get3A_231 = vector.load %arg2[%get3A_228, %get3A_229, %get3A_230] : memref<8x512x256xf32, #tpu.memory_space<vmem>>, vector<1x512x256xf32>
    %get3A_232 = vector.shape_cast %get3A_231 : vector<1x512x256xf32> to vector<512x256xf32>
    %dot_general3A_233 = arith.constant dense<0.000000e+00> : vector<256x256xf32>
    %dot_general3A_234 = tpu.matmul %slice3A_227, %get3A_232, %dot_general3A_233 {dimension_numbers = #tpu.dot_dimension_numbers<[1], [0], [0], [1], [0, 0, 1, 1], [], []>, transpose_lhs_hint = false} : vector<256x512xf32>, vector<512x256xf32>, vector<256x256xf32> -> vector<256x256xf32>
    %slice3A_235 = vector.extract_strided_slice %pad3A_218 {offsets = [0, 512], sizes = [256, 512], strides = [1, 1]} : vector<256x2304xf32> to vector<256x512xf32>
    %get3A_236 = arith.constant 2 : index
    %get3A_237 = arith.constant 0 : index
    %get3A_238 = arith.constant 0 : index
    %get3A_239 = vector.load %arg2[%get3A_236, %get3A_237, %get3A_238] : memref<8x512x256xf32, #tpu.memory_space<vmem>>, vector<1x512x256xf32>
    %get3A_240 = vector.shape_cast %get3A_239 : vector<1x512x256xf32> to vector<512x256xf32>
    %dot_general3A_241 = arith.constant dense<0.000000e+00> : vector<256x256xf32>
    %dot_general3A_242 = tpu.matmul %slice3A_235, %get3A_240, %dot_general3A_241 {dimension_numbers = #tpu.dot_dimension_numbers<[1], [0], [0], [1], [0, 0, 1, 1], [], []>, transpose_lhs_hint = false} : vector<256x512xf32>, vector<512x256xf32>, vector<256x256xf32> -> vector<256x256xf32>
    %slice3A_243 = vector.extract_strided_slice %pad3A_218 {offsets = [0, 768], sizes = [256, 512], strides = [1, 1]} : vector<256x2304xf32> to vector<256x512xf32>
    %get3A_244 = arith.constant 3 : index
    %get3A_245 = arith.constant 0 : index
    %get3A_246 = arith.constant 0 : index
    %get3A_247 = vector.load %arg2[%get3A_244, %get3A_245, %get3A_246] : memref<8x512x256xf32, #tpu.memory_space<vmem>>, vector<1x512x256xf32>
    %get3A_248 = vector.shape_cast %get3A_247 : vector<1x512x256xf32> to vector<512x256xf32>
    %dot_general3A_249 = arith.constant dense<0.000000e+00> : vector<256x256xf32>
    %dot_general3A_250 = tpu.matmul %slice3A_243, %get3A_248, %dot_general3A_249 {dimension_numbers = #tpu.dot_dimension_numbers<[1], [0], [0], [1], [0, 0, 1, 1], [], []>, transpose_lhs_hint = false} : vector<256x512xf32>, vector<512x256xf32>, vector<256x256xf32> -> vector<256x256xf32>
    %slice3A_251 = vector.extract_strided_slice %pad3A_218 {offsets = [0, 1024], sizes = [256, 512], strides = [1, 1]} : vector<256x2304xf32> to vector<256x512xf32>
    %get3A_252 = arith.constant 4 : index
    %get3A_253 = arith.constant 0 : index
    %get3A_254 = arith.constant 0 : index
    %get3A_255 = vector.load %arg2[%get3A_252, %get3A_253, %get3A_254] : memref<8x512x256xf32, #tpu.memory_space<vmem>>, vector<1x512x256xf32>
    %get3A_256 = vector.shape_cast %get3A_255 : vector<1x512x256xf32> to vector<512x256xf32>
    %dot_general3A_257 = arith.constant dense<0.000000e+00> : vector<256x256xf32>
    %dot_general3A_258 = tpu.matmul %slice3A_251, %get3A_256, %dot_general3A_257 {dimension_numbers = #tpu.dot_dimension_numbers<[1], [0], [0], [1], [0, 0, 1, 1], [], []>, transpose_lhs_hint = false} : vector<256x512xf32>, vector<512x256xf32>, vector<256x256xf32> -> vector<256x256xf32>
    %slice3A_259 = vector.extract_strided_slice %pad3A_218 {offsets = [0, 1280], sizes = [256, 512], strides = [1, 1]} : vector<256x2304xf32> to vector<256x512xf32>
    %get3A_260 = arith.constant 5 : index
    %get3A_261 = arith.constant 0 : index
    %get3A_262 = arith.constant 0 : index
    %get3A_263 = vector.load %arg2[%get3A_260, %get3A_261, %get3A_262] : memref<8x512x256xf32, #tpu.memory_space<vmem>>, vector<1x512x256xf32>
    %get3A_264 = vector.shape_cast %get3A_263 : vector<1x512x256xf32> to vector<512x256xf32>
    %dot_general3A_265 = arith.constant dense<0.000000e+00> : vector<256x256xf32>
    %dot_general3A_266 = tpu.matmul %slice3A_259, %get3A_264, %dot_general3A_265 {dimension_numbers = #tpu.dot_dimension_numbers<[1], [0], [0], [1], [0, 0, 1, 1], [], []>, transpose_lhs_hint = false} : vector<256x512xf32>, vector<512x256xf32>, vector<256x256xf32> -> vector<256x256xf32>
    %slice3A_267 = vector.extract_strided_slice %pad3A_218 {offsets = [0, 1536], sizes = [256, 512], strides = [1, 1]} : vector<256x2304xf32> to vector<256x512xf32>
    %get3A_268 = arith.constant 6 : index
    %get3A_269 = arith.constant 0 : index
    %get3A_270 = arith.constant 0 : index
    %get3A_271 = vector.load %arg2[%get3A_268, %get3A_269, %get3A_270] : memref<8x512x256xf32, #tpu.memory_space<vmem>>, vector<1x512x256xf32>
    %get3A_272 = vector.shape_cast %get3A_271 : vector<1x512x256xf32> to vector<512x256xf32>
    %dot_general3A_273 = arith.constant dense<0.000000e+00> : vector<256x256xf32>
    %dot_general3A_274 = tpu.matmul %slice3A_267, %get3A_272, %dot_general3A_273 {dimension_numbers = #tpu.dot_dimension_numbers<[1], [0], [0], [1], [0, 0, 1, 1], [], []>, transpose_lhs_hint = false} : vector<256x512xf32>, vector<512x256xf32>, vector<256x256xf32> -> vector<256x256xf32>
    %slice3A_275 = vector.extract_strided_slice %pad3A_218 {offsets = [0, 1792], sizes = [256, 512], strides = [1, 1]} : vector<256x2304xf32> to vector<256x512xf32>
    %get3A_276 = arith.constant 7 : index
    %get3A_277 = arith.constant 0 : index
    %get3A_278 = arith.constant 0 : index
    %get3A_279 = vector.load %arg2[%get3A_276, %get3A_277, %get3A_278] : memref<8x512x256xf32, #tpu.memory_space<vmem>>, vector<1x512x256xf32>
    %get3A_280 = vector.shape_cast %get3A_279 : vector<1x512x256xf32> to vector<512x256xf32>
    %dot_general3A_281 = arith.constant dense<0.000000e+00> : vector<256x256xf32>
    %dot_general3A_282 = tpu.matmul %slice3A_275, %get3A_280, %dot_general3A_281 {dimension_numbers = #tpu.dot_dimension_numbers<[1], [0], [0], [1], [0, 0, 1, 1], [], []>, transpose_lhs_hint = false} : vector<256x512xf32>, vector<512x256xf32>, vector<256x256xf32> -> vector<256x256xf32>
    %concatenate3A_283 = tpu.concatenate %dot_general3A_226, %dot_general3A_234, %dot_general3A_242, %dot_general3A_250, %dot_general3A_258, %dot_general3A_266, %dot_general3A_274, %dot_general3A_282 in 1 : vector<256x256xf32>, vector<256x256xf32>, vector<256x256xf32>, vector<256x256xf32>, vector<256x256xf32>, vector<256x256xf32>, vector<256x256xf32>, vector<256x256xf32> -> vector<256x2048xf32>
    %jit3A_284 = arith.constant 0 : i32
    %convert_element_type3A_285 = arith.sitofp %jit3A_284 : i32 to f32
    %pad3A_286 = vector.broadcast %convert_element_type3A_285 : f32 to vector<256x128xf32>
    %pad3A_287 = tpu.concatenate %pad3A_286, %concatenate3A_283 in 1 : vector<256x128xf32>, vector<256x2048xf32> -> vector<256x2176xf32>
    %pad3A_288 = vector.broadcast %convert_element_type3A_285 : f32 to vector<256x128xf32>
    %pad3A_289 = tpu.concatenate %pad3A_287, %pad3A_288 in 1 : vector<256x2176xf32>, vector<256x128xf32> -> vector<256x2304xf32>
    %slice3A_290 = vector.extract_strided_slice %pad3A_289 {offsets = [0, 0], sizes = [256, 512], strides = [1, 1]} : vector<256x2304xf32> to vector<256x512xf32>
    %get3A_291 = arith.constant 0 : index
    %get3A_292 = arith.constant 0 : index
    %get3A_293 = arith.constant 0 : index
    %get3A_294 = vector.load %arg2[%get3A_291, %get3A_292, %get3A_293] : memref<8x512x256xf32, #tpu.memory_space<vmem>>, vector<1x512x256xf32>
    %get3A_295 = vector.shape_cast %get3A_294 : vector<1x512x256xf32> to vector<512x256xf32>
    %dot_general3A_296 = arith.constant dense<0.000000e+00> : vector<256x256xf32>
    %dot_general3A_297 = tpu.matmul %slice3A_290, %get3A_295, %dot_general3A_296 {dimension_numbers = #tpu.dot_dimension_numbers<[1], [0], [0], [1], [0, 0, 1, 1], [], []>, transpose_lhs_hint = false} : vector<256x512xf32>, vector<512x256xf32>, vector<256x256xf32> -> vector<256x256xf32>
    %slice3A_298 = vector.extract_strided_slice %pad3A_289 {offsets = [0, 256], sizes = [256, 512], strides = [1, 1]} : vector<256x2304xf32> to vector<256x512xf32>
    %get3A_299 = arith.constant 1 : index
    %get3A_300 = arith.constant 0 : index
    %get3A_301 = arith.constant 0 : index
    %get3A_302 = vector.load %arg2[%get3A_299, %get3A_300, %get3A_301] : memref<8x512x256xf32, #tpu.memory_space<vmem>>, vector<1x512x256xf32>
    %get3A_303 = vector.shape_cast %get3A_302 : vector<1x512x256xf32> to vector<512x256xf32>
    %dot_general3A_304 = arith.constant dense<0.000000e+00> : vector<256x256xf32>
    %dot_general3A_305 = tpu.matmul %slice3A_298, %get3A_303, %dot_general3A_304 {dimension_numbers = #tpu.dot_dimension_numbers<[1], [0], [0], [1], [0, 0, 1, 1], [], []>, transpose_lhs_hint = false} : vector<256x512xf32>, vector<512x256xf32>, vector<256x256xf32> -> vector<256x256xf32>
    %slice3A_306 = vector.extract_strided_slice %pad3A_289 {offsets = [0, 512], sizes = [256, 512], strides = [1, 1]} : vector<256x2304xf32> to vector<256x512xf32>
    %get3A_307 = arith.constant 2 : index
    %get3A_308 = arith.constant 0 : index
    %get3A_309 = arith.constant 0 : index
    %get3A_310 = vector.load %arg2[%get3A_307, %get3A_308, %get3A_309] : memref<8x512x256xf32, #tpu.memory_space<vmem>>, vector<1x512x256xf32>
    %get3A_311 = vector.shape_cast %get3A_310 : vector<1x512x256xf32> to vector<512x256xf32>
    %dot_general3A_312 = arith.constant dense<0.000000e+00> : vector<256x256xf32>
    %dot_general3A_313 = tpu.matmul %slice3A_306, %get3A_311, %dot_general3A_312 {dimension_numbers = #tpu.dot_dimension_numbers<[1], [0], [0], [1], [0, 0, 1, 1], [], []>, transpose_lhs_hint = false} : vector<256x512xf32>, vector<512x256xf32>, vector<256x256xf32> -> vector<256x256xf32>
    %slice3A_314 = vector.extract_strided_slice %pad3A_289 {offsets = [0, 768], sizes = [256, 512], strides = [1, 1]} : vector<256x2304xf32> to vector<256x512xf32>
    %get3A_315 = arith.constant 3 : index
    %get3A_316 = arith.constant 0 : index
    %get3A_317 = arith.constant 0 : index
    %get3A_318 = vector.load %arg2[%get3A_315, %get3A_316, %get3A_317] : memref<8x512x256xf32, #tpu.memory_space<vmem>>, vector<1x512x256xf32>
    %get3A_319 = vector.shape_cast %get3A_318 : vector<1x512x256xf32> to vector<512x256xf32>
    %dot_general3A_320 = arith.constant dense<0.000000e+00> : vector<256x256xf32>
    %dot_general3A_321 = tpu.matmul %slice3A_314, %get3A_319, %dot_general3A_320 {dimension_numbers = #tpu.dot_dimension_numbers<[1], [0], [0], [1], [0, 0, 1, 1], [], []>, transpose_lhs_hint = false} : vector<256x512xf32>, vector<512x256xf32>, vector<256x256xf32> -> vector<256x256xf32>
    %slice3A_322 = vector.extract_strided_slice %pad3A_289 {offsets = [0, 1024], sizes = [256, 512], strides = [1, 1]} : vector<256x2304xf32> to vector<256x512xf32>
    %get3A_323 = arith.constant 4 : index
    %get3A_324 = arith.constant 0 : index
    %get3A_325 = arith.constant 0 : index
    %get3A_326 = vector.load %arg2[%get3A_323, %get3A_324, %get3A_325] : memref<8x512x256xf32, #tpu.memory_space<vmem>>, vector<1x512x256xf32>
    %get3A_327 = vector.shape_cast %get3A_326 : vector<1x512x256xf32> to vector<512x256xf32>
    %dot_general3A_328 = arith.constant dense<0.000000e+00> : vector<256x256xf32>
    %dot_general3A_329 = tpu.matmul %slice3A_322, %get3A_327, %dot_general3A_328 {dimension_numbers = #tpu.dot_dimension_numbers<[1], [0], [0], [1], [0, 0, 1, 1], [], []>, transpose_lhs_hint = false} : vector<256x512xf32>, vector<512x256xf32>, vector<256x256xf32> -> vector<256x256xf32>
    %slice3A_330 = vector.extract_strided_slice %pad3A_289 {offsets = [0, 1280], sizes = [256, 512], strides = [1, 1]} : vector<256x2304xf32> to vector<256x512xf32>
    %get3A_331 = arith.constant 5 : index
    %get3A_332 = arith.constant 0 : index
    %get3A_333 = arith.constant 0 : index
    %get3A_334 = vector.load %arg2[%get3A_331, %get3A_332, %get3A_333] : memref<8x512x256xf32, #tpu.memory_space<vmem>>, vector<1x512x256xf32>
    %get3A_335 = vector.shape_cast %get3A_334 : vector<1x512x256xf32> to vector<512x256xf32>
    %dot_general3A_336 = arith.constant dense<0.000000e+00> : vector<256x256xf32>
    %dot_general3A_337 = tpu.matmul %slice3A_330, %get3A_335, %dot_general3A_336 {dimension_numbers = #tpu.dot_dimension_numbers<[1], [0], [0], [1], [0, 0, 1, 1], [], []>, transpose_lhs_hint = false} : vector<256x512xf32>, vector<512x256xf32>, vector<256x256xf32> -> vector<256x256xf32>
    %slice3A_338 = vector.extract_strided_slice %pad3A_289 {offsets = [0, 1536], sizes = [256, 512], strides = [1, 1]} : vector<256x2304xf32> to vector<256x512xf32>
    %get3A_339 = arith.constant 6 : index
    %get3A_340 = arith.constant 0 : index
    %get3A_341 = arith.constant 0 : index
    %get3A_342 = vector.load %arg2[%get3A_339, %get3A_340, %get3A_341] : memref<8x512x256xf32, #tpu.memory_space<vmem>>, vector<1x512x256xf32>
    %get3A_343 = vector.shape_cast %get3A_342 : vector<1x512x256xf32> to vector<512x256xf32>
    %dot_general3A_344 = arith.constant dense<0.000000e+00> : vector<256x256xf32>
    %dot_general3A_345 = tpu.matmul %slice3A_338, %get3A_343, %dot_general3A_344 {dimension_numbers = #tpu.dot_dimension_numbers<[1], [0], [0], [1], [0, 0, 1, 1], [], []>, transpose_lhs_hint = false} : vector<256x512xf32>, vector<512x256xf32>, vector<256x256xf32> -> vector<256x256xf32>
    %slice3A_346 = vector.extract_strided_slice %pad3A_289 {offsets = [0, 1792], sizes = [256, 512], strides = [1, 1]} : vector<256x2304xf32> to vector<256x512xf32>
    %get3A_347 = arith.constant 7 : index
    %get3A_348 = arith.constant 0 : index
    %get3A_349 = arith.constant 0 : index
    %get3A_350 = vector.load %arg2[%get3A_347, %get3A_348, %get3A_349] : memref<8x512x256xf32, #tpu.memory_space<vmem>>, vector<1x512x256xf32>
    %get3A_351 = vector.shape_cast %get3A_350 : vector<1x512x256xf32> to vector<512x256xf32>
    %dot_general3A_352 = arith.constant dense<0.000000e+00> : vector<256x256xf32>
    %dot_general3A_353 = tpu.matmul %slice3A_346, %get3A_351, %dot_general3A_352 {dimension_numbers = #tpu.dot_dimension_numbers<[1], [0], [0], [1], [0, 0, 1, 1], [], []>, transpose_lhs_hint = false} : vector<256x512xf32>, vector<512x256xf32>, vector<256x256xf32> -> vector<256x256xf32>
    %concatenate3A_354 = tpu.concatenate %dot_general3A_297, %dot_general3A_305, %dot_general3A_313, %dot_general3A_321, %dot_general3A_329, %dot_general3A_337, %dot_general3A_345, %dot_general3A_353 in 1 : vector<256x256xf32>, vector<256x256xf32>, vector<256x256xf32>, vector<256x256xf32>, vector<256x256xf32>, vector<256x256xf32>, vector<256x256xf32>, vector<256x256xf32> -> vector<256x2048xf32>
    %mul3A_355 = arith.constant 2.000000e+00 : f32
    %mul3A_356 = vector.broadcast %mul3A_355 : f32 to vector<256x2048xf32>
    %mul3A_357 = arith.mulf %mul3A_356, %concatenate3A_354 : vector<256x2048xf32>
    %sub3A_358 = arith.subf %mul3A_357, %reshape3A_212 : vector<256x2048xf32>
    %slice3A_359 = vector.extract_strided_slice %reshape3A_212 {offsets = [0, 0], sizes = [32, 2048], strides = [1, 1]} : vector<256x2048xf32> to vector<32x2048xf32>
    %slice3A_360 = vector.extract_strided_slice %concatenate3A_283 {offsets = [0, 0], sizes = [32, 2048], strides = [1, 1]} : vector<256x2048xf32> to vector<32x2048xf32>
    %slice3A_361 = vector.extract_strided_slice %sub3A_358 {offsets = [0, 0], sizes = [32, 2048], strides = [1, 1]} : vector<256x2048xf32> to vector<32x2048xf32>
    %concatenate3A_362 = tpu.concatenate %slice3A_359, %slice3A_360, %slice3A_361 in 0 : vector<32x2048xf32>, vector<32x2048xf32>, vector<32x2048xf32> -> vector<96x2048xf32>
    %dot_general3A_363 = arith.constant dense<0.000000e+00> : vector<64x2048xf32>
    %dot_general3A_364 = tpu.matmul %get3A_208, %concatenate3A_362, %dot_general3A_363 {dimension_numbers = #tpu.dot_dimension_numbers<[1], [0], [0], [1], [0, 0, 1, 1], [], []>, transpose_lhs_hint = false} : vector<64x96xf32>, vector<96x2048xf32>, vector<64x2048xf32> -> vector<64x2048xf32>
    %slice3A_365 = vector.extract_strided_slice %reshape3A_212 {offsets = [32, 0], sizes = [32, 2048], strides = [1, 1]} : vector<256x2048xf32> to vector<32x2048xf32>
    %slice3A_366 = vector.extract_strided_slice %concatenate3A_283 {offsets = [32, 0], sizes = [32, 2048], strides = [1, 1]} : vector<256x2048xf32> to vector<32x2048xf32>
    %slice3A_367 = vector.extract_strided_slice %sub3A_358 {offsets = [32, 0], sizes = [32, 2048], strides = [1, 1]} : vector<256x2048xf32> to vector<32x2048xf32>
    %concatenate3A_368 = tpu.concatenate %slice3A_365, %slice3A_366, %slice3A_367 in 0 : vector<32x2048xf32>, vector<32x2048xf32>, vector<32x2048xf32> -> vector<96x2048xf32>
    %dot_general3A_369 = arith.constant dense<0.000000e+00> : vector<64x2048xf32>
    %dot_general3A_370 = tpu.matmul %get3A_208, %concatenate3A_368, %dot_general3A_369 {dimension_numbers = #tpu.dot_dimension_numbers<[1], [0], [0], [1], [0, 0, 1, 1], [], []>, transpose_lhs_hint = false} : vector<64x96xf32>, vector<96x2048xf32>, vector<64x2048xf32> -> vector<64x2048xf32>
    %slice3A_371 = vector.extract_strided_slice %reshape3A_212 {offsets = [64, 0], sizes = [32, 2048], strides = [1, 1]} : vector<256x2048xf32> to vector<32x2048xf32>
    %slice3A_372 = vector.extract_strided_slice %concatenate3A_283 {offsets = [64, 0], sizes = [32, 2048], strides = [1, 1]} : vector<256x2048xf32> to vector<32x2048xf32>
    %slice3A_373 = vector.extract_strided_slice %sub3A_358 {offsets = [64, 0], sizes = [32, 2048], strides = [1, 1]} : vector<256x2048xf32> to vector<32x2048xf32>
    %concatenate3A_374 = tpu.concatenate %slice3A_371, %slice3A_372, %slice3A_373 in 0 : vector<32x2048xf32>, vector<32x2048xf32>, vector<32x2048xf32> -> vector<96x2048xf32>
    %dot_general3A_375 = arith.constant dense<0.000000e+00> : vector<64x2048xf32>
    %dot_general3A_376 = tpu.matmul %get3A_208, %concatenate3A_374, %dot_general3A_375 {dimension_numbers = #tpu.dot_dimension_numbers<[1], [0], [0], [1], [0, 0, 1, 1], [], []>, transpose_lhs_hint = false} : vector<64x96xf32>, vector<96x2048xf32>, vector<64x2048xf32> -> vector<64x2048xf32>
    %slice3A_377 = vector.extract_strided_slice %reshape3A_212 {offsets = [96, 0], sizes = [32, 2048], strides = [1, 1]} : vector<256x2048xf32> to vector<32x2048xf32>
    %slice3A_378 = vector.extract_strided_slice %concatenate3A_283 {offsets = [96, 0], sizes = [32, 2048], strides = [1, 1]} : vector<256x2048xf32> to vector<32x2048xf32>
    %slice3A_379 = vector.extract_strided_slice %sub3A_358 {offsets = [96, 0], sizes = [32, 2048], strides = [1, 1]} : vector<256x2048xf32> to vector<32x2048xf32>
    %concatenate3A_380 = tpu.concatenate %slice3A_377, %slice3A_378, %slice3A_379 in 0 : vector<32x2048xf32>, vector<32x2048xf32>, vector<32x2048xf32> -> vector<96x2048xf32>
    %dot_general3A_381 = arith.constant dense<0.000000e+00> : vector<64x2048xf32>
    %dot_general3A_382 = tpu.matmul %get3A_208, %concatenate3A_380, %dot_general3A_381 {dimension_numbers = #tpu.dot_dimension_numbers<[1], [0], [0], [1], [0, 0, 1, 1], [], []>, transpose_lhs_hint = false} : vector<64x96xf32>, vector<96x2048xf32>, vector<64x2048xf32> -> vector<64x2048xf32>
    %slice3A_383 = vector.extract_strided_slice %reshape3A_212 {offsets = [128, 0], sizes = [32, 2048], strides = [1, 1]} : vector<256x2048xf32> to vector<32x2048xf32>
    %slice3A_384 = vector.extract_strided_slice %concatenate3A_283 {offsets = [128, 0], sizes = [32, 2048], strides = [1, 1]} : vector<256x2048xf32> to vector<32x2048xf32>
    %slice3A_385 = vector.extract_strided_slice %sub3A_358 {offsets = [128, 0], sizes = [32, 2048], strides = [1, 1]} : vector<256x2048xf32> to vector<32x2048xf32>
    %concatenate3A_386 = tpu.concatenate %slice3A_383, %slice3A_384, %slice3A_385 in 0 : vector<32x2048xf32>, vector<32x2048xf32>, vector<32x2048xf32> -> vector<96x2048xf32>
    %dot_general3A_387 = arith.constant dense<0.000000e+00> : vector<64x2048xf32>
    %dot_general3A_388 = tpu.matmul %get3A_208, %concatenate3A_386, %dot_general3A_387 {dimension_numbers = #tpu.dot_dimension_numbers<[1], [0], [0], [1], [0, 0, 1, 1], [], []>, transpose_lhs_hint = false} : vector<64x96xf32>, vector<96x2048xf32>, vector<64x2048xf32> -> vector<64x2048xf32>
    %slice3A_389 = vector.extract_strided_slice %reshape3A_212 {offsets = [160, 0], sizes = [32, 2048], strides = [1, 1]} : vector<256x2048xf32> to vector<32x2048xf32>
    %slice3A_390 = vector.extract_strided_slice %concatenate3A_283 {offsets = [160, 0], sizes = [32, 2048], strides = [1, 1]} : vector<256x2048xf32> to vector<32x2048xf32>
    %slice3A_391 = vector.extract_strided_slice %sub3A_358 {offsets = [160, 0], sizes = [32, 2048], strides = [1, 1]} : vector<256x2048xf32> to vector<32x2048xf32>
    %concatenate3A_392 = tpu.concatenate %slice3A_389, %slice3A_390, %slice3A_391 in 0 : vector<32x2048xf32>, vector<32x2048xf32>, vector<32x2048xf32> -> vector<96x2048xf32>
    %dot_general3A_393 = arith.constant dense<0.000000e+00> : vector<64x2048xf32>
    %dot_general3A_394 = tpu.matmul %get3A_208, %concatenate3A_392, %dot_general3A_393 {dimension_numbers = #tpu.dot_dimension_numbers<[1], [0], [0], [1], [0, 0, 1, 1], [], []>, transpose_lhs_hint = false} : vector<64x96xf32>, vector<96x2048xf32>, vector<64x2048xf32> -> vector<64x2048xf32>
    %slice3A_395 = vector.extract_strided_slice %reshape3A_212 {offsets = [192, 0], sizes = [32, 2048], strides = [1, 1]} : vector<256x2048xf32> to vector<32x2048xf32>
    %slice3A_396 = vector.extract_strided_slice %concatenate3A_283 {offsets = [192, 0], sizes = [32, 2048], strides = [1, 1]} : vector<256x2048xf32> to vector<32x2048xf32>
    %slice3A_397 = vector.extract_strided_slice %sub3A_358 {offsets = [192, 0], sizes = [32, 2048], strides = [1, 1]} : vector<256x2048xf32> to vector<32x2048xf32>
    %concatenate3A_398 = tpu.concatenate %slice3A_395, %slice3A_396, %slice3A_397 in 0 : vector<32x2048xf32>, vector<32x2048xf32>, vector<32x2048xf32> -> vector<96x2048xf32>
    %dot_general3A_399 = arith.constant dense<0.000000e+00> : vector<64x2048xf32>
    %dot_general3A_400 = tpu.matmul %get3A_208, %concatenate3A_398, %dot_general3A_399 {dimension_numbers = #tpu.dot_dimension_numbers<[1], [0], [0], [1], [0, 0, 1, 1], [], []>, transpose_lhs_hint = false} : vector<64x96xf32>, vector<96x2048xf32>, vector<64x2048xf32> -> vector<64x2048xf32>
    %slice3A_401 = vector.extract_strided_slice %reshape3A_212 {offsets = [224, 0], sizes = [32, 2048], strides = [1, 1]} : vector<256x2048xf32> to vector<32x2048xf32>
    %slice3A_402 = vector.extract_strided_slice %concatenate3A_283 {offsets = [224, 0], sizes = [32, 2048], strides = [1, 1]} : vector<256x2048xf32> to vector<32x2048xf32>
    %slice3A_403 = vector.extract_strided_slice %sub3A_358 {offsets = [224, 0], sizes = [32, 2048], strides = [1, 1]} : vector<256x2048xf32> to vector<32x2048xf32>
    %concatenate3A_404 = tpu.concatenate %slice3A_401, %slice3A_402, %slice3A_403 in 0 : vector<32x2048xf32>, vector<32x2048xf32>, vector<32x2048xf32> -> vector<96x2048xf32>
    %dot_general3A_405 = arith.constant dense<0.000000e+00> : vector<64x2048xf32>
    %dot_general3A_406 = tpu.matmul %get3A_208, %concatenate3A_404, %dot_general3A_405 {dimension_numbers = #tpu.dot_dimension_numbers<[1], [0], [0], [1], [0, 0, 1, 1], [], []>, transpose_lhs_hint = false} : vector<64x96xf32>, vector<96x2048xf32>, vector<64x2048xf32> -> vector<64x2048xf32>
    %stack3A_407 = vector.shape_cast %dot_general3A_364 : vector<64x2048xf32> to vector<1x64x2048xf32>
    %stack3A_408 = vector.shape_cast %dot_general3A_370 : vector<64x2048xf32> to vector<1x64x2048xf32>
    %stack3A_409 = vector.shape_cast %dot_general3A_376 : vector<64x2048xf32> to vector<1x64x2048xf32>
    %stack3A_410 = vector.shape_cast %dot_general3A_382 : vector<64x2048xf32> to vector<1x64x2048xf32>
    %stack3A_411 = vector.shape_cast %dot_general3A_388 : vector<64x2048xf32> to vector<1x64x2048xf32>
    %stack3A_412 = vector.shape_cast %dot_general3A_394 : vector<64x2048xf32> to vector<1x64x2048xf32>
    %stack3A_413 = vector.shape_cast %dot_general3A_400 : vector<64x2048xf32> to vector<1x64x2048xf32>
    %stack3A_414 = vector.shape_cast %dot_general3A_406 : vector<64x2048xf32> to vector<1x64x2048xf32>
    %stack3A_415 = tpu.concatenate %stack3A_407, %stack3A_408, %stack3A_409, %stack3A_410, %stack3A_411, %stack3A_412, %stack3A_413, %stack3A_414 in 0 : vector<1x64x2048xf32>, vector<1x64x2048xf32>, vector<1x64x2048xf32>, vector<1x64x2048xf32>, vector<1x64x2048xf32>, vector<1x64x2048xf32>, vector<1x64x2048xf32>, vector<1x64x2048xf32> -> vector<8x64x2048xf32>
    %broadcast_in_dim3A_416 = vector.shape_cast %get3A_211 : vector<64x1xf32> to vector<1x64x1xf32>
    %add3A_417 = vector.broadcast %broadcast_in_dim3A_416 : vector<1x64x1xf32> to vector<8x64x2048xf32>
    %add3A_418 = arith.addf %stack3A_415, %add3A_417 : vector<8x64x2048xf32>
    %max3A_419 = arith.constant 0.000000e+00 : f32
    %max3A_420 = vector.broadcast %max3A_419 : f32 to vector<8x64x2048xf32>
    %max3A_421 = arith.maximumf %add3A_418, %max3A_420 : vector<8x64x2048xf32>
    %swap3A = arith.constant 0 : index
    %swap3A_422 = arith.constant 0 : index
    %swap3A_423 = arith.constant 0 : index
    %swap3A_424 = vector.load %arg7[%swap3A, %swap3A_422, %swap3A_423] : memref<8x64x2048xf32, #tpu.memory_space<vmem>>, vector<8x64x2048xf32>
    tpu.vector_store %arg7[%swap3A, %swap3A_422, %swap3A_423], %max3A_421 {strides = array<i32>} : memref<8x64x2048xf32, #tpu.memory_space<vmem>>, vector<8x64x2048xf32>,
    return
  }
  func.func @transform_0(%arg0: i32) -> (i32, i32, i32) {
    %c0_i32 = arith.constant 0 : i32
    %c0_i32_0 = arith.constant 0 : i32
    %c0_i32_1 = arith.constant 0 : i32
    return %arg0, %c0_i32, %c0_i32_0 : i32, i32, i32
  }
  func.func @transform_1(%arg0: i32) -> (i32, i32, i32) {
    %c0_i32 = arith.constant 0 : i32
    %c0_i32_0 = arith.constant 0 : i32
    %c0_i32_1 = arith.constant 0 : i32
    %c0_i32_2 = arith.constant 0 : i32
    return %c0_i32, %c0_i32_0, %c0_i32_1 : i32, i32, i32
  }
  func.func @transform_2(%arg0: i32) -> (i32, i32) {
    %c0_i32 = arith.constant 0 : i32
    %c0_i32_0 = arith.constant 0 : i32
    %c0_i32_1 = arith.constant 0 : i32
    return %c0_i32, %c0_i32_0 : i32, i32
  }
  func.func @transform_3(%arg0: i32) -> (i32, i32) {
    %c0_i32 = arith.constant 0 : i32
    %c0_i32_0 = arith.constant 0 : i32
    %c0_i32_1 = arith.constant 0 : i32
    return %c0_i32, %c0_i32_0 : i32, i32
  }
  func.func @transform_4(%arg0: i32) -> (i32, i32) {
    %c0_i32 = arith.constant 0 : i32
    %c0_i32_0 = arith.constant 0 : i32
    %c0_i32_1 = arith.constant 0 : i32
    return %c0_i32, %c0_i32_0 : i32, i32
  }
  func.func @transform_5(%arg0: i32) -> (i32, i32) {
    %c0_i32 = arith.constant 0 : i32
    %c0_i32_0 = arith.constant 0 : i32
    %c0_i32_1 = arith.constant 0 : i32
    return %c0_i32, %c0_i32_0 : i32, i32
  }
  func.func @transform_6(%arg0: i32) -> (i32, i32, i32) {
    %c0_i32 = arith.constant 0 : i32
    %c0_i32_0 = arith.constant 0 : i32
    %c0_i32_1 = arith.constant 0 : i32
    return %arg0, %c0_i32, %c0_i32_0 : i32, i32, i32
  }
}

module attributes {stable_mosaic.version = 14 : i64} {
  func.func @_fine_body(%arg0: i32, %arg1: memref<16x64x2048xf32, #tpu.memory_space<vmem>>, %arg2: memref<2048x512xf32, #tpu.memory_space<vmem>>, %arg3: memref<512x512xf32, #tpu.memory_space<vmem>>, %arg4: memref<128x192xf32, #tpu.memory_space<vmem>>, %arg5: memref<128x1xf32, #tpu.memory_space<vmem>>, %arg6: memref<16x128x512xf32, #tpu.memory_space<vmem>>) attributes {dimension_semantics = [#tpu.dimension_semantics<arbitrary>], iteration_bounds = array<i64: 2>, scalar_prefetch = 0 : i64, scratch_operands = 0 : i64, tpu.core_type = #tpu.core_type<tc>, window_params = [{transform_indices = @transform_0, window_bounds = array<i64: 16, 64, 2048>}, {pipeline_mode = #tpu.pipeline_mode<synchronous>, transform_indices = @transform_1, window_bounds = array<i64: 2048, 512>}, {pipeline_mode = #tpu.pipeline_mode<synchronous>, transform_indices = @transform_2, window_bounds = array<i64: 512, 512>}, {pipeline_mode = #tpu.pipeline_mode<synchronous>, transform_indices = @transform_3, window_bounds = array<i64: 128, 192>}, {pipeline_mode = #tpu.pipeline_mode<synchronous>, transform_indices = @transform_4, window_bounds = array<i64: 128, 1>}, {transform_indices = @transform_5, window_bounds = array<i64: 16, 128, 512>}]} {
    %get3A = arith.constant 0 : index
    %get3A_0 = arith.constant 0 : index
    %get3A_1 = arith.constant 0 : index
    %get3A_2 = vector.load %arg1[%get3A, %get3A_0, %get3A_1] : memref<16x64x2048xf32, #tpu.memory_space<vmem>>, vector<16x64x2048xf32>
    %reshape3A = vector.shape_cast %get3A_2 : vector<16x64x2048xf32> to vector<1024x2048xf32>
    %get3A_3 = arith.constant 0 : index
    %get3A_4 = arith.constant 0 : index
    %get3A_5 = vector.load %arg2[%get3A_3, %get3A_4] : memref<2048x512xf32, #tpu.memory_space<vmem>>, vector<2048x512xf32>
    %dot_general3A = arith.constant dense<0.000000e+00> : vector<1024x512xf32>
    %dot_general3A_6 = tpu.matmul %reshape3A, %get3A_5, %dot_general3A {dimension_numbers = #tpu.dot_dimension_numbers<[1], [0], [0], [1], [0, 0, 1, 1], [], []>, transpose_lhs_hint = false} : vector<1024x2048xf32>, vector<2048x512xf32>, vector<1024x512xf32> -> vector<1024x512xf32>
    %get3A_7 = arith.constant 0 : index
    %get3A_8 = arith.constant 0 : index
    %get3A_9 = vector.load %arg3[%get3A_7, %get3A_8] : memref<512x512xf32, #tpu.memory_space<vmem>>, vector<512x512xf32>
    %dot_general3A_10 = arith.constant dense<0.000000e+00> : vector<1024x512xf32>
    %dot_general3A_11 = tpu.matmul %dot_general3A_6, %get3A_9, %dot_general3A_10 {dimension_numbers = #tpu.dot_dimension_numbers<[1], [0], [0], [1], [0, 0, 1, 1], [], []>, transpose_lhs_hint = false} : vector<1024x512xf32>, vector<512x512xf32>, vector<1024x512xf32> -> vector<1024x512xf32>
    %get3A_12 = arith.constant 0 : index
    %get3A_13 = arith.constant 0 : index
    %get3A_14 = vector.load %arg3[%get3A_12, %get3A_13] : memref<512x512xf32, #tpu.memory_space<vmem>>, vector<512x512xf32>
    %dot_general3A_15 = arith.constant dense<0.000000e+00> : vector<1024x512xf32>
    %dot_general3A_16 = tpu.matmul %dot_general3A_11, %get3A_14, %dot_general3A_15 {dimension_numbers = #tpu.dot_dimension_numbers<[1], [0], [0], [1], [0, 0, 1, 1], [], []>, transpose_lhs_hint = false} : vector<1024x512xf32>, vector<512x512xf32>, vector<1024x512xf32> -> vector<1024x512xf32>
    %mul3A = arith.constant 2.000000e+00 : f32
    %mul3A_17 = vector.broadcast %mul3A : f32 to vector<1024x512xf32>
    %mul3A_18 = arith.mulf %mul3A_17, %dot_general3A_16 : vector<1024x512xf32>
    %sub3A = arith.subf %mul3A_18, %dot_general3A_6 : vector<1024x512xf32>
    %get3A_19 = arith.constant 0 : index
    %get3A_20 = arith.constant 0 : index
    %get3A_21 = vector.load %arg4[%get3A_19, %get3A_20] : memref<128x192xf32, #tpu.memory_space<vmem>>, vector<128x192xf32>
    %slice3A = vector.extract_strided_slice %dot_general3A_6 {offsets = [0, 0], sizes = [64, 512], strides = [1, 1]} : vector<1024x512xf32> to vector<64x512xf32>
    %slice3A_22 = vector.extract_strided_slice %dot_general3A_11 {offsets = [0, 0], sizes = [64, 512], strides = [1, 1]} : vector<1024x512xf32> to vector<64x512xf32>
    %slice3A_23 = vector.extract_strided_slice %sub3A {offsets = [0, 0], sizes = [64, 512], strides = [1, 1]} : vector<1024x512xf32> to vector<64x512xf32>
    %concatenate3A = tpu.concatenate %slice3A, %slice3A_22, %slice3A_23 in 0 : vector<64x512xf32>, vector<64x512xf32>, vector<64x512xf32> -> vector<192x512xf32>
    %dot_general3A_24 = arith.constant dense<0.000000e+00> : vector<128x512xf32>
    %dot_general3A_25 = tpu.matmul %get3A_21, %concatenate3A, %dot_general3A_24 {dimension_numbers = #tpu.dot_dimension_numbers<[1], [0], [0], [1], [0, 0, 1, 1], [], []>, transpose_lhs_hint = false} : vector<128x192xf32>, vector<192x512xf32>, vector<128x512xf32> -> vector<128x512xf32>
    %slice3A_26 = vector.extract_strided_slice %dot_general3A_6 {offsets = [64, 0], sizes = [64, 512], strides = [1, 1]} : vector<1024x512xf32> to vector<64x512xf32>
    %slice3A_27 = vector.extract_strided_slice %dot_general3A_11 {offsets = [64, 0], sizes = [64, 512], strides = [1, 1]} : vector<1024x512xf32> to vector<64x512xf32>
    %slice3A_28 = vector.extract_strided_slice %sub3A {offsets = [64, 0], sizes = [64, 512], strides = [1, 1]} : vector<1024x512xf32> to vector<64x512xf32>
    %concatenate3A_29 = tpu.concatenate %slice3A_26, %slice3A_27, %slice3A_28 in 0 : vector<64x512xf32>, vector<64x512xf32>, vector<64x512xf32> -> vector<192x512xf32>
    %dot_general3A_30 = arith.constant dense<0.000000e+00> : vector<128x512xf32>
    %dot_general3A_31 = tpu.matmul %get3A_21, %concatenate3A_29, %dot_general3A_30 {dimension_numbers = #tpu.dot_dimension_numbers<[1], [0], [0], [1], [0, 0, 1, 1], [], []>, transpose_lhs_hint = false} : vector<128x192xf32>, vector<192x512xf32>, vector<128x512xf32> -> vector<128x512xf32>
    %slice3A_32 = vector.extract_strided_slice %dot_general3A_6 {offsets = [128, 0], sizes = [64, 512], strides = [1, 1]} : vector<1024x512xf32> to vector<64x512xf32>
    %slice3A_33 = vector.extract_strided_slice %dot_general3A_11 {offsets = [128, 0], sizes = [64, 512], strides = [1, 1]} : vector<1024x512xf32> to vector<64x512xf32>
    %slice3A_34 = vector.extract_strided_slice %sub3A {offsets = [128, 0], sizes = [64, 512], strides = [1, 1]} : vector<1024x512xf32> to vector<64x512xf32>
    %concatenate3A_35 = tpu.concatenate %slice3A_32, %slice3A_33, %slice3A_34 in 0 : vector<64x512xf32>, vector<64x512xf32>, vector<64x512xf32> -> vector<192x512xf32>
    %dot_general3A_36 = arith.constant dense<0.000000e+00> : vector<128x512xf32>
    %dot_general3A_37 = tpu.matmul %get3A_21, %concatenate3A_35, %dot_general3A_36 {dimension_numbers = #tpu.dot_dimension_numbers<[1], [0], [0], [1], [0, 0, 1, 1], [], []>, transpose_lhs_hint = false} : vector<128x192xf32>, vector<192x512xf32>, vector<128x512xf32> -> vector<128x512xf32>
    %slice3A_38 = vector.extract_strided_slice %dot_general3A_6 {offsets = [192, 0], sizes = [64, 512], strides = [1, 1]} : vector<1024x512xf32> to vector<64x512xf32>
    %slice3A_39 = vector.extract_strided_slice %dot_general3A_11 {offsets = [192, 0], sizes = [64, 512], strides = [1, 1]} : vector<1024x512xf32> to vector<64x512xf32>
    %slice3A_40 = vector.extract_strided_slice %sub3A {offsets = [192, 0], sizes = [64, 512], strides = [1, 1]} : vector<1024x512xf32> to vector<64x512xf32>
    %concatenate3A_41 = tpu.concatenate %slice3A_38, %slice3A_39, %slice3A_40 in 0 : vector<64x512xf32>, vector<64x512xf32>, vector<64x512xf32> -> vector<192x512xf32>
    %dot_general3A_42 = arith.constant dense<0.000000e+00> : vector<128x512xf32>
    %dot_general3A_43 = tpu.matmul %get3A_21, %concatenate3A_41, %dot_general3A_42 {dimension_numbers = #tpu.dot_dimension_numbers<[1], [0], [0], [1], [0, 0, 1, 1], [], []>, transpose_lhs_hint = false} : vector<128x192xf32>, vector<192x512xf32>, vector<128x512xf32> -> vector<128x512xf32>
    %slice3A_44 = vector.extract_strided_slice %dot_general3A_6 {offsets = [256, 0], sizes = [64, 512], strides = [1, 1]} : vector<1024x512xf32> to vector<64x512xf32>
    %slice3A_45 = vector.extract_strided_slice %dot_general3A_11 {offsets = [256, 0], sizes = [64, 512], strides = [1, 1]} : vector<1024x512xf32> to vector<64x512xf32>
    %slice3A_46 = vector.extract_strided_slice %sub3A {offsets = [256, 0], sizes = [64, 512], strides = [1, 1]} : vector<1024x512xf32> to vector<64x512xf32>
    %concatenate3A_47 = tpu.concatenate %slice3A_44, %slice3A_45, %slice3A_46 in 0 : vector<64x512xf32>, vector<64x512xf32>, vector<64x512xf32> -> vector<192x512xf32>
    %dot_general3A_48 = arith.constant dense<0.000000e+00> : vector<128x512xf32>
    %dot_general3A_49 = tpu.matmul %get3A_21, %concatenate3A_47, %dot_general3A_48 {dimension_numbers = #tpu.dot_dimension_numbers<[1], [0], [0], [1], [0, 0, 1, 1], [], []>, transpose_lhs_hint = false} : vector<128x192xf32>, vector<192x512xf32>, vector<128x512xf32> -> vector<128x512xf32>
    %slice3A_50 = vector.extract_strided_slice %dot_general3A_6 {offsets = [320, 0], sizes = [64, 512], strides = [1, 1]} : vector<1024x512xf32> to vector<64x512xf32>
    %slice3A_51 = vector.extract_strided_slice %dot_general3A_11 {offsets = [320, 0], sizes = [64, 512], strides = [1, 1]} : vector<1024x512xf32> to vector<64x512xf32>
    %slice3A_52 = vector.extract_strided_slice %sub3A {offsets = [320, 0], sizes = [64, 512], strides = [1, 1]} : vector<1024x512xf32> to vector<64x512xf32>
    %concatenate3A_53 = tpu.concatenate %slice3A_50, %slice3A_51, %slice3A_52 in 0 : vector<64x512xf32>, vector<64x512xf32>, vector<64x512xf32> -> vector<192x512xf32>
    %dot_general3A_54 = arith.constant dense<0.000000e+00> : vector<128x512xf32>
    %dot_general3A_55 = tpu.matmul %get3A_21, %concatenate3A_53, %dot_general3A_54 {dimension_numbers = #tpu.dot_dimension_numbers<[1], [0], [0], [1], [0, 0, 1, 1], [], []>, transpose_lhs_hint = false} : vector<128x192xf32>, vector<192x512xf32>, vector<128x512xf32> -> vector<128x512xf32>
    %slice3A_56 = vector.extract_strided_slice %dot_general3A_6 {offsets = [384, 0], sizes = [64, 512], strides = [1, 1]} : vector<1024x512xf32> to vector<64x512xf32>
    %slice3A_57 = vector.extract_strided_slice %dot_general3A_11 {offsets = [384, 0], sizes = [64, 512], strides = [1, 1]} : vector<1024x512xf32> to vector<64x512xf32>
    %slice3A_58 = vector.extract_strided_slice %sub3A {offsets = [384, 0], sizes = [64, 512], strides = [1, 1]} : vector<1024x512xf32> to vector<64x512xf32>
    %concatenate3A_59 = tpu.concatenate %slice3A_56, %slice3A_57, %slice3A_58 in 0 : vector<64x512xf32>, vector<64x512xf32>, vector<64x512xf32> -> vector<192x512xf32>
    %dot_general3A_60 = arith.constant dense<0.000000e+00> : vector<128x512xf32>
    %dot_general3A_61 = tpu.matmul %get3A_21, %concatenate3A_59, %dot_general3A_60 {dimension_numbers = #tpu.dot_dimension_numbers<[1], [0], [0], [1], [0, 0, 1, 1], [], []>, transpose_lhs_hint = false} : vector<128x192xf32>, vector<192x512xf32>, vector<128x512xf32> -> vector<128x512xf32>
    %slice3A_62 = vector.extract_strided_slice %dot_general3A_6 {offsets = [448, 0], sizes = [64, 512], strides = [1, 1]} : vector<1024x512xf32> to vector<64x512xf32>
    %slice3A_63 = vector.extract_strided_slice %dot_general3A_11 {offsets = [448, 0], sizes = [64, 512], strides = [1, 1]} : vector<1024x512xf32> to vector<64x512xf32>
    %slice3A_64 = vector.extract_strided_slice %sub3A {offsets = [448, 0], sizes = [64, 512], strides = [1, 1]} : vector<1024x512xf32> to vector<64x512xf32>
    %concatenate3A_65 = tpu.concatenate %slice3A_62, %slice3A_63, %slice3A_64 in 0 : vector<64x512xf32>, vector<64x512xf32>, vector<64x512xf32> -> vector<192x512xf32>
    %dot_general3A_66 = arith.constant dense<0.000000e+00> : vector<128x512xf32>
    %dot_general3A_67 = tpu.matmul %get3A_21, %concatenate3A_65, %dot_general3A_66 {dimension_numbers = #tpu.dot_dimension_numbers<[1], [0], [0], [1], [0, 0, 1, 1], [], []>, transpose_lhs_hint = false} : vector<128x192xf32>, vector<192x512xf32>, vector<128x512xf32> -> vector<128x512xf32>
    %slice3A_68 = vector.extract_strided_slice %dot_general3A_6 {offsets = [512, 0], sizes = [64, 512], strides = [1, 1]} : vector<1024x512xf32> to vector<64x512xf32>
    %slice3A_69 = vector.extract_strided_slice %dot_general3A_11 {offsets = [512, 0], sizes = [64, 512], strides = [1, 1]} : vector<1024x512xf32> to vector<64x512xf32>
    %slice3A_70 = vector.extract_strided_slice %sub3A {offsets = [512, 0], sizes = [64, 512], strides = [1, 1]} : vector<1024x512xf32> to vector<64x512xf32>
    %concatenate3A_71 = tpu.concatenate %slice3A_68, %slice3A_69, %slice3A_70 in 0 : vector<64x512xf32>, vector<64x512xf32>, vector<64x512xf32> -> vector<192x512xf32>
    %dot_general3A_72 = arith.constant dense<0.000000e+00> : vector<128x512xf32>
    %dot_general3A_73 = tpu.matmul %get3A_21, %concatenate3A_71, %dot_general3A_72 {dimension_numbers = #tpu.dot_dimension_numbers<[1], [0], [0], [1], [0, 0, 1, 1], [], []>, transpose_lhs_hint = false} : vector<128x192xf32>, vector<192x512xf32>, vector<128x512xf32> -> vector<128x512xf32>
    %slice3A_74 = vector.extract_strided_slice %dot_general3A_6 {offsets = [576, 0], sizes = [64, 512], strides = [1, 1]} : vector<1024x512xf32> to vector<64x512xf32>
    %slice3A_75 = vector.extract_strided_slice %dot_general3A_11 {offsets = [576, 0], sizes = [64, 512], strides = [1, 1]} : vector<1024x512xf32> to vector<64x512xf32>
    %slice3A_76 = vector.extract_strided_slice %sub3A {offsets = [576, 0], sizes = [64, 512], strides = [1, 1]} : vector<1024x512xf32> to vector<64x512xf32>
    %concatenate3A_77 = tpu.concatenate %slice3A_74, %slice3A_75, %slice3A_76 in 0 : vector<64x512xf32>, vector<64x512xf32>, vector<64x512xf32> -> vector<192x512xf32>
    %dot_general3A_78 = arith.constant dense<0.000000e+00> : vector<128x512xf32>
    %dot_general3A_79 = tpu.matmul %get3A_21, %concatenate3A_77, %dot_general3A_78 {dimension_numbers = #tpu.dot_dimension_numbers<[1], [0], [0], [1], [0, 0, 1, 1], [], []>, transpose_lhs_hint = false} : vector<128x192xf32>, vector<192x512xf32>, vector<128x512xf32> -> vector<128x512xf32>
    %slice3A_80 = vector.extract_strided_slice %dot_general3A_6 {offsets = [640, 0], sizes = [64, 512], strides = [1, 1]} : vector<1024x512xf32> to vector<64x512xf32>
    %slice3A_81 = vector.extract_strided_slice %dot_general3A_11 {offsets = [640, 0], sizes = [64, 512], strides = [1, 1]} : vector<1024x512xf32> to vector<64x512xf32>
    %slice3A_82 = vector.extract_strided_slice %sub3A {offsets = [640, 0], sizes = [64, 512], strides = [1, 1]} : vector<1024x512xf32> to vector<64x512xf32>
    %concatenate3A_83 = tpu.concatenate %slice3A_80, %slice3A_81, %slice3A_82 in 0 : vector<64x512xf32>, vector<64x512xf32>, vector<64x512xf32> -> vector<192x512xf32>
    %dot_general3A_84 = arith.constant dense<0.000000e+00> : vector<128x512xf32>
    %dot_general3A_85 = tpu.matmul %get3A_21, %concatenate3A_83, %dot_general3A_84 {dimension_numbers = #tpu.dot_dimension_numbers<[1], [0], [0], [1], [0, 0, 1, 1], [], []>, transpose_lhs_hint = false} : vector<128x192xf32>, vector<192x512xf32>, vector<128x512xf32> -> vector<128x512xf32>
    %slice3A_86 = vector.extract_strided_slice %dot_general3A_6 {offsets = [704, 0], sizes = [64, 512], strides = [1, 1]} : vector<1024x512xf32> to vector<64x512xf32>
    %slice3A_87 = vector.extract_strided_slice %dot_general3A_11 {offsets = [704, 0], sizes = [64, 512], strides = [1, 1]} : vector<1024x512xf32> to vector<64x512xf32>
    %slice3A_88 = vector.extract_strided_slice %sub3A {offsets = [704, 0], sizes = [64, 512], strides = [1, 1]} : vector<1024x512xf32> to vector<64x512xf32>
    %concatenate3A_89 = tpu.concatenate %slice3A_86, %slice3A_87, %slice3A_88 in 0 : vector<64x512xf32>, vector<64x512xf32>, vector<64x512xf32> -> vector<192x512xf32>
    %dot_general3A_90 = arith.constant dense<0.000000e+00> : vector<128x512xf32>
    %dot_general3A_91 = tpu.matmul %get3A_21, %concatenate3A_89, %dot_general3A_90 {dimension_numbers = #tpu.dot_dimension_numbers<[1], [0], [0], [1], [0, 0, 1, 1], [], []>, transpose_lhs_hint = false} : vector<128x192xf32>, vector<192x512xf32>, vector<128x512xf32> -> vector<128x512xf32>
    %slice3A_92 = vector.extract_strided_slice %dot_general3A_6 {offsets = [768, 0], sizes = [64, 512], strides = [1, 1]} : vector<1024x512xf32> to vector<64x512xf32>
    %slice3A_93 = vector.extract_strided_slice %dot_general3A_11 {offsets = [768, 0], sizes = [64, 512], strides = [1, 1]} : vector<1024x512xf32> to vector<64x512xf32>
    %slice3A_94 = vector.extract_strided_slice %sub3A {offsets = [768, 0], sizes = [64, 512], strides = [1, 1]} : vector<1024x512xf32> to vector<64x512xf32>
    %concatenate3A_95 = tpu.concatenate %slice3A_92, %slice3A_93, %slice3A_94 in 0 : vector<64x512xf32>, vector<64x512xf32>, vector<64x512xf32> -> vector<192x512xf32>
    %dot_general3A_96 = arith.constant dense<0.000000e+00> : vector<128x512xf32>
    %dot_general3A_97 = tpu.matmul %get3A_21, %concatenate3A_95, %dot_general3A_96 {dimension_numbers = #tpu.dot_dimension_numbers<[1], [0], [0], [1], [0, 0, 1, 1], [], []>, transpose_lhs_hint = false} : vector<128x192xf32>, vector<192x512xf32>, vector<128x512xf32> -> vector<128x512xf32>
    %slice3A_98 = vector.extract_strided_slice %dot_general3A_6 {offsets = [832, 0], sizes = [64, 512], strides = [1, 1]} : vector<1024x512xf32> to vector<64x512xf32>
    %slice3A_99 = vector.extract_strided_slice %dot_general3A_11 {offsets = [832, 0], sizes = [64, 512], strides = [1, 1]} : vector<1024x512xf32> to vector<64x512xf32>
    %slice3A_100 = vector.extract_strided_slice %sub3A {offsets = [832, 0], sizes = [64, 512], strides = [1, 1]} : vector<1024x512xf32> to vector<64x512xf32>
    %concatenate3A_101 = tpu.concatenate %slice3A_98, %slice3A_99, %slice3A_100 in 0 : vector<64x512xf32>, vector<64x512xf32>, vector<64x512xf32> -> vector<192x512xf32>
    %dot_general3A_102 = arith.constant dense<0.000000e+00> : vector<128x512xf32>
    %dot_general3A_103 = tpu.matmul %get3A_21, %concatenate3A_101, %dot_general3A_102 {dimension_numbers = #tpu.dot_dimension_numbers<[1], [0], [0], [1], [0, 0, 1, 1], [], []>, transpose_lhs_hint = false} : vector<128x192xf32>, vector<192x512xf32>, vector<128x512xf32> -> vector<128x512xf32>
    %slice3A_104 = vector.extract_strided_slice %dot_general3A_6 {offsets = [896, 0], sizes = [64, 512], strides = [1, 1]} : vector<1024x512xf32> to vector<64x512xf32>
    %slice3A_105 = vector.extract_strided_slice %dot_general3A_11 {offsets = [896, 0], sizes = [64, 512], strides = [1, 1]} : vector<1024x512xf32> to vector<64x512xf32>
    %slice3A_106 = vector.extract_strided_slice %sub3A {offsets = [896, 0], sizes = [64, 512], strides = [1, 1]} : vector<1024x512xf32> to vector<64x512xf32>
    %concatenate3A_107 = tpu.concatenate %slice3A_104, %slice3A_105, %slice3A_106 in 0 : vector<64x512xf32>, vector<64x512xf32>, vector<64x512xf32> -> vector<192x512xf32>
    %dot_general3A_108 = arith.constant dense<0.000000e+00> : vector<128x512xf32>
    %dot_general3A_109 = tpu.matmul %get3A_21, %concatenate3A_107, %dot_general3A_108 {dimension_numbers = #tpu.dot_dimension_numbers<[1], [0], [0], [1], [0, 0, 1, 1], [], []>, transpose_lhs_hint = false} : vector<128x192xf32>, vector<192x512xf32>, vector<128x512xf32> -> vector<128x512xf32>
    %slice3A_110 = vector.extract_strided_slice %dot_general3A_6 {offsets = [960, 0], sizes = [64, 512], strides = [1, 1]} : vector<1024x512xf32> to vector<64x512xf32>
    %slice3A_111 = vector.extract_strided_slice %dot_general3A_11 {offsets = [960, 0], sizes = [64, 512], strides = [1, 1]} : vector<1024x512xf32> to vector<64x512xf32>
    %slice3A_112 = vector.extract_strided_slice %sub3A {offsets = [960, 0], sizes = [64, 512], strides = [1, 1]} : vector<1024x512xf32> to vector<64x512xf32>
    %concatenate3A_113 = tpu.concatenate %slice3A_110, %slice3A_111, %slice3A_112 in 0 : vector<64x512xf32>, vector<64x512xf32>, vector<64x512xf32> -> vector<192x512xf32>
    %dot_general3A_114 = arith.constant dense<0.000000e+00> : vector<128x512xf32>
    %dot_general3A_115 = tpu.matmul %get3A_21, %concatenate3A_113, %dot_general3A_114 {dimension_numbers = #tpu.dot_dimension_numbers<[1], [0], [0], [1], [0, 0, 1, 1], [], []>, transpose_lhs_hint = false} : vector<128x192xf32>, vector<192x512xf32>, vector<128x512xf32> -> vector<128x512xf32>
    %stack3A = vector.shape_cast %dot_general3A_25 : vector<128x512xf32> to vector<1x128x512xf32>
    %stack3A_116 = vector.shape_cast %dot_general3A_31 : vector<128x512xf32> to vector<1x128x512xf32>
    %stack3A_117 = vector.shape_cast %dot_general3A_37 : vector<128x512xf32> to vector<1x128x512xf32>
    %stack3A_118 = vector.shape_cast %dot_general3A_43 : vector<128x512xf32> to vector<1x128x512xf32>
    %stack3A_119 = vector.shape_cast %dot_general3A_49 : vector<128x512xf32> to vector<1x128x512xf32>
    %stack3A_120 = vector.shape_cast %dot_general3A_55 : vector<128x512xf32> to vector<1x128x512xf32>
    %stack3A_121 = vector.shape_cast %dot_general3A_61 : vector<128x512xf32> to vector<1x128x512xf32>
    %stack3A_122 = vector.shape_cast %dot_general3A_67 : vector<128x512xf32> to vector<1x128x512xf32>
    %stack3A_123 = vector.shape_cast %dot_general3A_73 : vector<128x512xf32> to vector<1x128x512xf32>
    %stack3A_124 = vector.shape_cast %dot_general3A_79 : vector<128x512xf32> to vector<1x128x512xf32>
    %stack3A_125 = vector.shape_cast %dot_general3A_85 : vector<128x512xf32> to vector<1x128x512xf32>
    %stack3A_126 = vector.shape_cast %dot_general3A_91 : vector<128x512xf32> to vector<1x128x512xf32>
    %stack3A_127 = vector.shape_cast %dot_general3A_97 : vector<128x512xf32> to vector<1x128x512xf32>
    %stack3A_128 = vector.shape_cast %dot_general3A_103 : vector<128x512xf32> to vector<1x128x512xf32>
    %stack3A_129 = vector.shape_cast %dot_general3A_109 : vector<128x512xf32> to vector<1x128x512xf32>
    %stack3A_130 = vector.shape_cast %dot_general3A_115 : vector<128x512xf32> to vector<1x128x512xf32>
    %stack3A_131 = tpu.concatenate %stack3A, %stack3A_116, %stack3A_117, %stack3A_118, %stack3A_119, %stack3A_120, %stack3A_121, %stack3A_122, %stack3A_123, %stack3A_124, %stack3A_125, %stack3A_126, %stack3A_127, %stack3A_128, %stack3A_129, %stack3A_130 in 0 : vector<1x128x512xf32>, vector<1x128x512xf32>, vector<1x128x512xf32>, vector<1x128x512xf32>, vector<1x128x512xf32>, vector<1x128x512xf32>, vector<1x128x512xf32>, vector<1x128x512xf32>, vector<1x128x512xf32>, vector<1x128x512xf32>, vector<1x128x512xf32>, vector<1x128x512xf32>, vector<1x128x512xf32>, vector<1x128x512xf32>, vector<1x128x512xf32>, vector<1x128x512xf32> -> vector<16x128x512xf32>
    %get3A_132 = arith.constant 0 : index
    %get3A_133 = arith.constant 0 : index
    %get3A_134 = vector.load %arg5[%get3A_132, %get3A_133] : memref<128x1xf32, #tpu.memory_space<vmem>>, vector<128x1xf32>
    %broadcast_in_dim3A = vector.shape_cast %get3A_134 : vector<128x1xf32> to vector<1x128x1xf32>
    %add3A = vector.broadcast %broadcast_in_dim3A : vector<1x128x1xf32> to vector<16x128x512xf32>
    %add3A_135 = arith.addf %stack3A_131, %add3A : vector<16x128x512xf32>
    %max3A = arith.constant 0.000000e+00 : f32
    %max3A_136 = vector.broadcast %max3A : f32 to vector<16x128x512xf32>
    %max3A_137 = arith.maximumf %add3A_135, %max3A_136 : vector<16x128x512xf32>
    %swap3A = arith.constant 0 : index
    %swap3A_138 = arith.constant 0 : index
    %swap3A_139 = arith.constant 0 : index
    %swap3A_140 = vector.load %arg6[%swap3A, %swap3A_138, %swap3A_139] : memref<16x128x512xf32, #tpu.memory_space<vmem>>, vector<16x128x512xf32>
    tpu.vector_store %arg6[%swap3A, %swap3A_138, %swap3A_139], %max3A_137 {strides = array<i32>} : memref<16x128x512xf32, #tpu.memory_space<vmem>>, vector<16x128x512xf32>,
    return
  }
  func.func @transform_0(%arg0: i32) -> (i32, i32, i32) {
    %c0_i32 = arith.constant 0 : i32
    %c0_i32_0 = arith.constant 0 : i32
    %c0_i32_1 = arith.constant 0 : i32
    return %arg0, %c0_i32, %c0_i32_0 : i32, i32, i32
  }
  func.func @transform_1(%arg0: i32) -> (i32, i32) {
    %c0_i32 = arith.constant 0 : i32
    %c0_i32_0 = arith.constant 0 : i32
    %c0_i32_1 = arith.constant 0 : i32
    return %c0_i32, %c0_i32_0 : i32, i32
  }
  func.func @transform_2(%arg0: i32) -> (i32, i32) {
    %c0_i32 = arith.constant 0 : i32
    %c0_i32_0 = arith.constant 0 : i32
    %c0_i32_1 = arith.constant 0 : i32
    return %c0_i32, %c0_i32_0 : i32, i32
  }
  func.func @transform_3(%arg0: i32) -> (i32, i32) {
    %c0_i32 = arith.constant 0 : i32
    %c0_i32_0 = arith.constant 0 : i32
    %c0_i32_1 = arith.constant 0 : i32
    return %c0_i32, %c0_i32_0 : i32, i32
  }
  func.func @transform_4(%arg0: i32) -> (i32, i32) {
    %c0_i32 = arith.constant 0 : i32
    %c0_i32_0 = arith.constant 0 : i32
    %c0_i32_1 = arith.constant 0 : i32
    return %c0_i32, %c0_i32_0 : i32, i32
  }
  func.func @transform_5(%arg0: i32) -> (i32, i32, i32) {
    %c0_i32 = arith.constant 0 : i32
    %c0_i32_0 = arith.constant 0 : i32
    %c0_i32_1 = arith.constant 0 : i32
    return %arg0, %c0_i32, %c0_i32_0 : i32, i32, i32
  }
}

module attributes {stable_mosaic.version = 14 : i64} {
  func.func @_fine_body(%arg0: i32, %arg1: memref<32x128x512xf32, #tpu.memory_space<vmem>>, %arg2: memref<512x128xf32, #tpu.memory_space<vmem>>, %arg3: memref<128x128xf32, #tpu.memory_space<vmem>>, %arg4: memref<256x384xf32, #tpu.memory_space<vmem>>, %arg5: memref<256x1xf32, #tpu.memory_space<vmem>>, %arg6: memref<32x256x128xf32, #tpu.memory_space<vmem>>) attributes {dimension_semantics = [#tpu.dimension_semantics<arbitrary>], iteration_bounds = array<i64: 1>, scalar_prefetch = 0 : i64, scratch_operands = 0 : i64, tpu.core_type = #tpu.core_type<tc>, window_params = [{transform_indices = @transform_0, window_bounds = array<i64: 32, 128, 512>}, {pipeline_mode = #tpu.pipeline_mode<synchronous>, transform_indices = @transform_1, window_bounds = array<i64: 512, 128>}, {pipeline_mode = #tpu.pipeline_mode<synchronous>, transform_indices = @transform_2, window_bounds = array<i64: 128, 128>}, {pipeline_mode = #tpu.pipeline_mode<synchronous>, transform_indices = @transform_3, window_bounds = array<i64: 256, 384>}, {pipeline_mode = #tpu.pipeline_mode<synchronous>, transform_indices = @transform_4, window_bounds = array<i64: 256, 1>}, {transform_indices = @transform_5, window_bounds = array<i64: 32, 256, 128>}]} {
    %get3A = arith.constant 0 : index
    %get3A_0 = arith.constant 0 : index
    %get3A_1 = arith.constant 0 : index
    %get3A_2 = vector.load %arg1[%get3A, %get3A_0, %get3A_1] : memref<32x128x512xf32, #tpu.memory_space<vmem>>, vector<32x128x512xf32>
    %reshape3A = vector.shape_cast %get3A_2 : vector<32x128x512xf32> to vector<4096x512xf32>
    %get3A_3 = arith.constant 0 : index
    %get3A_4 = arith.constant 0 : index
    %get3A_5 = vector.load %arg2[%get3A_3, %get3A_4] : memref<512x128xf32, #tpu.memory_space<vmem>>, vector<512x128xf32>
    %dot_general3A = arith.constant dense<0.000000e+00> : vector<4096x128xf32>
    %dot_general3A_6 = tpu.matmul %reshape3A, %get3A_5, %dot_general3A {dimension_numbers = #tpu.dot_dimension_numbers<[1], [0], [0], [1], [0, 0, 1, 1], [], []>, transpose_lhs_hint = false} : vector<4096x512xf32>, vector<512x128xf32>, vector<4096x128xf32> -> vector<4096x128xf32>
    %get3A_7 = arith.constant 0 : index
    %get3A_8 = arith.constant 0 : index
    %get3A_9 = vector.load %arg3[%get3A_7, %get3A_8] : memref<128x128xf32, #tpu.memory_space<vmem>>, vector<128x128xf32>
    %dot_general3A_10 = arith.constant dense<0.000000e+00> : vector<4096x128xf32>
    %dot_general3A_11 = tpu.matmul %dot_general3A_6, %get3A_9, %dot_general3A_10 {dimension_numbers = #tpu.dot_dimension_numbers<[1], [0], [0], [1], [0, 0, 1, 1], [], []>, transpose_lhs_hint = false} : vector<4096x128xf32>, vector<128x128xf32>, vector<4096x128xf32> -> vector<4096x128xf32>
    %get3A_12 = arith.constant 0 : index
    %get3A_13 = arith.constant 0 : index
    %get3A_14 = vector.load %arg3[%get3A_12, %get3A_13] : memref<128x128xf32, #tpu.memory_space<vmem>>, vector<128x128xf32>
    %dot_general3A_15 = arith.constant dense<0.000000e+00> : vector<4096x128xf32>
    %dot_general3A_16 = tpu.matmul %dot_general3A_11, %get3A_14, %dot_general3A_15 {dimension_numbers = #tpu.dot_dimension_numbers<[1], [0], [0], [1], [0, 0, 1, 1], [], []>, transpose_lhs_hint = false} : vector<4096x128xf32>, vector<128x128xf32>, vector<4096x128xf32> -> vector<4096x128xf32>
    %mul3A = arith.constant 2.000000e+00 : f32
    %mul3A_17 = vector.broadcast %mul3A : f32 to vector<4096x128xf32>
    %mul3A_18 = arith.mulf %mul3A_17, %dot_general3A_16 : vector<4096x128xf32>
    %sub3A = arith.subf %mul3A_18, %dot_general3A_6 : vector<4096x128xf32>
    %get3A_19 = arith.constant 0 : index
    %get3A_20 = arith.constant 0 : index
    %get3A_21 = vector.load %arg4[%get3A_19, %get3A_20] : memref<256x384xf32, #tpu.memory_space<vmem>>, vector<256x384xf32>
    %slice3A = vector.extract_strided_slice %dot_general3A_6 {offsets = [0, 0], sizes = [128, 128], strides = [1, 1]} : vector<4096x128xf32> to vector<128x128xf32>
    %slice3A_22 = vector.extract_strided_slice %dot_general3A_11 {offsets = [0, 0], sizes = [128, 128], strides = [1, 1]} : vector<4096x128xf32> to vector<128x128xf32>
    %slice3A_23 = vector.extract_strided_slice %sub3A {offsets = [0, 0], sizes = [128, 128], strides = [1, 1]} : vector<4096x128xf32> to vector<128x128xf32>
    %concatenate3A = tpu.concatenate %slice3A, %slice3A_22, %slice3A_23 in 0 : vector<128x128xf32>, vector<128x128xf32>, vector<128x128xf32> -> vector<384x128xf32>
    %dot_general3A_24 = arith.constant dense<0.000000e+00> : vector<256x128xf32>
    %dot_general3A_25 = tpu.matmul %get3A_21, %concatenate3A, %dot_general3A_24 {dimension_numbers = #tpu.dot_dimension_numbers<[1], [0], [0], [1], [0, 0, 1, 1], [], []>, transpose_lhs_hint = false} : vector<256x384xf32>, vector<384x128xf32>, vector<256x128xf32> -> vector<256x128xf32>
    %slice3A_26 = vector.extract_strided_slice %dot_general3A_6 {offsets = [128, 0], sizes = [128, 128], strides = [1, 1]} : vector<4096x128xf32> to vector<128x128xf32>
    %slice3A_27 = vector.extract_strided_slice %dot_general3A_11 {offsets = [128, 0], sizes = [128, 128], strides = [1, 1]} : vector<4096x128xf32> to vector<128x128xf32>
    %slice3A_28 = vector.extract_strided_slice %sub3A {offsets = [128, 0], sizes = [128, 128], strides = [1, 1]} : vector<4096x128xf32> to vector<128x128xf32>
    %concatenate3A_29 = tpu.concatenate %slice3A_26, %slice3A_27, %slice3A_28 in 0 : vector<128x128xf32>, vector<128x128xf32>, vector<128x128xf32> -> vector<384x128xf32>
    %dot_general3A_30 = arith.constant dense<0.000000e+00> : vector<256x128xf32>
    %dot_general3A_31 = tpu.matmul %get3A_21, %concatenate3A_29, %dot_general3A_30 {dimension_numbers = #tpu.dot_dimension_numbers<[1], [0], [0], [1], [0, 0, 1, 1], [], []>, transpose_lhs_hint = false} : vector<256x384xf32>, vector<384x128xf32>, vector<256x128xf32> -> vector<256x128xf32>
    %slice3A_32 = vector.extract_strided_slice %dot_general3A_6 {offsets = [256, 0], sizes = [128, 128], strides = [1, 1]} : vector<4096x128xf32> to vector<128x128xf32>
    %slice3A_33 = vector.extract_strided_slice %dot_general3A_11 {offsets = [256, 0], sizes = [128, 128], strides = [1, 1]} : vector<4096x128xf32> to vector<128x128xf32>
    %slice3A_34 = vector.extract_strided_slice %sub3A {offsets = [256, 0], sizes = [128, 128], strides = [1, 1]} : vector<4096x128xf32> to vector<128x128xf32>
    %concatenate3A_35 = tpu.concatenate %slice3A_32, %slice3A_33, %slice3A_34 in 0 : vector<128x128xf32>, vector<128x128xf32>, vector<128x128xf32> -> vector<384x128xf32>
    %dot_general3A_36 = arith.constant dense<0.000000e+00> : vector<256x128xf32>
    %dot_general3A_37 = tpu.matmul %get3A_21, %concatenate3A_35, %dot_general3A_36 {dimension_numbers = #tpu.dot_dimension_numbers<[1], [0], [0], [1], [0, 0, 1, 1], [], []>, transpose_lhs_hint = false} : vector<256x384xf32>, vector<384x128xf32>, vector<256x128xf32> -> vector<256x128xf32>
    %slice3A_38 = vector.extract_strided_slice %dot_general3A_6 {offsets = [384, 0], sizes = [128, 128], strides = [1, 1]} : vector<4096x128xf32> to vector<128x128xf32>
    %slice3A_39 = vector.extract_strided_slice %dot_general3A_11 {offsets = [384, 0], sizes = [128, 128], strides = [1, 1]} : vector<4096x128xf32> to vector<128x128xf32>
    %slice3A_40 = vector.extract_strided_slice %sub3A {offsets = [384, 0], sizes = [128, 128], strides = [1, 1]} : vector<4096x128xf32> to vector<128x128xf32>
    %concatenate3A_41 = tpu.concatenate %slice3A_38, %slice3A_39, %slice3A_40 in 0 : vector<128x128xf32>, vector<128x128xf32>, vector<128x128xf32> -> vector<384x128xf32>
    %dot_general3A_42 = arith.constant dense<0.000000e+00> : vector<256x128xf32>
    %dot_general3A_43 = tpu.matmul %get3A_21, %concatenate3A_41, %dot_general3A_42 {dimension_numbers = #tpu.dot_dimension_numbers<[1], [0], [0], [1], [0, 0, 1, 1], [], []>, transpose_lhs_hint = false} : vector<256x384xf32>, vector<384x128xf32>, vector<256x128xf32> -> vector<256x128xf32>
    %slice3A_44 = vector.extract_strided_slice %dot_general3A_6 {offsets = [512, 0], sizes = [128, 128], strides = [1, 1]} : vector<4096x128xf32> to vector<128x128xf32>
    %slice3A_45 = vector.extract_strided_slice %dot_general3A_11 {offsets = [512, 0], sizes = [128, 128], strides = [1, 1]} : vector<4096x128xf32> to vector<128x128xf32>
    %slice3A_46 = vector.extract_strided_slice %sub3A {offsets = [512, 0], sizes = [128, 128], strides = [1, 1]} : vector<4096x128xf32> to vector<128x128xf32>
    %concatenate3A_47 = tpu.concatenate %slice3A_44, %slice3A_45, %slice3A_46 in 0 : vector<128x128xf32>, vector<128x128xf32>, vector<128x128xf32> -> vector<384x128xf32>
    %dot_general3A_48 = arith.constant dense<0.000000e+00> : vector<256x128xf32>
    %dot_general3A_49 = tpu.matmul %get3A_21, %concatenate3A_47, %dot_general3A_48 {dimension_numbers = #tpu.dot_dimension_numbers<[1], [0], [0], [1], [0, 0, 1, 1], [], []>, transpose_lhs_hint = false} : vector<256x384xf32>, vector<384x128xf32>, vector<256x128xf32> -> vector<256x128xf32>
    %slice3A_50 = vector.extract_strided_slice %dot_general3A_6 {offsets = [640, 0], sizes = [128, 128], strides = [1, 1]} : vector<4096x128xf32> to vector<128x128xf32>
    %slice3A_51 = vector.extract_strided_slice %dot_general3A_11 {offsets = [640, 0], sizes = [128, 128], strides = [1, 1]} : vector<4096x128xf32> to vector<128x128xf32>
    %slice3A_52 = vector.extract_strided_slice %sub3A {offsets = [640, 0], sizes = [128, 128], strides = [1, 1]} : vector<4096x128xf32> to vector<128x128xf32>
    %concatenate3A_53 = tpu.concatenate %slice3A_50, %slice3A_51, %slice3A_52 in 0 : vector<128x128xf32>, vector<128x128xf32>, vector<128x128xf32> -> vector<384x128xf32>
    %dot_general3A_54 = arith.constant dense<0.000000e+00> : vector<256x128xf32>
    %dot_general3A_55 = tpu.matmul %get3A_21, %concatenate3A_53, %dot_general3A_54 {dimension_numbers = #tpu.dot_dimension_numbers<[1], [0], [0], [1], [0, 0, 1, 1], [], []>, transpose_lhs_hint = false} : vector<256x384xf32>, vector<384x128xf32>, vector<256x128xf32> -> vector<256x128xf32>
    %slice3A_56 = vector.extract_strided_slice %dot_general3A_6 {offsets = [768, 0], sizes = [128, 128], strides = [1, 1]} : vector<4096x128xf32> to vector<128x128xf32>
    %slice3A_57 = vector.extract_strided_slice %dot_general3A_11 {offsets = [768, 0], sizes = [128, 128], strides = [1, 1]} : vector<4096x128xf32> to vector<128x128xf32>
    %slice3A_58 = vector.extract_strided_slice %sub3A {offsets = [768, 0], sizes = [128, 128], strides = [1, 1]} : vector<4096x128xf32> to vector<128x128xf32>
    %concatenate3A_59 = tpu.concatenate %slice3A_56, %slice3A_57, %slice3A_58 in 0 : vector<128x128xf32>, vector<128x128xf32>, vector<128x128xf32> -> vector<384x128xf32>
    %dot_general3A_60 = arith.constant dense<0.000000e+00> : vector<256x128xf32>
    %dot_general3A_61 = tpu.matmul %get3A_21, %concatenate3A_59, %dot_general3A_60 {dimension_numbers = #tpu.dot_dimension_numbers<[1], [0], [0], [1], [0, 0, 1, 1], [], []>, transpose_lhs_hint = false} : vector<256x384xf32>, vector<384x128xf32>, vector<256x128xf32> -> vector<256x128xf32>
    %slice3A_62 = vector.extract_strided_slice %dot_general3A_6 {offsets = [896, 0], sizes = [128, 128], strides = [1, 1]} : vector<4096x128xf32> to vector<128x128xf32>
    %slice3A_63 = vector.extract_strided_slice %dot_general3A_11 {offsets = [896, 0], sizes = [128, 128], strides = [1, 1]} : vector<4096x128xf32> to vector<128x128xf32>
    %slice3A_64 = vector.extract_strided_slice %sub3A {offsets = [896, 0], sizes = [128, 128], strides = [1, 1]} : vector<4096x128xf32> to vector<128x128xf32>
    %concatenate3A_65 = tpu.concatenate %slice3A_62, %slice3A_63, %slice3A_64 in 0 : vector<128x128xf32>, vector<128x128xf32>, vector<128x128xf32> -> vector<384x128xf32>
    %dot_general3A_66 = arith.constant dense<0.000000e+00> : vector<256x128xf32>
    %dot_general3A_67 = tpu.matmul %get3A_21, %concatenate3A_65, %dot_general3A_66 {dimension_numbers = #tpu.dot_dimension_numbers<[1], [0], [0], [1], [0, 0, 1, 1], [], []>, transpose_lhs_hint = false} : vector<256x384xf32>, vector<384x128xf32>, vector<256x128xf32> -> vector<256x128xf32>
    %slice3A_68 = vector.extract_strided_slice %dot_general3A_6 {offsets = [1024, 0], sizes = [128, 128], strides = [1, 1]} : vector<4096x128xf32> to vector<128x128xf32>
    %slice3A_69 = vector.extract_strided_slice %dot_general3A_11 {offsets = [1024, 0], sizes = [128, 128], strides = [1, 1]} : vector<4096x128xf32> to vector<128x128xf32>
    %slice3A_70 = vector.extract_strided_slice %sub3A {offsets = [1024, 0], sizes = [128, 128], strides = [1, 1]} : vector<4096x128xf32> to vector<128x128xf32>
    %concatenate3A_71 = tpu.concatenate %slice3A_68, %slice3A_69, %slice3A_70 in 0 : vector<128x128xf32>, vector<128x128xf32>, vector<128x128xf32> -> vector<384x128xf32>
    %dot_general3A_72 = arith.constant dense<0.000000e+00> : vector<256x128xf32>
    %dot_general3A_73 = tpu.matmul %get3A_21, %concatenate3A_71, %dot_general3A_72 {dimension_numbers = #tpu.dot_dimension_numbers<[1], [0], [0], [1], [0, 0, 1, 1], [], []>, transpose_lhs_hint = false} : vector<256x384xf32>, vector<384x128xf32>, vector<256x128xf32> -> vector<256x128xf32>
    %slice3A_74 = vector.extract_strided_slice %dot_general3A_6 {offsets = [1152, 0], sizes = [128, 128], strides = [1, 1]} : vector<4096x128xf32> to vector<128x128xf32>
    %slice3A_75 = vector.extract_strided_slice %dot_general3A_11 {offsets = [1152, 0], sizes = [128, 128], strides = [1, 1]} : vector<4096x128xf32> to vector<128x128xf32>
    %slice3A_76 = vector.extract_strided_slice %sub3A {offsets = [1152, 0], sizes = [128, 128], strides = [1, 1]} : vector<4096x128xf32> to vector<128x128xf32>
    %concatenate3A_77 = tpu.concatenate %slice3A_74, %slice3A_75, %slice3A_76 in 0 : vector<128x128xf32>, vector<128x128xf32>, vector<128x128xf32> -> vector<384x128xf32>
    %dot_general3A_78 = arith.constant dense<0.000000e+00> : vector<256x128xf32>
    %dot_general3A_79 = tpu.matmul %get3A_21, %concatenate3A_77, %dot_general3A_78 {dimension_numbers = #tpu.dot_dimension_numbers<[1], [0], [0], [1], [0, 0, 1, 1], [], []>, transpose_lhs_hint = false} : vector<256x384xf32>, vector<384x128xf32>, vector<256x128xf32> -> vector<256x128xf32>
    %slice3A_80 = vector.extract_strided_slice %dot_general3A_6 {offsets = [1280, 0], sizes = [128, 128], strides = [1, 1]} : vector<4096x128xf32> to vector<128x128xf32>
    %slice3A_81 = vector.extract_strided_slice %dot_general3A_11 {offsets = [1280, 0], sizes = [128, 128], strides = [1, 1]} : vector<4096x128xf32> to vector<128x128xf32>
    %slice3A_82 = vector.extract_strided_slice %sub3A {offsets = [1280, 0], sizes = [128, 128], strides = [1, 1]} : vector<4096x128xf32> to vector<128x128xf32>
    %concatenate3A_83 = tpu.concatenate %slice3A_80, %slice3A_81, %slice3A_82 in 0 : vector<128x128xf32>, vector<128x128xf32>, vector<128x128xf32> -> vector<384x128xf32>
    %dot_general3A_84 = arith.constant dense<0.000000e+00> : vector<256x128xf32>
    %dot_general3A_85 = tpu.matmul %get3A_21, %concatenate3A_83, %dot_general3A_84 {dimension_numbers = #tpu.dot_dimension_numbers<[1], [0], [0], [1], [0, 0, 1, 1], [], []>, transpose_lhs_hint = false} : vector<256x384xf32>, vector<384x128xf32>, vector<256x128xf32> -> vector<256x128xf32>
    %slice3A_86 = vector.extract_strided_slice %dot_general3A_6 {offsets = [1408, 0], sizes = [128, 128], strides = [1, 1]} : vector<4096x128xf32> to vector<128x128xf32>
    %slice3A_87 = vector.extract_strided_slice %dot_general3A_11 {offsets = [1408, 0], sizes = [128, 128], strides = [1, 1]} : vector<4096x128xf32> to vector<128x128xf32>
    %slice3A_88 = vector.extract_strided_slice %sub3A {offsets = [1408, 0], sizes = [128, 128], strides = [1, 1]} : vector<4096x128xf32> to vector<128x128xf32>
    %concatenate3A_89 = tpu.concatenate %slice3A_86, %slice3A_87, %slice3A_88 in 0 : vector<128x128xf32>, vector<128x128xf32>, vector<128x128xf32> -> vector<384x128xf32>
    %dot_general3A_90 = arith.constant dense<0.000000e+00> : vector<256x128xf32>
    %dot_general3A_91 = tpu.matmul %get3A_21, %concatenate3A_89, %dot_general3A_90 {dimension_numbers = #tpu.dot_dimension_numbers<[1], [0], [0], [1], [0, 0, 1, 1], [], []>, transpose_lhs_hint = false} : vector<256x384xf32>, vector<384x128xf32>, vector<256x128xf32> -> vector<256x128xf32>
    %slice3A_92 = vector.extract_strided_slice %dot_general3A_6 {offsets = [1536, 0], sizes = [128, 128], strides = [1, 1]} : vector<4096x128xf32> to vector<128x128xf32>
    %slice3A_93 = vector.extract_strided_slice %dot_general3A_11 {offsets = [1536, 0], sizes = [128, 128], strides = [1, 1]} : vector<4096x128xf32> to vector<128x128xf32>
    %slice3A_94 = vector.extract_strided_slice %sub3A {offsets = [1536, 0], sizes = [128, 128], strides = [1, 1]} : vector<4096x128xf32> to vector<128x128xf32>
    %concatenate3A_95 = tpu.concatenate %slice3A_92, %slice3A_93, %slice3A_94 in 0 : vector<128x128xf32>, vector<128x128xf32>, vector<128x128xf32> -> vector<384x128xf32>
    %dot_general3A_96 = arith.constant dense<0.000000e+00> : vector<256x128xf32>
    %dot_general3A_97 = tpu.matmul %get3A_21, %concatenate3A_95, %dot_general3A_96 {dimension_numbers = #tpu.dot_dimension_numbers<[1], [0], [0], [1], [0, 0, 1, 1], [], []>, transpose_lhs_hint = false} : vector<256x384xf32>, vector<384x128xf32>, vector<256x128xf32> -> vector<256x128xf32>
    %slice3A_98 = vector.extract_strided_slice %dot_general3A_6 {offsets = [1664, 0], sizes = [128, 128], strides = [1, 1]} : vector<4096x128xf32> to vector<128x128xf32>
    %slice3A_99 = vector.extract_strided_slice %dot_general3A_11 {offsets = [1664, 0], sizes = [128, 128], strides = [1, 1]} : vector<4096x128xf32> to vector<128x128xf32>
    %slice3A_100 = vector.extract_strided_slice %sub3A {offsets = [1664, 0], sizes = [128, 128], strides = [1, 1]} : vector<4096x128xf32> to vector<128x128xf32>
    %concatenate3A_101 = tpu.concatenate %slice3A_98, %slice3A_99, %slice3A_100 in 0 : vector<128x128xf32>, vector<128x128xf32>, vector<128x128xf32> -> vector<384x128xf32>
    %dot_general3A_102 = arith.constant dense<0.000000e+00> : vector<256x128xf32>
    %dot_general3A_103 = tpu.matmul %get3A_21, %concatenate3A_101, %dot_general3A_102 {dimension_numbers = #tpu.dot_dimension_numbers<[1], [0], [0], [1], [0, 0, 1, 1], [], []>, transpose_lhs_hint = false} : vector<256x384xf32>, vector<384x128xf32>, vector<256x128xf32> -> vector<256x128xf32>
    %slice3A_104 = vector.extract_strided_slice %dot_general3A_6 {offsets = [1792, 0], sizes = [128, 128], strides = [1, 1]} : vector<4096x128xf32> to vector<128x128xf32>
    %slice3A_105 = vector.extract_strided_slice %dot_general3A_11 {offsets = [1792, 0], sizes = [128, 128], strides = [1, 1]} : vector<4096x128xf32> to vector<128x128xf32>
    %slice3A_106 = vector.extract_strided_slice %sub3A {offsets = [1792, 0], sizes = [128, 128], strides = [1, 1]} : vector<4096x128xf32> to vector<128x128xf32>
    %concatenate3A_107 = tpu.concatenate %slice3A_104, %slice3A_105, %slice3A_106 in 0 : vector<128x128xf32>, vector<128x128xf32>, vector<128x128xf32> -> vector<384x128xf32>
    %dot_general3A_108 = arith.constant dense<0.000000e+00> : vector<256x128xf32>
    %dot_general3A_109 = tpu.matmul %get3A_21, %concatenate3A_107, %dot_general3A_108 {dimension_numbers = #tpu.dot_dimension_numbers<[1], [0], [0], [1], [0, 0, 1, 1], [], []>, transpose_lhs_hint = false} : vector<256x384xf32>, vector<384x128xf32>, vector<256x128xf32> -> vector<256x128xf32>
    %slice3A_110 = vector.extract_strided_slice %dot_general3A_6 {offsets = [1920, 0], sizes = [128, 128], strides = [1, 1]} : vector<4096x128xf32> to vector<128x128xf32>
    %slice3A_111 = vector.extract_strided_slice %dot_general3A_11 {offsets = [1920, 0], sizes = [128, 128], strides = [1, 1]} : vector<4096x128xf32> to vector<128x128xf32>
    %slice3A_112 = vector.extract_strided_slice %sub3A {offsets = [1920, 0], sizes = [128, 128], strides = [1, 1]} : vector<4096x128xf32> to vector<128x128xf32>
    %concatenate3A_113 = tpu.concatenate %slice3A_110, %slice3A_111, %slice3A_112 in 0 : vector<128x128xf32>, vector<128x128xf32>, vector<128x128xf32> -> vector<384x128xf32>
    %dot_general3A_114 = arith.constant dense<0.000000e+00> : vector<256x128xf32>
    %dot_general3A_115 = tpu.matmul %get3A_21, %concatenate3A_113, %dot_general3A_114 {dimension_numbers = #tpu.dot_dimension_numbers<[1], [0], [0], [1], [0, 0, 1, 1], [], []>, transpose_lhs_hint = false} : vector<256x384xf32>, vector<384x128xf32>, vector<256x128xf32> -> vector<256x128xf32>
    %slice3A_116 = vector.extract_strided_slice %dot_general3A_6 {offsets = [2048, 0], sizes = [128, 128], strides = [1, 1]} : vector<4096x128xf32> to vector<128x128xf32>
    %slice3A_117 = vector.extract_strided_slice %dot_general3A_11 {offsets = [2048, 0], sizes = [128, 128], strides = [1, 1]} : vector<4096x128xf32> to vector<128x128xf32>
    %slice3A_118 = vector.extract_strided_slice %sub3A {offsets = [2048, 0], sizes = [128, 128], strides = [1, 1]} : vector<4096x128xf32> to vector<128x128xf32>
    %concatenate3A_119 = tpu.concatenate %slice3A_116, %slice3A_117, %slice3A_118 in 0 : vector<128x128xf32>, vector<128x128xf32>, vector<128x128xf32> -> vector<384x128xf32>
    %dot_general3A_120 = arith.constant dense<0.000000e+00> : vector<256x128xf32>
    %dot_general3A_121 = tpu.matmul %get3A_21, %concatenate3A_119, %dot_general3A_120 {dimension_numbers = #tpu.dot_dimension_numbers<[1], [0], [0], [1], [0, 0, 1, 1], [], []>, transpose_lhs_hint = false} : vector<256x384xf32>, vector<384x128xf32>, vector<256x128xf32> -> vector<256x128xf32>
    %slice3A_122 = vector.extract_strided_slice %dot_general3A_6 {offsets = [2176, 0], sizes = [128, 128], strides = [1, 1]} : vector<4096x128xf32> to vector<128x128xf32>
    %slice3A_123 = vector.extract_strided_slice %dot_general3A_11 {offsets = [2176, 0], sizes = [128, 128], strides = [1, 1]} : vector<4096x128xf32> to vector<128x128xf32>
    %slice3A_124 = vector.extract_strided_slice %sub3A {offsets = [2176, 0], sizes = [128, 128], strides = [1, 1]} : vector<4096x128xf32> to vector<128x128xf32>
    %concatenate3A_125 = tpu.concatenate %slice3A_122, %slice3A_123, %slice3A_124 in 0 : vector<128x128xf32>, vector<128x128xf32>, vector<128x128xf32> -> vector<384x128xf32>
    %dot_general3A_126 = arith.constant dense<0.000000e+00> : vector<256x128xf32>
    %dot_general3A_127 = tpu.matmul %get3A_21, %concatenate3A_125, %dot_general3A_126 {dimension_numbers = #tpu.dot_dimension_numbers<[1], [0], [0], [1], [0, 0, 1, 1], [], []>, transpose_lhs_hint = false} : vector<256x384xf32>, vector<384x128xf32>, vector<256x128xf32> -> vector<256x128xf32>
    %slice3A_128 = vector.extract_strided_slice %dot_general3A_6 {offsets = [2304, 0], sizes = [128, 128], strides = [1, 1]} : vector<4096x128xf32> to vector<128x128xf32>
    %slice3A_129 = vector.extract_strided_slice %dot_general3A_11 {offsets = [2304, 0], sizes = [128, 128], strides = [1, 1]} : vector<4096x128xf32> to vector<128x128xf32>
    %slice3A_130 = vector.extract_strided_slice %sub3A {offsets = [2304, 0], sizes = [128, 128], strides = [1, 1]} : vector<4096x128xf32> to vector<128x128xf32>
    %concatenate3A_131 = tpu.concatenate %slice3A_128, %slice3A_129, %slice3A_130 in 0 : vector<128x128xf32>, vector<128x128xf32>, vector<128x128xf32> -> vector<384x128xf32>
    %dot_general3A_132 = arith.constant dense<0.000000e+00> : vector<256x128xf32>
    %dot_general3A_133 = tpu.matmul %get3A_21, %concatenate3A_131, %dot_general3A_132 {dimension_numbers = #tpu.dot_dimension_numbers<[1], [0], [0], [1], [0, 0, 1, 1], [], []>, transpose_lhs_hint = false} : vector<256x384xf32>, vector<384x128xf32>, vector<256x128xf32> -> vector<256x128xf32>
    %slice3A_134 = vector.extract_strided_slice %dot_general3A_6 {offsets = [2432, 0], sizes = [128, 128], strides = [1, 1]} : vector<4096x128xf32> to vector<128x128xf32>
    %slice3A_135 = vector.extract_strided_slice %dot_general3A_11 {offsets = [2432, 0], sizes = [128, 128], strides = [1, 1]} : vector<4096x128xf32> to vector<128x128xf32>
    %slice3A_136 = vector.extract_strided_slice %sub3A {offsets = [2432, 0], sizes = [128, 128], strides = [1, 1]} : vector<4096x128xf32> to vector<128x128xf32>
    %concatenate3A_137 = tpu.concatenate %slice3A_134, %slice3A_135, %slice3A_136 in 0 : vector<128x128xf32>, vector<128x128xf32>, vector<128x128xf32> -> vector<384x128xf32>
    %dot_general3A_138 = arith.constant dense<0.000000e+00> : vector<256x128xf32>
    %dot_general3A_139 = tpu.matmul %get3A_21, %concatenate3A_137, %dot_general3A_138 {dimension_numbers = #tpu.dot_dimension_numbers<[1], [0], [0], [1], [0, 0, 1, 1], [], []>, transpose_lhs_hint = false} : vector<256x384xf32>, vector<384x128xf32>, vector<256x128xf32> -> vector<256x128xf32>
    %slice3A_140 = vector.extract_strided_slice %dot_general3A_6 {offsets = [2560, 0], sizes = [128, 128], strides = [1, 1]} : vector<4096x128xf32> to vector<128x128xf32>
    %slice3A_141 = vector.extract_strided_slice %dot_general3A_11 {offsets = [2560, 0], sizes = [128, 128], strides = [1, 1]} : vector<4096x128xf32> to vector<128x128xf32>
    %slice3A_142 = vector.extract_strided_slice %sub3A {offsets = [2560, 0], sizes = [128, 128], strides = [1, 1]} : vector<4096x128xf32> to vector<128x128xf32>
    %concatenate3A_143 = tpu.concatenate %slice3A_140, %slice3A_141, %slice3A_142 in 0 : vector<128x128xf32>, vector<128x128xf32>, vector<128x128xf32> -> vector<384x128xf32>
    %dot_general3A_144 = arith.constant dense<0.000000e+00> : vector<256x128xf32>
    %dot_general3A_145 = tpu.matmul %get3A_21, %concatenate3A_143, %dot_general3A_144 {dimension_numbers = #tpu.dot_dimension_numbers<[1], [0], [0], [1], [0, 0, 1, 1], [], []>, transpose_lhs_hint = false} : vector<256x384xf32>, vector<384x128xf32>, vector<256x128xf32> -> vector<256x128xf32>
    %slice3A_146 = vector.extract_strided_slice %dot_general3A_6 {offsets = [2688, 0], sizes = [128, 128], strides = [1, 1]} : vector<4096x128xf32> to vector<128x128xf32>
    %slice3A_147 = vector.extract_strided_slice %dot_general3A_11 {offsets = [2688, 0], sizes = [128, 128], strides = [1, 1]} : vector<4096x128xf32> to vector<128x128xf32>
    %slice3A_148 = vector.extract_strided_slice %sub3A {offsets = [2688, 0], sizes = [128, 128], strides = [1, 1]} : vector<4096x128xf32> to vector<128x128xf32>
    %concatenate3A_149 = tpu.concatenate %slice3A_146, %slice3A_147, %slice3A_148 in 0 : vector<128x128xf32>, vector<128x128xf32>, vector<128x128xf32> -> vector<384x128xf32>
    %dot_general3A_150 = arith.constant dense<0.000000e+00> : vector<256x128xf32>
    %dot_general3A_151 = tpu.matmul %get3A_21, %concatenate3A_149, %dot_general3A_150 {dimension_numbers = #tpu.dot_dimension_numbers<[1], [0], [0], [1], [0, 0, 1, 1], [], []>, transpose_lhs_hint = false} : vector<256x384xf32>, vector<384x128xf32>, vector<256x128xf32> -> vector<256x128xf32>
    %slice3A_152 = vector.extract_strided_slice %dot_general3A_6 {offsets = [2816, 0], sizes = [128, 128], strides = [1, 1]} : vector<4096x128xf32> to vector<128x128xf32>
    %slice3A_153 = vector.extract_strided_slice %dot_general3A_11 {offsets = [2816, 0], sizes = [128, 128], strides = [1, 1]} : vector<4096x128xf32> to vector<128x128xf32>
    %slice3A_154 = vector.extract_strided_slice %sub3A {offsets = [2816, 0], sizes = [128, 128], strides = [1, 1]} : vector<4096x128xf32> to vector<128x128xf32>
    %concatenate3A_155 = tpu.concatenate %slice3A_152, %slice3A_153, %slice3A_154 in 0 : vector<128x128xf32>, vector<128x128xf32>, vector<128x128xf32> -> vector<384x128xf32>
    %dot_general3A_156 = arith.constant dense<0.000000e+00> : vector<256x128xf32>
    %dot_general3A_157 = tpu.matmul %get3A_21, %concatenate3A_155, %dot_general3A_156 {dimension_numbers = #tpu.dot_dimension_numbers<[1], [0], [0], [1], [0, 0, 1, 1], [], []>, transpose_lhs_hint = false} : vector<256x384xf32>, vector<384x128xf32>, vector<256x128xf32> -> vector<256x128xf32>
    %slice3A_158 = vector.extract_strided_slice %dot_general3A_6 {offsets = [2944, 0], sizes = [128, 128], strides = [1, 1]} : vector<4096x128xf32> to vector<128x128xf32>
    %slice3A_159 = vector.extract_strided_slice %dot_general3A_11 {offsets = [2944, 0], sizes = [128, 128], strides = [1, 1]} : vector<4096x128xf32> to vector<128x128xf32>
    %slice3A_160 = vector.extract_strided_slice %sub3A {offsets = [2944, 0], sizes = [128, 128], strides = [1, 1]} : vector<4096x128xf32> to vector<128x128xf32>
    %concatenate3A_161 = tpu.concatenate %slice3A_158, %slice3A_159, %slice3A_160 in 0 : vector<128x128xf32>, vector<128x128xf32>, vector<128x128xf32> -> vector<384x128xf32>
    %dot_general3A_162 = arith.constant dense<0.000000e+00> : vector<256x128xf32>
    %dot_general3A_163 = tpu.matmul %get3A_21, %concatenate3A_161, %dot_general3A_162 {dimension_numbers = #tpu.dot_dimension_numbers<[1], [0], [0], [1], [0, 0, 1, 1], [], []>, transpose_lhs_hint = false} : vector<256x384xf32>, vector<384x128xf32>, vector<256x128xf32> -> vector<256x128xf32>
    %slice3A_164 = vector.extract_strided_slice %dot_general3A_6 {offsets = [3072, 0], sizes = [128, 128], strides = [1, 1]} : vector<4096x128xf32> to vector<128x128xf32>
    %slice3A_165 = vector.extract_strided_slice %dot_general3A_11 {offsets = [3072, 0], sizes = [128, 128], strides = [1, 1]} : vector<4096x128xf32> to vector<128x128xf32>
    %slice3A_166 = vector.extract_strided_slice %sub3A {offsets = [3072, 0], sizes = [128, 128], strides = [1, 1]} : vector<4096x128xf32> to vector<128x128xf32>
    %concatenate3A_167 = tpu.concatenate %slice3A_164, %slice3A_165, %slice3A_166 in 0 : vector<128x128xf32>, vector<128x128xf32>, vector<128x128xf32> -> vector<384x128xf32>
    %dot_general3A_168 = arith.constant dense<0.000000e+00> : vector<256x128xf32>
    %dot_general3A_169 = tpu.matmul %get3A_21, %concatenate3A_167, %dot_general3A_168 {dimension_numbers = #tpu.dot_dimension_numbers<[1], [0], [0], [1], [0, 0, 1, 1], [], []>, transpose_lhs_hint = false} : vector<256x384xf32>, vector<384x128xf32>, vector<256x128xf32> -> vector<256x128xf32>
    %slice3A_170 = vector.extract_strided_slice %dot_general3A_6 {offsets = [3200, 0], sizes = [128, 128], strides = [1, 1]} : vector<4096x128xf32> to vector<128x128xf32>
    %slice3A_171 = vector.extract_strided_slice %dot_general3A_11 {offsets = [3200, 0], sizes = [128, 128], strides = [1, 1]} : vector<4096x128xf32> to vector<128x128xf32>
    %slice3A_172 = vector.extract_strided_slice %sub3A {offsets = [3200, 0], sizes = [128, 128], strides = [1, 1]} : vector<4096x128xf32> to vector<128x128xf32>
    %concatenate3A_173 = tpu.concatenate %slice3A_170, %slice3A_171, %slice3A_172 in 0 : vector<128x128xf32>, vector<128x128xf32>, vector<128x128xf32> -> vector<384x128xf32>
    %dot_general3A_174 = arith.constant dense<0.000000e+00> : vector<256x128xf32>
    %dot_general3A_175 = tpu.matmul %get3A_21, %concatenate3A_173, %dot_general3A_174 {dimension_numbers = #tpu.dot_dimension_numbers<[1], [0], [0], [1], [0, 0, 1, 1], [], []>, transpose_lhs_hint = false} : vector<256x384xf32>, vector<384x128xf32>, vector<256x128xf32> -> vector<256x128xf32>
    %slice3A_176 = vector.extract_strided_slice %dot_general3A_6 {offsets = [3328, 0], sizes = [128, 128], strides = [1, 1]} : vector<4096x128xf32> to vector<128x128xf32>
    %slice3A_177 = vector.extract_strided_slice %dot_general3A_11 {offsets = [3328, 0], sizes = [128, 128], strides = [1, 1]} : vector<4096x128xf32> to vector<128x128xf32>
    %slice3A_178 = vector.extract_strided_slice %sub3A {offsets = [3328, 0], sizes = [128, 128], strides = [1, 1]} : vector<4096x128xf32> to vector<128x128xf32>
    %concatenate3A_179 = tpu.concatenate %slice3A_176, %slice3A_177, %slice3A_178 in 0 : vector<128x128xf32>, vector<128x128xf32>, vector<128x128xf32> -> vector<384x128xf32>
    %dot_general3A_180 = arith.constant dense<0.000000e+00> : vector<256x128xf32>
    %dot_general3A_181 = tpu.matmul %get3A_21, %concatenate3A_179, %dot_general3A_180 {dimension_numbers = #tpu.dot_dimension_numbers<[1], [0], [0], [1], [0, 0, 1, 1], [], []>, transpose_lhs_hint = false} : vector<256x384xf32>, vector<384x128xf32>, vector<256x128xf32> -> vector<256x128xf32>
    %slice3A_182 = vector.extract_strided_slice %dot_general3A_6 {offsets = [3456, 0], sizes = [128, 128], strides = [1, 1]} : vector<4096x128xf32> to vector<128x128xf32>
    %slice3A_183 = vector.extract_strided_slice %dot_general3A_11 {offsets = [3456, 0], sizes = [128, 128], strides = [1, 1]} : vector<4096x128xf32> to vector<128x128xf32>
    %slice3A_184 = vector.extract_strided_slice %sub3A {offsets = [3456, 0], sizes = [128, 128], strides = [1, 1]} : vector<4096x128xf32> to vector<128x128xf32>
    %concatenate3A_185 = tpu.concatenate %slice3A_182, %slice3A_183, %slice3A_184 in 0 : vector<128x128xf32>, vector<128x128xf32>, vector<128x128xf32> -> vector<384x128xf32>
    %dot_general3A_186 = arith.constant dense<0.000000e+00> : vector<256x128xf32>
    %dot_general3A_187 = tpu.matmul %get3A_21, %concatenate3A_185, %dot_general3A_186 {dimension_numbers = #tpu.dot_dimension_numbers<[1], [0], [0], [1], [0, 0, 1, 1], [], []>, transpose_lhs_hint = false} : vector<256x384xf32>, vector<384x128xf32>, vector<256x128xf32> -> vector<256x128xf32>
    %slice3A_188 = vector.extract_strided_slice %dot_general3A_6 {offsets = [3584, 0], sizes = [128, 128], strides = [1, 1]} : vector<4096x128xf32> to vector<128x128xf32>
    %slice3A_189 = vector.extract_strided_slice %dot_general3A_11 {offsets = [3584, 0], sizes = [128, 128], strides = [1, 1]} : vector<4096x128xf32> to vector<128x128xf32>
    %slice3A_190 = vector.extract_strided_slice %sub3A {offsets = [3584, 0], sizes = [128, 128], strides = [1, 1]} : vector<4096x128xf32> to vector<128x128xf32>
    %concatenate3A_191 = tpu.concatenate %slice3A_188, %slice3A_189, %slice3A_190 in 0 : vector<128x128xf32>, vector<128x128xf32>, vector<128x128xf32> -> vector<384x128xf32>
    %dot_general3A_192 = arith.constant dense<0.000000e+00> : vector<256x128xf32>
    %dot_general3A_193 = tpu.matmul %get3A_21, %concatenate3A_191, %dot_general3A_192 {dimension_numbers = #tpu.dot_dimension_numbers<[1], [0], [0], [1], [0, 0, 1, 1], [], []>, transpose_lhs_hint = false} : vector<256x384xf32>, vector<384x128xf32>, vector<256x128xf32> -> vector<256x128xf32>
    %slice3A_194 = vector.extract_strided_slice %dot_general3A_6 {offsets = [3712, 0], sizes = [128, 128], strides = [1, 1]} : vector<4096x128xf32> to vector<128x128xf32>
    %slice3A_195 = vector.extract_strided_slice %dot_general3A_11 {offsets = [3712, 0], sizes = [128, 128], strides = [1, 1]} : vector<4096x128xf32> to vector<128x128xf32>
    %slice3A_196 = vector.extract_strided_slice %sub3A {offsets = [3712, 0], sizes = [128, 128], strides = [1, 1]} : vector<4096x128xf32> to vector<128x128xf32>
    %concatenate3A_197 = tpu.concatenate %slice3A_194, %slice3A_195, %slice3A_196 in 0 : vector<128x128xf32>, vector<128x128xf32>, vector<128x128xf32> -> vector<384x128xf32>
    %dot_general3A_198 = arith.constant dense<0.000000e+00> : vector<256x128xf32>
    %dot_general3A_199 = tpu.matmul %get3A_21, %concatenate3A_197, %dot_general3A_198 {dimension_numbers = #tpu.dot_dimension_numbers<[1], [0], [0], [1], [0, 0, 1, 1], [], []>, transpose_lhs_hint = false} : vector<256x384xf32>, vector<384x128xf32>, vector<256x128xf32> -> vector<256x128xf32>
    %slice3A_200 = vector.extract_strided_slice %dot_general3A_6 {offsets = [3840, 0], sizes = [128, 128], strides = [1, 1]} : vector<4096x128xf32> to vector<128x128xf32>
    %slice3A_201 = vector.extract_strided_slice %dot_general3A_11 {offsets = [3840, 0], sizes = [128, 128], strides = [1, 1]} : vector<4096x128xf32> to vector<128x128xf32>
    %slice3A_202 = vector.extract_strided_slice %sub3A {offsets = [3840, 0], sizes = [128, 128], strides = [1, 1]} : vector<4096x128xf32> to vector<128x128xf32>
    %concatenate3A_203 = tpu.concatenate %slice3A_200, %slice3A_201, %slice3A_202 in 0 : vector<128x128xf32>, vector<128x128xf32>, vector<128x128xf32> -> vector<384x128xf32>
    %dot_general3A_204 = arith.constant dense<0.000000e+00> : vector<256x128xf32>
    %dot_general3A_205 = tpu.matmul %get3A_21, %concatenate3A_203, %dot_general3A_204 {dimension_numbers = #tpu.dot_dimension_numbers<[1], [0], [0], [1], [0, 0, 1, 1], [], []>, transpose_lhs_hint = false} : vector<256x384xf32>, vector<384x128xf32>, vector<256x128xf32> -> vector<256x128xf32>
    %slice3A_206 = vector.extract_strided_slice %dot_general3A_6 {offsets = [3968, 0], sizes = [128, 128], strides = [1, 1]} : vector<4096x128xf32> to vector<128x128xf32>
    %slice3A_207 = vector.extract_strided_slice %dot_general3A_11 {offsets = [3968, 0], sizes = [128, 128], strides = [1, 1]} : vector<4096x128xf32> to vector<128x128xf32>
    %slice3A_208 = vector.extract_strided_slice %sub3A {offsets = [3968, 0], sizes = [128, 128], strides = [1, 1]} : vector<4096x128xf32> to vector<128x128xf32>
    %concatenate3A_209 = tpu.concatenate %slice3A_206, %slice3A_207, %slice3A_208 in 0 : vector<128x128xf32>, vector<128x128xf32>, vector<128x128xf32> -> vector<384x128xf32>
    %dot_general3A_210 = arith.constant dense<0.000000e+00> : vector<256x128xf32>
    %dot_general3A_211 = tpu.matmul %get3A_21, %concatenate3A_209, %dot_general3A_210 {dimension_numbers = #tpu.dot_dimension_numbers<[1], [0], [0], [1], [0, 0, 1, 1], [], []>, transpose_lhs_hint = false} : vector<256x384xf32>, vector<384x128xf32>, vector<256x128xf32> -> vector<256x128xf32>
    %stack3A = vector.shape_cast %dot_general3A_25 : vector<256x128xf32> to vector<1x256x128xf32>
    %stack3A_212 = vector.shape_cast %dot_general3A_31 : vector<256x128xf32> to vector<1x256x128xf32>
    %stack3A_213 = vector.shape_cast %dot_general3A_37 : vector<256x128xf32> to vector<1x256x128xf32>
    %stack3A_214 = vector.shape_cast %dot_general3A_43 : vector<256x128xf32> to vector<1x256x128xf32>
    %stack3A_215 = vector.shape_cast %dot_general3A_49 : vector<256x128xf32> to vector<1x256x128xf32>
    %stack3A_216 = vector.shape_cast %dot_general3A_55 : vector<256x128xf32> to vector<1x256x128xf32>
    %stack3A_217 = vector.shape_cast %dot_general3A_61 : vector<256x128xf32> to vector<1x256x128xf32>
    %stack3A_218 = vector.shape_cast %dot_general3A_67 : vector<256x128xf32> to vector<1x256x128xf32>
    %stack3A_219 = vector.shape_cast %dot_general3A_73 : vector<256x128xf32> to vector<1x256x128xf32>
    %stack3A_220 = vector.shape_cast %dot_general3A_79 : vector<256x128xf32> to vector<1x256x128xf32>
    %stack3A_221 = vector.shape_cast %dot_general3A_85 : vector<256x128xf32> to vector<1x256x128xf32>
    %stack3A_222 = vector.shape_cast %dot_general3A_91 : vector<256x128xf32> to vector<1x256x128xf32>
    %stack3A_223 = vector.shape_cast %dot_general3A_97 : vector<256x128xf32> to vector<1x256x128xf32>
    %stack3A_224 = vector.shape_cast %dot_general3A_103 : vector<256x128xf32> to vector<1x256x128xf32>
    %stack3A_225 = vector.shape_cast %dot_general3A_109 : vector<256x128xf32> to vector<1x256x128xf32>
    %stack3A_226 = vector.shape_cast %dot_general3A_115 : vector<256x128xf32> to vector<1x256x128xf32>
    %stack3A_227 = vector.shape_cast %dot_general3A_121 : vector<256x128xf32> to vector<1x256x128xf32>
    %stack3A_228 = vector.shape_cast %dot_general3A_127 : vector<256x128xf32> to vector<1x256x128xf32>
    %stack3A_229 = vector.shape_cast %dot_general3A_133 : vector<256x128xf32> to vector<1x256x128xf32>
    %stack3A_230 = vector.shape_cast %dot_general3A_139 : vector<256x128xf32> to vector<1x256x128xf32>
    %stack3A_231 = vector.shape_cast %dot_general3A_145 : vector<256x128xf32> to vector<1x256x128xf32>
    %stack3A_232 = vector.shape_cast %dot_general3A_151 : vector<256x128xf32> to vector<1x256x128xf32>
    %stack3A_233 = vector.shape_cast %dot_general3A_157 : vector<256x128xf32> to vector<1x256x128xf32>
    %stack3A_234 = vector.shape_cast %dot_general3A_163 : vector<256x128xf32> to vector<1x256x128xf32>
    %stack3A_235 = vector.shape_cast %dot_general3A_169 : vector<256x128xf32> to vector<1x256x128xf32>
    %stack3A_236 = vector.shape_cast %dot_general3A_175 : vector<256x128xf32> to vector<1x256x128xf32>
    %stack3A_237 = vector.shape_cast %dot_general3A_181 : vector<256x128xf32> to vector<1x256x128xf32>
    %stack3A_238 = vector.shape_cast %dot_general3A_187 : vector<256x128xf32> to vector<1x256x128xf32>
    %stack3A_239 = vector.shape_cast %dot_general3A_193 : vector<256x128xf32> to vector<1x256x128xf32>
    %stack3A_240 = vector.shape_cast %dot_general3A_199 : vector<256x128xf32> to vector<1x256x128xf32>
    %stack3A_241 = vector.shape_cast %dot_general3A_205 : vector<256x128xf32> to vector<1x256x128xf32>
    %stack3A_242 = vector.shape_cast %dot_general3A_211 : vector<256x128xf32> to vector<1x256x128xf32>
    %stack3A_243 = tpu.concatenate %stack3A, %stack3A_212, %stack3A_213, %stack3A_214, %stack3A_215, %stack3A_216, %stack3A_217, %stack3A_218, %stack3A_219, %stack3A_220, %stack3A_221, %stack3A_222, %stack3A_223, %stack3A_224, %stack3A_225, %stack3A_226, %stack3A_227, %stack3A_228, %stack3A_229, %stack3A_230, %stack3A_231, %stack3A_232, %stack3A_233, %stack3A_234, %stack3A_235, %stack3A_236, %stack3A_237, %stack3A_238, %stack3A_239, %stack3A_240, %stack3A_241, %stack3A_242 in 0 : vector<1x256x128xf32>, vector<1x256x128xf32>, vector<1x256x128xf32>, vector<1x256x128xf32>, vector<1x256x128xf32>, vector<1x256x128xf32>, vector<1x256x128xf32>, vector<1x256x128xf32>, vector<1x256x128xf32>, vector<1x256x128xf32>, vector<1x256x128xf32>, vector<1x256x128xf32>, vector<1x256x128xf32>, vector<1x256x128xf32>, vector<1x256x128xf32>, vector<1x256x128xf32>, vector<1x256x128xf32>, vector<1x256x128xf32>, vector<1x256x128xf32>, vector<1x256x128xf32>, vector<1x256x128xf32>, vector<1x256x128xf32>, vector<1x256x128xf32>, vector<1x256x128xf32>, vector<1x256x128xf32>, vector<1x256x128xf32>, vector<1x256x128xf32>, vector<1x256x128xf32>, vector<1x256x128xf32>, vector<1x256x128xf32>, vector<1x256x128xf32>, vector<1x256x128xf32> -> vector<32x256x128xf32>
    %get3A_244 = arith.constant 0 : index
    %get3A_245 = arith.constant 0 : index
    %get3A_246 = vector.load %arg5[%get3A_244, %get3A_245] : memref<256x1xf32, #tpu.memory_space<vmem>>, vector<256x1xf32>
    %broadcast_in_dim3A = vector.shape_cast %get3A_246 : vector<256x1xf32> to vector<1x256x1xf32>
    %add3A = vector.broadcast %broadcast_in_dim3A : vector<1x256x1xf32> to vector<32x256x128xf32>
    %add3A_247 = arith.addf %stack3A_243, %add3A : vector<32x256x128xf32>
    %max3A = arith.constant 0.000000e+00 : f32
    %max3A_248 = vector.broadcast %max3A : f32 to vector<32x256x128xf32>
    %max3A_249 = arith.maximumf %add3A_247, %max3A_248 : vector<32x256x128xf32>
    %swap3A = arith.constant 0 : index
    %swap3A_250 = arith.constant 0 : index
    %swap3A_251 = arith.constant 0 : index
    %swap3A_252 = vector.load %arg6[%swap3A, %swap3A_250, %swap3A_251] : memref<32x256x128xf32, #tpu.memory_space<vmem>>, vector<32x256x128xf32>
    tpu.vector_store %arg6[%swap3A, %swap3A_250, %swap3A_251], %max3A_249 {strides = array<i32>} : memref<32x256x128xf32, #tpu.memory_space<vmem>>, vector<32x256x128xf32>,
    return
  }
  func.func @transform_0(%arg0: i32) -> (i32, i32, i32) {
    %c0_i32 = arith.constant 0 : i32
    %c0_i32_0 = arith.constant 0 : i32
    %c0_i32_1 = arith.constant 0 : i32
    return %arg0, %c0_i32, %c0_i32_0 : i32, i32, i32
  }
  func.func @transform_1(%arg0: i32) -> (i32, i32) {
    %c0_i32 = arith.constant 0 : i32
    %c0_i32_0 = arith.constant 0 : i32
    %c0_i32_1 = arith.constant 0 : i32
    return %c0_i32, %c0_i32_0 : i32, i32
  }
  func.func @transform_2(%arg0: i32) -> (i32, i32) {
    %c0_i32 = arith.constant 0 : i32
    %c0_i32_0 = arith.constant 0 : i32
    %c0_i32_1 = arith.constant 0 : i32
    return %c0_i32, %c0_i32_0 : i32, i32
  }
  func.func @transform_3(%arg0: i32) -> (i32, i32) {
    %c0_i32 = arith.constant 0 : i32
    %c0_i32_0 = arith.constant 0 : i32
    %c0_i32_1 = arith.constant 0 : i32
    return %c0_i32, %c0_i32_0 : i32, i32
  }
  func.func @transform_4(%arg0: i32) -> (i32, i32) {
    %c0_i32 = arith.constant 0 : i32
    %c0_i32_0 = arith.constant 0 : i32
    %c0_i32_1 = arith.constant 0 : i32
    return %c0_i32, %c0_i32_0 : i32, i32
  }
  func.func @transform_5(%arg0: i32) -> (i32, i32, i32) {
    %c0_i32 = arith.constant 0 : i32
    %c0_i32_0 = arith.constant 0 : i32
    %c0_i32_1 = arith.constant 0 : i32
    return %arg0, %c0_i32, %c0_i32_0 : i32, i32, i32
  }
}

module attributes {stable_mosaic.version = 14 : i64} {
  func.func @_fine_body(%arg0: i32, %arg1: memref<32x256x128xf32, #tpu.memory_space<vmem>>, %arg2: memref<128x32xf32, #tpu.memory_space<vmem>>, %arg3: memref<32x32xf32, #tpu.memory_space<vmem>>, %arg4: memref<512x768xf32, #tpu.memory_space<vmem>>, %arg5: memref<512x1xf32, #tpu.memory_space<vmem>>, %arg6: memref<32x512x32xf32, #tpu.memory_space<vmem>>) attributes {dimension_semantics = [#tpu.dimension_semantics<arbitrary>], iteration_bounds = array<i64: 1>, scalar_prefetch = 0 : i64, scratch_operands = 0 : i64, tpu.core_type = #tpu.core_type<tc>, window_params = [{transform_indices = @transform_0, window_bounds = array<i64: 32, 256, 128>}, {pipeline_mode = #tpu.pipeline_mode<synchronous>, transform_indices = @transform_1, window_bounds = array<i64: 128, 32>}, {pipeline_mode = #tpu.pipeline_mode<synchronous>, transform_indices = @transform_2, window_bounds = array<i64: 32, 32>}, {pipeline_mode = #tpu.pipeline_mode<synchronous>, transform_indices = @transform_3, window_bounds = array<i64: 512, 768>}, {pipeline_mode = #tpu.pipeline_mode<synchronous>, transform_indices = @transform_4, window_bounds = array<i64: 512, 1>}, {transform_indices = @transform_5, window_bounds = array<i64: 32, 512, 32>}]} {
    %get3A = arith.constant 0 : index
    %get3A_0 = arith.constant 0 : index
    %get3A_1 = arith.constant 0 : index
    %get3A_2 = vector.load %arg1[%get3A, %get3A_0, %get3A_1] : memref<32x256x128xf32, #tpu.memory_space<vmem>>, vector<32x256x128xf32>
    %reshape3A = vector.shape_cast %get3A_2 : vector<32x256x128xf32> to vector<8192x128xf32>
    %get3A_3 = arith.constant 0 : index
    %get3A_4 = arith.constant 0 : index
    %get3A_5 = vector.load %arg2[%get3A_3, %get3A_4] : memref<128x32xf32, #tpu.memory_space<vmem>>, vector<128x32xf32>
    %dot_general3A = arith.constant dense<0.000000e+00> : vector<8192x32xf32>
    %dot_general3A_6 = tpu.matmul %reshape3A, %get3A_5, %dot_general3A {dimension_numbers = #tpu.dot_dimension_numbers<[1], [0], [0], [1], [0, 0, 1, 1], [], []>, transpose_lhs_hint = false} : vector<8192x128xf32>, vector<128x32xf32>, vector<8192x32xf32> -> vector<8192x32xf32>
    %get3A_7 = arith.constant 0 : index
    %get3A_8 = arith.constant 0 : index
    %get3A_9 = vector.load %arg3[%get3A_7, %get3A_8] : memref<32x32xf32, #tpu.memory_space<vmem>>, vector<32x32xf32>
    %dot_general3A_10 = arith.constant dense<0.000000e+00> : vector<8192x32xf32>
    %dot_general3A_11 = tpu.matmul %dot_general3A_6, %get3A_9, %dot_general3A_10 {dimension_numbers = #tpu.dot_dimension_numbers<[1], [0], [0], [1], [0, 0, 1, 1], [], []>, transpose_lhs_hint = false} : vector<8192x32xf32>, vector<32x32xf32>, vector<8192x32xf32> -> vector<8192x32xf32>
    %get3A_12 = arith.constant 0 : index
    %get3A_13 = arith.constant 0 : index
    %get3A_14 = vector.load %arg3[%get3A_12, %get3A_13] : memref<32x32xf32, #tpu.memory_space<vmem>>, vector<32x32xf32>
    %dot_general3A_15 = arith.constant dense<0.000000e+00> : vector<8192x32xf32>
    %dot_general3A_16 = tpu.matmul %dot_general3A_11, %get3A_14, %dot_general3A_15 {dimension_numbers = #tpu.dot_dimension_numbers<[1], [0], [0], [1], [0, 0, 1, 1], [], []>, transpose_lhs_hint = false} : vector<8192x32xf32>, vector<32x32xf32>, vector<8192x32xf32> -> vector<8192x32xf32>
    %mul3A = arith.constant 2.000000e+00 : f32
    %mul3A_17 = vector.broadcast %mul3A : f32 to vector<8192x32xf32>
    %mul3A_18 = arith.mulf %mul3A_17, %dot_general3A_16 : vector<8192x32xf32>
    %sub3A = arith.subf %mul3A_18, %dot_general3A_6 : vector<8192x32xf32>
    %get3A_19 = arith.constant 0 : index
    %get3A_20 = arith.constant 0 : index
    %get3A_21 = vector.load %arg4[%get3A_19, %get3A_20] : memref<512x768xf32, #tpu.memory_space<vmem>>, vector<512x768xf32>
    %slice3A = vector.extract_strided_slice %dot_general3A_6 {offsets = [0, 0], sizes = [256, 32], strides = [1, 1]} : vector<8192x32xf32> to vector<256x32xf32>
    %slice3A_22 = vector.extract_strided_slice %dot_general3A_11 {offsets = [0, 0], sizes = [256, 32], strides = [1, 1]} : vector<8192x32xf32> to vector<256x32xf32>
    %slice3A_23 = vector.extract_strided_slice %sub3A {offsets = [0, 0], sizes = [256, 32], strides = [1, 1]} : vector<8192x32xf32> to vector<256x32xf32>
    %concatenate3A = tpu.concatenate %slice3A, %slice3A_22, %slice3A_23 in 0 : vector<256x32xf32>, vector<256x32xf32>, vector<256x32xf32> -> vector<768x32xf32>
    %dot_general3A_24 = arith.constant dense<0.000000e+00> : vector<512x32xf32>
    %dot_general3A_25 = tpu.matmul %get3A_21, %concatenate3A, %dot_general3A_24 {dimension_numbers = #tpu.dot_dimension_numbers<[1], [0], [0], [1], [0, 0, 1, 1], [], []>, transpose_lhs_hint = false} : vector<512x768xf32>, vector<768x32xf32>, vector<512x32xf32> -> vector<512x32xf32>
    %slice3A_26 = vector.extract_strided_slice %dot_general3A_6 {offsets = [256, 0], sizes = [256, 32], strides = [1, 1]} : vector<8192x32xf32> to vector<256x32xf32>
    %slice3A_27 = vector.extract_strided_slice %dot_general3A_11 {offsets = [256, 0], sizes = [256, 32], strides = [1, 1]} : vector<8192x32xf32> to vector<256x32xf32>
    %slice3A_28 = vector.extract_strided_slice %sub3A {offsets = [256, 0], sizes = [256, 32], strides = [1, 1]} : vector<8192x32xf32> to vector<256x32xf32>
    %concatenate3A_29 = tpu.concatenate %slice3A_26, %slice3A_27, %slice3A_28 in 0 : vector<256x32xf32>, vector<256x32xf32>, vector<256x32xf32> -> vector<768x32xf32>
    %dot_general3A_30 = arith.constant dense<0.000000e+00> : vector<512x32xf32>
    %dot_general3A_31 = tpu.matmul %get3A_21, %concatenate3A_29, %dot_general3A_30 {dimension_numbers = #tpu.dot_dimension_numbers<[1], [0], [0], [1], [0, 0, 1, 1], [], []>, transpose_lhs_hint = false} : vector<512x768xf32>, vector<768x32xf32>, vector<512x32xf32> -> vector<512x32xf32>
    %slice3A_32 = vector.extract_strided_slice %dot_general3A_6 {offsets = [512, 0], sizes = [256, 32], strides = [1, 1]} : vector<8192x32xf32> to vector<256x32xf32>
    %slice3A_33 = vector.extract_strided_slice %dot_general3A_11 {offsets = [512, 0], sizes = [256, 32], strides = [1, 1]} : vector<8192x32xf32> to vector<256x32xf32>
    %slice3A_34 = vector.extract_strided_slice %sub3A {offsets = [512, 0], sizes = [256, 32], strides = [1, 1]} : vector<8192x32xf32> to vector<256x32xf32>
    %concatenate3A_35 = tpu.concatenate %slice3A_32, %slice3A_33, %slice3A_34 in 0 : vector<256x32xf32>, vector<256x32xf32>, vector<256x32xf32> -> vector<768x32xf32>
    %dot_general3A_36 = arith.constant dense<0.000000e+00> : vector<512x32xf32>
    %dot_general3A_37 = tpu.matmul %get3A_21, %concatenate3A_35, %dot_general3A_36 {dimension_numbers = #tpu.dot_dimension_numbers<[1], [0], [0], [1], [0, 0, 1, 1], [], []>, transpose_lhs_hint = false} : vector<512x768xf32>, vector<768x32xf32>, vector<512x32xf32> -> vector<512x32xf32>
    %slice3A_38 = vector.extract_strided_slice %dot_general3A_6 {offsets = [768, 0], sizes = [256, 32], strides = [1, 1]} : vector<8192x32xf32> to vector<256x32xf32>
    %slice3A_39 = vector.extract_strided_slice %dot_general3A_11 {offsets = [768, 0], sizes = [256, 32], strides = [1, 1]} : vector<8192x32xf32> to vector<256x32xf32>
    %slice3A_40 = vector.extract_strided_slice %sub3A {offsets = [768, 0], sizes = [256, 32], strides = [1, 1]} : vector<8192x32xf32> to vector<256x32xf32>
    %concatenate3A_41 = tpu.concatenate %slice3A_38, %slice3A_39, %slice3A_40 in 0 : vector<256x32xf32>, vector<256x32xf32>, vector<256x32xf32> -> vector<768x32xf32>
    %dot_general3A_42 = arith.constant dense<0.000000e+00> : vector<512x32xf32>
    %dot_general3A_43 = tpu.matmul %get3A_21, %concatenate3A_41, %dot_general3A_42 {dimension_numbers = #tpu.dot_dimension_numbers<[1], [0], [0], [1], [0, 0, 1, 1], [], []>, transpose_lhs_hint = false} : vector<512x768xf32>, vector<768x32xf32>, vector<512x32xf32> -> vector<512x32xf32>
    %slice3A_44 = vector.extract_strided_slice %dot_general3A_6 {offsets = [1024, 0], sizes = [256, 32], strides = [1, 1]} : vector<8192x32xf32> to vector<256x32xf32>
    %slice3A_45 = vector.extract_strided_slice %dot_general3A_11 {offsets = [1024, 0], sizes = [256, 32], strides = [1, 1]} : vector<8192x32xf32> to vector<256x32xf32>
    %slice3A_46 = vector.extract_strided_slice %sub3A {offsets = [1024, 0], sizes = [256, 32], strides = [1, 1]} : vector<8192x32xf32> to vector<256x32xf32>
    %concatenate3A_47 = tpu.concatenate %slice3A_44, %slice3A_45, %slice3A_46 in 0 : vector<256x32xf32>, vector<256x32xf32>, vector<256x32xf32> -> vector<768x32xf32>
    %dot_general3A_48 = arith.constant dense<0.000000e+00> : vector<512x32xf32>
    %dot_general3A_49 = tpu.matmul %get3A_21, %concatenate3A_47, %dot_general3A_48 {dimension_numbers = #tpu.dot_dimension_numbers<[1], [0], [0], [1], [0, 0, 1, 1], [], []>, transpose_lhs_hint = false} : vector<512x768xf32>, vector<768x32xf32>, vector<512x32xf32> -> vector<512x32xf32>
    %slice3A_50 = vector.extract_strided_slice %dot_general3A_6 {offsets = [1280, 0], sizes = [256, 32], strides = [1, 1]} : vector<8192x32xf32> to vector<256x32xf32>
    %slice3A_51 = vector.extract_strided_slice %dot_general3A_11 {offsets = [1280, 0], sizes = [256, 32], strides = [1, 1]} : vector<8192x32xf32> to vector<256x32xf32>
    %slice3A_52 = vector.extract_strided_slice %sub3A {offsets = [1280, 0], sizes = [256, 32], strides = [1, 1]} : vector<8192x32xf32> to vector<256x32xf32>
    %concatenate3A_53 = tpu.concatenate %slice3A_50, %slice3A_51, %slice3A_52 in 0 : vector<256x32xf32>, vector<256x32xf32>, vector<256x32xf32> -> vector<768x32xf32>
    %dot_general3A_54 = arith.constant dense<0.000000e+00> : vector<512x32xf32>
    %dot_general3A_55 = tpu.matmul %get3A_21, %concatenate3A_53, %dot_general3A_54 {dimension_numbers = #tpu.dot_dimension_numbers<[1], [0], [0], [1], [0, 0, 1, 1], [], []>, transpose_lhs_hint = false} : vector<512x768xf32>, vector<768x32xf32>, vector<512x32xf32> -> vector<512x32xf32>
    %slice3A_56 = vector.extract_strided_slice %dot_general3A_6 {offsets = [1536, 0], sizes = [256, 32], strides = [1, 1]} : vector<8192x32xf32> to vector<256x32xf32>
    %slice3A_57 = vector.extract_strided_slice %dot_general3A_11 {offsets = [1536, 0], sizes = [256, 32], strides = [1, 1]} : vector<8192x32xf32> to vector<256x32xf32>
    %slice3A_58 = vector.extract_strided_slice %sub3A {offsets = [1536, 0], sizes = [256, 32], strides = [1, 1]} : vector<8192x32xf32> to vector<256x32xf32>
    %concatenate3A_59 = tpu.concatenate %slice3A_56, %slice3A_57, %slice3A_58 in 0 : vector<256x32xf32>, vector<256x32xf32>, vector<256x32xf32> -> vector<768x32xf32>
    %dot_general3A_60 = arith.constant dense<0.000000e+00> : vector<512x32xf32>
    %dot_general3A_61 = tpu.matmul %get3A_21, %concatenate3A_59, %dot_general3A_60 {dimension_numbers = #tpu.dot_dimension_numbers<[1], [0], [0], [1], [0, 0, 1, 1], [], []>, transpose_lhs_hint = false} : vector<512x768xf32>, vector<768x32xf32>, vector<512x32xf32> -> vector<512x32xf32>
    %slice3A_62 = vector.extract_strided_slice %dot_general3A_6 {offsets = [1792, 0], sizes = [256, 32], strides = [1, 1]} : vector<8192x32xf32> to vector<256x32xf32>
    %slice3A_63 = vector.extract_strided_slice %dot_general3A_11 {offsets = [1792, 0], sizes = [256, 32], strides = [1, 1]} : vector<8192x32xf32> to vector<256x32xf32>
    %slice3A_64 = vector.extract_strided_slice %sub3A {offsets = [1792, 0], sizes = [256, 32], strides = [1, 1]} : vector<8192x32xf32> to vector<256x32xf32>
    %concatenate3A_65 = tpu.concatenate %slice3A_62, %slice3A_63, %slice3A_64 in 0 : vector<256x32xf32>, vector<256x32xf32>, vector<256x32xf32> -> vector<768x32xf32>
    %dot_general3A_66 = arith.constant dense<0.000000e+00> : vector<512x32xf32>
    %dot_general3A_67 = tpu.matmul %get3A_21, %concatenate3A_65, %dot_general3A_66 {dimension_numbers = #tpu.dot_dimension_numbers<[1], [0], [0], [1], [0, 0, 1, 1], [], []>, transpose_lhs_hint = false} : vector<512x768xf32>, vector<768x32xf32>, vector<512x32xf32> -> vector<512x32xf32>
    %slice3A_68 = vector.extract_strided_slice %dot_general3A_6 {offsets = [2048, 0], sizes = [256, 32], strides = [1, 1]} : vector<8192x32xf32> to vector<256x32xf32>
    %slice3A_69 = vector.extract_strided_slice %dot_general3A_11 {offsets = [2048, 0], sizes = [256, 32], strides = [1, 1]} : vector<8192x32xf32> to vector<256x32xf32>
    %slice3A_70 = vector.extract_strided_slice %sub3A {offsets = [2048, 0], sizes = [256, 32], strides = [1, 1]} : vector<8192x32xf32> to vector<256x32xf32>
    %concatenate3A_71 = tpu.concatenate %slice3A_68, %slice3A_69, %slice3A_70 in 0 : vector<256x32xf32>, vector<256x32xf32>, vector<256x32xf32> -> vector<768x32xf32>
    %dot_general3A_72 = arith.constant dense<0.000000e+00> : vector<512x32xf32>
    %dot_general3A_73 = tpu.matmul %get3A_21, %concatenate3A_71, %dot_general3A_72 {dimension_numbers = #tpu.dot_dimension_numbers<[1], [0], [0], [1], [0, 0, 1, 1], [], []>, transpose_lhs_hint = false} : vector<512x768xf32>, vector<768x32xf32>, vector<512x32xf32> -> vector<512x32xf32>
    %slice3A_74 = vector.extract_strided_slice %dot_general3A_6 {offsets = [2304, 0], sizes = [256, 32], strides = [1, 1]} : vector<8192x32xf32> to vector<256x32xf32>
    %slice3A_75 = vector.extract_strided_slice %dot_general3A_11 {offsets = [2304, 0], sizes = [256, 32], strides = [1, 1]} : vector<8192x32xf32> to vector<256x32xf32>
    %slice3A_76 = vector.extract_strided_slice %sub3A {offsets = [2304, 0], sizes = [256, 32], strides = [1, 1]} : vector<8192x32xf32> to vector<256x32xf32>
    %concatenate3A_77 = tpu.concatenate %slice3A_74, %slice3A_75, %slice3A_76 in 0 : vector<256x32xf32>, vector<256x32xf32>, vector<256x32xf32> -> vector<768x32xf32>
    %dot_general3A_78 = arith.constant dense<0.000000e+00> : vector<512x32xf32>
    %dot_general3A_79 = tpu.matmul %get3A_21, %concatenate3A_77, %dot_general3A_78 {dimension_numbers = #tpu.dot_dimension_numbers<[1], [0], [0], [1], [0, 0, 1, 1], [], []>, transpose_lhs_hint = false} : vector<512x768xf32>, vector<768x32xf32>, vector<512x32xf32> -> vector<512x32xf32>
    %slice3A_80 = vector.extract_strided_slice %dot_general3A_6 {offsets = [2560, 0], sizes = [256, 32], strides = [1, 1]} : vector<8192x32xf32> to vector<256x32xf32>
    %slice3A_81 = vector.extract_strided_slice %dot_general3A_11 {offsets = [2560, 0], sizes = [256, 32], strides = [1, 1]} : vector<8192x32xf32> to vector<256x32xf32>
    %slice3A_82 = vector.extract_strided_slice %sub3A {offsets = [2560, 0], sizes = [256, 32], strides = [1, 1]} : vector<8192x32xf32> to vector<256x32xf32>
    %concatenate3A_83 = tpu.concatenate %slice3A_80, %slice3A_81, %slice3A_82 in 0 : vector<256x32xf32>, vector<256x32xf32>, vector<256x32xf32> -> vector<768x32xf32>
    %dot_general3A_84 = arith.constant dense<0.000000e+00> : vector<512x32xf32>
    %dot_general3A_85 = tpu.matmul %get3A_21, %concatenate3A_83, %dot_general3A_84 {dimension_numbers = #tpu.dot_dimension_numbers<[1], [0], [0], [1], [0, 0, 1, 1], [], []>, transpose_lhs_hint = false} : vector<512x768xf32>, vector<768x32xf32>, vector<512x32xf32> -> vector<512x32xf32>
    %slice3A_86 = vector.extract_strided_slice %dot_general3A_6 {offsets = [2816, 0], sizes = [256, 32], strides = [1, 1]} : vector<8192x32xf32> to vector<256x32xf32>
    %slice3A_87 = vector.extract_strided_slice %dot_general3A_11 {offsets = [2816, 0], sizes = [256, 32], strides = [1, 1]} : vector<8192x32xf32> to vector<256x32xf32>
    %slice3A_88 = vector.extract_strided_slice %sub3A {offsets = [2816, 0], sizes = [256, 32], strides = [1, 1]} : vector<8192x32xf32> to vector<256x32xf32>
    %concatenate3A_89 = tpu.concatenate %slice3A_86, %slice3A_87, %slice3A_88 in 0 : vector<256x32xf32>, vector<256x32xf32>, vector<256x32xf32> -> vector<768x32xf32>
    %dot_general3A_90 = arith.constant dense<0.000000e+00> : vector<512x32xf32>
    %dot_general3A_91 = tpu.matmul %get3A_21, %concatenate3A_89, %dot_general3A_90 {dimension_numbers = #tpu.dot_dimension_numbers<[1], [0], [0], [1], [0, 0, 1, 1], [], []>, transpose_lhs_hint = false} : vector<512x768xf32>, vector<768x32xf32>, vector<512x32xf32> -> vector<512x32xf32>
    %slice3A_92 = vector.extract_strided_slice %dot_general3A_6 {offsets = [3072, 0], sizes = [256, 32], strides = [1, 1]} : vector<8192x32xf32> to vector<256x32xf32>
    %slice3A_93 = vector.extract_strided_slice %dot_general3A_11 {offsets = [3072, 0], sizes = [256, 32], strides = [1, 1]} : vector<8192x32xf32> to vector<256x32xf32>
    %slice3A_94 = vector.extract_strided_slice %sub3A {offsets = [3072, 0], sizes = [256, 32], strides = [1, 1]} : vector<8192x32xf32> to vector<256x32xf32>
    %concatenate3A_95 = tpu.concatenate %slice3A_92, %slice3A_93, %slice3A_94 in 0 : vector<256x32xf32>, vector<256x32xf32>, vector<256x32xf32> -> vector<768x32xf32>
    %dot_general3A_96 = arith.constant dense<0.000000e+00> : vector<512x32xf32>
    %dot_general3A_97 = tpu.matmul %get3A_21, %concatenate3A_95, %dot_general3A_96 {dimension_numbers = #tpu.dot_dimension_numbers<[1], [0], [0], [1], [0, 0, 1, 1], [], []>, transpose_lhs_hint = false} : vector<512x768xf32>, vector<768x32xf32>, vector<512x32xf32> -> vector<512x32xf32>
    %slice3A_98 = vector.extract_strided_slice %dot_general3A_6 {offsets = [3328, 0], sizes = [256, 32], strides = [1, 1]} : vector<8192x32xf32> to vector<256x32xf32>
    %slice3A_99 = vector.extract_strided_slice %dot_general3A_11 {offsets = [3328, 0], sizes = [256, 32], strides = [1, 1]} : vector<8192x32xf32> to vector<256x32xf32>
    %slice3A_100 = vector.extract_strided_slice %sub3A {offsets = [3328, 0], sizes = [256, 32], strides = [1, 1]} : vector<8192x32xf32> to vector<256x32xf32>
    %concatenate3A_101 = tpu.concatenate %slice3A_98, %slice3A_99, %slice3A_100 in 0 : vector<256x32xf32>, vector<256x32xf32>, vector<256x32xf32> -> vector<768x32xf32>
    %dot_general3A_102 = arith.constant dense<0.000000e+00> : vector<512x32xf32>
    %dot_general3A_103 = tpu.matmul %get3A_21, %concatenate3A_101, %dot_general3A_102 {dimension_numbers = #tpu.dot_dimension_numbers<[1], [0], [0], [1], [0, 0, 1, 1], [], []>, transpose_lhs_hint = false} : vector<512x768xf32>, vector<768x32xf32>, vector<512x32xf32> -> vector<512x32xf32>
    %slice3A_104 = vector.extract_strided_slice %dot_general3A_6 {offsets = [3584, 0], sizes = [256, 32], strides = [1, 1]} : vector<8192x32xf32> to vector<256x32xf32>
    %slice3A_105 = vector.extract_strided_slice %dot_general3A_11 {offsets = [3584, 0], sizes = [256, 32], strides = [1, 1]} : vector<8192x32xf32> to vector<256x32xf32>
    %slice3A_106 = vector.extract_strided_slice %sub3A {offsets = [3584, 0], sizes = [256, 32], strides = [1, 1]} : vector<8192x32xf32> to vector<256x32xf32>
    %concatenate3A_107 = tpu.concatenate %slice3A_104, %slice3A_105, %slice3A_106 in 0 : vector<256x32xf32>, vector<256x32xf32>, vector<256x32xf32> -> vector<768x32xf32>
    %dot_general3A_108 = arith.constant dense<0.000000e+00> : vector<512x32xf32>
    %dot_general3A_109 = tpu.matmul %get3A_21, %concatenate3A_107, %dot_general3A_108 {dimension_numbers = #tpu.dot_dimension_numbers<[1], [0], [0], [1], [0, 0, 1, 1], [], []>, transpose_lhs_hint = false} : vector<512x768xf32>, vector<768x32xf32>, vector<512x32xf32> -> vector<512x32xf32>
    %slice3A_110 = vector.extract_strided_slice %dot_general3A_6 {offsets = [3840, 0], sizes = [256, 32], strides = [1, 1]} : vector<8192x32xf32> to vector<256x32xf32>
    %slice3A_111 = vector.extract_strided_slice %dot_general3A_11 {offsets = [3840, 0], sizes = [256, 32], strides = [1, 1]} : vector<8192x32xf32> to vector<256x32xf32>
    %slice3A_112 = vector.extract_strided_slice %sub3A {offsets = [3840, 0], sizes = [256, 32], strides = [1, 1]} : vector<8192x32xf32> to vector<256x32xf32>
    %concatenate3A_113 = tpu.concatenate %slice3A_110, %slice3A_111, %slice3A_112 in 0 : vector<256x32xf32>, vector<256x32xf32>, vector<256x32xf32> -> vector<768x32xf32>
    %dot_general3A_114 = arith.constant dense<0.000000e+00> : vector<512x32xf32>
    %dot_general3A_115 = tpu.matmul %get3A_21, %concatenate3A_113, %dot_general3A_114 {dimension_numbers = #tpu.dot_dimension_numbers<[1], [0], [0], [1], [0, 0, 1, 1], [], []>, transpose_lhs_hint = false} : vector<512x768xf32>, vector<768x32xf32>, vector<512x32xf32> -> vector<512x32xf32>
    %slice3A_116 = vector.extract_strided_slice %dot_general3A_6 {offsets = [4096, 0], sizes = [256, 32], strides = [1, 1]} : vector<8192x32xf32> to vector<256x32xf32>
    %slice3A_117 = vector.extract_strided_slice %dot_general3A_11 {offsets = [4096, 0], sizes = [256, 32], strides = [1, 1]} : vector<8192x32xf32> to vector<256x32xf32>
    %slice3A_118 = vector.extract_strided_slice %sub3A {offsets = [4096, 0], sizes = [256, 32], strides = [1, 1]} : vector<8192x32xf32> to vector<256x32xf32>
    %concatenate3A_119 = tpu.concatenate %slice3A_116, %slice3A_117, %slice3A_118 in 0 : vector<256x32xf32>, vector<256x32xf32>, vector<256x32xf32> -> vector<768x32xf32>
    %dot_general3A_120 = arith.constant dense<0.000000e+00> : vector<512x32xf32>
    %dot_general3A_121 = tpu.matmul %get3A_21, %concatenate3A_119, %dot_general3A_120 {dimension_numbers = #tpu.dot_dimension_numbers<[1], [0], [0], [1], [0, 0, 1, 1], [], []>, transpose_lhs_hint = false} : vector<512x768xf32>, vector<768x32xf32>, vector<512x32xf32> -> vector<512x32xf32>
    %slice3A_122 = vector.extract_strided_slice %dot_general3A_6 {offsets = [4352, 0], sizes = [256, 32], strides = [1, 1]} : vector<8192x32xf32> to vector<256x32xf32>
    %slice3A_123 = vector.extract_strided_slice %dot_general3A_11 {offsets = [4352, 0], sizes = [256, 32], strides = [1, 1]} : vector<8192x32xf32> to vector<256x32xf32>
    %slice3A_124 = vector.extract_strided_slice %sub3A {offsets = [4352, 0], sizes = [256, 32], strides = [1, 1]} : vector<8192x32xf32> to vector<256x32xf32>
    %concatenate3A_125 = tpu.concatenate %slice3A_122, %slice3A_123, %slice3A_124 in 0 : vector<256x32xf32>, vector<256x32xf32>, vector<256x32xf32> -> vector<768x32xf32>
    %dot_general3A_126 = arith.constant dense<0.000000e+00> : vector<512x32xf32>
    %dot_general3A_127 = tpu.matmul %get3A_21, %concatenate3A_125, %dot_general3A_126 {dimension_numbers = #tpu.dot_dimension_numbers<[1], [0], [0], [1], [0, 0, 1, 1], [], []>, transpose_lhs_hint = false} : vector<512x768xf32>, vector<768x32xf32>, vector<512x32xf32> -> vector<512x32xf32>
    %slice3A_128 = vector.extract_strided_slice %dot_general3A_6 {offsets = [4608, 0], sizes = [256, 32], strides = [1, 1]} : vector<8192x32xf32> to vector<256x32xf32>
    %slice3A_129 = vector.extract_strided_slice %dot_general3A_11 {offsets = [4608, 0], sizes = [256, 32], strides = [1, 1]} : vector<8192x32xf32> to vector<256x32xf32>
    %slice3A_130 = vector.extract_strided_slice %sub3A {offsets = [4608, 0], sizes = [256, 32], strides = [1, 1]} : vector<8192x32xf32> to vector<256x32xf32>
    %concatenate3A_131 = tpu.concatenate %slice3A_128, %slice3A_129, %slice3A_130 in 0 : vector<256x32xf32>, vector<256x32xf32>, vector<256x32xf32> -> vector<768x32xf32>
    %dot_general3A_132 = arith.constant dense<0.000000e+00> : vector<512x32xf32>
    %dot_general3A_133 = tpu.matmul %get3A_21, %concatenate3A_131, %dot_general3A_132 {dimension_numbers = #tpu.dot_dimension_numbers<[1], [0], [0], [1], [0, 0, 1, 1], [], []>, transpose_lhs_hint = false} : vector<512x768xf32>, vector<768x32xf32>, vector<512x32xf32> -> vector<512x32xf32>
    %slice3A_134 = vector.extract_strided_slice %dot_general3A_6 {offsets = [4864, 0], sizes = [256, 32], strides = [1, 1]} : vector<8192x32xf32> to vector<256x32xf32>
    %slice3A_135 = vector.extract_strided_slice %dot_general3A_11 {offsets = [4864, 0], sizes = [256, 32], strides = [1, 1]} : vector<8192x32xf32> to vector<256x32xf32>
    %slice3A_136 = vector.extract_strided_slice %sub3A {offsets = [4864, 0], sizes = [256, 32], strides = [1, 1]} : vector<8192x32xf32> to vector<256x32xf32>
    %concatenate3A_137 = tpu.concatenate %slice3A_134, %slice3A_135, %slice3A_136 in 0 : vector<256x32xf32>, vector<256x32xf32>, vector<256x32xf32> -> vector<768x32xf32>
    %dot_general3A_138 = arith.constant dense<0.000000e+00> : vector<512x32xf32>
    %dot_general3A_139 = tpu.matmul %get3A_21, %concatenate3A_137, %dot_general3A_138 {dimension_numbers = #tpu.dot_dimension_numbers<[1], [0], [0], [1], [0, 0, 1, 1], [], []>, transpose_lhs_hint = false} : vector<512x768xf32>, vector<768x32xf32>, vector<512x32xf32> -> vector<512x32xf32>
    %slice3A_140 = vector.extract_strided_slice %dot_general3A_6 {offsets = [5120, 0], sizes = [256, 32], strides = [1, 1]} : vector<8192x32xf32> to vector<256x32xf32>
    %slice3A_141 = vector.extract_strided_slice %dot_general3A_11 {offsets = [5120, 0], sizes = [256, 32], strides = [1, 1]} : vector<8192x32xf32> to vector<256x32xf32>
    %slice3A_142 = vector.extract_strided_slice %sub3A {offsets = [5120, 0], sizes = [256, 32], strides = [1, 1]} : vector<8192x32xf32> to vector<256x32xf32>
    %concatenate3A_143 = tpu.concatenate %slice3A_140, %slice3A_141, %slice3A_142 in 0 : vector<256x32xf32>, vector<256x32xf32>, vector<256x32xf32> -> vector<768x32xf32>
    %dot_general3A_144 = arith.constant dense<0.000000e+00> : vector<512x32xf32>
    %dot_general3A_145 = tpu.matmul %get3A_21, %concatenate3A_143, %dot_general3A_144 {dimension_numbers = #tpu.dot_dimension_numbers<[1], [0], [0], [1], [0, 0, 1, 1], [], []>, transpose_lhs_hint = false} : vector<512x768xf32>, vector<768x32xf32>, vector<512x32xf32> -> vector<512x32xf32>
    %slice3A_146 = vector.extract_strided_slice %dot_general3A_6 {offsets = [5376, 0], sizes = [256, 32], strides = [1, 1]} : vector<8192x32xf32> to vector<256x32xf32>
    %slice3A_147 = vector.extract_strided_slice %dot_general3A_11 {offsets = [5376, 0], sizes = [256, 32], strides = [1, 1]} : vector<8192x32xf32> to vector<256x32xf32>
    %slice3A_148 = vector.extract_strided_slice %sub3A {offsets = [5376, 0], sizes = [256, 32], strides = [1, 1]} : vector<8192x32xf32> to vector<256x32xf32>
    %concatenate3A_149 = tpu.concatenate %slice3A_146, %slice3A_147, %slice3A_148 in 0 : vector<256x32xf32>, vector<256x32xf32>, vector<256x32xf32> -> vector<768x32xf32>
    %dot_general3A_150 = arith.constant dense<0.000000e+00> : vector<512x32xf32>
    %dot_general3A_151 = tpu.matmul %get3A_21, %concatenate3A_149, %dot_general3A_150 {dimension_numbers = #tpu.dot_dimension_numbers<[1], [0], [0], [1], [0, 0, 1, 1], [], []>, transpose_lhs_hint = false} : vector<512x768xf32>, vector<768x32xf32>, vector<512x32xf32> -> vector<512x32xf32>
    %slice3A_152 = vector.extract_strided_slice %dot_general3A_6 {offsets = [5632, 0], sizes = [256, 32], strides = [1, 1]} : vector<8192x32xf32> to vector<256x32xf32>
    %slice3A_153 = vector.extract_strided_slice %dot_general3A_11 {offsets = [5632, 0], sizes = [256, 32], strides = [1, 1]} : vector<8192x32xf32> to vector<256x32xf32>
    %slice3A_154 = vector.extract_strided_slice %sub3A {offsets = [5632, 0], sizes = [256, 32], strides = [1, 1]} : vector<8192x32xf32> to vector<256x32xf32>
    %concatenate3A_155 = tpu.concatenate %slice3A_152, %slice3A_153, %slice3A_154 in 0 : vector<256x32xf32>, vector<256x32xf32>, vector<256x32xf32> -> vector<768x32xf32>
    %dot_general3A_156 = arith.constant dense<0.000000e+00> : vector<512x32xf32>
    %dot_general3A_157 = tpu.matmul %get3A_21, %concatenate3A_155, %dot_general3A_156 {dimension_numbers = #tpu.dot_dimension_numbers<[1], [0], [0], [1], [0, 0, 1, 1], [], []>, transpose_lhs_hint = false} : vector<512x768xf32>, vector<768x32xf32>, vector<512x32xf32> -> vector<512x32xf32>
    %slice3A_158 = vector.extract_strided_slice %dot_general3A_6 {offsets = [5888, 0], sizes = [256, 32], strides = [1, 1]} : vector<8192x32xf32> to vector<256x32xf32>
    %slice3A_159 = vector.extract_strided_slice %dot_general3A_11 {offsets = [5888, 0], sizes = [256, 32], strides = [1, 1]} : vector<8192x32xf32> to vector<256x32xf32>
    %slice3A_160 = vector.extract_strided_slice %sub3A {offsets = [5888, 0], sizes = [256, 32], strides = [1, 1]} : vector<8192x32xf32> to vector<256x32xf32>
    %concatenate3A_161 = tpu.concatenate %slice3A_158, %slice3A_159, %slice3A_160 in 0 : vector<256x32xf32>, vector<256x32xf32>, vector<256x32xf32> -> vector<768x32xf32>
    %dot_general3A_162 = arith.constant dense<0.000000e+00> : vector<512x32xf32>
    %dot_general3A_163 = tpu.matmul %get3A_21, %concatenate3A_161, %dot_general3A_162 {dimension_numbers = #tpu.dot_dimension_numbers<[1], [0], [0], [1], [0, 0, 1, 1], [], []>, transpose_lhs_hint = false} : vector<512x768xf32>, vector<768x32xf32>, vector<512x32xf32> -> vector<512x32xf32>
    %slice3A_164 = vector.extract_strided_slice %dot_general3A_6 {offsets = [6144, 0], sizes = [256, 32], strides = [1, 1]} : vector<8192x32xf32> to vector<256x32xf32>
    %slice3A_165 = vector.extract_strided_slice %dot_general3A_11 {offsets = [6144, 0], sizes = [256, 32], strides = [1, 1]} : vector<8192x32xf32> to vector<256x32xf32>
    %slice3A_166 = vector.extract_strided_slice %sub3A {offsets = [6144, 0], sizes = [256, 32], strides = [1, 1]} : vector<8192x32xf32> to vector<256x32xf32>
    %concatenate3A_167 = tpu.concatenate %slice3A_164, %slice3A_165, %slice3A_166 in 0 : vector<256x32xf32>, vector<256x32xf32>, vector<256x32xf32> -> vector<768x32xf32>
    %dot_general3A_168 = arith.constant dense<0.000000e+00> : vector<512x32xf32>
    %dot_general3A_169 = tpu.matmul %get3A_21, %concatenate3A_167, %dot_general3A_168 {dimension_numbers = #tpu.dot_dimension_numbers<[1], [0], [0], [1], [0, 0, 1, 1], [], []>, transpose_lhs_hint = false} : vector<512x768xf32>, vector<768x32xf32>, vector<512x32xf32> -> vector<512x32xf32>
    %slice3A_170 = vector.extract_strided_slice %dot_general3A_6 {offsets = [6400, 0], sizes = [256, 32], strides = [1, 1]} : vector<8192x32xf32> to vector<256x32xf32>
    %slice3A_171 = vector.extract_strided_slice %dot_general3A_11 {offsets = [6400, 0], sizes = [256, 32], strides = [1, 1]} : vector<8192x32xf32> to vector<256x32xf32>
    %slice3A_172 = vector.extract_strided_slice %sub3A {offsets = [6400, 0], sizes = [256, 32], strides = [1, 1]} : vector<8192x32xf32> to vector<256x32xf32>
    %concatenate3A_173 = tpu.concatenate %slice3A_170, %slice3A_171, %slice3A_172 in 0 : vector<256x32xf32>, vector<256x32xf32>, vector<256x32xf32> -> vector<768x32xf32>
    %dot_general3A_174 = arith.constant dense<0.000000e+00> : vector<512x32xf32>
    %dot_general3A_175 = tpu.matmul %get3A_21, %concatenate3A_173, %dot_general3A_174 {dimension_numbers = #tpu.dot_dimension_numbers<[1], [0], [0], [1], [0, 0, 1, 1], [], []>, transpose_lhs_hint = false} : vector<512x768xf32>, vector<768x32xf32>, vector<512x32xf32> -> vector<512x32xf32>
    %slice3A_176 = vector.extract_strided_slice %dot_general3A_6 {offsets = [6656, 0], sizes = [256, 32], strides = [1, 1]} : vector<8192x32xf32> to vector<256x32xf32>
    %slice3A_177 = vector.extract_strided_slice %dot_general3A_11 {offsets = [6656, 0], sizes = [256, 32], strides = [1, 1]} : vector<8192x32xf32> to vector<256x32xf32>
    %slice3A_178 = vector.extract_strided_slice %sub3A {offsets = [6656, 0], sizes = [256, 32], strides = [1, 1]} : vector<8192x32xf32> to vector<256x32xf32>
    %concatenate3A_179 = tpu.concatenate %slice3A_176, %slice3A_177, %slice3A_178 in 0 : vector<256x32xf32>, vector<256x32xf32>, vector<256x32xf32> -> vector<768x32xf32>
    %dot_general3A_180 = arith.constant dense<0.000000e+00> : vector<512x32xf32>
    %dot_general3A_181 = tpu.matmul %get3A_21, %concatenate3A_179, %dot_general3A_180 {dimension_numbers = #tpu.dot_dimension_numbers<[1], [0], [0], [1], [0, 0, 1, 1], [], []>, transpose_lhs_hint = false} : vector<512x768xf32>, vector<768x32xf32>, vector<512x32xf32> -> vector<512x32xf32>
    %slice3A_182 = vector.extract_strided_slice %dot_general3A_6 {offsets = [6912, 0], sizes = [256, 32], strides = [1, 1]} : vector<8192x32xf32> to vector<256x32xf32>
    %slice3A_183 = vector.extract_strided_slice %dot_general3A_11 {offsets = [6912, 0], sizes = [256, 32], strides = [1, 1]} : vector<8192x32xf32> to vector<256x32xf32>
    %slice3A_184 = vector.extract_strided_slice %sub3A {offsets = [6912, 0], sizes = [256, 32], strides = [1, 1]} : vector<8192x32xf32> to vector<256x32xf32>
    %concatenate3A_185 = tpu.concatenate %slice3A_182, %slice3A_183, %slice3A_184 in 0 : vector<256x32xf32>, vector<256x32xf32>, vector<256x32xf32> -> vector<768x32xf32>
    %dot_general3A_186 = arith.constant dense<0.000000e+00> : vector<512x32xf32>
    %dot_general3A_187 = tpu.matmul %get3A_21, %concatenate3A_185, %dot_general3A_186 {dimension_numbers = #tpu.dot_dimension_numbers<[1], [0], [0], [1], [0, 0, 1, 1], [], []>, transpose_lhs_hint = false} : vector<512x768xf32>, vector<768x32xf32>, vector<512x32xf32> -> vector<512x32xf32>
    %slice3A_188 = vector.extract_strided_slice %dot_general3A_6 {offsets = [7168, 0], sizes = [256, 32], strides = [1, 1]} : vector<8192x32xf32> to vector<256x32xf32>
    %slice3A_189 = vector.extract_strided_slice %dot_general3A_11 {offsets = [7168, 0], sizes = [256, 32], strides = [1, 1]} : vector<8192x32xf32> to vector<256x32xf32>
    %slice3A_190 = vector.extract_strided_slice %sub3A {offsets = [7168, 0], sizes = [256, 32], strides = [1, 1]} : vector<8192x32xf32> to vector<256x32xf32>
    %concatenate3A_191 = tpu.concatenate %slice3A_188, %slice3A_189, %slice3A_190 in 0 : vector<256x32xf32>, vector<256x32xf32>, vector<256x32xf32> -> vector<768x32xf32>
    %dot_general3A_192 = arith.constant dense<0.000000e+00> : vector<512x32xf32>
    %dot_general3A_193 = tpu.matmul %get3A_21, %concatenate3A_191, %dot_general3A_192 {dimension_numbers = #tpu.dot_dimension_numbers<[1], [0], [0], [1], [0, 0, 1, 1], [], []>, transpose_lhs_hint = false} : vector<512x768xf32>, vector<768x32xf32>, vector<512x32xf32> -> vector<512x32xf32>
    %slice3A_194 = vector.extract_strided_slice %dot_general3A_6 {offsets = [7424, 0], sizes = [256, 32], strides = [1, 1]} : vector<8192x32xf32> to vector<256x32xf32>
    %slice3A_195 = vector.extract_strided_slice %dot_general3A_11 {offsets = [7424, 0], sizes = [256, 32], strides = [1, 1]} : vector<8192x32xf32> to vector<256x32xf32>
    %slice3A_196 = vector.extract_strided_slice %sub3A {offsets = [7424, 0], sizes = [256, 32], strides = [1, 1]} : vector<8192x32xf32> to vector<256x32xf32>
    %concatenate3A_197 = tpu.concatenate %slice3A_194, %slice3A_195, %slice3A_196 in 0 : vector<256x32xf32>, vector<256x32xf32>, vector<256x32xf32> -> vector<768x32xf32>
    %dot_general3A_198 = arith.constant dense<0.000000e+00> : vector<512x32xf32>
    %dot_general3A_199 = tpu.matmul %get3A_21, %concatenate3A_197, %dot_general3A_198 {dimension_numbers = #tpu.dot_dimension_numbers<[1], [0], [0], [1], [0, 0, 1, 1], [], []>, transpose_lhs_hint = false} : vector<512x768xf32>, vector<768x32xf32>, vector<512x32xf32> -> vector<512x32xf32>
    %slice3A_200 = vector.extract_strided_slice %dot_general3A_6 {offsets = [7680, 0], sizes = [256, 32], strides = [1, 1]} : vector<8192x32xf32> to vector<256x32xf32>
    %slice3A_201 = vector.extract_strided_slice %dot_general3A_11 {offsets = [7680, 0], sizes = [256, 32], strides = [1, 1]} : vector<8192x32xf32> to vector<256x32xf32>
    %slice3A_202 = vector.extract_strided_slice %sub3A {offsets = [7680, 0], sizes = [256, 32], strides = [1, 1]} : vector<8192x32xf32> to vector<256x32xf32>
    %concatenate3A_203 = tpu.concatenate %slice3A_200, %slice3A_201, %slice3A_202 in 0 : vector<256x32xf32>, vector<256x32xf32>, vector<256x32xf32> -> vector<768x32xf32>
    %dot_general3A_204 = arith.constant dense<0.000000e+00> : vector<512x32xf32>
    %dot_general3A_205 = tpu.matmul %get3A_21, %concatenate3A_203, %dot_general3A_204 {dimension_numbers = #tpu.dot_dimension_numbers<[1], [0], [0], [1], [0, 0, 1, 1], [], []>, transpose_lhs_hint = false} : vector<512x768xf32>, vector<768x32xf32>, vector<512x32xf32> -> vector<512x32xf32>
    %slice3A_206 = vector.extract_strided_slice %dot_general3A_6 {offsets = [7936, 0], sizes = [256, 32], strides = [1, 1]} : vector<8192x32xf32> to vector<256x32xf32>
    %slice3A_207 = vector.extract_strided_slice %dot_general3A_11 {offsets = [7936, 0], sizes = [256, 32], strides = [1, 1]} : vector<8192x32xf32> to vector<256x32xf32>
    %slice3A_208 = vector.extract_strided_slice %sub3A {offsets = [7936, 0], sizes = [256, 32], strides = [1, 1]} : vector<8192x32xf32> to vector<256x32xf32>
    %concatenate3A_209 = tpu.concatenate %slice3A_206, %slice3A_207, %slice3A_208 in 0 : vector<256x32xf32>, vector<256x32xf32>, vector<256x32xf32> -> vector<768x32xf32>
    %dot_general3A_210 = arith.constant dense<0.000000e+00> : vector<512x32xf32>
    %dot_general3A_211 = tpu.matmul %get3A_21, %concatenate3A_209, %dot_general3A_210 {dimension_numbers = #tpu.dot_dimension_numbers<[1], [0], [0], [1], [0, 0, 1, 1], [], []>, transpose_lhs_hint = false} : vector<512x768xf32>, vector<768x32xf32>, vector<512x32xf32> -> vector<512x32xf32>
    %stack3A = vector.shape_cast %dot_general3A_25 : vector<512x32xf32> to vector<1x512x32xf32>
    %stack3A_212 = vector.shape_cast %dot_general3A_31 : vector<512x32xf32> to vector<1x512x32xf32>
    %stack3A_213 = vector.shape_cast %dot_general3A_37 : vector<512x32xf32> to vector<1x512x32xf32>
    %stack3A_214 = vector.shape_cast %dot_general3A_43 : vector<512x32xf32> to vector<1x512x32xf32>
    %stack3A_215 = vector.shape_cast %dot_general3A_49 : vector<512x32xf32> to vector<1x512x32xf32>
    %stack3A_216 = vector.shape_cast %dot_general3A_55 : vector<512x32xf32> to vector<1x512x32xf32>
    %stack3A_217 = vector.shape_cast %dot_general3A_61 : vector<512x32xf32> to vector<1x512x32xf32>
    %stack3A_218 = vector.shape_cast %dot_general3A_67 : vector<512x32xf32> to vector<1x512x32xf32>
    %stack3A_219 = vector.shape_cast %dot_general3A_73 : vector<512x32xf32> to vector<1x512x32xf32>
    %stack3A_220 = vector.shape_cast %dot_general3A_79 : vector<512x32xf32> to vector<1x512x32xf32>
    %stack3A_221 = vector.shape_cast %dot_general3A_85 : vector<512x32xf32> to vector<1x512x32xf32>
    %stack3A_222 = vector.shape_cast %dot_general3A_91 : vector<512x32xf32> to vector<1x512x32xf32>
    %stack3A_223 = vector.shape_cast %dot_general3A_97 : vector<512x32xf32> to vector<1x512x32xf32>
    %stack3A_224 = vector.shape_cast %dot_general3A_103 : vector<512x32xf32> to vector<1x512x32xf32>
    %stack3A_225 = vector.shape_cast %dot_general3A_109 : vector<512x32xf32> to vector<1x512x32xf32>
    %stack3A_226 = vector.shape_cast %dot_general3A_115 : vector<512x32xf32> to vector<1x512x32xf32>
    %stack3A_227 = vector.shape_cast %dot_general3A_121 : vector<512x32xf32> to vector<1x512x32xf32>
    %stack3A_228 = vector.shape_cast %dot_general3A_127 : vector<512x32xf32> to vector<1x512x32xf32>
    %stack3A_229 = vector.shape_cast %dot_general3A_133 : vector<512x32xf32> to vector<1x512x32xf32>
    %stack3A_230 = vector.shape_cast %dot_general3A_139 : vector<512x32xf32> to vector<1x512x32xf32>
    %stack3A_231 = vector.shape_cast %dot_general3A_145 : vector<512x32xf32> to vector<1x512x32xf32>
    %stack3A_232 = vector.shape_cast %dot_general3A_151 : vector<512x32xf32> to vector<1x512x32xf32>
    %stack3A_233 = vector.shape_cast %dot_general3A_157 : vector<512x32xf32> to vector<1x512x32xf32>
    %stack3A_234 = vector.shape_cast %dot_general3A_163 : vector<512x32xf32> to vector<1x512x32xf32>
    %stack3A_235 = vector.shape_cast %dot_general3A_169 : vector<512x32xf32> to vector<1x512x32xf32>
    %stack3A_236 = vector.shape_cast %dot_general3A_175 : vector<512x32xf32> to vector<1x512x32xf32>
    %stack3A_237 = vector.shape_cast %dot_general3A_181 : vector<512x32xf32> to vector<1x512x32xf32>
    %stack3A_238 = vector.shape_cast %dot_general3A_187 : vector<512x32xf32> to vector<1x512x32xf32>
    %stack3A_239 = vector.shape_cast %dot_general3A_193 : vector<512x32xf32> to vector<1x512x32xf32>
    %stack3A_240 = vector.shape_cast %dot_general3A_199 : vector<512x32xf32> to vector<1x512x32xf32>
    %stack3A_241 = vector.shape_cast %dot_general3A_205 : vector<512x32xf32> to vector<1x512x32xf32>
    %stack3A_242 = vector.shape_cast %dot_general3A_211 : vector<512x32xf32> to vector<1x512x32xf32>
    %stack3A_243 = tpu.concatenate %stack3A, %stack3A_212, %stack3A_213, %stack3A_214, %stack3A_215, %stack3A_216, %stack3A_217, %stack3A_218, %stack3A_219, %stack3A_220, %stack3A_221, %stack3A_222, %stack3A_223, %stack3A_224, %stack3A_225, %stack3A_226, %stack3A_227, %stack3A_228, %stack3A_229, %stack3A_230, %stack3A_231, %stack3A_232, %stack3A_233, %stack3A_234, %stack3A_235, %stack3A_236, %stack3A_237, %stack3A_238, %stack3A_239, %stack3A_240, %stack3A_241, %stack3A_242 in 0 : vector<1x512x32xf32>, vector<1x512x32xf32>, vector<1x512x32xf32>, vector<1x512x32xf32>, vector<1x512x32xf32>, vector<1x512x32xf32>, vector<1x512x32xf32>, vector<1x512x32xf32>, vector<1x512x32xf32>, vector<1x512x32xf32>, vector<1x512x32xf32>, vector<1x512x32xf32>, vector<1x512x32xf32>, vector<1x512x32xf32>, vector<1x512x32xf32>, vector<1x512x32xf32>, vector<1x512x32xf32>, vector<1x512x32xf32>, vector<1x512x32xf32>, vector<1x512x32xf32>, vector<1x512x32xf32>, vector<1x512x32xf32>, vector<1x512x32xf32>, vector<1x512x32xf32>, vector<1x512x32xf32>, vector<1x512x32xf32>, vector<1x512x32xf32>, vector<1x512x32xf32>, vector<1x512x32xf32>, vector<1x512x32xf32>, vector<1x512x32xf32>, vector<1x512x32xf32> -> vector<32x512x32xf32>
    %get3A_244 = arith.constant 0 : index
    %get3A_245 = arith.constant 0 : index
    %get3A_246 = vector.load %arg5[%get3A_244, %get3A_245] : memref<512x1xf32, #tpu.memory_space<vmem>>, vector<512x1xf32>
    %broadcast_in_dim3A = vector.shape_cast %get3A_246 : vector<512x1xf32> to vector<1x512x1xf32>
    %add3A = vector.broadcast %broadcast_in_dim3A : vector<1x512x1xf32> to vector<32x512x32xf32>
    %add3A_247 = arith.addf %stack3A_243, %add3A : vector<32x512x32xf32>
    %max3A = arith.constant 0.000000e+00 : f32
    %max3A_248 = vector.broadcast %max3A : f32 to vector<32x512x32xf32>
    %max3A_249 = arith.maximumf %add3A_247, %max3A_248 : vector<32x512x32xf32>
    %swap3A = arith.constant 0 : index
    %swap3A_250 = arith.constant 0 : index
    %swap3A_251 = arith.constant 0 : index
    %swap3A_252 = vector.load %arg6[%swap3A, %swap3A_250, %swap3A_251] : memref<32x512x32xf32, #tpu.memory_space<vmem>>, vector<32x512x32xf32>
    tpu.vector_store %arg6[%swap3A, %swap3A_250, %swap3A_251], %max3A_249 {strides = array<i32>} : memref<32x512x32xf32, #tpu.memory_space<vmem>>, vector<32x512x32xf32>,
    return
  }
  func.func @transform_0(%arg0: i32) -> (i32, i32, i32) {
    %c0_i32 = arith.constant 0 : i32
    %c0_i32_0 = arith.constant 0 : i32
    %c0_i32_1 = arith.constant 0 : i32
    return %arg0, %c0_i32, %c0_i32_0 : i32, i32, i32
  }
  func.func @transform_1(%arg0: i32) -> (i32, i32) {
    %c0_i32 = arith.constant 0 : i32
    %c0_i32_0 = arith.constant 0 : i32
    %c0_i32_1 = arith.constant 0 : i32
    return %c0_i32, %c0_i32_0 : i32, i32
  }
  func.func @transform_2(%arg0: i32) -> (i32, i32) {
    %c0_i32 = arith.constant 0 : i32
    %c0_i32_0 = arith.constant 0 : i32
    %c0_i32_1 = arith.constant 0 : i32
    return %c0_i32, %c0_i32_0 : i32, i32
  }
  func.func @transform_3(%arg0: i32) -> (i32, i32) {
    %c0_i32 = arith.constant 0 : i32
    %c0_i32_0 = arith.constant 0 : i32
    %c0_i32_1 = arith.constant 0 : i32
    return %c0_i32, %c0_i32_0 : i32, i32
  }
  func.func @transform_4(%arg0: i32) -> (i32, i32) {
    %c0_i32 = arith.constant 0 : i32
    %c0_i32_0 = arith.constant 0 : i32
    %c0_i32_1 = arith.constant 0 : i32
    return %c0_i32, %c0_i32_0 : i32, i32
  }
  func.func @transform_5(%arg0: i32) -> (i32, i32, i32) {
    %c0_i32 = arith.constant 0 : i32
    %c0_i32_0 = arith.constant 0 : i32
    %c0_i32_1 = arith.constant 0 : i32
    return %arg0, %c0_i32, %c0_i32_0 : i32, i32, i32
  }
}

module attributes {stable_mosaic.version = 14 : i64} {
  func.func @_coarse_chain_body(%arg0: i32, %arg1: memref<512x1024xf32, #tpu.memory_space<vmem>>, %arg2: memref<256x256xf32, #tpu.memory_space<vmem>>, %arg3: memref<1024x1024xf32, #tpu.memory_space<vmem>>, %arg4: memref<1024x256xf32, #tpu.memory_space<vmem>>, %arg5: memref<256x1024xf32, #tpu.memory_space<vmem>>, %arg6: memref<512x1536xf32, #tpu.memory_space<vmem>>, %arg7: memref<512x1xf32, #tpu.memory_space<vmem>>, %arg8: memref<512x1536xf32, #tpu.memory_space<vmem>>, %arg9: memref<512x1xf32, #tpu.memory_space<vmem>>, %arg10: memref<512x1536xf32, #tpu.memory_space<vmem>>, %arg11: memref<512x1xf32, #tpu.memory_space<vmem>>, %arg12: memref<512x3072xf32, #tpu.memory_space<vmem>>, %arg13: memref<512x1xf32, #tpu.memory_space<vmem>>, %arg14: memref<768x512xf32, #tpu.memory_space<vmem>>, %arg15: memref<256x1xf32, #tpu.memory_space<vmem>>, %arg16: memref<768x256xf32, #tpu.memory_space<vmem>>, %arg17: memref<768x512xf32, #tpu.memory_space<vmem>>, %arg18: memref<256x1xf32, #tpu.memory_space<vmem>>, %arg19: memref<256x1024xf32, #tpu.memory_space<vmem>>) attributes {dimension_semantics = [#tpu.dimension_semantics<arbitrary>], iteration_bounds = array<i64: 1>, scalar_prefetch = 0 : i64, scratch_operands = 0 : i64, tpu.core_type = #tpu.core_type<tc>, window_params = [{pipeline_mode = #tpu.pipeline_mode<synchronous>, transform_indices = @transform_0, window_bounds = array<i64: 512, 1024>}, {pipeline_mode = #tpu.pipeline_mode<synchronous>, transform_indices = @transform_1, window_bounds = array<i64: 256, 256>}, {pipeline_mode = #tpu.pipeline_mode<synchronous>, transform_indices = @transform_2, window_bounds = array<i64: 1024, 1024>}, {pipeline_mode = #tpu.pipeline_mode<synchronous>, transform_indices = @transform_3, window_bounds = array<i64: 1024, 256>}, {pipeline_mode = #tpu.pipeline_mode<synchronous>, transform_indices = @transform_4, window_bounds = array<i64: 256, 1024>}, {pipeline_mode = #tpu.pipeline_mode<synchronous>, transform_indices = @transform_5, window_bounds = array<i64: 512, 1536>}, {pipeline_mode = #tpu.pipeline_mode<synchronous>, transform_indices = @transform_6, window_bounds = array<i64: 512, 1>}, {pipeline_mode = #tpu.pipeline_mode<synchronous>, transform_indices = @transform_7, window_bounds = array<i64: 512, 1536>}, {pipeline_mode = #tpu.pipeline_mode<synchronous>, transform_indices = @transform_8, window_bounds = array<i64: 512, 1>}, {pipeline_mode = #tpu.pipeline_mode<synchronous>, transform_indices = @transform_9, window_bounds = array<i64: 512, 1536>}, {pipeline_mode = #tpu.pipeline_mode<synchronous>, transform_indices = @transform_10, window_bounds = array<i64: 512, 1>}, {pipeline_mode = #tpu.pipeline_mode<synchronous>, transform_indices = @transform_11, window_bounds = array<i64: 512, 3072>}, {pipeline_mode = #tpu.pipeline_mode<synchronous>, transform_indices = @transform_12, window_bounds = array<i64: 512, 1>}, {pipeline_mode = #tpu.pipeline_mode<synchronous>, transform_indices = @transform_13, window_bounds = array<i64: 768, 512>}, {pipeline_mode = #tpu.pipeline_mode<synchronous>, transform_indices = @transform_14, window_bounds = array<i64: 256, 1>}, {pipeline_mode = #tpu.pipeline_mode<synchronous>, transform_indices = @transform_15, window_bounds = array<i64: 768, 256>}, {pipeline_mode = #tpu.pipeline_mode<synchronous>, transform_indices = @transform_16, window_bounds = array<i64: 768, 512>}, {pipeline_mode = #tpu.pipeline_mode<synchronous>, transform_indices = @transform_17, window_bounds = array<i64: 256, 1>}, {pipeline_mode = #tpu.pipeline_mode<synchronous>, transform_indices = @transform_18, window_bounds = array<i64: 256, 1024>}]} {
    %get3A = arith.constant 0 : index
    %get3A_0 = arith.constant 0 : index
    %get3A_1 = vector.load %arg1[%get3A, %get3A_0] : memref<512x1024xf32, #tpu.memory_space<vmem>>, vector<512x1024xf32>
    %get3A_2 = arith.constant 0 : index
    %get3A_3 = arith.constant 0 : index
    %get3A_4 = vector.load %arg2[%get3A_2, %get3A_3] : memref<256x256xf32, #tpu.memory_space<vmem>>, vector<256x256xf32>
    %get3A_5 = arith.constant 0 : index
    %get3A_6 = arith.constant 0 : index
    %get3A_7 = vector.load %arg3[%get3A_5, %get3A_6] : memref<1024x1024xf32, #tpu.memory_space<vmem>>, vector<1024x1024xf32>
    %get3A_8 = arith.constant 0 : index
    %get3A_9 = arith.constant 0 : index
    %get3A_10 = vector.load %arg4[%get3A_8, %get3A_9] : memref<1024x256xf32, #tpu.memory_space<vmem>>, vector<1024x256xf32>
    %dot_general3A = arith.constant dense<0.000000e+00> : vector<512x256xf32>
    %dot_general3A_11 = tpu.matmul %get3A_1, %get3A_10, %dot_general3A {dimension_numbers = #tpu.dot_dimension_numbers<[1], [0], [0], [1], [0, 0, 1, 1], [], []>, transpose_lhs_hint = false} : vector<512x1024xf32>, vector<1024x256xf32>, vector<512x256xf32> -> vector<512x256xf32>
    %get3A_12 = arith.constant 0 : index
    %get3A_13 = arith.constant 0 : index
    %get3A_14 = vector.load %arg6[%get3A_12, %get3A_13] : memref<512x1536xf32, #tpu.memory_space<vmem>>, vector<512x1536xf32>
    %get3A_15 = arith.constant 0 : index
    %get3A_16 = arith.constant 0 : index
    %get3A_17 = vector.load %arg7[%get3A_15, %get3A_16] : memref<512x1xf32, #tpu.memory_space<vmem>>, vector<512x1xf32>
    %dot_general3A_18 = arith.constant dense<0.000000e+00> : vector<512x256xf32>
    %dot_general3A_19 = tpu.matmul %dot_general3A_11, %get3A_4, %dot_general3A_18 {dimension_numbers = #tpu.dot_dimension_numbers<[1], [0], [0], [1], [0, 0, 1, 1], [], []>, transpose_lhs_hint = false} : vector<512x256xf32>, vector<256x256xf32>, vector<512x256xf32> -> vector<512x256xf32>
    %dot_general3A_20 = arith.constant dense<0.000000e+00> : vector<512x256xf32>
    %dot_general3A_21 = tpu.matmul %dot_general3A_19, %get3A_4, %dot_general3A_20 {dimension_numbers = #tpu.dot_dimension_numbers<[1], [0], [0], [1], [0, 0, 1, 1], [], []>, transpose_lhs_hint = false} : vector<512x256xf32>, vector<256x256xf32>, vector<512x256xf32> -> vector<512x256xf32>
    %mul3A = arith.constant 2.000000e+00 : f32
    %mul3A_22 = vector.broadcast %mul3A : f32 to vector<512x256xf32>
    %mul3A_23 = arith.mulf %mul3A_22, %dot_general3A_21 : vector<512x256xf32>
    %sub3A = arith.subf %mul3A_23, %dot_general3A_11 : vector<512x256xf32>
    %concatenate3A = tpu.concatenate %dot_general3A_11, %dot_general3A_19, %sub3A in 0 : vector<512x256xf32>, vector<512x256xf32>, vector<512x256xf32> -> vector<1536x256xf32>
    %dot_general3A_24 = arith.constant dense<0.000000e+00> : vector<512x256xf32>
    %dot_general3A_25 = tpu.matmul %get3A_14, %concatenate3A, %dot_general3A_24 {dimension_numbers = #tpu.dot_dimension_numbers<[1], [0], [0], [1], [0, 0, 1, 1], [], []>, transpose_lhs_hint = false} : vector<512x1536xf32>, vector<1536x256xf32>, vector<512x256xf32> -> vector<512x256xf32>
    %add3A = vector.broadcast %get3A_17 : vector<512x1xf32> to vector<512x256xf32>
    %add3A_26 = arith.addf %dot_general3A_25, %add3A : vector<512x256xf32>
    %max3A = arith.constant 0.000000e+00 : f32
    %max3A_27 = vector.broadcast %max3A : f32 to vector<512x256xf32>
    %max3A_28 = arith.maximumf %add3A_26, %max3A_27 : vector<512x256xf32>
    %get3A_29 = arith.constant 0 : index
    %get3A_30 = arith.constant 0 : index
    %get3A_31 = vector.load %arg8[%get3A_29, %get3A_30] : memref<512x1536xf32, #tpu.memory_space<vmem>>, vector<512x1536xf32>
    %get3A_32 = arith.constant 0 : index
    %get3A_33 = arith.constant 0 : index
    %get3A_34 = vector.load %arg9[%get3A_32, %get3A_33] : memref<512x1xf32, #tpu.memory_space<vmem>>, vector<512x1xf32>
    %dot_general3A_35 = arith.constant dense<0.000000e+00> : vector<512x256xf32>
    %dot_general3A_36 = tpu.matmul %max3A_28, %get3A_4, %dot_general3A_35 {dimension_numbers = #tpu.dot_dimension_numbers<[1], [0], [0], [1], [0, 0, 1, 1], [], []>, transpose_lhs_hint = false} : vector<512x256xf32>, vector<256x256xf32>, vector<512x256xf32> -> vector<512x256xf32>
    %dot_general3A_37 = arith.constant dense<0.000000e+00> : vector<512x256xf32>
    %dot_general3A_38 = tpu.matmul %dot_general3A_36, %get3A_4, %dot_general3A_37 {dimension_numbers = #tpu.dot_dimension_numbers<[1], [0], [0], [1], [0, 0, 1, 1], [], []>, transpose_lhs_hint = false} : vector<512x256xf32>, vector<256x256xf32>, vector<512x256xf32> -> vector<512x256xf32>
    %mul3A_39 = arith.constant 2.000000e+00 : f32
    %mul3A_40 = vector.broadcast %mul3A_39 : f32 to vector<512x256xf32>
    %mul3A_41 = arith.mulf %mul3A_40, %dot_general3A_38 : vector<512x256xf32>
    %sub3A_42 = arith.subf %mul3A_41, %max3A_28 : vector<512x256xf32>
    %concatenate3A_43 = tpu.concatenate %max3A_28, %dot_general3A_36, %sub3A_42 in 0 : vector<512x256xf32>, vector<512x256xf32>, vector<512x256xf32> -> vector<1536x256xf32>
    %dot_general3A_44 = arith.constant dense<0.000000e+00> : vector<512x256xf32>
    %dot_general3A_45 = tpu.matmul %get3A_31, %concatenate3A_43, %dot_general3A_44 {dimension_numbers = #tpu.dot_dimension_numbers<[1], [0], [0], [1], [0, 0, 1, 1], [], []>, transpose_lhs_hint = false} : vector<512x1536xf32>, vector<1536x256xf32>, vector<512x256xf32> -> vector<512x256xf32>
    %add3A_46 = vector.broadcast %get3A_34 : vector<512x1xf32> to vector<512x256xf32>
    %add3A_47 = arith.addf %dot_general3A_45, %add3A_46 : vector<512x256xf32>
    %get3A_48 = arith.constant 0 : index
    %get3A_49 = arith.constant 0 : index
    %get3A_50 = vector.load %arg10[%get3A_48, %get3A_49] : memref<512x1536xf32, #tpu.memory_space<vmem>>, vector<512x1536xf32>
    %get3A_51 = arith.constant 0 : index
    %get3A_52 = arith.constant 0 : index
    %get3A_53 = vector.load %arg11[%get3A_51, %get3A_52] : memref<512x1xf32, #tpu.memory_space<vmem>>, vector<512x1xf32>
    %dot_general3A_54 = arith.constant dense<0.000000e+00> : vector<512x256xf32>
    %dot_general3A_55 = tpu.matmul %add3A_47, %get3A_4, %dot_general3A_54 {dimension_numbers = #tpu.dot_dimension_numbers<[1], [0], [0], [1], [0, 0, 1, 1], [], []>, transpose_lhs_hint = false} : vector<512x256xf32>, vector<256x256xf32>, vector<512x256xf32> -> vector<512x256xf32>
    %dot_general3A_56 = arith.constant dense<0.000000e+00> : vector<512x256xf32>
    %dot_general3A_57 = tpu.matmul %dot_general3A_55, %get3A_4, %dot_general3A_56 {dimension_numbers = #tpu.dot_dimension_numbers<[1], [0], [0], [1], [0, 0, 1, 1], [], []>, transpose_lhs_hint = false} : vector<512x256xf32>, vector<256x256xf32>, vector<512x256xf32> -> vector<512x256xf32>
    %mul3A_58 = arith.constant 2.000000e+00 : f32
    %mul3A_59 = vector.broadcast %mul3A_58 : f32 to vector<512x256xf32>
    %mul3A_60 = arith.mulf %mul3A_59, %dot_general3A_57 : vector<512x256xf32>
    %sub3A_61 = arith.subf %mul3A_60, %add3A_47 : vector<512x256xf32>
    %concatenate3A_62 = tpu.concatenate %add3A_47, %dot_general3A_55, %sub3A_61 in 0 : vector<512x256xf32>, vector<512x256xf32>, vector<512x256xf32> -> vector<1536x256xf32>
    %dot_general3A_63 = arith.constant dense<0.000000e+00> : vector<512x256xf32>
    %dot_general3A_64 = tpu.matmul %get3A_50, %concatenate3A_62, %dot_general3A_63 {dimension_numbers = #tpu.dot_dimension_numbers<[1], [0], [0], [1], [0, 0, 1, 1], [], []>, transpose_lhs_hint = false} : vector<512x1536xf32>, vector<1536x256xf32>, vector<512x256xf32> -> vector<512x256xf32>
    %add3A_65 = vector.broadcast %get3A_53 : vector<512x1xf32> to vector<512x256xf32>
    %add3A_66 = arith.addf %dot_general3A_64, %add3A_65 : vector<512x256xf32>
    %max3A_67 = arith.constant 0.000000e+00 : f32
    %max3A_68 = vector.broadcast %max3A_67 : f32 to vector<512x256xf32>
    %max3A_69 = arith.maximumf %add3A_66, %max3A_68 : vector<512x256xf32>
    %concatenate3A_70 = tpu.concatenate %max3A_69, %max3A_28 in 0 : vector<512x256xf32>, vector<512x256xf32> -> vector<1024x256xf32>
    %get3A_71 = arith.constant 0 : index
    %get3A_72 = arith.constant 0 : index
    %get3A_73 = vector.load %arg12[%get3A_71, %get3A_72] : memref<512x3072xf32, #tpu.memory_space<vmem>>, vector<512x3072xf32>
    %get3A_74 = arith.constant 0 : index
    %get3A_75 = arith.constant 0 : index
    %get3A_76 = vector.load %arg13[%get3A_74, %get3A_75] : memref<512x1xf32, #tpu.memory_space<vmem>>, vector<512x1xf32>
    %dot_general3A_77 = arith.constant dense<0.000000e+00> : vector<1024x256xf32>
    %dot_general3A_78 = tpu.matmul %concatenate3A_70, %get3A_4, %dot_general3A_77 {dimension_numbers = #tpu.dot_dimension_numbers<[1], [0], [0], [1], [0, 0, 1, 1], [], []>, transpose_lhs_hint = false} : vector<1024x256xf32>, vector<256x256xf32>, vector<1024x256xf32> -> vector<1024x256xf32>
    %dot_general3A_79 = arith.constant dense<0.000000e+00> : vector<1024x256xf32>
    %dot_general3A_80 = tpu.matmul %dot_general3A_78, %get3A_4, %dot_general3A_79 {dimension_numbers = #tpu.dot_dimension_numbers<[1], [0], [0], [1], [0, 0, 1, 1], [], []>, transpose_lhs_hint = false} : vector<1024x256xf32>, vector<256x256xf32>, vector<1024x256xf32> -> vector<1024x256xf32>
    %mul3A_81 = arith.constant 2.000000e+00 : f32
    %mul3A_82 = vector.broadcast %mul3A_81 : f32 to vector<1024x256xf32>
    %mul3A_83 = arith.mulf %mul3A_82, %dot_general3A_80 : vector<1024x256xf32>
    %sub3A_84 = arith.subf %mul3A_83, %concatenate3A_70 : vector<1024x256xf32>
    %concatenate3A_85 = tpu.concatenate %concatenate3A_70, %dot_general3A_78, %sub3A_84 in 0 : vector<1024x256xf32>, vector<1024x256xf32>, vector<1024x256xf32> -> vector<3072x256xf32>
    %dot_general3A_86 = arith.constant dense<0.000000e+00> : vector<512x256xf32>
    %dot_general3A_87 = tpu.matmul %get3A_73, %concatenate3A_85, %dot_general3A_86 {dimension_numbers = #tpu.dot_dimension_numbers<[1], [0], [0], [1], [0, 0, 1, 1], [], []>, transpose_lhs_hint = false} : vector<512x3072xf32>, vector<3072x256xf32>, vector<512x256xf32> -> vector<512x256xf32>
    %add3A_88 = vector.broadcast %get3A_76 : vector<512x1xf32> to vector<512x256xf32>
    %add3A_89 = arith.addf %dot_general3A_87, %add3A_88 : vector<512x256xf32>
    %max3A_90 = arith.constant 0.000000e+00 : f32
    %max3A_91 = vector.broadcast %max3A_90 : f32 to vector<512x256xf32>
    %max3A_92 = arith.maximumf %add3A_89, %max3A_91 : vector<512x256xf32>
    %get3A_93 = arith.constant 0 : index
    %get3A_94 = arith.constant 0 : index
    %get3A_95 = vector.load %arg14[%get3A_93, %get3A_94] : memref<768x512xf32, #tpu.memory_space<vmem>>, vector<768x512xf32>
    %dot_general3A_96 = arith.constant dense<0.000000e+00> : vector<768x256xf32>
    %dot_general3A_97 = tpu.matmul %get3A_95, %max3A_92, %dot_general3A_96 {dimension_numbers = #tpu.dot_dimension_numbers<[1], [0], [0], [1], [0, 0, 1, 1], [], []>, transpose_lhs_hint = false} : vector<768x512xf32>, vector<512x256xf32>, vector<768x256xf32> -> vector<768x256xf32>
    %get3A_98 = arith.constant 0 : index
    %get3A_99 = arith.constant 0 : index
    %get3A_100 = vector.load %arg5[%get3A_98, %get3A_99] : memref<256x1024xf32, #tpu.memory_space<vmem>>, vector<256x1024xf32>
    %dot_general3A_101 = arith.constant dense<0.000000e+00> : vector<768x1024xf32>
    %dot_general3A_102 = tpu.matmul %dot_general3A_97, %get3A_100, %dot_general3A_101 {dimension_numbers = #tpu.dot_dimension_numbers<[1], [0], [0], [1], [0, 0, 1, 1], [], []>, transpose_lhs_hint = false} : vector<768x256xf32>, vector<256x1024xf32>, vector<768x1024xf32> -> vector<768x1024xf32>
    %get3A_103 = arith.constant 0 : index
    %get3A_104 = arith.constant 0 : index
    %get3A_105 = vector.load %arg15[%get3A_103, %get3A_104] : memref<256x1xf32, #tpu.memory_space<vmem>>, vector<256x1xf32>
    %slice3A = vector.extract_strided_slice %dot_general3A_102 {offsets = [0, 0], sizes = [256, 1024], strides = [1, 1]} : vector<768x1024xf32> to vector<256x1024xf32>
    %slice3A_106 = vector.extract_strided_slice %dot_general3A_102 {offsets = [256, 0], sizes = [256, 1024], strides = [1, 1]} : vector<768x1024xf32> to vector<256x1024xf32>
    %slice3A_107 = vector.extract_strided_slice %dot_general3A_102 {offsets = [512, 0], sizes = [256, 1024], strides = [1, 1]} : vector<768x1024xf32> to vector<256x1024xf32>
    %dot_general3A_108 = arith.constant dense<0.000000e+00> : vector<256x1024xf32>
    %dot_general3A_109 = tpu.matmul %slice3A_107, %get3A_7, %dot_general3A_108 {dimension_numbers = #tpu.dot_dimension_numbers<[1], [0], [0], [1], [0, 0, 1, 1], [], []>, transpose_lhs_hint = false} : vector<256x1024xf32>, vector<1024x1024xf32>, vector<256x1024xf32> -> vector<256x1024xf32>
    %sub3A_110 = arith.subf %slice3A, %slice3A_107 : vector<256x1024xf32>
    %mul3A_111 = arith.constant 2.000000e+00 : f32
    %mul3A_112 = vector.broadcast %mul3A_111 : f32 to vector<256x1024xf32>
    %mul3A_113 = arith.mulf %mul3A_112, %dot_general3A_109 : vector<256x1024xf32>
    %add3A_114 = arith.addf %slice3A_106, %mul3A_113 : vector<256x1024xf32>
    %dot_general3A_115 = arith.constant dense<0.000000e+00> : vector<256x1024xf32>
    %dot_general3A_116 = tpu.matmul %add3A_114, %get3A_7, %dot_general3A_115 {dimension_numbers = #tpu.dot_dimension_numbers<[1], [0], [0], [1], [0, 0, 1, 1], [], []>, transpose_lhs_hint = false} : vector<256x1024xf32>, vector<1024x1024xf32>, vector<256x1024xf32> -> vector<256x1024xf32>
    %add3A_117 = arith.addf %sub3A_110, %dot_general3A_116 : vector<256x1024xf32>
    %add3A_118 = vector.broadcast %get3A_105 : vector<256x1xf32> to vector<256x1024xf32>
    %add3A_119 = arith.addf %add3A_117, %add3A_118 : vector<256x1024xf32>
    %max3A_120 = arith.constant 0.000000e+00 : f32
    %max3A_121 = vector.broadcast %max3A_120 : f32 to vector<256x1024xf32>
    %max3A_122 = arith.maximumf %add3A_119, %max3A_121 : vector<256x1024xf32>
    %get3A_123 = arith.constant 0 : index
    %get3A_124 = arith.constant 0 : index
    %get3A_125 = vector.load %arg16[%get3A_123, %get3A_124] : memref<768x256xf32, #tpu.memory_space<vmem>>, vector<768x256xf32>
    %dot_general3A_126 = arith.constant dense<0.000000e+00> : vector<768x1024xf32>
    %dot_general3A_127 = tpu.matmul %get3A_125, %max3A_122, %dot_general3A_126 {dimension_numbers = #tpu.dot_dimension_numbers<[1], [0], [0], [1], [0, 0, 1, 1], [], []>, transpose_lhs_hint = false} : vector<768x256xf32>, vector<256x1024xf32>, vector<768x1024xf32> -> vector<768x1024xf32>
    %get3A_128 = arith.constant 0 : index
    %get3A_129 = arith.constant 0 : index
    %get3A_130 = vector.load %arg17[%get3A_128, %get3A_129] : memref<768x512xf32, #tpu.memory_space<vmem>>, vector<768x512xf32>
    %dot_general3A_131 = arith.constant dense<0.000000e+00> : vector<768x1024xf32>
    %dot_general3A_132 = tpu.matmul %get3A_130, %get3A_1, %dot_general3A_131 {dimension_numbers = #tpu.dot_dimension_numbers<[1], [0], [0], [1], [0, 0, 1, 1], [], []>, transpose_lhs_hint = false} : vector<768x512xf32>, vector<512x1024xf32>, vector<768x1024xf32> -> vector<768x1024xf32>
    %add3A_133 = arith.addf %dot_general3A_127, %dot_general3A_132 : vector<768x1024xf32>
    %get3A_134 = arith.constant 0 : index
    %get3A_135 = arith.constant 0 : index
    %get3A_136 = vector.load %arg18[%get3A_134, %get3A_135] : memref<256x1xf32, #tpu.memory_space<vmem>>, vector<256x1xf32>
    %slice3A_137 = vector.extract_strided_slice %add3A_133 {offsets = [0, 0], sizes = [256, 1024], strides = [1, 1]} : vector<768x1024xf32> to vector<256x1024xf32>
    %slice3A_138 = vector.extract_strided_slice %add3A_133 {offsets = [256, 0], sizes = [256, 1024], strides = [1, 1]} : vector<768x1024xf32> to vector<256x1024xf32>
    %slice3A_139 = vector.extract_strided_slice %add3A_133 {offsets = [512, 0], sizes = [256, 1024], strides = [1, 1]} : vector<768x1024xf32> to vector<256x1024xf32>
    %dot_general3A_140 = arith.constant dense<0.000000e+00> : vector<256x1024xf32>
    %dot_general3A_141 = tpu.matmul %slice3A_139, %get3A_7, %dot_general3A_140 {dimension_numbers = #tpu.dot_dimension_numbers<[1], [0], [0], [1], [0, 0, 1, 1], [], []>, transpose_lhs_hint = false} : vector<256x1024xf32>, vector<1024x1024xf32>, vector<256x1024xf32> -> vector<256x1024xf32>
    %sub3A_142 = arith.subf %slice3A_137, %slice3A_139 : vector<256x1024xf32>
    %mul3A_143 = arith.constant 2.000000e+00 : f32
    %mul3A_144 = vector.broadcast %mul3A_143 : f32 to vector<256x1024xf32>
    %mul3A_145 = arith.mulf %mul3A_144, %dot_general3A_141 : vector<256x1024xf32>
    %add3A_146 = arith.addf %slice3A_138, %mul3A_145 : vector<256x1024xf32>
    %dot_general3A_147 = arith.constant dense<0.000000e+00> : vector<256x1024xf32>
    %dot_general3A_148 = tpu.matmul %add3A_146, %get3A_7, %dot_general3A_147 {dimension_numbers = #tpu.dot_dimension_numbers<[1], [0], [0], [1], [0, 0, 1, 1], [], []>, transpose_lhs_hint = false} : vector<256x1024xf32>, vector<1024x1024xf32>, vector<256x1024xf32> -> vector<256x1024xf32>
    %add3A_149 = arith.addf %sub3A_142, %dot_general3A_148 : vector<256x1024xf32>
    %add3A_150 = vector.broadcast %get3A_136 : vector<256x1xf32> to vector<256x1024xf32>
    %add3A_151 = arith.addf %add3A_149, %add3A_150 : vector<256x1024xf32>
    %max3A_152 = arith.constant 0.000000e+00 : f32
    %max3A_153 = vector.broadcast %max3A_152 : f32 to vector<256x1024xf32>
    %max3A_154 = arith.maximumf %add3A_151, %max3A_153 : vector<256x1024xf32>
    %swap3A = arith.constant 0 : index
    %swap3A_155 = arith.constant 0 : index
    %swap3A_156 = vector.load %arg19[%swap3A, %swap3A_155] : memref<256x1024xf32, #tpu.memory_space<vmem>>, vector<256x1024xf32>
    tpu.vector_store %arg19[%swap3A, %swap3A_155], %max3A_154 {strides = array<i32>} : memref<256x1024xf32, #tpu.memory_space<vmem>>, vector<256x1024xf32>,
    return
  }
  func.func @transform_0(%arg0: i32) -> (i32, i32) {
    %c0_i32 = arith.constant 0 : i32
    %c0_i32_0 = arith.constant 0 : i32
    %c0_i32_1 = arith.constant 0 : i32
    return %c0_i32, %c0_i32_0 : i32, i32
  }
  func.func @transform_1(%arg0: i32) -> (i32, i32) {
    %c0_i32 = arith.constant 0 : i32
    %c0_i32_0 = arith.constant 0 : i32
    %c0_i32_1 = arith.constant 0 : i32
    return %c0_i32, %c0_i32_0 : i32, i32
  }
  func.func @transform_2(%arg0: i32) -> (i32, i32) {
    %c0_i32 = arith.constant 0 : i32
    %c0_i32_0 = arith.constant 0 : i32
    %c0_i32_1 = arith.constant 0 : i32
    return %c0_i32, %c0_i32_0 : i32, i32
  }
  func.func @transform_3(%arg0: i32) -> (i32, i32) {
    %c0_i32 = arith.constant 0 : i32
    %c0_i32_0 = arith.constant 0 : i32
    %c0_i32_1 = arith.constant 0 : i32
    return %c0_i32, %c0_i32_0 : i32, i32
  }
  func.func @transform_4(%arg0: i32) -> (i32, i32) {
    %c0_i32 = arith.constant 0 : i32
    %c0_i32_0 = arith.constant 0 : i32
    %c0_i32_1 = arith.constant 0 : i32
    return %c0_i32, %c0_i32_0 : i32, i32
  }
  func.func @transform_5(%arg0: i32) -> (i32, i32) {
    %c0_i32 = arith.constant 0 : i32
    %c0_i32_0 = arith.constant 0 : i32
    %c0_i32_1 = arith.constant 0 : i32
    return %c0_i32, %c0_i32_0 : i32, i32
  }
  func.func @transform_6(%arg0: i32) -> (i32, i32) {
    %c0_i32 = arith.constant 0 : i32
    %c0_i32_0 = arith.constant 0 : i32
    %c0_i32_1 = arith.constant 0 : i32
    return %c0_i32, %c0_i32_0 : i32, i32
  }
  func.func @transform_7(%arg0: i32) -> (i32, i32) {
    %c0_i32 = arith.constant 0 : i32
    %c0_i32_0 = arith.constant 0 : i32
    %c0_i32_1 = arith.constant 0 : i32
    return %c0_i32, %c0_i32_0 : i32, i32
  }
  func.func @transform_8(%arg0: i32) -> (i32, i32) {
    %c0_i32 = arith.constant 0 : i32
    %c0_i32_0 = arith.constant 0 : i32
    %c0_i32_1 = arith.constant 0 : i32
    return %c0_i32, %c0_i32_0 : i32, i32
  }
  func.func @transform_9(%arg0: i32) -> (i32, i32) {
    %c0_i32 = arith.constant 0 : i32
    %c0_i32_0 = arith.constant 0 : i32
    %c0_i32_1 = arith.constant 0 : i32
    return %c0_i32, %c0_i32_0 : i32, i32
  }
  func.func @transform_10(%arg0: i32) -> (i32, i32) {
    %c0_i32 = arith.constant 0 : i32
    %c0_i32_0 = arith.constant 0 : i32
    %c0_i32_1 = arith.constant 0 : i32
    return %c0_i32, %c0_i32_0 : i32, i32
  }
  func.func @transform_11(%arg0: i32) -> (i32, i32) {
    %c0_i32 = arith.constant 0 : i32
    %c0_i32_0 = arith.constant 0 : i32
    %c0_i32_1 = arith.constant 0 : i32
    return %c0_i32, %c0_i32_0 : i32, i32
  }
  func.func @transform_12(%arg0: i32) -> (i32, i32) {
    %c0_i32 = arith.constant 0 : i32
    %c0_i32_0 = arith.constant 0 : i32
    %c0_i32_1 = arith.constant 0 : i32
    return %c0_i32, %c0_i32_0 : i32, i32
  }
  func.func @transform_13(%arg0: i32) -> (i32, i32) {
    %c0_i32 = arith.constant 0 : i32
    %c0_i32_0 = arith.constant 0 : i32
    %c0_i32_1 = arith.constant 0 : i32
    return %c0_i32, %c0_i32_0 : i32, i32
  }
  func.func @transform_14(%arg0: i32) -> (i32, i32) {
    %c0_i32 = arith.constant 0 : i32
    %c0_i32_0 = arith.constant 0 : i32
    %c0_i32_1 = arith.constant 0 : i32
    return %c0_i32, %c0_i32_0 : i32, i32
  }
  func.func @transform_15(%arg0: i32) -> (i32, i32) {
    %c0_i32 = arith.constant 0 : i32
    %c0_i32_0 = arith.constant 0 : i32
    %c0_i32_1 = arith.constant 0 : i32
    return %c0_i32, %c0_i32_0 : i32, i32
  }
  func.func @transform_16(%arg0: i32) -> (i32, i32) {
    %c0_i32 = arith.constant 0 : i32
    %c0_i32_0 = arith.constant 0 : i32
    %c0_i32_1 = arith.constant 0 : i32
    return %c0_i32, %c0_i32_0 : i32, i32
  }
  func.func @transform_17(%arg0: i32) -> (i32, i32) {
    %c0_i32 = arith.constant 0 : i32
    %c0_i32_0 = arith.constant 0 : i32
    %c0_i32_1 = arith.constant 0 : i32
    return %c0_i32, %c0_i32_0 : i32, i32
  }
  func.func @transform_18(%arg0: i32) -> (i32, i32) {
    %c0_i32 = arith.constant 0 : i32
    %c0_i32_0 = arith.constant 0 : i32
    %c0_i32_1 = arith.constant 0 : i32
    return %c0_i32, %c0_i32_0 : i32, i32
  }
}

module attributes {stable_mosaic.version = 14 : i64} {
  func.func @_dec_pair_body(%arg0: i32, %arg1: memref<32x256x32xf32, #tpu.memory_space<vmem>>, %arg2: memref<128x128xf32, #tpu.memory_space<vmem>>, %arg3: memref<32x128xf32, #tpu.memory_space<vmem>>, %arg4: memref<32x256x128xf32, #tpu.memory_space<vmem>>, %arg5: memref<384x256xf32, #tpu.memory_space<vmem>>, %arg6: memref<128x1xf32, #tpu.memory_space<vmem>>, %arg7: memref<384x128xf32, #tpu.memory_space<vmem>>, %arg8: memref<384x256xf32, #tpu.memory_space<vmem>>, %arg9: memref<128x1xf32, #tpu.memory_space<vmem>>, %arg10: memref<32x128x128xf32, #tpu.memory_space<vmem>>) attributes {dimension_semantics = [#tpu.dimension_semantics<arbitrary>], iteration_bounds = array<i64: 1>, scalar_prefetch = 0 : i64, scratch_operands = 0 : i64, tpu.core_type = #tpu.core_type<tc>, window_params = [{transform_indices = @transform_0, window_bounds = array<i64: 32, 256, 32>}, {pipeline_mode = #tpu.pipeline_mode<synchronous>, transform_indices = @transform_1, window_bounds = array<i64: 128, 128>}, {pipeline_mode = #tpu.pipeline_mode<synchronous>, transform_indices = @transform_2, window_bounds = array<i64: 32, 128>}, {transform_indices = @transform_3, window_bounds = array<i64: 32, 256, 128>}, {pipeline_mode = #tpu.pipeline_mode<synchronous>, transform_indices = @transform_4, window_bounds = array<i64: 384, 256>}, {pipeline_mode = #tpu.pipeline_mode<synchronous>, transform_indices = @transform_5, window_bounds = array<i64: 128, 1>}, {pipeline_mode = #tpu.pipeline_mode<synchronous>, transform_indices = @transform_6, window_bounds = array<i64: 384, 128>}, {pipeline_mode = #tpu.pipeline_mode<synchronous>, transform_indices = @transform_7, window_bounds = array<i64: 384, 256>}, {pipeline_mode = #tpu.pipeline_mode<synchronous>, transform_indices = @transform_8, window_bounds = array<i64: 128, 1>}, {transform_indices = @transform_9, window_bounds = array<i64: 32, 128, 128>}]} {
    %get3A = arith.constant 0 : index
    %get3A_0 = arith.constant 0 : index
    %get3A_1 = arith.constant 0 : index
    %get3A_2 = vector.load %arg1[%get3A, %get3A_0, %get3A_1] : memref<32x256x32xf32, #tpu.memory_space<vmem>>, vector<32x256x32xf32>
    %get3A_3 = arith.constant 0 : index
    %get3A_4 = arith.constant 0 : index
    %get3A_5 = vector.load %arg5[%get3A_3, %get3A_4] : memref<384x256xf32, #tpu.memory_space<vmem>>, vector<384x256xf32>
    %get3A_6 = arith.constant 0 : index
    %get3A_7 = arith.constant 0 : index
    %get3A_8 = vector.load %arg6[%get3A_6, %get3A_7] : memref<128x1xf32, #tpu.memory_space<vmem>>, vector<128x1xf32>
    %get3A_9 = arith.constant 0 : index
    %get3A_10 = arith.constant 0 : index
    %get3A_11 = vector.load %arg3[%get3A_9, %get3A_10] : memref<32x128xf32, #tpu.memory_space<vmem>>, vector<32x128xf32>
    %slice3A = vector.extract_strided_slice %get3A_2 {offsets = [0, 0, 0], sizes = [1, 256, 32], strides = [1, 1, 1]} : vector<32x256x32xf32> to vector<1x256x32xf32>
    %squeeze3A = vector.shape_cast %slice3A : vector<1x256x32xf32> to vector<256x32xf32>
    %dot_general3A = arith.constant dense<0.000000e+00> : vector<384x32xf32>
    %dot_general3A_12 = tpu.matmul %get3A_5, %squeeze3A, %dot_general3A {dimension_numbers = #tpu.dot_dimension_numbers<[1], [0], [0], [1], [0, 0, 1, 1], [], []>, transpose_lhs_hint = false} : vector<384x256xf32>, vector<256x32xf32>, vector<384x32xf32> -> vector<384x32xf32>
    %slice3A_13 = vector.extract_strided_slice %get3A_2 {offsets = [1, 0, 0], sizes = [1, 256, 32], strides = [1, 1, 1]} : vector<32x256x32xf32> to vector<1x256x32xf32>
    %squeeze3A_14 = vector.shape_cast %slice3A_13 : vector<1x256x32xf32> to vector<256x32xf32>
    %dot_general3A_15 = arith.constant dense<0.000000e+00> : vector<384x32xf32>
    %dot_general3A_16 = tpu.matmul %get3A_5, %squeeze3A_14, %dot_general3A_15 {dimension_numbers = #tpu.dot_dimension_numbers<[1], [0], [0], [1], [0, 0, 1, 1], [], []>, transpose_lhs_hint = false} : vector<384x256xf32>, vector<256x32xf32>, vector<384x32xf32> -> vector<384x32xf32>
    %slice3A_17 = vector.extract_strided_slice %get3A_2 {offsets = [2, 0, 0], sizes = [1, 256, 32], strides = [1, 1, 1]} : vector<32x256x32xf32> to vector<1x256x32xf32>
    %squeeze3A_18 = vector.shape_cast %slice3A_17 : vector<1x256x32xf32> to vector<256x32xf32>
    %dot_general3A_19 = arith.constant dense<0.000000e+00> : vector<384x32xf32>
    %dot_general3A_20 = tpu.matmul %get3A_5, %squeeze3A_18, %dot_general3A_19 {dimension_numbers = #tpu.dot_dimension_numbers<[1], [0], [0], [1], [0, 0, 1, 1], [], []>, transpose_lhs_hint = false} : vector<384x256xf32>, vector<256x32xf32>, vector<384x32xf32> -> vector<384x32xf32>
    %slice3A_21 = vector.extract_strided_slice %get3A_2 {offsets = [3, 0, 0], sizes = [1, 256, 32], strides = [1, 1, 1]} : vector<32x256x32xf32> to vector<1x256x32xf32>
    %squeeze3A_22 = vector.shape_cast %slice3A_21 : vector<1x256x32xf32> to vector<256x32xf32>
    %dot_general3A_23 = arith.constant dense<0.000000e+00> : vector<384x32xf32>
    %dot_general3A_24 = tpu.matmul %get3A_5, %squeeze3A_22, %dot_general3A_23 {dimension_numbers = #tpu.dot_dimension_numbers<[1], [0], [0], [1], [0, 0, 1, 1], [], []>, transpose_lhs_hint = false} : vector<384x256xf32>, vector<256x32xf32>, vector<384x32xf32> -> vector<384x32xf32>
    %slice3A_25 = vector.extract_strided_slice %get3A_2 {offsets = [4, 0, 0], sizes = [1, 256, 32], strides = [1, 1, 1]} : vector<32x256x32xf32> to vector<1x256x32xf32>
    %squeeze3A_26 = vector.shape_cast %slice3A_25 : vector<1x256x32xf32> to vector<256x32xf32>
    %dot_general3A_27 = arith.constant dense<0.000000e+00> : vector<384x32xf32>
    %dot_general3A_28 = tpu.matmul %get3A_5, %squeeze3A_26, %dot_general3A_27 {dimension_numbers = #tpu.dot_dimension_numbers<[1], [0], [0], [1], [0, 0, 1, 1], [], []>, transpose_lhs_hint = false} : vector<384x256xf32>, vector<256x32xf32>, vector<384x32xf32> -> vector<384x32xf32>
    %slice3A_29 = vector.extract_strided_slice %get3A_2 {offsets = [5, 0, 0], sizes = [1, 256, 32], strides = [1, 1, 1]} : vector<32x256x32xf32> to vector<1x256x32xf32>
    %squeeze3A_30 = vector.shape_cast %slice3A_29 : vector<1x256x32xf32> to vector<256x32xf32>
    %dot_general3A_31 = arith.constant dense<0.000000e+00> : vector<384x32xf32>
    %dot_general3A_32 = tpu.matmul %get3A_5, %squeeze3A_30, %dot_general3A_31 {dimension_numbers = #tpu.dot_dimension_numbers<[1], [0], [0], [1], [0, 0, 1, 1], [], []>, transpose_lhs_hint = false} : vector<384x256xf32>, vector<256x32xf32>, vector<384x32xf32> -> vector<384x32xf32>
    %slice3A_33 = vector.extract_strided_slice %get3A_2 {offsets = [6, 0, 0], sizes = [1, 256, 32], strides = [1, 1, 1]} : vector<32x256x32xf32> to vector<1x256x32xf32>
    %squeeze3A_34 = vector.shape_cast %slice3A_33 : vector<1x256x32xf32> to vector<256x32xf32>
    %dot_general3A_35 = arith.constant dense<0.000000e+00> : vector<384x32xf32>
    %dot_general3A_36 = tpu.matmul %get3A_5, %squeeze3A_34, %dot_general3A_35 {dimension_numbers = #tpu.dot_dimension_numbers<[1], [0], [0], [1], [0, 0, 1, 1], [], []>, transpose_lhs_hint = false} : vector<384x256xf32>, vector<256x32xf32>, vector<384x32xf32> -> vector<384x32xf32>
    %slice3A_37 = vector.extract_strided_slice %get3A_2 {offsets = [7, 0, 0], sizes = [1, 256, 32], strides = [1, 1, 1]} : vector<32x256x32xf32> to vector<1x256x32xf32>
    %squeeze3A_38 = vector.shape_cast %slice3A_37 : vector<1x256x32xf32> to vector<256x32xf32>
    %dot_general3A_39 = arith.constant dense<0.000000e+00> : vector<384x32xf32>
    %dot_general3A_40 = tpu.matmul %get3A_5, %squeeze3A_38, %dot_general3A_39 {dimension_numbers = #tpu.dot_dimension_numbers<[1], [0], [0], [1], [0, 0, 1, 1], [], []>, transpose_lhs_hint = false} : vector<384x256xf32>, vector<256x32xf32>, vector<384x32xf32> -> vector<384x32xf32>
    %slice3A_41 = vector.extract_strided_slice %get3A_2 {offsets = [8, 0, 0], sizes = [1, 256, 32], strides = [1, 1, 1]} : vector<32x256x32xf32> to vector<1x256x32xf32>
    %squeeze3A_42 = vector.shape_cast %slice3A_41 : vector<1x256x32xf32> to vector<256x32xf32>
    %dot_general3A_43 = arith.constant dense<0.000000e+00> : vector<384x32xf32>
    %dot_general3A_44 = tpu.matmul %get3A_5, %squeeze3A_42, %dot_general3A_43 {dimension_numbers = #tpu.dot_dimension_numbers<[1], [0], [0], [1], [0, 0, 1, 1], [], []>, transpose_lhs_hint = false} : vector<384x256xf32>, vector<256x32xf32>, vector<384x32xf32> -> vector<384x32xf32>
    %slice3A_45 = vector.extract_strided_slice %get3A_2 {offsets = [9, 0, 0], sizes = [1, 256, 32], strides = [1, 1, 1]} : vector<32x256x32xf32> to vector<1x256x32xf32>
    %squeeze3A_46 = vector.shape_cast %slice3A_45 : vector<1x256x32xf32> to vector<256x32xf32>
    %dot_general3A_47 = arith.constant dense<0.000000e+00> : vector<384x32xf32>
    %dot_general3A_48 = tpu.matmul %get3A_5, %squeeze3A_46, %dot_general3A_47 {dimension_numbers = #tpu.dot_dimension_numbers<[1], [0], [0], [1], [0, 0, 1, 1], [], []>, transpose_lhs_hint = false} : vector<384x256xf32>, vector<256x32xf32>, vector<384x32xf32> -> vector<384x32xf32>
    %slice3A_49 = vector.extract_strided_slice %get3A_2 {offsets = [10, 0, 0], sizes = [1, 256, 32], strides = [1, 1, 1]} : vector<32x256x32xf32> to vector<1x256x32xf32>
    %squeeze3A_50 = vector.shape_cast %slice3A_49 : vector<1x256x32xf32> to vector<256x32xf32>
    %dot_general3A_51 = arith.constant dense<0.000000e+00> : vector<384x32xf32>
    %dot_general3A_52 = tpu.matmul %get3A_5, %squeeze3A_50, %dot_general3A_51 {dimension_numbers = #tpu.dot_dimension_numbers<[1], [0], [0], [1], [0, 0, 1, 1], [], []>, transpose_lhs_hint = false} : vector<384x256xf32>, vector<256x32xf32>, vector<384x32xf32> -> vector<384x32xf32>
    %slice3A_53 = vector.extract_strided_slice %get3A_2 {offsets = [11, 0, 0], sizes = [1, 256, 32], strides = [1, 1, 1]} : vector<32x256x32xf32> to vector<1x256x32xf32>
    %squeeze3A_54 = vector.shape_cast %slice3A_53 : vector<1x256x32xf32> to vector<256x32xf32>
    %dot_general3A_55 = arith.constant dense<0.000000e+00> : vector<384x32xf32>
    %dot_general3A_56 = tpu.matmul %get3A_5, %squeeze3A_54, %dot_general3A_55 {dimension_numbers = #tpu.dot_dimension_numbers<[1], [0], [0], [1], [0, 0, 1, 1], [], []>, transpose_lhs_hint = false} : vector<384x256xf32>, vector<256x32xf32>, vector<384x32xf32> -> vector<384x32xf32>
    %slice3A_57 = vector.extract_strided_slice %get3A_2 {offsets = [12, 0, 0], sizes = [1, 256, 32], strides = [1, 1, 1]} : vector<32x256x32xf32> to vector<1x256x32xf32>
    %squeeze3A_58 = vector.shape_cast %slice3A_57 : vector<1x256x32xf32> to vector<256x32xf32>
    %dot_general3A_59 = arith.constant dense<0.000000e+00> : vector<384x32xf32>
    %dot_general3A_60 = tpu.matmul %get3A_5, %squeeze3A_58, %dot_general3A_59 {dimension_numbers = #tpu.dot_dimension_numbers<[1], [0], [0], [1], [0, 0, 1, 1], [], []>, transpose_lhs_hint = false} : vector<384x256xf32>, vector<256x32xf32>, vector<384x32xf32> -> vector<384x32xf32>
    %slice3A_61 = vector.extract_strided_slice %get3A_2 {offsets = [13, 0, 0], sizes = [1, 256, 32], strides = [1, 1, 1]} : vector<32x256x32xf32> to vector<1x256x32xf32>
    %squeeze3A_62 = vector.shape_cast %slice3A_61 : vector<1x256x32xf32> to vector<256x32xf32>
    %dot_general3A_63 = arith.constant dense<0.000000e+00> : vector<384x32xf32>
    %dot_general3A_64 = tpu.matmul %get3A_5, %squeeze3A_62, %dot_general3A_63 {dimension_numbers = #tpu.dot_dimension_numbers<[1], [0], [0], [1], [0, 0, 1, 1], [], []>, transpose_lhs_hint = false} : vector<384x256xf32>, vector<256x32xf32>, vector<384x32xf32> -> vector<384x32xf32>
    %slice3A_65 = vector.extract_strided_slice %get3A_2 {offsets = [14, 0, 0], sizes = [1, 256, 32], strides = [1, 1, 1]} : vector<32x256x32xf32> to vector<1x256x32xf32>
    %squeeze3A_66 = vector.shape_cast %slice3A_65 : vector<1x256x32xf32> to vector<256x32xf32>
    %dot_general3A_67 = arith.constant dense<0.000000e+00> : vector<384x32xf32>
    %dot_general3A_68 = tpu.matmul %get3A_5, %squeeze3A_66, %dot_general3A_67 {dimension_numbers = #tpu.dot_dimension_numbers<[1], [0], [0], [1], [0, 0, 1, 1], [], []>, transpose_lhs_hint = false} : vector<384x256xf32>, vector<256x32xf32>, vector<384x32xf32> -> vector<384x32xf32>
    %slice3A_69 = vector.extract_strided_slice %get3A_2 {offsets = [15, 0, 0], sizes = [1, 256, 32], strides = [1, 1, 1]} : vector<32x256x32xf32> to vector<1x256x32xf32>
    %squeeze3A_70 = vector.shape_cast %slice3A_69 : vector<1x256x32xf32> to vector<256x32xf32>
    %dot_general3A_71 = arith.constant dense<0.000000e+00> : vector<384x32xf32>
    %dot_general3A_72 = tpu.matmul %get3A_5, %squeeze3A_70, %dot_general3A_71 {dimension_numbers = #tpu.dot_dimension_numbers<[1], [0], [0], [1], [0, 0, 1, 1], [], []>, transpose_lhs_hint = false} : vector<384x256xf32>, vector<256x32xf32>, vector<384x32xf32> -> vector<384x32xf32>
    %slice3A_73 = vector.extract_strided_slice %get3A_2 {offsets = [16, 0, 0], sizes = [1, 256, 32], strides = [1, 1, 1]} : vector<32x256x32xf32> to vector<1x256x32xf32>
    %squeeze3A_74 = vector.shape_cast %slice3A_73 : vector<1x256x32xf32> to vector<256x32xf32>
    %dot_general3A_75 = arith.constant dense<0.000000e+00> : vector<384x32xf32>
    %dot_general3A_76 = tpu.matmul %get3A_5, %squeeze3A_74, %dot_general3A_75 {dimension_numbers = #tpu.dot_dimension_numbers<[1], [0], [0], [1], [0, 0, 1, 1], [], []>, transpose_lhs_hint = false} : vector<384x256xf32>, vector<256x32xf32>, vector<384x32xf32> -> vector<384x32xf32>
    %slice3A_77 = vector.extract_strided_slice %get3A_2 {offsets = [17, 0, 0], sizes = [1, 256, 32], strides = [1, 1, 1]} : vector<32x256x32xf32> to vector<1x256x32xf32>
    %squeeze3A_78 = vector.shape_cast %slice3A_77 : vector<1x256x32xf32> to vector<256x32xf32>
    %dot_general3A_79 = arith.constant dense<0.000000e+00> : vector<384x32xf32>
    %dot_general3A_80 = tpu.matmul %get3A_5, %squeeze3A_78, %dot_general3A_79 {dimension_numbers = #tpu.dot_dimension_numbers<[1], [0], [0], [1], [0, 0, 1, 1], [], []>, transpose_lhs_hint = false} : vector<384x256xf32>, vector<256x32xf32>, vector<384x32xf32> -> vector<384x32xf32>
    %slice3A_81 = vector.extract_strided_slice %get3A_2 {offsets = [18, 0, 0], sizes = [1, 256, 32], strides = [1, 1, 1]} : vector<32x256x32xf32> to vector<1x256x32xf32>
    %squeeze3A_82 = vector.shape_cast %slice3A_81 : vector<1x256x32xf32> to vector<256x32xf32>
    %dot_general3A_83 = arith.constant dense<0.000000e+00> : vector<384x32xf32>
    %dot_general3A_84 = tpu.matmul %get3A_5, %squeeze3A_82, %dot_general3A_83 {dimension_numbers = #tpu.dot_dimension_numbers<[1], [0], [0], [1], [0, 0, 1, 1], [], []>, transpose_lhs_hint = false} : vector<384x256xf32>, vector<256x32xf32>, vector<384x32xf32> -> vector<384x32xf32>
    %slice3A_85 = vector.extract_strided_slice %get3A_2 {offsets = [19, 0, 0], sizes = [1, 256, 32], strides = [1, 1, 1]} : vector<32x256x32xf32> to vector<1x256x32xf32>
    %squeeze3A_86 = vector.shape_cast %slice3A_85 : vector<1x256x32xf32> to vector<256x32xf32>
    %dot_general3A_87 = arith.constant dense<0.000000e+00> : vector<384x32xf32>
    %dot_general3A_88 = tpu.matmul %get3A_5, %squeeze3A_86, %dot_general3A_87 {dimension_numbers = #tpu.dot_dimension_numbers<[1], [0], [0], [1], [0, 0, 1, 1], [], []>, transpose_lhs_hint = false} : vector<384x256xf32>, vector<256x32xf32>, vector<384x32xf32> -> vector<384x32xf32>
    %slice3A_89 = vector.extract_strided_slice %get3A_2 {offsets = [20, 0, 0], sizes = [1, 256, 32], strides = [1, 1, 1]} : vector<32x256x32xf32> to vector<1x256x32xf32>
    %squeeze3A_90 = vector.shape_cast %slice3A_89 : vector<1x256x32xf32> to vector<256x32xf32>
    %dot_general3A_91 = arith.constant dense<0.000000e+00> : vector<384x32xf32>
    %dot_general3A_92 = tpu.matmul %get3A_5, %squeeze3A_90, %dot_general3A_91 {dimension_numbers = #tpu.dot_dimension_numbers<[1], [0], [0], [1], [0, 0, 1, 1], [], []>, transpose_lhs_hint = false} : vector<384x256xf32>, vector<256x32xf32>, vector<384x32xf32> -> vector<384x32xf32>
    %slice3A_93 = vector.extract_strided_slice %get3A_2 {offsets = [21, 0, 0], sizes = [1, 256, 32], strides = [1, 1, 1]} : vector<32x256x32xf32> to vector<1x256x32xf32>
    %squeeze3A_94 = vector.shape_cast %slice3A_93 : vector<1x256x32xf32> to vector<256x32xf32>
    %dot_general3A_95 = arith.constant dense<0.000000e+00> : vector<384x32xf32>
    %dot_general3A_96 = tpu.matmul %get3A_5, %squeeze3A_94, %dot_general3A_95 {dimension_numbers = #tpu.dot_dimension_numbers<[1], [0], [0], [1], [0, 0, 1, 1], [], []>, transpose_lhs_hint = false} : vector<384x256xf32>, vector<256x32xf32>, vector<384x32xf32> -> vector<384x32xf32>
    %slice3A_97 = vector.extract_strided_slice %get3A_2 {offsets = [22, 0, 0], sizes = [1, 256, 32], strides = [1, 1, 1]} : vector<32x256x32xf32> to vector<1x256x32xf32>
    %squeeze3A_98 = vector.shape_cast %slice3A_97 : vector<1x256x32xf32> to vector<256x32xf32>
    %dot_general3A_99 = arith.constant dense<0.000000e+00> : vector<384x32xf32>
    %dot_general3A_100 = tpu.matmul %get3A_5, %squeeze3A_98, %dot_general3A_99 {dimension_numbers = #tpu.dot_dimension_numbers<[1], [0], [0], [1], [0, 0, 1, 1], [], []>, transpose_lhs_hint = false} : vector<384x256xf32>, vector<256x32xf32>, vector<384x32xf32> -> vector<384x32xf32>
    %slice3A_101 = vector.extract_strided_slice %get3A_2 {offsets = [23, 0, 0], sizes = [1, 256, 32], strides = [1, 1, 1]} : vector<32x256x32xf32> to vector<1x256x32xf32>
    %squeeze3A_102 = vector.shape_cast %slice3A_101 : vector<1x256x32xf32> to vector<256x32xf32>
    %dot_general3A_103 = arith.constant dense<0.000000e+00> : vector<384x32xf32>
    %dot_general3A_104 = tpu.matmul %get3A_5, %squeeze3A_102, %dot_general3A_103 {dimension_numbers = #tpu.dot_dimension_numbers<[1], [0], [0], [1], [0, 0, 1, 1], [], []>, transpose_lhs_hint = false} : vector<384x256xf32>, vector<256x32xf32>, vector<384x32xf32> -> vector<384x32xf32>
    %slice3A_105 = vector.extract_strided_slice %get3A_2 {offsets = [24, 0, 0], sizes = [1, 256, 32], strides = [1, 1, 1]} : vector<32x256x32xf32> to vector<1x256x32xf32>
    %squeeze3A_106 = vector.shape_cast %slice3A_105 : vector<1x256x32xf32> to vector<256x32xf32>
    %dot_general3A_107 = arith.constant dense<0.000000e+00> : vector<384x32xf32>
    %dot_general3A_108 = tpu.matmul %get3A_5, %squeeze3A_106, %dot_general3A_107 {dimension_numbers = #tpu.dot_dimension_numbers<[1], [0], [0], [1], [0, 0, 1, 1], [], []>, transpose_lhs_hint = false} : vector<384x256xf32>, vector<256x32xf32>, vector<384x32xf32> -> vector<384x32xf32>
    %slice3A_109 = vector.extract_strided_slice %get3A_2 {offsets = [25, 0, 0], sizes = [1, 256, 32], strides = [1, 1, 1]} : vector<32x256x32xf32> to vector<1x256x32xf32>
    %squeeze3A_110 = vector.shape_cast %slice3A_109 : vector<1x256x32xf32> to vector<256x32xf32>
    %dot_general3A_111 = arith.constant dense<0.000000e+00> : vector<384x32xf32>
    %dot_general3A_112 = tpu.matmul %get3A_5, %squeeze3A_110, %dot_general3A_111 {dimension_numbers = #tpu.dot_dimension_numbers<[1], [0], [0], [1], [0, 0, 1, 1], [], []>, transpose_lhs_hint = false} : vector<384x256xf32>, vector<256x32xf32>, vector<384x32xf32> -> vector<384x32xf32>
    %slice3A_113 = vector.extract_strided_slice %get3A_2 {offsets = [26, 0, 0], sizes = [1, 256, 32], strides = [1, 1, 1]} : vector<32x256x32xf32> to vector<1x256x32xf32>
    %squeeze3A_114 = vector.shape_cast %slice3A_113 : vector<1x256x32xf32> to vector<256x32xf32>
    %dot_general3A_115 = arith.constant dense<0.000000e+00> : vector<384x32xf32>
    %dot_general3A_116 = tpu.matmul %get3A_5, %squeeze3A_114, %dot_general3A_115 {dimension_numbers = #tpu.dot_dimension_numbers<[1], [0], [0], [1], [0, 0, 1, 1], [], []>, transpose_lhs_hint = false} : vector<384x256xf32>, vector<256x32xf32>, vector<384x32xf32> -> vector<384x32xf32>
    %slice3A_117 = vector.extract_strided_slice %get3A_2 {offsets = [27, 0, 0], sizes = [1, 256, 32], strides = [1, 1, 1]} : vector<32x256x32xf32> to vector<1x256x32xf32>
    %squeeze3A_118 = vector.shape_cast %slice3A_117 : vector<1x256x32xf32> to vector<256x32xf32>
    %dot_general3A_119 = arith.constant dense<0.000000e+00> : vector<384x32xf32>
    %dot_general3A_120 = tpu.matmul %get3A_5, %squeeze3A_118, %dot_general3A_119 {dimension_numbers = #tpu.dot_dimension_numbers<[1], [0], [0], [1], [0, 0, 1, 1], [], []>, transpose_lhs_hint = false} : vector<384x256xf32>, vector<256x32xf32>, vector<384x32xf32> -> vector<384x32xf32>
    %slice3A_121 = vector.extract_strided_slice %get3A_2 {offsets = [28, 0, 0], sizes = [1, 256, 32], strides = [1, 1, 1]} : vector<32x256x32xf32> to vector<1x256x32xf32>
    %squeeze3A_122 = vector.shape_cast %slice3A_121 : vector<1x256x32xf32> to vector<256x32xf32>
    %dot_general3A_123 = arith.constant dense<0.000000e+00> : vector<384x32xf32>
    %dot_general3A_124 = tpu.matmul %get3A_5, %squeeze3A_122, %dot_general3A_123 {dimension_numbers = #tpu.dot_dimension_numbers<[1], [0], [0], [1], [0, 0, 1, 1], [], []>, transpose_lhs_hint = false} : vector<384x256xf32>, vector<256x32xf32>, vector<384x32xf32> -> vector<384x32xf32>
    %slice3A_125 = vector.extract_strided_slice %get3A_2 {offsets = [29, 0, 0], sizes = [1, 256, 32], strides = [1, 1, 1]} : vector<32x256x32xf32> to vector<1x256x32xf32>
    %squeeze3A_126 = vector.shape_cast %slice3A_125 : vector<1x256x32xf32> to vector<256x32xf32>
    %dot_general3A_127 = arith.constant dense<0.000000e+00> : vector<384x32xf32>
    %dot_general3A_128 = tpu.matmul %get3A_5, %squeeze3A_126, %dot_general3A_127 {dimension_numbers = #tpu.dot_dimension_numbers<[1], [0], [0], [1], [0, 0, 1, 1], [], []>, transpose_lhs_hint = false} : vector<384x256xf32>, vector<256x32xf32>, vector<384x32xf32> -> vector<384x32xf32>
    %slice3A_129 = vector.extract_strided_slice %get3A_2 {offsets = [30, 0, 0], sizes = [1, 256, 32], strides = [1, 1, 1]} : vector<32x256x32xf32> to vector<1x256x32xf32>
    %squeeze3A_130 = vector.shape_cast %slice3A_129 : vector<1x256x32xf32> to vector<256x32xf32>
    %dot_general3A_131 = arith.constant dense<0.000000e+00> : vector<384x32xf32>
    %dot_general3A_132 = tpu.matmul %get3A_5, %squeeze3A_130, %dot_general3A_131 {dimension_numbers = #tpu.dot_dimension_numbers<[1], [0], [0], [1], [0, 0, 1, 1], [], []>, transpose_lhs_hint = false} : vector<384x256xf32>, vector<256x32xf32>, vector<384x32xf32> -> vector<384x32xf32>
    %slice3A_133 = vector.extract_strided_slice %get3A_2 {offsets = [31, 0, 0], sizes = [1, 256, 32], strides = [1, 1, 1]} : vector<32x256x32xf32> to vector<1x256x32xf32>
    %squeeze3A_134 = vector.shape_cast %slice3A_133 : vector<1x256x32xf32> to vector<256x32xf32>
    %dot_general3A_135 = arith.constant dense<0.000000e+00> : vector<384x32xf32>
    %dot_general3A_136 = tpu.matmul %get3A_5, %squeeze3A_134, %dot_general3A_135 {dimension_numbers = #tpu.dot_dimension_numbers<[1], [0], [0], [1], [0, 0, 1, 1], [], []>, transpose_lhs_hint = false} : vector<384x256xf32>, vector<256x32xf32>, vector<384x32xf32> -> vector<384x32xf32>
    %concatenate3A = tpu.concatenate %dot_general3A_12, %dot_general3A_16, %dot_general3A_20, %dot_general3A_24, %dot_general3A_28, %dot_general3A_32, %dot_general3A_36, %dot_general3A_40, %dot_general3A_44, %dot_general3A_48, %dot_general3A_52, %dot_general3A_56, %dot_general3A_60, %dot_general3A_64, %dot_general3A_68, %dot_general3A_72, %dot_general3A_76, %dot_general3A_80, %dot_general3A_84, %dot_general3A_88, %dot_general3A_92, %dot_general3A_96, %dot_general3A_100, %dot_general3A_104, %dot_general3A_108, %dot_general3A_112, %dot_general3A_116, %dot_general3A_120, %dot_general3A_124, %dot_general3A_128, %dot_general3A_132, %dot_general3A_136 in 0 : vector<384x32xf32>, vector<384x32xf32>, vector<384x32xf32>, vector<384x32xf32>, vector<384x32xf32>, vector<384x32xf32>, vector<384x32xf32>, vector<384x32xf32>, vector<384x32xf32>, vector<384x32xf32>, vector<384x32xf32>, vector<384x32xf32>, vector<384x32xf32>, vector<384x32xf32>, vector<384x32xf32>, vector<384x32xf32>, vector<384x32xf32>, vector<384x32xf32>, vector<384x32xf32>, vector<384x32xf32>, vector<384x32xf32>, vector<384x32xf32>, vector<384x32xf32>, vector<384x32xf32>, vector<384x32xf32>, vector<384x32xf32>, vector<384x32xf32>, vector<384x32xf32>, vector<384x32xf32>, vector<384x32xf32>, vector<384x32xf32>, vector<384x32xf32> -> vector<12288x32xf32>
    %dot_general3A_137 = arith.constant dense<0.000000e+00> : vector<12288x128xf32>
    %dot_general3A_138 = tpu.matmul %concatenate3A, %get3A_11, %dot_general3A_137 {dimension_numbers = #tpu.dot_dimension_numbers<[1], [0], [0], [1], [0, 0, 1, 1], [], []>, transpose_lhs_hint = false} : vector<12288x32xf32>, vector<32x128xf32>, vector<12288x128xf32> -> vector<12288x128xf32>
    %reshape3A = vector.shape_cast %dot_general3A_138 : vector<12288x128xf32> to vector<32x384x128xf32>
    %slice3A_139 = vector.extract_strided_slice %reshape3A {offsets = [0, 0, 0], sizes = [32, 128, 128], strides = [1, 1, 1]} : vector<32x384x128xf32> to vector<32x128x128xf32>
    %reshape3A_140 = vector.shape_cast %slice3A_139 : vector<32x128x128xf32> to vector<4096x128xf32>
    %slice3A_141 = vector.extract_strided_slice %reshape3A {offsets = [0, 128, 0], sizes = [32, 128, 128], strides = [1, 1, 1]} : vector<32x384x128xf32> to vector<32x128x128xf32>
    %reshape3A_142 = vector.shape_cast %slice3A_141 : vector<32x128x128xf32> to vector<4096x128xf32>
    %slice3A_143 = vector.extract_strided_slice %reshape3A {offsets = [0, 256, 0], sizes = [32, 128, 128], strides = [1, 1, 1]} : vector<32x384x128xf32> to vector<32x128x128xf32>
    %reshape3A_144 = vector.shape_cast %slice3A_143 : vector<32x128x128xf32> to vector<4096x128xf32>
    %get3A_145 = arith.constant 0 : index
    %get3A_146 = arith.constant 0 : index
    %get3A_147 = vector.load %arg2[%get3A_145, %get3A_146] : memref<128x128xf32, #tpu.memory_space<vmem>>, vector<128x128xf32>
    %dot_general3A_148 = arith.constant dense<0.000000e+00> : vector<4096x128xf32>
    %dot_general3A_149 = tpu.matmul %reshape3A_144, %get3A_147, %dot_general3A_148 {dimension_numbers = #tpu.dot_dimension_numbers<[1], [0], [0], [1], [0, 0, 1, 1], [], []>, transpose_lhs_hint = false} : vector<4096x128xf32>, vector<128x128xf32>, vector<4096x128xf32> -> vector<4096x128xf32>
    %sub3A = arith.subf %reshape3A_140, %reshape3A_144 : vector<4096x128xf32>
    %mul3A = arith.constant 2.000000e+00 : f32
    %mul3A_150 = vector.broadcast %mul3A : f32 to vector<4096x128xf32>
    %mul3A_151 = arith.mulf %mul3A_150, %dot_general3A_149 : vector<4096x128xf32>
    %add3A = arith.addf %reshape3A_142, %mul3A_151 : vector<4096x128xf32>
    %get3A_152 = arith.constant 0 : index
    %get3A_153 = arith.constant 0 : index
    %get3A_154 = vector.load %arg2[%get3A_152, %get3A_153] : memref<128x128xf32, #tpu.memory_space<vmem>>, vector<128x128xf32>
    %dot_general3A_155 = arith.constant dense<0.000000e+00> : vector<4096x128xf32>
    %dot_general3A_156 = tpu.matmul %add3A, %get3A_154, %dot_general3A_155 {dimension_numbers = #tpu.dot_dimension_numbers<[1], [0], [0], [1], [0, 0, 1, 1], [], []>, transpose_lhs_hint = false} : vector<4096x128xf32>, vector<128x128xf32>, vector<4096x128xf32> -> vector<4096x128xf32>
    %add3A_157 = arith.addf %sub3A, %dot_general3A_156 : vector<4096x128xf32>
    %reshape3A_158 = vector.shape_cast %add3A_157 : vector<4096x128xf32> to vector<32x128x128xf32>
    %broadcast_in_dim3A = vector.shape_cast %get3A_8 : vector<128x1xf32> to vector<1x128x1xf32>
    %add3A_159 = vector.broadcast %broadcast_in_dim3A : vector<1x128x1xf32> to vector<32x128x128xf32>
    %add3A_160 = arith.addf %reshape3A_158, %add3A_159 : vector<32x128x128xf32>
    %max3A = arith.constant 0.000000e+00 : f32
    %max3A_161 = vector.broadcast %max3A : f32 to vector<32x128x128xf32>
    %max3A_162 = arith.maximumf %add3A_160, %max3A_161 : vector<32x128x128xf32>
    %get3A_163 = arith.constant 0 : index
    %get3A_164 = arith.constant 0 : index
    %get3A_165 = vector.load %arg7[%get3A_163, %get3A_164] : memref<384x128xf32, #tpu.memory_space<vmem>>, vector<384x128xf32>
    %get3A_166 = arith.constant 0 : index
    %get3A_167 = arith.constant 0 : index
    %get3A_168 = vector.load %arg9[%get3A_166, %get3A_167] : memref<128x1xf32, #tpu.memory_space<vmem>>, vector<128x1xf32>
    %get3A_169 = arith.constant 0 : index
    %get3A_170 = arith.constant 0 : index
    %get3A_171 = arith.constant 0 : index
    %get3A_172 = vector.load %arg4[%get3A_169, %get3A_170, %get3A_171] : memref<32x256x128xf32, #tpu.memory_space<vmem>>, vector<32x256x128xf32>
    %get3A_173 = arith.constant 0 : index
    %get3A_174 = arith.constant 0 : index
    %get3A_175 = vector.load %arg8[%get3A_173, %get3A_174] : memref<384x256xf32, #tpu.memory_space<vmem>>, vector<384x256xf32>
    %slice3A_176 = vector.extract_strided_slice %max3A_162 {offsets = [0, 0, 0], sizes = [1, 128, 128], strides = [1, 1, 1]} : vector<32x128x128xf32> to vector<1x128x128xf32>
    %squeeze3A_177 = vector.shape_cast %slice3A_176 : vector<1x128x128xf32> to vector<128x128xf32>
    %dot_general3A_178 = arith.constant dense<0.000000e+00> : vector<384x128xf32>
    %dot_general3A_179 = tpu.matmul %get3A_165, %squeeze3A_177, %dot_general3A_178 {dimension_numbers = #tpu.dot_dimension_numbers<[1], [0], [0], [1], [0, 0, 1, 1], [], []>, transpose_lhs_hint = false} : vector<384x128xf32>, vector<128x128xf32>, vector<384x128xf32> -> vector<384x128xf32>
    %slice3A_180 = vector.extract_strided_slice %get3A_172 {offsets = [0, 0, 0], sizes = [1, 256, 128], strides = [1, 1, 1]} : vector<32x256x128xf32> to vector<1x256x128xf32>
    %squeeze3A_181 = vector.shape_cast %slice3A_180 : vector<1x256x128xf32> to vector<256x128xf32>
    %dot_general3A_182 = arith.constant dense<0.000000e+00> : vector<384x128xf32>
    %dot_general3A_183 = tpu.matmul %get3A_175, %squeeze3A_181, %dot_general3A_182 {dimension_numbers = #tpu.dot_dimension_numbers<[1], [0], [0], [1], [0, 0, 1, 1], [], []>, transpose_lhs_hint = false} : vector<384x256xf32>, vector<256x128xf32>, vector<384x128xf32> -> vector<384x128xf32>
    %add3A_184 = arith.addf %dot_general3A_179, %dot_general3A_183 : vector<384x128xf32>
    %slice3A_185 = vector.extract_strided_slice %max3A_162 {offsets = [1, 0, 0], sizes = [1, 128, 128], strides = [1, 1, 1]} : vector<32x128x128xf32> to vector<1x128x128xf32>
    %squeeze3A_186 = vector.shape_cast %slice3A_185 : vector<1x128x128xf32> to vector<128x128xf32>
    %dot_general3A_187 = arith.constant dense<0.000000e+00> : vector<384x128xf32>
    %dot_general3A_188 = tpu.matmul %get3A_165, %squeeze3A_186, %dot_general3A_187 {dimension_numbers = #tpu.dot_dimension_numbers<[1], [0], [0], [1], [0, 0, 1, 1], [], []>, transpose_lhs_hint = false} : vector<384x128xf32>, vector<128x128xf32>, vector<384x128xf32> -> vector<384x128xf32>
    %slice3A_189 = vector.extract_strided_slice %get3A_172 {offsets = [1, 0, 0], sizes = [1, 256, 128], strides = [1, 1, 1]} : vector<32x256x128xf32> to vector<1x256x128xf32>
    %squeeze3A_190 = vector.shape_cast %slice3A_189 : vector<1x256x128xf32> to vector<256x128xf32>
    %dot_general3A_191 = arith.constant dense<0.000000e+00> : vector<384x128xf32>
    %dot_general3A_192 = tpu.matmul %get3A_175, %squeeze3A_190, %dot_general3A_191 {dimension_numbers = #tpu.dot_dimension_numbers<[1], [0], [0], [1], [0, 0, 1, 1], [], []>, transpose_lhs_hint = false} : vector<384x256xf32>, vector<256x128xf32>, vector<384x128xf32> -> vector<384x128xf32>
    %add3A_193 = arith.addf %dot_general3A_188, %dot_general3A_192 : vector<384x128xf32>
    %slice3A_194 = vector.extract_strided_slice %max3A_162 {offsets = [2, 0, 0], sizes = [1, 128, 128], strides = [1, 1, 1]} : vector<32x128x128xf32> to vector<1x128x128xf32>
    %squeeze3A_195 = vector.shape_cast %slice3A_194 : vector<1x128x128xf32> to vector<128x128xf32>
    %dot_general3A_196 = arith.constant dense<0.000000e+00> : vector<384x128xf32>
    %dot_general3A_197 = tpu.matmul %get3A_165, %squeeze3A_195, %dot_general3A_196 {dimension_numbers = #tpu.dot_dimension_numbers<[1], [0], [0], [1], [0, 0, 1, 1], [], []>, transpose_lhs_hint = false} : vector<384x128xf32>, vector<128x128xf32>, vector<384x128xf32> -> vector<384x128xf32>
    %slice3A_198 = vector.extract_strided_slice %get3A_172 {offsets = [2, 0, 0], sizes = [1, 256, 128], strides = [1, 1, 1]} : vector<32x256x128xf32> to vector<1x256x128xf32>
    %squeeze3A_199 = vector.shape_cast %slice3A_198 : vector<1x256x128xf32> to vector<256x128xf32>
    %dot_general3A_200 = arith.constant dense<0.000000e+00> : vector<384x128xf32>
    %dot_general3A_201 = tpu.matmul %get3A_175, %squeeze3A_199, %dot_general3A_200 {dimension_numbers = #tpu.dot_dimension_numbers<[1], [0], [0], [1], [0, 0, 1, 1], [], []>, transpose_lhs_hint = false} : vector<384x256xf32>, vector<256x128xf32>, vector<384x128xf32> -> vector<384x128xf32>
    %add3A_202 = arith.addf %dot_general3A_197, %dot_general3A_201 : vector<384x128xf32>
    %slice3A_203 = vector.extract_strided_slice %max3A_162 {offsets = [3, 0, 0], sizes = [1, 128, 128], strides = [1, 1, 1]} : vector<32x128x128xf32> to vector<1x128x128xf32>
    %squeeze3A_204 = vector.shape_cast %slice3A_203 : vector<1x128x128xf32> to vector<128x128xf32>
    %dot_general3A_205 = arith.constant dense<0.000000e+00> : vector<384x128xf32>
    %dot_general3A_206 = tpu.matmul %get3A_165, %squeeze3A_204, %dot_general3A_205 {dimension_numbers = #tpu.dot_dimension_numbers<[1], [0], [0], [1], [0, 0, 1, 1], [], []>, transpose_lhs_hint = false} : vector<384x128xf32>, vector<128x128xf32>, vector<384x128xf32> -> vector<384x128xf32>
    %slice3A_207 = vector.extract_strided_slice %get3A_172 {offsets = [3, 0, 0], sizes = [1, 256, 128], strides = [1, 1, 1]} : vector<32x256x128xf32> to vector<1x256x128xf32>
    %squeeze3A_208 = vector.shape_cast %slice3A_207 : vector<1x256x128xf32> to vector<256x128xf32>
    %dot_general3A_209 = arith.constant dense<0.000000e+00> : vector<384x128xf32>
    %dot_general3A_210 = tpu.matmul %get3A_175, %squeeze3A_208, %dot_general3A_209 {dimension_numbers = #tpu.dot_dimension_numbers<[1], [0], [0], [1], [0, 0, 1, 1], [], []>, transpose_lhs_hint = false} : vector<384x256xf32>, vector<256x128xf32>, vector<384x128xf32> -> vector<384x128xf32>
    %add3A_211 = arith.addf %dot_general3A_206, %dot_general3A_210 : vector<384x128xf32>
    %slice3A_212 = vector.extract_strided_slice %max3A_162 {offsets = [4, 0, 0], sizes = [1, 128, 128], strides = [1, 1, 1]} : vector<32x128x128xf32> to vector<1x128x128xf32>
    %squeeze3A_213 = vector.shape_cast %slice3A_212 : vector<1x128x128xf32> to vector<128x128xf32>
    %dot_general3A_214 = arith.constant dense<0.000000e+00> : vector<384x128xf32>
    %dot_general3A_215 = tpu.matmul %get3A_165, %squeeze3A_213, %dot_general3A_214 {dimension_numbers = #tpu.dot_dimension_numbers<[1], [0], [0], [1], [0, 0, 1, 1], [], []>, transpose_lhs_hint = false} : vector<384x128xf32>, vector<128x128xf32>, vector<384x128xf32> -> vector<384x128xf32>
    %slice3A_216 = vector.extract_strided_slice %get3A_172 {offsets = [4, 0, 0], sizes = [1, 256, 128], strides = [1, 1, 1]} : vector<32x256x128xf32> to vector<1x256x128xf32>
    %squeeze3A_217 = vector.shape_cast %slice3A_216 : vector<1x256x128xf32> to vector<256x128xf32>
    %dot_general3A_218 = arith.constant dense<0.000000e+00> : vector<384x128xf32>
    %dot_general3A_219 = tpu.matmul %get3A_175, %squeeze3A_217, %dot_general3A_218 {dimension_numbers = #tpu.dot_dimension_numbers<[1], [0], [0], [1], [0, 0, 1, 1], [], []>, transpose_lhs_hint = false} : vector<384x256xf32>, vector<256x128xf32>, vector<384x128xf32> -> vector<384x128xf32>
    %add3A_220 = arith.addf %dot_general3A_215, %dot_general3A_219 : vector<384x128xf32>
    %slice3A_221 = vector.extract_strided_slice %max3A_162 {offsets = [5, 0, 0], sizes = [1, 128, 128], strides = [1, 1, 1]} : vector<32x128x128xf32> to vector<1x128x128xf32>
    %squeeze3A_222 = vector.shape_cast %slice3A_221 : vector<1x128x128xf32> to vector<128x128xf32>
    %dot_general3A_223 = arith.constant dense<0.000000e+00> : vector<384x128xf32>
    %dot_general3A_224 = tpu.matmul %get3A_165, %squeeze3A_222, %dot_general3A_223 {dimension_numbers = #tpu.dot_dimension_numbers<[1], [0], [0], [1], [0, 0, 1, 1], [], []>, transpose_lhs_hint = false} : vector<384x128xf32>, vector<128x128xf32>, vector<384x128xf32> -> vector<384x128xf32>
    %slice3A_225 = vector.extract_strided_slice %get3A_172 {offsets = [5, 0, 0], sizes = [1, 256, 128], strides = [1, 1, 1]} : vector<32x256x128xf32> to vector<1x256x128xf32>
    %squeeze3A_226 = vector.shape_cast %slice3A_225 : vector<1x256x128xf32> to vector<256x128xf32>
    %dot_general3A_227 = arith.constant dense<0.000000e+00> : vector<384x128xf32>
    %dot_general3A_228 = tpu.matmul %get3A_175, %squeeze3A_226, %dot_general3A_227 {dimension_numbers = #tpu.dot_dimension_numbers<[1], [0], [0], [1], [0, 0, 1, 1], [], []>, transpose_lhs_hint = false} : vector<384x256xf32>, vector<256x128xf32>, vector<384x128xf32> -> vector<384x128xf32>
    %add3A_229 = arith.addf %dot_general3A_224, %dot_general3A_228 : vector<384x128xf32>
    %slice3A_230 = vector.extract_strided_slice %max3A_162 {offsets = [6, 0, 0], sizes = [1, 128, 128], strides = [1, 1, 1]} : vector<32x128x128xf32> to vector<1x128x128xf32>
    %squeeze3A_231 = vector.shape_cast %slice3A_230 : vector<1x128x128xf32> to vector<128x128xf32>
    %dot_general3A_232 = arith.constant dense<0.000000e+00> : vector<384x128xf32>
    %dot_general3A_233 = tpu.matmul %get3A_165, %squeeze3A_231, %dot_general3A_232 {dimension_numbers = #tpu.dot_dimension_numbers<[1], [0], [0], [1], [0, 0, 1, 1], [], []>, transpose_lhs_hint = false} : vector<384x128xf32>, vector<128x128xf32>, vector<384x128xf32> -> vector<384x128xf32>
    %slice3A_234 = vector.extract_strided_slice %get3A_172 {offsets = [6, 0, 0], sizes = [1, 256, 128], strides = [1, 1, 1]} : vector<32x256x128xf32> to vector<1x256x128xf32>
    %squeeze3A_235 = vector.shape_cast %slice3A_234 : vector<1x256x128xf32> to vector<256x128xf32>
    %dot_general3A_236 = arith.constant dense<0.000000e+00> : vector<384x128xf32>
    %dot_general3A_237 = tpu.matmul %get3A_175, %squeeze3A_235, %dot_general3A_236 {dimension_numbers = #tpu.dot_dimension_numbers<[1], [0], [0], [1], [0, 0, 1, 1], [], []>, transpose_lhs_hint = false} : vector<384x256xf32>, vector<256x128xf32>, vector<384x128xf32> -> vector<384x128xf32>
    %add3A_238 = arith.addf %dot_general3A_233, %dot_general3A_237 : vector<384x128xf32>
    %slice3A_239 = vector.extract_strided_slice %max3A_162 {offsets = [7, 0, 0], sizes = [1, 128, 128], strides = [1, 1, 1]} : vector<32x128x128xf32> to vector<1x128x128xf32>
    %squeeze3A_240 = vector.shape_cast %slice3A_239 : vector<1x128x128xf32> to vector<128x128xf32>
    %dot_general3A_241 = arith.constant dense<0.000000e+00> : vector<384x128xf32>
    %dot_general3A_242 = tpu.matmul %get3A_165, %squeeze3A_240, %dot_general3A_241 {dimension_numbers = #tpu.dot_dimension_numbers<[1], [0], [0], [1], [0, 0, 1, 1], [], []>, transpose_lhs_hint = false} : vector<384x128xf32>, vector<128x128xf32>, vector<384x128xf32> -> vector<384x128xf32>
    %slice3A_243 = vector.extract_strided_slice %get3A_172 {offsets = [7, 0, 0], sizes = [1, 256, 128], strides = [1, 1, 1]} : vector<32x256x128xf32> to vector<1x256x128xf32>
    %squeeze3A_244 = vector.shape_cast %slice3A_243 : vector<1x256x128xf32> to vector<256x128xf32>
    %dot_general3A_245 = arith.constant dense<0.000000e+00> : vector<384x128xf32>
    %dot_general3A_246 = tpu.matmul %get3A_175, %squeeze3A_244, %dot_general3A_245 {dimension_numbers = #tpu.dot_dimension_numbers<[1], [0], [0], [1], [0, 0, 1, 1], [], []>, transpose_lhs_hint = false} : vector<384x256xf32>, vector<256x128xf32>, vector<384x128xf32> -> vector<384x128xf32>
    %add3A_247 = arith.addf %dot_general3A_242, %dot_general3A_246 : vector<384x128xf32>
    %slice3A_248 = vector.extract_strided_slice %max3A_162 {offsets = [8, 0, 0], sizes = [1, 128, 128], strides = [1, 1, 1]} : vector<32x128x128xf32> to vector<1x128x128xf32>
    %squeeze3A_249 = vector.shape_cast %slice3A_248 : vector<1x128x128xf32> to vector<128x128xf32>
    %dot_general3A_250 = arith.constant dense<0.000000e+00> : vector<384x128xf32>
    %dot_general3A_251 = tpu.matmul %get3A_165, %squeeze3A_249, %dot_general3A_250 {dimension_numbers = #tpu.dot_dimension_numbers<[1], [0], [0], [1], [0, 0, 1, 1], [], []>, transpose_lhs_hint = false} : vector<384x128xf32>, vector<128x128xf32>, vector<384x128xf32> -> vector<384x128xf32>
    %slice3A_252 = vector.extract_strided_slice %get3A_172 {offsets = [8, 0, 0], sizes = [1, 256, 128], strides = [1, 1, 1]} : vector<32x256x128xf32> to vector<1x256x128xf32>
    %squeeze3A_253 = vector.shape_cast %slice3A_252 : vector<1x256x128xf32> to vector<256x128xf32>
    %dot_general3A_254 = arith.constant dense<0.000000e+00> : vector<384x128xf32>
    %dot_general3A_255 = tpu.matmul %get3A_175, %squeeze3A_253, %dot_general3A_254 {dimension_numbers = #tpu.dot_dimension_numbers<[1], [0], [0], [1], [0, 0, 1, 1], [], []>, transpose_lhs_hint = false} : vector<384x256xf32>, vector<256x128xf32>, vector<384x128xf32> -> vector<384x128xf32>
    %add3A_256 = arith.addf %dot_general3A_251, %dot_general3A_255 : vector<384x128xf32>
    %slice3A_257 = vector.extract_strided_slice %max3A_162 {offsets = [9, 0, 0], sizes = [1, 128, 128], strides = [1, 1, 1]} : vector<32x128x128xf32> to vector<1x128x128xf32>
    %squeeze3A_258 = vector.shape_cast %slice3A_257 : vector<1x128x128xf32> to vector<128x128xf32>
    %dot_general3A_259 = arith.constant dense<0.000000e+00> : vector<384x128xf32>
    %dot_general3A_260 = tpu.matmul %get3A_165, %squeeze3A_258, %dot_general3A_259 {dimension_numbers = #tpu.dot_dimension_numbers<[1], [0], [0], [1], [0, 0, 1, 1], [], []>, transpose_lhs_hint = false} : vector<384x128xf32>, vector<128x128xf32>, vector<384x128xf32> -> vector<384x128xf32>
    %slice3A_261 = vector.extract_strided_slice %get3A_172 {offsets = [9, 0, 0], sizes = [1, 256, 128], strides = [1, 1, 1]} : vector<32x256x128xf32> to vector<1x256x128xf32>
    %squeeze3A_262 = vector.shape_cast %slice3A_261 : vector<1x256x128xf32> to vector<256x128xf32>
    %dot_general3A_263 = arith.constant dense<0.000000e+00> : vector<384x128xf32>
    %dot_general3A_264 = tpu.matmul %get3A_175, %squeeze3A_262, %dot_general3A_263 {dimension_numbers = #tpu.dot_dimension_numbers<[1], [0], [0], [1], [0, 0, 1, 1], [], []>, transpose_lhs_hint = false} : vector<384x256xf32>, vector<256x128xf32>, vector<384x128xf32> -> vector<384x128xf32>
    %add3A_265 = arith.addf %dot_general3A_260, %dot_general3A_264 : vector<384x128xf32>
    %slice3A_266 = vector.extract_strided_slice %max3A_162 {offsets = [10, 0, 0], sizes = [1, 128, 128], strides = [1, 1, 1]} : vector<32x128x128xf32> to vector<1x128x128xf32>
    %squeeze3A_267 = vector.shape_cast %slice3A_266 : vector<1x128x128xf32> to vector<128x128xf32>
    %dot_general3A_268 = arith.constant dense<0.000000e+00> : vector<384x128xf32>
    %dot_general3A_269 = tpu.matmul %get3A_165, %squeeze3A_267, %dot_general3A_268 {dimension_numbers = #tpu.dot_dimension_numbers<[1], [0], [0], [1], [0, 0, 1, 1], [], []>, transpose_lhs_hint = false} : vector<384x128xf32>, vector<128x128xf32>, vector<384x128xf32> -> vector<384x128xf32>
    %slice3A_270 = vector.extract_strided_slice %get3A_172 {offsets = [10, 0, 0], sizes = [1, 256, 128], strides = [1, 1, 1]} : vector<32x256x128xf32> to vector<1x256x128xf32>
    %squeeze3A_271 = vector.shape_cast %slice3A_270 : vector<1x256x128xf32> to vector<256x128xf32>
    %dot_general3A_272 = arith.constant dense<0.000000e+00> : vector<384x128xf32>
    %dot_general3A_273 = tpu.matmul %get3A_175, %squeeze3A_271, %dot_general3A_272 {dimension_numbers = #tpu.dot_dimension_numbers<[1], [0], [0], [1], [0, 0, 1, 1], [], []>, transpose_lhs_hint = false} : vector<384x256xf32>, vector<256x128xf32>, vector<384x128xf32> -> vector<384x128xf32>
    %add3A_274 = arith.addf %dot_general3A_269, %dot_general3A_273 : vector<384x128xf32>
    %slice3A_275 = vector.extract_strided_slice %max3A_162 {offsets = [11, 0, 0], sizes = [1, 128, 128], strides = [1, 1, 1]} : vector<32x128x128xf32> to vector<1x128x128xf32>
    %squeeze3A_276 = vector.shape_cast %slice3A_275 : vector<1x128x128xf32> to vector<128x128xf32>
    %dot_general3A_277 = arith.constant dense<0.000000e+00> : vector<384x128xf32>
    %dot_general3A_278 = tpu.matmul %get3A_165, %squeeze3A_276, %dot_general3A_277 {dimension_numbers = #tpu.dot_dimension_numbers<[1], [0], [0], [1], [0, 0, 1, 1], [], []>, transpose_lhs_hint = false} : vector<384x128xf32>, vector<128x128xf32>, vector<384x128xf32> -> vector<384x128xf32>
    %slice3A_279 = vector.extract_strided_slice %get3A_172 {offsets = [11, 0, 0], sizes = [1, 256, 128], strides = [1, 1, 1]} : vector<32x256x128xf32> to vector<1x256x128xf32>
    %squeeze3A_280 = vector.shape_cast %slice3A_279 : vector<1x256x128xf32> to vector<256x128xf32>
    %dot_general3A_281 = arith.constant dense<0.000000e+00> : vector<384x128xf32>
    %dot_general3A_282 = tpu.matmul %get3A_175, %squeeze3A_280, %dot_general3A_281 {dimension_numbers = #tpu.dot_dimension_numbers<[1], [0], [0], [1], [0, 0, 1, 1], [], []>, transpose_lhs_hint = false} : vector<384x256xf32>, vector<256x128xf32>, vector<384x128xf32> -> vector<384x128xf32>
    %add3A_283 = arith.addf %dot_general3A_278, %dot_general3A_282 : vector<384x128xf32>
    %slice3A_284 = vector.extract_strided_slice %max3A_162 {offsets = [12, 0, 0], sizes = [1, 128, 128], strides = [1, 1, 1]} : vector<32x128x128xf32> to vector<1x128x128xf32>
    %squeeze3A_285 = vector.shape_cast %slice3A_284 : vector<1x128x128xf32> to vector<128x128xf32>
    %dot_general3A_286 = arith.constant dense<0.000000e+00> : vector<384x128xf32>
    %dot_general3A_287 = tpu.matmul %get3A_165, %squeeze3A_285, %dot_general3A_286 {dimension_numbers = #tpu.dot_dimension_numbers<[1], [0], [0], [1], [0, 0, 1, 1], [], []>, transpose_lhs_hint = false} : vector<384x128xf32>, vector<128x128xf32>, vector<384x128xf32> -> vector<384x128xf32>
    %slice3A_288 = vector.extract_strided_slice %get3A_172 {offsets = [12, 0, 0], sizes = [1, 256, 128], strides = [1, 1, 1]} : vector<32x256x128xf32> to vector<1x256x128xf32>
    %squeeze3A_289 = vector.shape_cast %slice3A_288 : vector<1x256x128xf32> to vector<256x128xf32>
    %dot_general3A_290 = arith.constant dense<0.000000e+00> : vector<384x128xf32>
    %dot_general3A_291 = tpu.matmul %get3A_175, %squeeze3A_289, %dot_general3A_290 {dimension_numbers = #tpu.dot_dimension_numbers<[1], [0], [0], [1], [0, 0, 1, 1], [], []>, transpose_lhs_hint = false} : vector<384x256xf32>, vector<256x128xf32>, vector<384x128xf32> -> vector<384x128xf32>
    %add3A_292 = arith.addf %dot_general3A_287, %dot_general3A_291 : vector<384x128xf32>
    %slice3A_293 = vector.extract_strided_slice %max3A_162 {offsets = [13, 0, 0], sizes = [1, 128, 128], strides = [1, 1, 1]} : vector<32x128x128xf32> to vector<1x128x128xf32>
    %squeeze3A_294 = vector.shape_cast %slice3A_293 : vector<1x128x128xf32> to vector<128x128xf32>
    %dot_general3A_295 = arith.constant dense<0.000000e+00> : vector<384x128xf32>
    %dot_general3A_296 = tpu.matmul %get3A_165, %squeeze3A_294, %dot_general3A_295 {dimension_numbers = #tpu.dot_dimension_numbers<[1], [0], [0], [1], [0, 0, 1, 1], [], []>, transpose_lhs_hint = false} : vector<384x128xf32>, vector<128x128xf32>, vector<384x128xf32> -> vector<384x128xf32>
    %slice3A_297 = vector.extract_strided_slice %get3A_172 {offsets = [13, 0, 0], sizes = [1, 256, 128], strides = [1, 1, 1]} : vector<32x256x128xf32> to vector<1x256x128xf32>
    %squeeze3A_298 = vector.shape_cast %slice3A_297 : vector<1x256x128xf32> to vector<256x128xf32>
    %dot_general3A_299 = arith.constant dense<0.000000e+00> : vector<384x128xf32>
    %dot_general3A_300 = tpu.matmul %get3A_175, %squeeze3A_298, %dot_general3A_299 {dimension_numbers = #tpu.dot_dimension_numbers<[1], [0], [0], [1], [0, 0, 1, 1], [], []>, transpose_lhs_hint = false} : vector<384x256xf32>, vector<256x128xf32>, vector<384x128xf32> -> vector<384x128xf32>
    %add3A_301 = arith.addf %dot_general3A_296, %dot_general3A_300 : vector<384x128xf32>
    %slice3A_302 = vector.extract_strided_slice %max3A_162 {offsets = [14, 0, 0], sizes = [1, 128, 128], strides = [1, 1, 1]} : vector<32x128x128xf32> to vector<1x128x128xf32>
    %squeeze3A_303 = vector.shape_cast %slice3A_302 : vector<1x128x128xf32> to vector<128x128xf32>
    %dot_general3A_304 = arith.constant dense<0.000000e+00> : vector<384x128xf32>
    %dot_general3A_305 = tpu.matmul %get3A_165, %squeeze3A_303, %dot_general3A_304 {dimension_numbers = #tpu.dot_dimension_numbers<[1], [0], [0], [1], [0, 0, 1, 1], [], []>, transpose_lhs_hint = false} : vector<384x128xf32>, vector<128x128xf32>, vector<384x128xf32> -> vector<384x128xf32>
    %slice3A_306 = vector.extract_strided_slice %get3A_172 {offsets = [14, 0, 0], sizes = [1, 256, 128], strides = [1, 1, 1]} : vector<32x256x128xf32> to vector<1x256x128xf32>
    %squeeze3A_307 = vector.shape_cast %slice3A_306 : vector<1x256x128xf32> to vector<256x128xf32>
    %dot_general3A_308 = arith.constant dense<0.000000e+00> : vector<384x128xf32>
    %dot_general3A_309 = tpu.matmul %get3A_175, %squeeze3A_307, %dot_general3A_308 {dimension_numbers = #tpu.dot_dimension_numbers<[1], [0], [0], [1], [0, 0, 1, 1], [], []>, transpose_lhs_hint = false} : vector<384x256xf32>, vector<256x128xf32>, vector<384x128xf32> -> vector<384x128xf32>
    %add3A_310 = arith.addf %dot_general3A_305, %dot_general3A_309 : vector<384x128xf32>
    %slice3A_311 = vector.extract_strided_slice %max3A_162 {offsets = [15, 0, 0], sizes = [1, 128, 128], strides = [1, 1, 1]} : vector<32x128x128xf32> to vector<1x128x128xf32>
    %squeeze3A_312 = vector.shape_cast %slice3A_311 : vector<1x128x128xf32> to vector<128x128xf32>
    %dot_general3A_313 = arith.constant dense<0.000000e+00> : vector<384x128xf32>
    %dot_general3A_314 = tpu.matmul %get3A_165, %squeeze3A_312, %dot_general3A_313 {dimension_numbers = #tpu.dot_dimension_numbers<[1], [0], [0], [1], [0, 0, 1, 1], [], []>, transpose_lhs_hint = false} : vector<384x128xf32>, vector<128x128xf32>, vector<384x128xf32> -> vector<384x128xf32>
    %slice3A_315 = vector.extract_strided_slice %get3A_172 {offsets = [15, 0, 0], sizes = [1, 256, 128], strides = [1, 1, 1]} : vector<32x256x128xf32> to vector<1x256x128xf32>
    %squeeze3A_316 = vector.shape_cast %slice3A_315 : vector<1x256x128xf32> to vector<256x128xf32>
    %dot_general3A_317 = arith.constant dense<0.000000e+00> : vector<384x128xf32>
    %dot_general3A_318 = tpu.matmul %get3A_175, %squeeze3A_316, %dot_general3A_317 {dimension_numbers = #tpu.dot_dimension_numbers<[1], [0], [0], [1], [0, 0, 1, 1], [], []>, transpose_lhs_hint = false} : vector<384x256xf32>, vector<256x128xf32>, vector<384x128xf32> -> vector<384x128xf32>
    %add3A_319 = arith.addf %dot_general3A_314, %dot_general3A_318 : vector<384x128xf32>
    %slice3A_320 = vector.extract_strided_slice %max3A_162 {offsets = [16, 0, 0], sizes = [1, 128, 128], strides = [1, 1, 1]} : vector<32x128x128xf32> to vector<1x128x128xf32>
    %squeeze3A_321 = vector.shape_cast %slice3A_320 : vector<1x128x128xf32> to vector<128x128xf32>
    %dot_general3A_322 = arith.constant dense<0.000000e+00> : vector<384x128xf32>
    %dot_general3A_323 = tpu.matmul %get3A_165, %squeeze3A_321, %dot_general3A_322 {dimension_numbers = #tpu.dot_dimension_numbers<[1], [0], [0], [1], [0, 0, 1, 1], [], []>, transpose_lhs_hint = false} : vector<384x128xf32>, vector<128x128xf32>, vector<384x128xf32> -> vector<384x128xf32>
    %slice3A_324 = vector.extract_strided_slice %get3A_172 {offsets = [16, 0, 0], sizes = [1, 256, 128], strides = [1, 1, 1]} : vector<32x256x128xf32> to vector<1x256x128xf32>
    %squeeze3A_325 = vector.shape_cast %slice3A_324 : vector<1x256x128xf32> to vector<256x128xf32>
    %dot_general3A_326 = arith.constant dense<0.000000e+00> : vector<384x128xf32>
    %dot_general3A_327 = tpu.matmul %get3A_175, %squeeze3A_325, %dot_general3A_326 {dimension_numbers = #tpu.dot_dimension_numbers<[1], [0], [0], [1], [0, 0, 1, 1], [], []>, transpose_lhs_hint = false} : vector<384x256xf32>, vector<256x128xf32>, vector<384x128xf32> -> vector<384x128xf32>
    %add3A_328 = arith.addf %dot_general3A_323, %dot_general3A_327 : vector<384x128xf32>
    %slice3A_329 = vector.extract_strided_slice %max3A_162 {offsets = [17, 0, 0], sizes = [1, 128, 128], strides = [1, 1, 1]} : vector<32x128x128xf32> to vector<1x128x128xf32>
    %squeeze3A_330 = vector.shape_cast %slice3A_329 : vector<1x128x128xf32> to vector<128x128xf32>
    %dot_general3A_331 = arith.constant dense<0.000000e+00> : vector<384x128xf32>
    %dot_general3A_332 = tpu.matmul %get3A_165, %squeeze3A_330, %dot_general3A_331 {dimension_numbers = #tpu.dot_dimension_numbers<[1], [0], [0], [1], [0, 0, 1, 1], [], []>, transpose_lhs_hint = false} : vector<384x128xf32>, vector<128x128xf32>, vector<384x128xf32> -> vector<384x128xf32>
    %slice3A_333 = vector.extract_strided_slice %get3A_172 {offsets = [17, 0, 0], sizes = [1, 256, 128], strides = [1, 1, 1]} : vector<32x256x128xf32> to vector<1x256x128xf32>
    %squeeze3A_334 = vector.shape_cast %slice3A_333 : vector<1x256x128xf32> to vector<256x128xf32>
    %dot_general3A_335 = arith.constant dense<0.000000e+00> : vector<384x128xf32>
    %dot_general3A_336 = tpu.matmul %get3A_175, %squeeze3A_334, %dot_general3A_335 {dimension_numbers = #tpu.dot_dimension_numbers<[1], [0], [0], [1], [0, 0, 1, 1], [], []>, transpose_lhs_hint = false} : vector<384x256xf32>, vector<256x128xf32>, vector<384x128xf32> -> vector<384x128xf32>
    %add3A_337 = arith.addf %dot_general3A_332, %dot_general3A_336 : vector<384x128xf32>
    %slice3A_338 = vector.extract_strided_slice %max3A_162 {offsets = [18, 0, 0], sizes = [1, 128, 128], strides = [1, 1, 1]} : vector<32x128x128xf32> to vector<1x128x128xf32>
    %squeeze3A_339 = vector.shape_cast %slice3A_338 : vector<1x128x128xf32> to vector<128x128xf32>
    %dot_general3A_340 = arith.constant dense<0.000000e+00> : vector<384x128xf32>
    %dot_general3A_341 = tpu.matmul %get3A_165, %squeeze3A_339, %dot_general3A_340 {dimension_numbers = #tpu.dot_dimension_numbers<[1], [0], [0], [1], [0, 0, 1, 1], [], []>, transpose_lhs_hint = false} : vector<384x128xf32>, vector<128x128xf32>, vector<384x128xf32> -> vector<384x128xf32>
    %slice3A_342 = vector.extract_strided_slice %get3A_172 {offsets = [18, 0, 0], sizes = [1, 256, 128], strides = [1, 1, 1]} : vector<32x256x128xf32> to vector<1x256x128xf32>
    %squeeze3A_343 = vector.shape_cast %slice3A_342 : vector<1x256x128xf32> to vector<256x128xf32>
    %dot_general3A_344 = arith.constant dense<0.000000e+00> : vector<384x128xf32>
    %dot_general3A_345 = tpu.matmul %get3A_175, %squeeze3A_343, %dot_general3A_344 {dimension_numbers = #tpu.dot_dimension_numbers<[1], [0], [0], [1], [0, 0, 1, 1], [], []>, transpose_lhs_hint = false} : vector<384x256xf32>, vector<256x128xf32>, vector<384x128xf32> -> vector<384x128xf32>
    %add3A_346 = arith.addf %dot_general3A_341, %dot_general3A_345 : vector<384x128xf32>
    %slice3A_347 = vector.extract_strided_slice %max3A_162 {offsets = [19, 0, 0], sizes = [1, 128, 128], strides = [1, 1, 1]} : vector<32x128x128xf32> to vector<1x128x128xf32>
    %squeeze3A_348 = vector.shape_cast %slice3A_347 : vector<1x128x128xf32> to vector<128x128xf32>
    %dot_general3A_349 = arith.constant dense<0.000000e+00> : vector<384x128xf32>
    %dot_general3A_350 = tpu.matmul %get3A_165, %squeeze3A_348, %dot_general3A_349 {dimension_numbers = #tpu.dot_dimension_numbers<[1], [0], [0], [1], [0, 0, 1, 1], [], []>, transpose_lhs_hint = false} : vector<384x128xf32>, vector<128x128xf32>, vector<384x128xf32> -> vector<384x128xf32>
    %slice3A_351 = vector.extract_strided_slice %get3A_172 {offsets = [19, 0, 0], sizes = [1, 256, 128], strides = [1, 1, 1]} : vector<32x256x128xf32> to vector<1x256x128xf32>
    %squeeze3A_352 = vector.shape_cast %slice3A_351 : vector<1x256x128xf32> to vector<256x128xf32>
    %dot_general3A_353 = arith.constant dense<0.000000e+00> : vector<384x128xf32>
    %dot_general3A_354 = tpu.matmul %get3A_175, %squeeze3A_352, %dot_general3A_353 {dimension_numbers = #tpu.dot_dimension_numbers<[1], [0], [0], [1], [0, 0, 1, 1], [], []>, transpose_lhs_hint = false} : vector<384x256xf32>, vector<256x128xf32>, vector<384x128xf32> -> vector<384x128xf32>
    %add3A_355 = arith.addf %dot_general3A_350, %dot_general3A_354 : vector<384x128xf32>
    %slice3A_356 = vector.extract_strided_slice %max3A_162 {offsets = [20, 0, 0], sizes = [1, 128, 128], strides = [1, 1, 1]} : vector<32x128x128xf32> to vector<1x128x128xf32>
    %squeeze3A_357 = vector.shape_cast %slice3A_356 : vector<1x128x128xf32> to vector<128x128xf32>
    %dot_general3A_358 = arith.constant dense<0.000000e+00> : vector<384x128xf32>
    %dot_general3A_359 = tpu.matmul %get3A_165, %squeeze3A_357, %dot_general3A_358 {dimension_numbers = #tpu.dot_dimension_numbers<[1], [0], [0], [1], [0, 0, 1, 1], [], []>, transpose_lhs_hint = false} : vector<384x128xf32>, vector<128x128xf32>, vector<384x128xf32> -> vector<384x128xf32>
    %slice3A_360 = vector.extract_strided_slice %get3A_172 {offsets = [20, 0, 0], sizes = [1, 256, 128], strides = [1, 1, 1]} : vector<32x256x128xf32> to vector<1x256x128xf32>
    %squeeze3A_361 = vector.shape_cast %slice3A_360 : vector<1x256x128xf32> to vector<256x128xf32>
    %dot_general3A_362 = arith.constant dense<0.000000e+00> : vector<384x128xf32>
    %dot_general3A_363 = tpu.matmul %get3A_175, %squeeze3A_361, %dot_general3A_362 {dimension_numbers = #tpu.dot_dimension_numbers<[1], [0], [0], [1], [0, 0, 1, 1], [], []>, transpose_lhs_hint = false} : vector<384x256xf32>, vector<256x128xf32>, vector<384x128xf32> -> vector<384x128xf32>
    %add3A_364 = arith.addf %dot_general3A_359, %dot_general3A_363 : vector<384x128xf32>
    %slice3A_365 = vector.extract_strided_slice %max3A_162 {offsets = [21, 0, 0], sizes = [1, 128, 128], strides = [1, 1, 1]} : vector<32x128x128xf32> to vector<1x128x128xf32>
    %squeeze3A_366 = vector.shape_cast %slice3A_365 : vector<1x128x128xf32> to vector<128x128xf32>
    %dot_general3A_367 = arith.constant dense<0.000000e+00> : vector<384x128xf32>
    %dot_general3A_368 = tpu.matmul %get3A_165, %squeeze3A_366, %dot_general3A_367 {dimension_numbers = #tpu.dot_dimension_numbers<[1], [0], [0], [1], [0, 0, 1, 1], [], []>, transpose_lhs_hint = false} : vector<384x128xf32>, vector<128x128xf32>, vector<384x128xf32> -> vector<384x128xf32>
    %slice3A_369 = vector.extract_strided_slice %get3A_172 {offsets = [21, 0, 0], sizes = [1, 256, 128], strides = [1, 1, 1]} : vector<32x256x128xf32> to vector<1x256x128xf32>
    %squeeze3A_370 = vector.shape_cast %slice3A_369 : vector<1x256x128xf32> to vector<256x128xf32>
    %dot_general3A_371 = arith.constant dense<0.000000e+00> : vector<384x128xf32>
    %dot_general3A_372 = tpu.matmul %get3A_175, %squeeze3A_370, %dot_general3A_371 {dimension_numbers = #tpu.dot_dimension_numbers<[1], [0], [0], [1], [0, 0, 1, 1], [], []>, transpose_lhs_hint = false} : vector<384x256xf32>, vector<256x128xf32>, vector<384x128xf32> -> vector<384x128xf32>
    %add3A_373 = arith.addf %dot_general3A_368, %dot_general3A_372 : vector<384x128xf32>
    %slice3A_374 = vector.extract_strided_slice %max3A_162 {offsets = [22, 0, 0], sizes = [1, 128, 128], strides = [1, 1, 1]} : vector<32x128x128xf32> to vector<1x128x128xf32>
    %squeeze3A_375 = vector.shape_cast %slice3A_374 : vector<1x128x128xf32> to vector<128x128xf32>
    %dot_general3A_376 = arith.constant dense<0.000000e+00> : vector<384x128xf32>
    %dot_general3A_377 = tpu.matmul %get3A_165, %squeeze3A_375, %dot_general3A_376 {dimension_numbers = #tpu.dot_dimension_numbers<[1], [0], [0], [1], [0, 0, 1, 1], [], []>, transpose_lhs_hint = false} : vector<384x128xf32>, vector<128x128xf32>, vector<384x128xf32> -> vector<384x128xf32>
    %slice3A_378 = vector.extract_strided_slice %get3A_172 {offsets = [22, 0, 0], sizes = [1, 256, 128], strides = [1, 1, 1]} : vector<32x256x128xf32> to vector<1x256x128xf32>
    %squeeze3A_379 = vector.shape_cast %slice3A_378 : vector<1x256x128xf32> to vector<256x128xf32>
    %dot_general3A_380 = arith.constant dense<0.000000e+00> : vector<384x128xf32>
    %dot_general3A_381 = tpu.matmul %get3A_175, %squeeze3A_379, %dot_general3A_380 {dimension_numbers = #tpu.dot_dimension_numbers<[1], [0], [0], [1], [0, 0, 1, 1], [], []>, transpose_lhs_hint = false} : vector<384x256xf32>, vector<256x128xf32>, vector<384x128xf32> -> vector<384x128xf32>
    %add3A_382 = arith.addf %dot_general3A_377, %dot_general3A_381 : vector<384x128xf32>
    %slice3A_383 = vector.extract_strided_slice %max3A_162 {offsets = [23, 0, 0], sizes = [1, 128, 128], strides = [1, 1, 1]} : vector<32x128x128xf32> to vector<1x128x128xf32>
    %squeeze3A_384 = vector.shape_cast %slice3A_383 : vector<1x128x128xf32> to vector<128x128xf32>
    %dot_general3A_385 = arith.constant dense<0.000000e+00> : vector<384x128xf32>
    %dot_general3A_386 = tpu.matmul %get3A_165, %squeeze3A_384, %dot_general3A_385 {dimension_numbers = #tpu.dot_dimension_numbers<[1], [0], [0], [1], [0, 0, 1, 1], [], []>, transpose_lhs_hint = false} : vector<384x128xf32>, vector<128x128xf32>, vector<384x128xf32> -> vector<384x128xf32>
    %slice3A_387 = vector.extract_strided_slice %get3A_172 {offsets = [23, 0, 0], sizes = [1, 256, 128], strides = [1, 1, 1]} : vector<32x256x128xf32> to vector<1x256x128xf32>
    %squeeze3A_388 = vector.shape_cast %slice3A_387 : vector<1x256x128xf32> to vector<256x128xf32>
    %dot_general3A_389 = arith.constant dense<0.000000e+00> : vector<384x128xf32>
    %dot_general3A_390 = tpu.matmul %get3A_175, %squeeze3A_388, %dot_general3A_389 {dimension_numbers = #tpu.dot_dimension_numbers<[1], [0], [0], [1], [0, 0, 1, 1], [], []>, transpose_lhs_hint = false} : vector<384x256xf32>, vector<256x128xf32>, vector<384x128xf32> -> vector<384x128xf32>
    %add3A_391 = arith.addf %dot_general3A_386, %dot_general3A_390 : vector<384x128xf32>
    %slice3A_392 = vector.extract_strided_slice %max3A_162 {offsets = [24, 0, 0], sizes = [1, 128, 128], strides = [1, 1, 1]} : vector<32x128x128xf32> to vector<1x128x128xf32>
    %squeeze3A_393 = vector.shape_cast %slice3A_392 : vector<1x128x128xf32> to vector<128x128xf32>
    %dot_general3A_394 = arith.constant dense<0.000000e+00> : vector<384x128xf32>
    %dot_general3A_395 = tpu.matmul %get3A_165, %squeeze3A_393, %dot_general3A_394 {dimension_numbers = #tpu.dot_dimension_numbers<[1], [0], [0], [1], [0, 0, 1, 1], [], []>, transpose_lhs_hint = false} : vector<384x128xf32>, vector<128x128xf32>, vector<384x128xf32> -> vector<384x128xf32>
    %slice3A_396 = vector.extract_strided_slice %get3A_172 {offsets = [24, 0, 0], sizes = [1, 256, 128], strides = [1, 1, 1]} : vector<32x256x128xf32> to vector<1x256x128xf32>
    %squeeze3A_397 = vector.shape_cast %slice3A_396 : vector<1x256x128xf32> to vector<256x128xf32>
    %dot_general3A_398 = arith.constant dense<0.000000e+00> : vector<384x128xf32>
    %dot_general3A_399 = tpu.matmul %get3A_175, %squeeze3A_397, %dot_general3A_398 {dimension_numbers = #tpu.dot_dimension_numbers<[1], [0], [0], [1], [0, 0, 1, 1], [], []>, transpose_lhs_hint = false} : vector<384x256xf32>, vector<256x128xf32>, vector<384x128xf32> -> vector<384x128xf32>
    %add3A_400 = arith.addf %dot_general3A_395, %dot_general3A_399 : vector<384x128xf32>
    %slice3A_401 = vector.extract_strided_slice %max3A_162 {offsets = [25, 0, 0], sizes = [1, 128, 128], strides = [1, 1, 1]} : vector<32x128x128xf32> to vector<1x128x128xf32>
    %squeeze3A_402 = vector.shape_cast %slice3A_401 : vector<1x128x128xf32> to vector<128x128xf32>
    %dot_general3A_403 = arith.constant dense<0.000000e+00> : vector<384x128xf32>
    %dot_general3A_404 = tpu.matmul %get3A_165, %squeeze3A_402, %dot_general3A_403 {dimension_numbers = #tpu.dot_dimension_numbers<[1], [0], [0], [1], [0, 0, 1, 1], [], []>, transpose_lhs_hint = false} : vector<384x128xf32>, vector<128x128xf32>, vector<384x128xf32> -> vector<384x128xf32>
    %slice3A_405 = vector.extract_strided_slice %get3A_172 {offsets = [25, 0, 0], sizes = [1, 256, 128], strides = [1, 1, 1]} : vector<32x256x128xf32> to vector<1x256x128xf32>
    %squeeze3A_406 = vector.shape_cast %slice3A_405 : vector<1x256x128xf32> to vector<256x128xf32>
    %dot_general3A_407 = arith.constant dense<0.000000e+00> : vector<384x128xf32>
    %dot_general3A_408 = tpu.matmul %get3A_175, %squeeze3A_406, %dot_general3A_407 {dimension_numbers = #tpu.dot_dimension_numbers<[1], [0], [0], [1], [0, 0, 1, 1], [], []>, transpose_lhs_hint = false} : vector<384x256xf32>, vector<256x128xf32>, vector<384x128xf32> -> vector<384x128xf32>
    %add3A_409 = arith.addf %dot_general3A_404, %dot_general3A_408 : vector<384x128xf32>
    %slice3A_410 = vector.extract_strided_slice %max3A_162 {offsets = [26, 0, 0], sizes = [1, 128, 128], strides = [1, 1, 1]} : vector<32x128x128xf32> to vector<1x128x128xf32>
    %squeeze3A_411 = vector.shape_cast %slice3A_410 : vector<1x128x128xf32> to vector<128x128xf32>
    %dot_general3A_412 = arith.constant dense<0.000000e+00> : vector<384x128xf32>
    %dot_general3A_413 = tpu.matmul %get3A_165, %squeeze3A_411, %dot_general3A_412 {dimension_numbers = #tpu.dot_dimension_numbers<[1], [0], [0], [1], [0, 0, 1, 1], [], []>, transpose_lhs_hint = false} : vector<384x128xf32>, vector<128x128xf32>, vector<384x128xf32> -> vector<384x128xf32>
    %slice3A_414 = vector.extract_strided_slice %get3A_172 {offsets = [26, 0, 0], sizes = [1, 256, 128], strides = [1, 1, 1]} : vector<32x256x128xf32> to vector<1x256x128xf32>
    %squeeze3A_415 = vector.shape_cast %slice3A_414 : vector<1x256x128xf32> to vector<256x128xf32>
    %dot_general3A_416 = arith.constant dense<0.000000e+00> : vector<384x128xf32>
    %dot_general3A_417 = tpu.matmul %get3A_175, %squeeze3A_415, %dot_general3A_416 {dimension_numbers = #tpu.dot_dimension_numbers<[1], [0], [0], [1], [0, 0, 1, 1], [], []>, transpose_lhs_hint = false} : vector<384x256xf32>, vector<256x128xf32>, vector<384x128xf32> -> vector<384x128xf32>
    %add3A_418 = arith.addf %dot_general3A_413, %dot_general3A_417 : vector<384x128xf32>
    %slice3A_419 = vector.extract_strided_slice %max3A_162 {offsets = [27, 0, 0], sizes = [1, 128, 128], strides = [1, 1, 1]} : vector<32x128x128xf32> to vector<1x128x128xf32>
    %squeeze3A_420 = vector.shape_cast %slice3A_419 : vector<1x128x128xf32> to vector<128x128xf32>
    %dot_general3A_421 = arith.constant dense<0.000000e+00> : vector<384x128xf32>
    %dot_general3A_422 = tpu.matmul %get3A_165, %squeeze3A_420, %dot_general3A_421 {dimension_numbers = #tpu.dot_dimension_numbers<[1], [0], [0], [1], [0, 0, 1, 1], [], []>, transpose_lhs_hint = false} : vector<384x128xf32>, vector<128x128xf32>, vector<384x128xf32> -> vector<384x128xf32>
    %slice3A_423 = vector.extract_strided_slice %get3A_172 {offsets = [27, 0, 0], sizes = [1, 256, 128], strides = [1, 1, 1]} : vector<32x256x128xf32> to vector<1x256x128xf32>
    %squeeze3A_424 = vector.shape_cast %slice3A_423 : vector<1x256x128xf32> to vector<256x128xf32>
    %dot_general3A_425 = arith.constant dense<0.000000e+00> : vector<384x128xf32>
    %dot_general3A_426 = tpu.matmul %get3A_175, %squeeze3A_424, %dot_general3A_425 {dimension_numbers = #tpu.dot_dimension_numbers<[1], [0], [0], [1], [0, 0, 1, 1], [], []>, transpose_lhs_hint = false} : vector<384x256xf32>, vector<256x128xf32>, vector<384x128xf32> -> vector<384x128xf32>
    %add3A_427 = arith.addf %dot_general3A_422, %dot_general3A_426 : vector<384x128xf32>
    %slice3A_428 = vector.extract_strided_slice %max3A_162 {offsets = [28, 0, 0], sizes = [1, 128, 128], strides = [1, 1, 1]} : vector<32x128x128xf32> to vector<1x128x128xf32>
    %squeeze3A_429 = vector.shape_cast %slice3A_428 : vector<1x128x128xf32> to vector<128x128xf32>
    %dot_general3A_430 = arith.constant dense<0.000000e+00> : vector<384x128xf32>
    %dot_general3A_431 = tpu.matmul %get3A_165, %squeeze3A_429, %dot_general3A_430 {dimension_numbers = #tpu.dot_dimension_numbers<[1], [0], [0], [1], [0, 0, 1, 1], [], []>, transpose_lhs_hint = false} : vector<384x128xf32>, vector<128x128xf32>, vector<384x128xf32> -> vector<384x128xf32>
    %slice3A_432 = vector.extract_strided_slice %get3A_172 {offsets = [28, 0, 0], sizes = [1, 256, 128], strides = [1, 1, 1]} : vector<32x256x128xf32> to vector<1x256x128xf32>
    %squeeze3A_433 = vector.shape_cast %slice3A_432 : vector<1x256x128xf32> to vector<256x128xf32>
    %dot_general3A_434 = arith.constant dense<0.000000e+00> : vector<384x128xf32>
    %dot_general3A_435 = tpu.matmul %get3A_175, %squeeze3A_433, %dot_general3A_434 {dimension_numbers = #tpu.dot_dimension_numbers<[1], [0], [0], [1], [0, 0, 1, 1], [], []>, transpose_lhs_hint = false} : vector<384x256xf32>, vector<256x128xf32>, vector<384x128xf32> -> vector<384x128xf32>
    %add3A_436 = arith.addf %dot_general3A_431, %dot_general3A_435 : vector<384x128xf32>
    %slice3A_437 = vector.extract_strided_slice %max3A_162 {offsets = [29, 0, 0], sizes = [1, 128, 128], strides = [1, 1, 1]} : vector<32x128x128xf32> to vector<1x128x128xf32>
    %squeeze3A_438 = vector.shape_cast %slice3A_437 : vector<1x128x128xf32> to vector<128x128xf32>
    %dot_general3A_439 = arith.constant dense<0.000000e+00> : vector<384x128xf32>
    %dot_general3A_440 = tpu.matmul %get3A_165, %squeeze3A_438, %dot_general3A_439 {dimension_numbers = #tpu.dot_dimension_numbers<[1], [0], [0], [1], [0, 0, 1, 1], [], []>, transpose_lhs_hint = false} : vector<384x128xf32>, vector<128x128xf32>, vector<384x128xf32> -> vector<384x128xf32>
    %slice3A_441 = vector.extract_strided_slice %get3A_172 {offsets = [29, 0, 0], sizes = [1, 256, 128], strides = [1, 1, 1]} : vector<32x256x128xf32> to vector<1x256x128xf32>
    %squeeze3A_442 = vector.shape_cast %slice3A_441 : vector<1x256x128xf32> to vector<256x128xf32>
    %dot_general3A_443 = arith.constant dense<0.000000e+00> : vector<384x128xf32>
    %dot_general3A_444 = tpu.matmul %get3A_175, %squeeze3A_442, %dot_general3A_443 {dimension_numbers = #tpu.dot_dimension_numbers<[1], [0], [0], [1], [0, 0, 1, 1], [], []>, transpose_lhs_hint = false} : vector<384x256xf32>, vector<256x128xf32>, vector<384x128xf32> -> vector<384x128xf32>
    %add3A_445 = arith.addf %dot_general3A_440, %dot_general3A_444 : vector<384x128xf32>
    %slice3A_446 = vector.extract_strided_slice %max3A_162 {offsets = [30, 0, 0], sizes = [1, 128, 128], strides = [1, 1, 1]} : vector<32x128x128xf32> to vector<1x128x128xf32>
    %squeeze3A_447 = vector.shape_cast %slice3A_446 : vector<1x128x128xf32> to vector<128x128xf32>
    %dot_general3A_448 = arith.constant dense<0.000000e+00> : vector<384x128xf32>
    %dot_general3A_449 = tpu.matmul %get3A_165, %squeeze3A_447, %dot_general3A_448 {dimension_numbers = #tpu.dot_dimension_numbers<[1], [0], [0], [1], [0, 0, 1, 1], [], []>, transpose_lhs_hint = false} : vector<384x128xf32>, vector<128x128xf32>, vector<384x128xf32> -> vector<384x128xf32>
    %slice3A_450 = vector.extract_strided_slice %get3A_172 {offsets = [30, 0, 0], sizes = [1, 256, 128], strides = [1, 1, 1]} : vector<32x256x128xf32> to vector<1x256x128xf32>
    %squeeze3A_451 = vector.shape_cast %slice3A_450 : vector<1x256x128xf32> to vector<256x128xf32>
    %dot_general3A_452 = arith.constant dense<0.000000e+00> : vector<384x128xf32>
    %dot_general3A_453 = tpu.matmul %get3A_175, %squeeze3A_451, %dot_general3A_452 {dimension_numbers = #tpu.dot_dimension_numbers<[1], [0], [0], [1], [0, 0, 1, 1], [], []>, transpose_lhs_hint = false} : vector<384x256xf32>, vector<256x128xf32>, vector<384x128xf32> -> vector<384x128xf32>
    %add3A_454 = arith.addf %dot_general3A_449, %dot_general3A_453 : vector<384x128xf32>
    %slice3A_455 = vector.extract_strided_slice %max3A_162 {offsets = [31, 0, 0], sizes = [1, 128, 128], strides = [1, 1, 1]} : vector<32x128x128xf32> to vector<1x128x128xf32>
    %squeeze3A_456 = vector.shape_cast %slice3A_455 : vector<1x128x128xf32> to vector<128x128xf32>
    %dot_general3A_457 = arith.constant dense<0.000000e+00> : vector<384x128xf32>
    %dot_general3A_458 = tpu.matmul %get3A_165, %squeeze3A_456, %dot_general3A_457 {dimension_numbers = #tpu.dot_dimension_numbers<[1], [0], [0], [1], [0, 0, 1, 1], [], []>, transpose_lhs_hint = false} : vector<384x128xf32>, vector<128x128xf32>, vector<384x128xf32> -> vector<384x128xf32>
    %slice3A_459 = vector.extract_strided_slice %get3A_172 {offsets = [31, 0, 0], sizes = [1, 256, 128], strides = [1, 1, 1]} : vector<32x256x128xf32> to vector<1x256x128xf32>
    %squeeze3A_460 = vector.shape_cast %slice3A_459 : vector<1x256x128xf32> to vector<256x128xf32>
    %dot_general3A_461 = arith.constant dense<0.000000e+00> : vector<384x128xf32>
    %dot_general3A_462 = tpu.matmul %get3A_175, %squeeze3A_460, %dot_general3A_461 {dimension_numbers = #tpu.dot_dimension_numbers<[1], [0], [0], [1], [0, 0, 1, 1], [], []>, transpose_lhs_hint = false} : vector<384x256xf32>, vector<256x128xf32>, vector<384x128xf32> -> vector<384x128xf32>
    %add3A_463 = arith.addf %dot_general3A_458, %dot_general3A_462 : vector<384x128xf32>
    %concatenate3A_464 = tpu.concatenate %add3A_184, %add3A_193, %add3A_202, %add3A_211, %add3A_220, %add3A_229, %add3A_238, %add3A_247, %add3A_256, %add3A_265, %add3A_274, %add3A_283, %add3A_292, %add3A_301, %add3A_310, %add3A_319, %add3A_328, %add3A_337, %add3A_346, %add3A_355, %add3A_364, %add3A_373, %add3A_382, %add3A_391, %add3A_400, %add3A_409, %add3A_418, %add3A_427, %add3A_436, %add3A_445, %add3A_454, %add3A_463 in 0 : vector<384x128xf32>, vector<384x128xf32>, vector<384x128xf32>, vector<384x128xf32>, vector<384x128xf32>, vector<384x128xf32>, vector<384x128xf32>, vector<384x128xf32>, vector<384x128xf32>, vector<384x128xf32>, vector<384x128xf32>, vector<384x128xf32>, vector<384x128xf32>, vector<384x128xf32>, vector<384x128xf32>, vector<384x128xf32>, vector<384x128xf32>, vector<384x128xf32>, vector<384x128xf32>, vector<384x128xf32>, vector<384x128xf32>, vector<384x128xf32>, vector<384x128xf32>, vector<384x128xf32>, vector<384x128xf32>, vector<384x128xf32>, vector<384x128xf32>, vector<384x128xf32>, vector<384x128xf32>, vector<384x128xf32>, vector<384x128xf32>, vector<384x128xf32> -> vector<12288x128xf32>
    %reshape3A_465 = vector.shape_cast %concatenate3A_464 : vector<12288x128xf32> to vector<32x384x128xf32>
    %slice3A_466 = vector.extract_strided_slice %reshape3A_465 {offsets = [0, 0, 0], sizes = [32, 128, 128], strides = [1, 1, 1]} : vector<32x384x128xf32> to vector<32x128x128xf32>
    %reshape3A_467 = vector.shape_cast %slice3A_466 : vector<32x128x128xf32> to vector<4096x128xf32>
    %slice3A_468 = vector.extract_strided_slice %reshape3A_465 {offsets = [0, 128, 0], sizes = [32, 128, 128], strides = [1, 1, 1]} : vector<32x384x128xf32> to vector<32x128x128xf32>
    %reshape3A_469 = vector.shape_cast %slice3A_468 : vector<32x128x128xf32> to vector<4096x128xf32>
    %slice3A_470 = vector.extract_strided_slice %reshape3A_465 {offsets = [0, 256, 0], sizes = [32, 128, 128], strides = [1, 1, 1]} : vector<32x384x128xf32> to vector<32x128x128xf32>
    %reshape3A_471 = vector.shape_cast %slice3A_470 : vector<32x128x128xf32> to vector<4096x128xf32>
    %get3A_472 = arith.constant 0 : index
    %get3A_473 = arith.constant 0 : index
    %get3A_474 = vector.load %arg2[%get3A_472, %get3A_473] : memref<128x128xf32, #tpu.memory_space<vmem>>, vector<128x128xf32>
    %dot_general3A_475 = arith.constant dense<0.000000e+00> : vector<4096x128xf32>
    %dot_general3A_476 = tpu.matmul %reshape3A_471, %get3A_474, %dot_general3A_475 {dimension_numbers = #tpu.dot_dimension_numbers<[1], [0], [0], [1], [0, 0, 1, 1], [], []>, transpose_lhs_hint = false} : vector<4096x128xf32>, vector<128x128xf32>, vector<4096x128xf32> -> vector<4096x128xf32>
    %sub3A_477 = arith.subf %reshape3A_467, %reshape3A_471 : vector<4096x128xf32>
    %mul3A_478 = arith.constant 2.000000e+00 : f32
    %mul3A_479 = vector.broadcast %mul3A_478 : f32 to vector<4096x128xf32>
    %mul3A_480 = arith.mulf %mul3A_479, %dot_general3A_476 : vector<4096x128xf32>
    %add3A_481 = arith.addf %reshape3A_469, %mul3A_480 : vector<4096x128xf32>
    %get3A_482 = arith.constant 0 : index
    %get3A_483 = arith.constant 0 : index
    %get3A_484 = vector.load %arg2[%get3A_482, %get3A_483] : memref<128x128xf32, #tpu.memory_space<vmem>>, vector<128x128xf32>
    %dot_general3A_485 = arith.constant dense<0.000000e+00> : vector<4096x128xf32>
    %dot_general3A_486 = tpu.matmul %add3A_481, %get3A_484, %dot_general3A_485 {dimension_numbers = #tpu.dot_dimension_numbers<[1], [0], [0], [1], [0, 0, 1, 1], [], []>, transpose_lhs_hint = false} : vector<4096x128xf32>, vector<128x128xf32>, vector<4096x128xf32> -> vector<4096x128xf32>
    %add3A_487 = arith.addf %sub3A_477, %dot_general3A_486 : vector<4096x128xf32>
    %reshape3A_488 = vector.shape_cast %add3A_487 : vector<4096x128xf32> to vector<32x128x128xf32>
    %broadcast_in_dim3A_489 = vector.shape_cast %get3A_168 : vector<128x1xf32> to vector<1x128x1xf32>
    %add3A_490 = vector.broadcast %broadcast_in_dim3A_489 : vector<1x128x1xf32> to vector<32x128x128xf32>
    %add3A_491 = arith.addf %reshape3A_488, %add3A_490 : vector<32x128x128xf32>
    %max3A_492 = arith.constant 0.000000e+00 : f32
    %max3A_493 = vector.broadcast %max3A_492 : f32 to vector<32x128x128xf32>
    %max3A_494 = arith.maximumf %add3A_491, %max3A_493 : vector<32x128x128xf32>
    %swap3A = arith.constant 0 : index
    %swap3A_495 = arith.constant 0 : index
    %swap3A_496 = arith.constant 0 : index
    %swap3A_497 = vector.load %arg10[%swap3A, %swap3A_495, %swap3A_496] : memref<32x128x128xf32, #tpu.memory_space<vmem>>, vector<32x128x128xf32>
    tpu.vector_store %arg10[%swap3A, %swap3A_495, %swap3A_496], %max3A_494 {strides = array<i32>} : memref<32x128x128xf32, #tpu.memory_space<vmem>>, vector<32x128x128xf32>,
    return
  }
  func.func @transform_0(%arg0: i32) -> (i32, i32, i32) {
    %c0_i32 = arith.constant 0 : i32
    %c0_i32_0 = arith.constant 0 : i32
    %c0_i32_1 = arith.constant 0 : i32
    return %arg0, %c0_i32, %c0_i32_0 : i32, i32, i32
  }
  func.func @transform_1(%arg0: i32) -> (i32, i32) {
    %c0_i32 = arith.constant 0 : i32
    %c0_i32_0 = arith.constant 0 : i32
    %c0_i32_1 = arith.constant 0 : i32
    return %c0_i32, %c0_i32_0 : i32, i32
  }
  func.func @transform_2(%arg0: i32) -> (i32, i32) {
    %c0_i32 = arith.constant 0 : i32
    %c0_i32_0 = arith.constant 0 : i32
    %c0_i32_1 = arith.constant 0 : i32
    return %c0_i32, %c0_i32_0 : i32, i32
  }
  func.func @transform_3(%arg0: i32) -> (i32, i32, i32) {
    %c0_i32 = arith.constant 0 : i32
    %c0_i32_0 = arith.constant 0 : i32
    %c0_i32_1 = arith.constant 0 : i32
    return %arg0, %c0_i32, %c0_i32_0 : i32, i32, i32
  }
  func.func @transform_4(%arg0: i32) -> (i32, i32) {
    %c0_i32 = arith.constant 0 : i32
    %c0_i32_0 = arith.constant 0 : i32
    %c0_i32_1 = arith.constant 0 : i32
    return %c0_i32, %c0_i32_0 : i32, i32
  }
  func.func @transform_5(%arg0: i32) -> (i32, i32) {
    %c0_i32 = arith.constant 0 : i32
    %c0_i32_0 = arith.constant 0 : i32
    %c0_i32_1 = arith.constant 0 : i32
    return %c0_i32, %c0_i32_0 : i32, i32
  }
  func.func @transform_6(%arg0: i32) -> (i32, i32) {
    %c0_i32 = arith.constant 0 : i32
    %c0_i32_0 = arith.constant 0 : i32
    %c0_i32_1 = arith.constant 0 : i32
    return %c0_i32, %c0_i32_0 : i32, i32
  }
  func.func @transform_7(%arg0: i32) -> (i32, i32) {
    %c0_i32 = arith.constant 0 : i32
    %c0_i32_0 = arith.constant 0 : i32
    %c0_i32_1 = arith.constant 0 : i32
    return %c0_i32, %c0_i32_0 : i32, i32
  }
  func.func @transform_8(%arg0: i32) -> (i32, i32) {
    %c0_i32 = arith.constant 0 : i32
    %c0_i32_0 = arith.constant 0 : i32
    %c0_i32_1 = arith.constant 0 : i32
    return %c0_i32, %c0_i32_0 : i32, i32
  }
  func.func @transform_9(%arg0: i32) -> (i32, i32, i32) {
    %c0_i32 = arith.constant 0 : i32
    %c0_i32_0 = arith.constant 0 : i32
    %c0_i32_1 = arith.constant 0 : i32
    return %arg0, %c0_i32, %c0_i32_0 : i32, i32, i32
  }
}

module attributes {stable_mosaic.version = 14 : i64} {
  func.func @_dec_pair_body(%arg0: i32, %arg1: memref<16x128x128xf32, #tpu.memory_space<vmem>>, %arg2: memref<512x512xf32, #tpu.memory_space<vmem>>, %arg3: memref<128x512xf32, #tpu.memory_space<vmem>>, %arg4: memref<16x128x512xf32, #tpu.memory_space<vmem>>, %arg5: memref<192x128xf32, #tpu.memory_space<vmem>>, %arg6: memref<64x1xf32, #tpu.memory_space<vmem>>, %arg7: memref<192x64xf32, #tpu.memory_space<vmem>>, %arg8: memref<192x128xf32, #tpu.memory_space<vmem>>, %arg9: memref<64x1xf32, #tpu.memory_space<vmem>>, %arg10: memref<16x64x512xf32, #tpu.memory_space<vmem>>) attributes {dimension_semantics = [#tpu.dimension_semantics<arbitrary>], iteration_bounds = array<i64: 2>, scalar_prefetch = 0 : i64, scratch_operands = 0 : i64, tpu.core_type = #tpu.core_type<tc>, window_params = [{transform_indices = @transform_0, window_bounds = array<i64: 16, 128, 128>}, {pipeline_mode = #tpu.pipeline_mode<synchronous>, transform_indices = @transform_1, window_bounds = array<i64: 512, 512>}, {pipeline_mode = #tpu.pipeline_mode<synchronous>, transform_indices = @transform_2, window_bounds = array<i64: 128, 512>}, {transform_indices = @transform_3, window_bounds = array<i64: 16, 128, 512>}, {pipeline_mode = #tpu.pipeline_mode<synchronous>, transform_indices = @transform_4, window_bounds = array<i64: 192, 128>}, {pipeline_mode = #tpu.pipeline_mode<synchronous>, transform_indices = @transform_5, window_bounds = array<i64: 64, 1>}, {pipeline_mode = #tpu.pipeline_mode<synchronous>, transform_indices = @transform_6, window_bounds = array<i64: 192, 64>}, {pipeline_mode = #tpu.pipeline_mode<synchronous>, transform_indices = @transform_7, window_bounds = array<i64: 192, 128>}, {pipeline_mode = #tpu.pipeline_mode<synchronous>, transform_indices = @transform_8, window_bounds = array<i64: 64, 1>}, {transform_indices = @transform_9, window_bounds = array<i64: 16, 64, 512>}]} {
    %get3A = arith.constant 0 : index
    %get3A_0 = arith.constant 0 : index
    %get3A_1 = arith.constant 0 : index
    %get3A_2 = vector.load %arg1[%get3A, %get3A_0, %get3A_1] : memref<16x128x128xf32, #tpu.memory_space<vmem>>, vector<16x128x128xf32>
    %get3A_3 = arith.constant 0 : index
    %get3A_4 = arith.constant 0 : index
    %get3A_5 = vector.load %arg5[%get3A_3, %get3A_4] : memref<192x128xf32, #tpu.memory_space<vmem>>, vector<192x128xf32>
    %get3A_6 = arith.constant 0 : index
    %get3A_7 = arith.constant 0 : index
    %get3A_8 = vector.load %arg6[%get3A_6, %get3A_7] : memref<64x1xf32, #tpu.memory_space<vmem>>, vector<64x1xf32>
    %get3A_9 = arith.constant 0 : index
    %get3A_10 = arith.constant 0 : index
    %get3A_11 = vector.load %arg3[%get3A_9, %get3A_10] : memref<128x512xf32, #tpu.memory_space<vmem>>, vector<128x512xf32>
    %slice3A = vector.extract_strided_slice %get3A_2 {offsets = [0, 0, 0], sizes = [1, 128, 128], strides = [1, 1, 1]} : vector<16x128x128xf32> to vector<1x128x128xf32>
    %squeeze3A = vector.shape_cast %slice3A : vector<1x128x128xf32> to vector<128x128xf32>
    %dot_general3A = arith.constant dense<0.000000e+00> : vector<192x128xf32>
    %dot_general3A_12 = tpu.matmul %get3A_5, %squeeze3A, %dot_general3A {dimension_numbers = #tpu.dot_dimension_numbers<[1], [0], [0], [1], [0, 0, 1, 1], [], []>, transpose_lhs_hint = false} : vector<192x128xf32>, vector<128x128xf32>, vector<192x128xf32> -> vector<192x128xf32>
    %slice3A_13 = vector.extract_strided_slice %get3A_2 {offsets = [1, 0, 0], sizes = [1, 128, 128], strides = [1, 1, 1]} : vector<16x128x128xf32> to vector<1x128x128xf32>
    %squeeze3A_14 = vector.shape_cast %slice3A_13 : vector<1x128x128xf32> to vector<128x128xf32>
    %dot_general3A_15 = arith.constant dense<0.000000e+00> : vector<192x128xf32>
    %dot_general3A_16 = tpu.matmul %get3A_5, %squeeze3A_14, %dot_general3A_15 {dimension_numbers = #tpu.dot_dimension_numbers<[1], [0], [0], [1], [0, 0, 1, 1], [], []>, transpose_lhs_hint = false} : vector<192x128xf32>, vector<128x128xf32>, vector<192x128xf32> -> vector<192x128xf32>
    %slice3A_17 = vector.extract_strided_slice %get3A_2 {offsets = [2, 0, 0], sizes = [1, 128, 128], strides = [1, 1, 1]} : vector<16x128x128xf32> to vector<1x128x128xf32>
    %squeeze3A_18 = vector.shape_cast %slice3A_17 : vector<1x128x128xf32> to vector<128x128xf32>
    %dot_general3A_19 = arith.constant dense<0.000000e+00> : vector<192x128xf32>
    %dot_general3A_20 = tpu.matmul %get3A_5, %squeeze3A_18, %dot_general3A_19 {dimension_numbers = #tpu.dot_dimension_numbers<[1], [0], [0], [1], [0, 0, 1, 1], [], []>, transpose_lhs_hint = false} : vector<192x128xf32>, vector<128x128xf32>, vector<192x128xf32> -> vector<192x128xf32>
    %slice3A_21 = vector.extract_strided_slice %get3A_2 {offsets = [3, 0, 0], sizes = [1, 128, 128], strides = [1, 1, 1]} : vector<16x128x128xf32> to vector<1x128x128xf32>
    %squeeze3A_22 = vector.shape_cast %slice3A_21 : vector<1x128x128xf32> to vector<128x128xf32>
    %dot_general3A_23 = arith.constant dense<0.000000e+00> : vector<192x128xf32>
    %dot_general3A_24 = tpu.matmul %get3A_5, %squeeze3A_22, %dot_general3A_23 {dimension_numbers = #tpu.dot_dimension_numbers<[1], [0], [0], [1], [0, 0, 1, 1], [], []>, transpose_lhs_hint = false} : vector<192x128xf32>, vector<128x128xf32>, vector<192x128xf32> -> vector<192x128xf32>
    %slice3A_25 = vector.extract_strided_slice %get3A_2 {offsets = [4, 0, 0], sizes = [1, 128, 128], strides = [1, 1, 1]} : vector<16x128x128xf32> to vector<1x128x128xf32>
    %squeeze3A_26 = vector.shape_cast %slice3A_25 : vector<1x128x128xf32> to vector<128x128xf32>
    %dot_general3A_27 = arith.constant dense<0.000000e+00> : vector<192x128xf32>
    %dot_general3A_28 = tpu.matmul %get3A_5, %squeeze3A_26, %dot_general3A_27 {dimension_numbers = #tpu.dot_dimension_numbers<[1], [0], [0], [1], [0, 0, 1, 1], [], []>, transpose_lhs_hint = false} : vector<192x128xf32>, vector<128x128xf32>, vector<192x128xf32> -> vector<192x128xf32>
    %slice3A_29 = vector.extract_strided_slice %get3A_2 {offsets = [5, 0, 0], sizes = [1, 128, 128], strides = [1, 1, 1]} : vector<16x128x128xf32> to vector<1x128x128xf32>
    %squeeze3A_30 = vector.shape_cast %slice3A_29 : vector<1x128x128xf32> to vector<128x128xf32>
    %dot_general3A_31 = arith.constant dense<0.000000e+00> : vector<192x128xf32>
    %dot_general3A_32 = tpu.matmul %get3A_5, %squeeze3A_30, %dot_general3A_31 {dimension_numbers = #tpu.dot_dimension_numbers<[1], [0], [0], [1], [0, 0, 1, 1], [], []>, transpose_lhs_hint = false} : vector<192x128xf32>, vector<128x128xf32>, vector<192x128xf32> -> vector<192x128xf32>
    %slice3A_33 = vector.extract_strided_slice %get3A_2 {offsets = [6, 0, 0], sizes = [1, 128, 128], strides = [1, 1, 1]} : vector<16x128x128xf32> to vector<1x128x128xf32>
    %squeeze3A_34 = vector.shape_cast %slice3A_33 : vector<1x128x128xf32> to vector<128x128xf32>
    %dot_general3A_35 = arith.constant dense<0.000000e+00> : vector<192x128xf32>
    %dot_general3A_36 = tpu.matmul %get3A_5, %squeeze3A_34, %dot_general3A_35 {dimension_numbers = #tpu.dot_dimension_numbers<[1], [0], [0], [1], [0, 0, 1, 1], [], []>, transpose_lhs_hint = false} : vector<192x128xf32>, vector<128x128xf32>, vector<192x128xf32> -> vector<192x128xf32>
    %slice3A_37 = vector.extract_strided_slice %get3A_2 {offsets = [7, 0, 0], sizes = [1, 128, 128], strides = [1, 1, 1]} : vector<16x128x128xf32> to vector<1x128x128xf32>
    %squeeze3A_38 = vector.shape_cast %slice3A_37 : vector<1x128x128xf32> to vector<128x128xf32>
    %dot_general3A_39 = arith.constant dense<0.000000e+00> : vector<192x128xf32>
    %dot_general3A_40 = tpu.matmul %get3A_5, %squeeze3A_38, %dot_general3A_39 {dimension_numbers = #tpu.dot_dimension_numbers<[1], [0], [0], [1], [0, 0, 1, 1], [], []>, transpose_lhs_hint = false} : vector<192x128xf32>, vector<128x128xf32>, vector<192x128xf32> -> vector<192x128xf32>
    %slice3A_41 = vector.extract_strided_slice %get3A_2 {offsets = [8, 0, 0], sizes = [1, 128, 128], strides = [1, 1, 1]} : vector<16x128x128xf32> to vector<1x128x128xf32>
    %squeeze3A_42 = vector.shape_cast %slice3A_41 : vector<1x128x128xf32> to vector<128x128xf32>
    %dot_general3A_43 = arith.constant dense<0.000000e+00> : vector<192x128xf32>
    %dot_general3A_44 = tpu.matmul %get3A_5, %squeeze3A_42, %dot_general3A_43 {dimension_numbers = #tpu.dot_dimension_numbers<[1], [0], [0], [1], [0, 0, 1, 1], [], []>, transpose_lhs_hint = false} : vector<192x128xf32>, vector<128x128xf32>, vector<192x128xf32> -> vector<192x128xf32>
    %slice3A_45 = vector.extract_strided_slice %get3A_2 {offsets = [9, 0, 0], sizes = [1, 128, 128], strides = [1, 1, 1]} : vector<16x128x128xf32> to vector<1x128x128xf32>
    %squeeze3A_46 = vector.shape_cast %slice3A_45 : vector<1x128x128xf32> to vector<128x128xf32>
    %dot_general3A_47 = arith.constant dense<0.000000e+00> : vector<192x128xf32>
    %dot_general3A_48 = tpu.matmul %get3A_5, %squeeze3A_46, %dot_general3A_47 {dimension_numbers = #tpu.dot_dimension_numbers<[1], [0], [0], [1], [0, 0, 1, 1], [], []>, transpose_lhs_hint = false} : vector<192x128xf32>, vector<128x128xf32>, vector<192x128xf32> -> vector<192x128xf32>
    %slice3A_49 = vector.extract_strided_slice %get3A_2 {offsets = [10, 0, 0], sizes = [1, 128, 128], strides = [1, 1, 1]} : vector<16x128x128xf32> to vector<1x128x128xf32>
    %squeeze3A_50 = vector.shape_cast %slice3A_49 : vector<1x128x128xf32> to vector<128x128xf32>
    %dot_general3A_51 = arith.constant dense<0.000000e+00> : vector<192x128xf32>
    %dot_general3A_52 = tpu.matmul %get3A_5, %squeeze3A_50, %dot_general3A_51 {dimension_numbers = #tpu.dot_dimension_numbers<[1], [0], [0], [1], [0, 0, 1, 1], [], []>, transpose_lhs_hint = false} : vector<192x128xf32>, vector<128x128xf32>, vector<192x128xf32> -> vector<192x128xf32>
    %slice3A_53 = vector.extract_strided_slice %get3A_2 {offsets = [11, 0, 0], sizes = [1, 128, 128], strides = [1, 1, 1]} : vector<16x128x128xf32> to vector<1x128x128xf32>
    %squeeze3A_54 = vector.shape_cast %slice3A_53 : vector<1x128x128xf32> to vector<128x128xf32>
    %dot_general3A_55 = arith.constant dense<0.000000e+00> : vector<192x128xf32>
    %dot_general3A_56 = tpu.matmul %get3A_5, %squeeze3A_54, %dot_general3A_55 {dimension_numbers = #tpu.dot_dimension_numbers<[1], [0], [0], [1], [0, 0, 1, 1], [], []>, transpose_lhs_hint = false} : vector<192x128xf32>, vector<128x128xf32>, vector<192x128xf32> -> vector<192x128xf32>
    %slice3A_57 = vector.extract_strided_slice %get3A_2 {offsets = [12, 0, 0], sizes = [1, 128, 128], strides = [1, 1, 1]} : vector<16x128x128xf32> to vector<1x128x128xf32>
    %squeeze3A_58 = vector.shape_cast %slice3A_57 : vector<1x128x128xf32> to vector<128x128xf32>
    %dot_general3A_59 = arith.constant dense<0.000000e+00> : vector<192x128xf32>
    %dot_general3A_60 = tpu.matmul %get3A_5, %squeeze3A_58, %dot_general3A_59 {dimension_numbers = #tpu.dot_dimension_numbers<[1], [0], [0], [1], [0, 0, 1, 1], [], []>, transpose_lhs_hint = false} : vector<192x128xf32>, vector<128x128xf32>, vector<192x128xf32> -> vector<192x128xf32>
    %slice3A_61 = vector.extract_strided_slice %get3A_2 {offsets = [13, 0, 0], sizes = [1, 128, 128], strides = [1, 1, 1]} : vector<16x128x128xf32> to vector<1x128x128xf32>
    %squeeze3A_62 = vector.shape_cast %slice3A_61 : vector<1x128x128xf32> to vector<128x128xf32>
    %dot_general3A_63 = arith.constant dense<0.000000e+00> : vector<192x128xf32>
    %dot_general3A_64 = tpu.matmul %get3A_5, %squeeze3A_62, %dot_general3A_63 {dimension_numbers = #tpu.dot_dimension_numbers<[1], [0], [0], [1], [0, 0, 1, 1], [], []>, transpose_lhs_hint = false} : vector<192x128xf32>, vector<128x128xf32>, vector<192x128xf32> -> vector<192x128xf32>
    %slice3A_65 = vector.extract_strided_slice %get3A_2 {offsets = [14, 0, 0], sizes = [1, 128, 128], strides = [1, 1, 1]} : vector<16x128x128xf32> to vector<1x128x128xf32>
    %squeeze3A_66 = vector.shape_cast %slice3A_65 : vector<1x128x128xf32> to vector<128x128xf32>
    %dot_general3A_67 = arith.constant dense<0.000000e+00> : vector<192x128xf32>
    %dot_general3A_68 = tpu.matmul %get3A_5, %squeeze3A_66, %dot_general3A_67 {dimension_numbers = #tpu.dot_dimension_numbers<[1], [0], [0], [1], [0, 0, 1, 1], [], []>, transpose_lhs_hint = false} : vector<192x128xf32>, vector<128x128xf32>, vector<192x128xf32> -> vector<192x128xf32>
    %slice3A_69 = vector.extract_strided_slice %get3A_2 {offsets = [15, 0, 0], sizes = [1, 128, 128], strides = [1, 1, 1]} : vector<16x128x128xf32> to vector<1x128x128xf32>
    %squeeze3A_70 = vector.shape_cast %slice3A_69 : vector<1x128x128xf32> to vector<128x128xf32>
    %dot_general3A_71 = arith.constant dense<0.000000e+00> : vector<192x128xf32>
    %dot_general3A_72 = tpu.matmul %get3A_5, %squeeze3A_70, %dot_general3A_71 {dimension_numbers = #tpu.dot_dimension_numbers<[1], [0], [0], [1], [0, 0, 1, 1], [], []>, transpose_lhs_hint = false} : vector<192x128xf32>, vector<128x128xf32>, vector<192x128xf32> -> vector<192x128xf32>
    %concatenate3A = tpu.concatenate %dot_general3A_12, %dot_general3A_16, %dot_general3A_20, %dot_general3A_24, %dot_general3A_28, %dot_general3A_32, %dot_general3A_36, %dot_general3A_40, %dot_general3A_44, %dot_general3A_48, %dot_general3A_52, %dot_general3A_56, %dot_general3A_60, %dot_general3A_64, %dot_general3A_68, %dot_general3A_72 in 0 : vector<192x128xf32>, vector<192x128xf32>, vector<192x128xf32>, vector<192x128xf32>, vector<192x128xf32>, vector<192x128xf32>, vector<192x128xf32>, vector<192x128xf32>, vector<192x128xf32>, vector<192x128xf32>, vector<192x128xf32>, vector<192x128xf32>, vector<192x128xf32>, vector<192x128xf32>, vector<192x128xf32>, vector<192x128xf32> -> vector<3072x128xf32>
    %dot_general3A_73 = arith.constant dense<0.000000e+00> : vector<3072x512xf32>
    %dot_general3A_74 = tpu.matmul %concatenate3A, %get3A_11, %dot_general3A_73 {dimension_numbers = #tpu.dot_dimension_numbers<[1], [0], [0], [1], [0, 0, 1, 1], [], []>, transpose_lhs_hint = false} : vector<3072x128xf32>, vector<128x512xf32>, vector<3072x512xf32> -> vector<3072x512xf32>
    %reshape3A = vector.shape_cast %dot_general3A_74 : vector<3072x512xf32> to vector<16x192x512xf32>
    %slice3A_75 = vector.extract_strided_slice %reshape3A {offsets = [0, 0, 0], sizes = [16, 64, 512], strides = [1, 1, 1]} : vector<16x192x512xf32> to vector<16x64x512xf32>
    %reshape3A_76 = vector.shape_cast %slice3A_75 : vector<16x64x512xf32> to vector<1024x512xf32>
    %slice3A_77 = vector.extract_strided_slice %reshape3A {offsets = [0, 64, 0], sizes = [16, 64, 512], strides = [1, 1, 1]} : vector<16x192x512xf32> to vector<16x64x512xf32>
    %reshape3A_78 = vector.shape_cast %slice3A_77 : vector<16x64x512xf32> to vector<1024x512xf32>
    %slice3A_79 = vector.extract_strided_slice %reshape3A {offsets = [0, 128, 0], sizes = [16, 64, 512], strides = [1, 1, 1]} : vector<16x192x512xf32> to vector<16x64x512xf32>
    %reshape3A_80 = vector.shape_cast %slice3A_79 : vector<16x64x512xf32> to vector<1024x512xf32>
    %get3A_81 = arith.constant 0 : index
    %get3A_82 = arith.constant 0 : index
    %get3A_83 = vector.load %arg2[%get3A_81, %get3A_82] : memref<512x512xf32, #tpu.memory_space<vmem>>, vector<512x512xf32>
    %dot_general3A_84 = arith.constant dense<0.000000e+00> : vector<1024x512xf32>
    %dot_general3A_85 = tpu.matmul %reshape3A_80, %get3A_83, %dot_general3A_84 {dimension_numbers = #tpu.dot_dimension_numbers<[1], [0], [0], [1], [0, 0, 1, 1], [], []>, transpose_lhs_hint = false} : vector<1024x512xf32>, vector<512x512xf32>, vector<1024x512xf32> -> vector<1024x512xf32>
    %sub3A = arith.subf %reshape3A_76, %reshape3A_80 : vector<1024x512xf32>
    %mul3A = arith.constant 2.000000e+00 : f32
    %mul3A_86 = vector.broadcast %mul3A : f32 to vector<1024x512xf32>
    %mul3A_87 = arith.mulf %mul3A_86, %dot_general3A_85 : vector<1024x512xf32>
    %add3A = arith.addf %reshape3A_78, %mul3A_87 : vector<1024x512xf32>
    %get3A_88 = arith.constant 0 : index
    %get3A_89 = arith.constant 0 : index
    %get3A_90 = vector.load %arg2[%get3A_88, %get3A_89] : memref<512x512xf32, #tpu.memory_space<vmem>>, vector<512x512xf32>
    %dot_general3A_91 = arith.constant dense<0.000000e+00> : vector<1024x512xf32>
    %dot_general3A_92 = tpu.matmul %add3A, %get3A_90, %dot_general3A_91 {dimension_numbers = #tpu.dot_dimension_numbers<[1], [0], [0], [1], [0, 0, 1, 1], [], []>, transpose_lhs_hint = false} : vector<1024x512xf32>, vector<512x512xf32>, vector<1024x512xf32> -> vector<1024x512xf32>
    %add3A_93 = arith.addf %sub3A, %dot_general3A_92 : vector<1024x512xf32>
    %reshape3A_94 = vector.shape_cast %add3A_93 : vector<1024x512xf32> to vector<16x64x512xf32>
    %broadcast_in_dim3A = vector.shape_cast %get3A_8 : vector<64x1xf32> to vector<1x64x1xf32>
    %add3A_95 = vector.broadcast %broadcast_in_dim3A : vector<1x64x1xf32> to vector<16x64x512xf32>
    %add3A_96 = arith.addf %reshape3A_94, %add3A_95 : vector<16x64x512xf32>
    %max3A = arith.constant 0.000000e+00 : f32
    %max3A_97 = vector.broadcast %max3A : f32 to vector<16x64x512xf32>
    %max3A_98 = arith.maximumf %add3A_96, %max3A_97 : vector<16x64x512xf32>
    %get3A_99 = arith.constant 0 : index
    %get3A_100 = arith.constant 0 : index
    %get3A_101 = vector.load %arg7[%get3A_99, %get3A_100] : memref<192x64xf32, #tpu.memory_space<vmem>>, vector<192x64xf32>
    %get3A_102 = arith.constant 0 : index
    %get3A_103 = arith.constant 0 : index
    %get3A_104 = vector.load %arg9[%get3A_102, %get3A_103] : memref<64x1xf32, #tpu.memory_space<vmem>>, vector<64x1xf32>
    %get3A_105 = arith.constant 0 : index
    %get3A_106 = arith.constant 0 : index
    %get3A_107 = arith.constant 0 : index
    %get3A_108 = vector.load %arg4[%get3A_105, %get3A_106, %get3A_107] : memref<16x128x512xf32, #tpu.memory_space<vmem>>, vector<16x128x512xf32>
    %get3A_109 = arith.constant 0 : index
    %get3A_110 = arith.constant 0 : index
    %get3A_111 = vector.load %arg8[%get3A_109, %get3A_110] : memref<192x128xf32, #tpu.memory_space<vmem>>, vector<192x128xf32>
    %slice3A_112 = vector.extract_strided_slice %max3A_98 {offsets = [0, 0, 0], sizes = [1, 64, 512], strides = [1, 1, 1]} : vector<16x64x512xf32> to vector<1x64x512xf32>
    %squeeze3A_113 = vector.shape_cast %slice3A_112 : vector<1x64x512xf32> to vector<64x512xf32>
    %dot_general3A_114 = arith.constant dense<0.000000e+00> : vector<192x512xf32>
    %dot_general3A_115 = tpu.matmul %get3A_101, %squeeze3A_113, %dot_general3A_114 {dimension_numbers = #tpu.dot_dimension_numbers<[1], [0], [0], [1], [0, 0, 1, 1], [], []>, transpose_lhs_hint = false} : vector<192x64xf32>, vector<64x512xf32>, vector<192x512xf32> -> vector<192x512xf32>
    %slice3A_116 = vector.extract_strided_slice %get3A_108 {offsets = [0, 0, 0], sizes = [1, 128, 512], strides = [1, 1, 1]} : vector<16x128x512xf32> to vector<1x128x512xf32>
    %squeeze3A_117 = vector.shape_cast %slice3A_116 : vector<1x128x512xf32> to vector<128x512xf32>
    %dot_general3A_118 = arith.constant dense<0.000000e+00> : vector<192x512xf32>
    %dot_general3A_119 = tpu.matmul %get3A_111, %squeeze3A_117, %dot_general3A_118 {dimension_numbers = #tpu.dot_dimension_numbers<[1], [0], [0], [1], [0, 0, 1, 1], [], []>, transpose_lhs_hint = false} : vector<192x128xf32>, vector<128x512xf32>, vector<192x512xf32> -> vector<192x512xf32>
    %add3A_120 = arith.addf %dot_general3A_115, %dot_general3A_119 : vector<192x512xf32>
    %slice3A_121 = vector.extract_strided_slice %max3A_98 {offsets = [1, 0, 0], sizes = [1, 64, 512], strides = [1, 1, 1]} : vector<16x64x512xf32> to vector<1x64x512xf32>
    %squeeze3A_122 = vector.shape_cast %slice3A_121 : vector<1x64x512xf32> to vector<64x512xf32>
    %dot_general3A_123 = arith.constant dense<0.000000e+00> : vector<192x512xf32>
    %dot_general3A_124 = tpu.matmul %get3A_101, %squeeze3A_122, %dot_general3A_123 {dimension_numbers = #tpu.dot_dimension_numbers<[1], [0], [0], [1], [0, 0, 1, 1], [], []>, transpose_lhs_hint = false} : vector<192x64xf32>, vector<64x512xf32>, vector<192x512xf32> -> vector<192x512xf32>
    %slice3A_125 = vector.extract_strided_slice %get3A_108 {offsets = [1, 0, 0], sizes = [1, 128, 512], strides = [1, 1, 1]} : vector<16x128x512xf32> to vector<1x128x512xf32>
    %squeeze3A_126 = vector.shape_cast %slice3A_125 : vector<1x128x512xf32> to vector<128x512xf32>
    %dot_general3A_127 = arith.constant dense<0.000000e+00> : vector<192x512xf32>
    %dot_general3A_128 = tpu.matmul %get3A_111, %squeeze3A_126, %dot_general3A_127 {dimension_numbers = #tpu.dot_dimension_numbers<[1], [0], [0], [1], [0, 0, 1, 1], [], []>, transpose_lhs_hint = false} : vector<192x128xf32>, vector<128x512xf32>, vector<192x512xf32> -> vector<192x512xf32>
    %add3A_129 = arith.addf %dot_general3A_124, %dot_general3A_128 : vector<192x512xf32>
    %slice3A_130 = vector.extract_strided_slice %max3A_98 {offsets = [2, 0, 0], sizes = [1, 64, 512], strides = [1, 1, 1]} : vector<16x64x512xf32> to vector<1x64x512xf32>
    %squeeze3A_131 = vector.shape_cast %slice3A_130 : vector<1x64x512xf32> to vector<64x512xf32>
    %dot_general3A_132 = arith.constant dense<0.000000e+00> : vector<192x512xf32>
    %dot_general3A_133 = tpu.matmul %get3A_101, %squeeze3A_131, %dot_general3A_132 {dimension_numbers = #tpu.dot_dimension_numbers<[1], [0], [0], [1], [0, 0, 1, 1], [], []>, transpose_lhs_hint = false} : vector<192x64xf32>, vector<64x512xf32>, vector<192x512xf32> -> vector<192x512xf32>
    %slice3A_134 = vector.extract_strided_slice %get3A_108 {offsets = [2, 0, 0], sizes = [1, 128, 512], strides = [1, 1, 1]} : vector<16x128x512xf32> to vector<1x128x512xf32>
    %squeeze3A_135 = vector.shape_cast %slice3A_134 : vector<1x128x512xf32> to vector<128x512xf32>
    %dot_general3A_136 = arith.constant dense<0.000000e+00> : vector<192x512xf32>
    %dot_general3A_137 = tpu.matmul %get3A_111, %squeeze3A_135, %dot_general3A_136 {dimension_numbers = #tpu.dot_dimension_numbers<[1], [0], [0], [1], [0, 0, 1, 1], [], []>, transpose_lhs_hint = false} : vector<192x128xf32>, vector<128x512xf32>, vector<192x512xf32> -> vector<192x512xf32>
    %add3A_138 = arith.addf %dot_general3A_133, %dot_general3A_137 : vector<192x512xf32>
    %slice3A_139 = vector.extract_strided_slice %max3A_98 {offsets = [3, 0, 0], sizes = [1, 64, 512], strides = [1, 1, 1]} : vector<16x64x512xf32> to vector<1x64x512xf32>
    %squeeze3A_140 = vector.shape_cast %slice3A_139 : vector<1x64x512xf32> to vector<64x512xf32>
    %dot_general3A_141 = arith.constant dense<0.000000e+00> : vector<192x512xf32>
    %dot_general3A_142 = tpu.matmul %get3A_101, %squeeze3A_140, %dot_general3A_141 {dimension_numbers = #tpu.dot_dimension_numbers<[1], [0], [0], [1], [0, 0, 1, 1], [], []>, transpose_lhs_hint = false} : vector<192x64xf32>, vector<64x512xf32>, vector<192x512xf32> -> vector<192x512xf32>
    %slice3A_143 = vector.extract_strided_slice %get3A_108 {offsets = [3, 0, 0], sizes = [1, 128, 512], strides = [1, 1, 1]} : vector<16x128x512xf32> to vector<1x128x512xf32>
    %squeeze3A_144 = vector.shape_cast %slice3A_143 : vector<1x128x512xf32> to vector<128x512xf32>
    %dot_general3A_145 = arith.constant dense<0.000000e+00> : vector<192x512xf32>
    %dot_general3A_146 = tpu.matmul %get3A_111, %squeeze3A_144, %dot_general3A_145 {dimension_numbers = #tpu.dot_dimension_numbers<[1], [0], [0], [1], [0, 0, 1, 1], [], []>, transpose_lhs_hint = false} : vector<192x128xf32>, vector<128x512xf32>, vector<192x512xf32> -> vector<192x512xf32>
    %add3A_147 = arith.addf %dot_general3A_142, %dot_general3A_146 : vector<192x512xf32>
    %slice3A_148 = vector.extract_strided_slice %max3A_98 {offsets = [4, 0, 0], sizes = [1, 64, 512], strides = [1, 1, 1]} : vector<16x64x512xf32> to vector<1x64x512xf32>
    %squeeze3A_149 = vector.shape_cast %slice3A_148 : vector<1x64x512xf32> to vector<64x512xf32>
    %dot_general3A_150 = arith.constant dense<0.000000e+00> : vector<192x512xf32>
    %dot_general3A_151 = tpu.matmul %get3A_101, %squeeze3A_149, %dot_general3A_150 {dimension_numbers = #tpu.dot_dimension_numbers<[1], [0], [0], [1], [0, 0, 1, 1], [], []>, transpose_lhs_hint = false} : vector<192x64xf32>, vector<64x512xf32>, vector<192x512xf32> -> vector<192x512xf32>
    %slice3A_152 = vector.extract_strided_slice %get3A_108 {offsets = [4, 0, 0], sizes = [1, 128, 512], strides = [1, 1, 1]} : vector<16x128x512xf32> to vector<1x128x512xf32>
    %squeeze3A_153 = vector.shape_cast %slice3A_152 : vector<1x128x512xf32> to vector<128x512xf32>
    %dot_general3A_154 = arith.constant dense<0.000000e+00> : vector<192x512xf32>
    %dot_general3A_155 = tpu.matmul %get3A_111, %squeeze3A_153, %dot_general3A_154 {dimension_numbers = #tpu.dot_dimension_numbers<[1], [0], [0], [1], [0, 0, 1, 1], [], []>, transpose_lhs_hint = false} : vector<192x128xf32>, vector<128x512xf32>, vector<192x512xf32> -> vector<192x512xf32>
    %add3A_156 = arith.addf %dot_general3A_151, %dot_general3A_155 : vector<192x512xf32>
    %slice3A_157 = vector.extract_strided_slice %max3A_98 {offsets = [5, 0, 0], sizes = [1, 64, 512], strides = [1, 1, 1]} : vector<16x64x512xf32> to vector<1x64x512xf32>
    %squeeze3A_158 = vector.shape_cast %slice3A_157 : vector<1x64x512xf32> to vector<64x512xf32>
    %dot_general3A_159 = arith.constant dense<0.000000e+00> : vector<192x512xf32>
    %dot_general3A_160 = tpu.matmul %get3A_101, %squeeze3A_158, %dot_general3A_159 {dimension_numbers = #tpu.dot_dimension_numbers<[1], [0], [0], [1], [0, 0, 1, 1], [], []>, transpose_lhs_hint = false} : vector<192x64xf32>, vector<64x512xf32>, vector<192x512xf32> -> vector<192x512xf32>
    %slice3A_161 = vector.extract_strided_slice %get3A_108 {offsets = [5, 0, 0], sizes = [1, 128, 512], strides = [1, 1, 1]} : vector<16x128x512xf32> to vector<1x128x512xf32>
    %squeeze3A_162 = vector.shape_cast %slice3A_161 : vector<1x128x512xf32> to vector<128x512xf32>
    %dot_general3A_163 = arith.constant dense<0.000000e+00> : vector<192x512xf32>
    %dot_general3A_164 = tpu.matmul %get3A_111, %squeeze3A_162, %dot_general3A_163 {dimension_numbers = #tpu.dot_dimension_numbers<[1], [0], [0], [1], [0, 0, 1, 1], [], []>, transpose_lhs_hint = false} : vector<192x128xf32>, vector<128x512xf32>, vector<192x512xf32> -> vector<192x512xf32>
    %add3A_165 = arith.addf %dot_general3A_160, %dot_general3A_164 : vector<192x512xf32>
    %slice3A_166 = vector.extract_strided_slice %max3A_98 {offsets = [6, 0, 0], sizes = [1, 64, 512], strides = [1, 1, 1]} : vector<16x64x512xf32> to vector<1x64x512xf32>
    %squeeze3A_167 = vector.shape_cast %slice3A_166 : vector<1x64x512xf32> to vector<64x512xf32>
    %dot_general3A_168 = arith.constant dense<0.000000e+00> : vector<192x512xf32>
    %dot_general3A_169 = tpu.matmul %get3A_101, %squeeze3A_167, %dot_general3A_168 {dimension_numbers = #tpu.dot_dimension_numbers<[1], [0], [0], [1], [0, 0, 1, 1], [], []>, transpose_lhs_hint = false} : vector<192x64xf32>, vector<64x512xf32>, vector<192x512xf32> -> vector<192x512xf32>
    %slice3A_170 = vector.extract_strided_slice %get3A_108 {offsets = [6, 0, 0], sizes = [1, 128, 512], strides = [1, 1, 1]} : vector<16x128x512xf32> to vector<1x128x512xf32>
    %squeeze3A_171 = vector.shape_cast %slice3A_170 : vector<1x128x512xf32> to vector<128x512xf32>
    %dot_general3A_172 = arith.constant dense<0.000000e+00> : vector<192x512xf32>
    %dot_general3A_173 = tpu.matmul %get3A_111, %squeeze3A_171, %dot_general3A_172 {dimension_numbers = #tpu.dot_dimension_numbers<[1], [0], [0], [1], [0, 0, 1, 1], [], []>, transpose_lhs_hint = false} : vector<192x128xf32>, vector<128x512xf32>, vector<192x512xf32> -> vector<192x512xf32>
    %add3A_174 = arith.addf %dot_general3A_169, %dot_general3A_173 : vector<192x512xf32>
    %slice3A_175 = vector.extract_strided_slice %max3A_98 {offsets = [7, 0, 0], sizes = [1, 64, 512], strides = [1, 1, 1]} : vector<16x64x512xf32> to vector<1x64x512xf32>
    %squeeze3A_176 = vector.shape_cast %slice3A_175 : vector<1x64x512xf32> to vector<64x512xf32>
    %dot_general3A_177 = arith.constant dense<0.000000e+00> : vector<192x512xf32>
    %dot_general3A_178 = tpu.matmul %get3A_101, %squeeze3A_176, %dot_general3A_177 {dimension_numbers = #tpu.dot_dimension_numbers<[1], [0], [0], [1], [0, 0, 1, 1], [], []>, transpose_lhs_hint = false} : vector<192x64xf32>, vector<64x512xf32>, vector<192x512xf32> -> vector<192x512xf32>
    %slice3A_179 = vector.extract_strided_slice %get3A_108 {offsets = [7, 0, 0], sizes = [1, 128, 512], strides = [1, 1, 1]} : vector<16x128x512xf32> to vector<1x128x512xf32>
    %squeeze3A_180 = vector.shape_cast %slice3A_179 : vector<1x128x512xf32> to vector<128x512xf32>
    %dot_general3A_181 = arith.constant dense<0.000000e+00> : vector<192x512xf32>
    %dot_general3A_182 = tpu.matmul %get3A_111, %squeeze3A_180, %dot_general3A_181 {dimension_numbers = #tpu.dot_dimension_numbers<[1], [0], [0], [1], [0, 0, 1, 1], [], []>, transpose_lhs_hint = false} : vector<192x128xf32>, vector<128x512xf32>, vector<192x512xf32> -> vector<192x512xf32>
    %add3A_183 = arith.addf %dot_general3A_178, %dot_general3A_182 : vector<192x512xf32>
    %slice3A_184 = vector.extract_strided_slice %max3A_98 {offsets = [8, 0, 0], sizes = [1, 64, 512], strides = [1, 1, 1]} : vector<16x64x512xf32> to vector<1x64x512xf32>
    %squeeze3A_185 = vector.shape_cast %slice3A_184 : vector<1x64x512xf32> to vector<64x512xf32>
    %dot_general3A_186 = arith.constant dense<0.000000e+00> : vector<192x512xf32>
    %dot_general3A_187 = tpu.matmul %get3A_101, %squeeze3A_185, %dot_general3A_186 {dimension_numbers = #tpu.dot_dimension_numbers<[1], [0], [0], [1], [0, 0, 1, 1], [], []>, transpose_lhs_hint = false} : vector<192x64xf32>, vector<64x512xf32>, vector<192x512xf32> -> vector<192x512xf32>
    %slice3A_188 = vector.extract_strided_slice %get3A_108 {offsets = [8, 0, 0], sizes = [1, 128, 512], strides = [1, 1, 1]} : vector<16x128x512xf32> to vector<1x128x512xf32>
    %squeeze3A_189 = vector.shape_cast %slice3A_188 : vector<1x128x512xf32> to vector<128x512xf32>
    %dot_general3A_190 = arith.constant dense<0.000000e+00> : vector<192x512xf32>
    %dot_general3A_191 = tpu.matmul %get3A_111, %squeeze3A_189, %dot_general3A_190 {dimension_numbers = #tpu.dot_dimension_numbers<[1], [0], [0], [1], [0, 0, 1, 1], [], []>, transpose_lhs_hint = false} : vector<192x128xf32>, vector<128x512xf32>, vector<192x512xf32> -> vector<192x512xf32>
    %add3A_192 = arith.addf %dot_general3A_187, %dot_general3A_191 : vector<192x512xf32>
    %slice3A_193 = vector.extract_strided_slice %max3A_98 {offsets = [9, 0, 0], sizes = [1, 64, 512], strides = [1, 1, 1]} : vector<16x64x512xf32> to vector<1x64x512xf32>
    %squeeze3A_194 = vector.shape_cast %slice3A_193 : vector<1x64x512xf32> to vector<64x512xf32>
    %dot_general3A_195 = arith.constant dense<0.000000e+00> : vector<192x512xf32>
    %dot_general3A_196 = tpu.matmul %get3A_101, %squeeze3A_194, %dot_general3A_195 {dimension_numbers = #tpu.dot_dimension_numbers<[1], [0], [0], [1], [0, 0, 1, 1], [], []>, transpose_lhs_hint = false} : vector<192x64xf32>, vector<64x512xf32>, vector<192x512xf32> -> vector<192x512xf32>
    %slice3A_197 = vector.extract_strided_slice %get3A_108 {offsets = [9, 0, 0], sizes = [1, 128, 512], strides = [1, 1, 1]} : vector<16x128x512xf32> to vector<1x128x512xf32>
    %squeeze3A_198 = vector.shape_cast %slice3A_197 : vector<1x128x512xf32> to vector<128x512xf32>
    %dot_general3A_199 = arith.constant dense<0.000000e+00> : vector<192x512xf32>
    %dot_general3A_200 = tpu.matmul %get3A_111, %squeeze3A_198, %dot_general3A_199 {dimension_numbers = #tpu.dot_dimension_numbers<[1], [0], [0], [1], [0, 0, 1, 1], [], []>, transpose_lhs_hint = false} : vector<192x128xf32>, vector<128x512xf32>, vector<192x512xf32> -> vector<192x512xf32>
    %add3A_201 = arith.addf %dot_general3A_196, %dot_general3A_200 : vector<192x512xf32>
    %slice3A_202 = vector.extract_strided_slice %max3A_98 {offsets = [10, 0, 0], sizes = [1, 64, 512], strides = [1, 1, 1]} : vector<16x64x512xf32> to vector<1x64x512xf32>
    %squeeze3A_203 = vector.shape_cast %slice3A_202 : vector<1x64x512xf32> to vector<64x512xf32>
    %dot_general3A_204 = arith.constant dense<0.000000e+00> : vector<192x512xf32>
    %dot_general3A_205 = tpu.matmul %get3A_101, %squeeze3A_203, %dot_general3A_204 {dimension_numbers = #tpu.dot_dimension_numbers<[1], [0], [0], [1], [0, 0, 1, 1], [], []>, transpose_lhs_hint = false} : vector<192x64xf32>, vector<64x512xf32>, vector<192x512xf32> -> vector<192x512xf32>
    %slice3A_206 = vector.extract_strided_slice %get3A_108 {offsets = [10, 0, 0], sizes = [1, 128, 512], strides = [1, 1, 1]} : vector<16x128x512xf32> to vector<1x128x512xf32>
    %squeeze3A_207 = vector.shape_cast %slice3A_206 : vector<1x128x512xf32> to vector<128x512xf32>
    %dot_general3A_208 = arith.constant dense<0.000000e+00> : vector<192x512xf32>
    %dot_general3A_209 = tpu.matmul %get3A_111, %squeeze3A_207, %dot_general3A_208 {dimension_numbers = #tpu.dot_dimension_numbers<[1], [0], [0], [1], [0, 0, 1, 1], [], []>, transpose_lhs_hint = false} : vector<192x128xf32>, vector<128x512xf32>, vector<192x512xf32> -> vector<192x512xf32>
    %add3A_210 = arith.addf %dot_general3A_205, %dot_general3A_209 : vector<192x512xf32>
    %slice3A_211 = vector.extract_strided_slice %max3A_98 {offsets = [11, 0, 0], sizes = [1, 64, 512], strides = [1, 1, 1]} : vector<16x64x512xf32> to vector<1x64x512xf32>
    %squeeze3A_212 = vector.shape_cast %slice3A_211 : vector<1x64x512xf32> to vector<64x512xf32>
    %dot_general3A_213 = arith.constant dense<0.000000e+00> : vector<192x512xf32>
    %dot_general3A_214 = tpu.matmul %get3A_101, %squeeze3A_212, %dot_general3A_213 {dimension_numbers = #tpu.dot_dimension_numbers<[1], [0], [0], [1], [0, 0, 1, 1], [], []>, transpose_lhs_hint = false} : vector<192x64xf32>, vector<64x512xf32>, vector<192x512xf32> -> vector<192x512xf32>
    %slice3A_215 = vector.extract_strided_slice %get3A_108 {offsets = [11, 0, 0], sizes = [1, 128, 512], strides = [1, 1, 1]} : vector<16x128x512xf32> to vector<1x128x512xf32>
    %squeeze3A_216 = vector.shape_cast %slice3A_215 : vector<1x128x512xf32> to vector<128x512xf32>
    %dot_general3A_217 = arith.constant dense<0.000000e+00> : vector<192x512xf32>
    %dot_general3A_218 = tpu.matmul %get3A_111, %squeeze3A_216, %dot_general3A_217 {dimension_numbers = #tpu.dot_dimension_numbers<[1], [0], [0], [1], [0, 0, 1, 1], [], []>, transpose_lhs_hint = false} : vector<192x128xf32>, vector<128x512xf32>, vector<192x512xf32> -> vector<192x512xf32>
    %add3A_219 = arith.addf %dot_general3A_214, %dot_general3A_218 : vector<192x512xf32>
    %slice3A_220 = vector.extract_strided_slice %max3A_98 {offsets = [12, 0, 0], sizes = [1, 64, 512], strides = [1, 1, 1]} : vector<16x64x512xf32> to vector<1x64x512xf32>
    %squeeze3A_221 = vector.shape_cast %slice3A_220 : vector<1x64x512xf32> to vector<64x512xf32>
    %dot_general3A_222 = arith.constant dense<0.000000e+00> : vector<192x512xf32>
    %dot_general3A_223 = tpu.matmul %get3A_101, %squeeze3A_221, %dot_general3A_222 {dimension_numbers = #tpu.dot_dimension_numbers<[1], [0], [0], [1], [0, 0, 1, 1], [], []>, transpose_lhs_hint = false} : vector<192x64xf32>, vector<64x512xf32>, vector<192x512xf32> -> vector<192x512xf32>
    %slice3A_224 = vector.extract_strided_slice %get3A_108 {offsets = [12, 0, 0], sizes = [1, 128, 512], strides = [1, 1, 1]} : vector<16x128x512xf32> to vector<1x128x512xf32>
    %squeeze3A_225 = vector.shape_cast %slice3A_224 : vector<1x128x512xf32> to vector<128x512xf32>
    %dot_general3A_226 = arith.constant dense<0.000000e+00> : vector<192x512xf32>
    %dot_general3A_227 = tpu.matmul %get3A_111, %squeeze3A_225, %dot_general3A_226 {dimension_numbers = #tpu.dot_dimension_numbers<[1], [0], [0], [1], [0, 0, 1, 1], [], []>, transpose_lhs_hint = false} : vector<192x128xf32>, vector<128x512xf32>, vector<192x512xf32> -> vector<192x512xf32>
    %add3A_228 = arith.addf %dot_general3A_223, %dot_general3A_227 : vector<192x512xf32>
    %slice3A_229 = vector.extract_strided_slice %max3A_98 {offsets = [13, 0, 0], sizes = [1, 64, 512], strides = [1, 1, 1]} : vector<16x64x512xf32> to vector<1x64x512xf32>
    %squeeze3A_230 = vector.shape_cast %slice3A_229 : vector<1x64x512xf32> to vector<64x512xf32>
    %dot_general3A_231 = arith.constant dense<0.000000e+00> : vector<192x512xf32>
    %dot_general3A_232 = tpu.matmul %get3A_101, %squeeze3A_230, %dot_general3A_231 {dimension_numbers = #tpu.dot_dimension_numbers<[1], [0], [0], [1], [0, 0, 1, 1], [], []>, transpose_lhs_hint = false} : vector<192x64xf32>, vector<64x512xf32>, vector<192x512xf32> -> vector<192x512xf32>
    %slice3A_233 = vector.extract_strided_slice %get3A_108 {offsets = [13, 0, 0], sizes = [1, 128, 512], strides = [1, 1, 1]} : vector<16x128x512xf32> to vector<1x128x512xf32>
    %squeeze3A_234 = vector.shape_cast %slice3A_233 : vector<1x128x512xf32> to vector<128x512xf32>
    %dot_general3A_235 = arith.constant dense<0.000000e+00> : vector<192x512xf32>
    %dot_general3A_236 = tpu.matmul %get3A_111, %squeeze3A_234, %dot_general3A_235 {dimension_numbers = #tpu.dot_dimension_numbers<[1], [0], [0], [1], [0, 0, 1, 1], [], []>, transpose_lhs_hint = false} : vector<192x128xf32>, vector<128x512xf32>, vector<192x512xf32> -> vector<192x512xf32>
    %add3A_237 = arith.addf %dot_general3A_232, %dot_general3A_236 : vector<192x512xf32>
    %slice3A_238 = vector.extract_strided_slice %max3A_98 {offsets = [14, 0, 0], sizes = [1, 64, 512], strides = [1, 1, 1]} : vector<16x64x512xf32> to vector<1x64x512xf32>
    %squeeze3A_239 = vector.shape_cast %slice3A_238 : vector<1x64x512xf32> to vector<64x512xf32>
    %dot_general3A_240 = arith.constant dense<0.000000e+00> : vector<192x512xf32>
    %dot_general3A_241 = tpu.matmul %get3A_101, %squeeze3A_239, %dot_general3A_240 {dimension_numbers = #tpu.dot_dimension_numbers<[1], [0], [0], [1], [0, 0, 1, 1], [], []>, transpose_lhs_hint = false} : vector<192x64xf32>, vector<64x512xf32>, vector<192x512xf32> -> vector<192x512xf32>
    %slice3A_242 = vector.extract_strided_slice %get3A_108 {offsets = [14, 0, 0], sizes = [1, 128, 512], strides = [1, 1, 1]} : vector<16x128x512xf32> to vector<1x128x512xf32>
    %squeeze3A_243 = vector.shape_cast %slice3A_242 : vector<1x128x512xf32> to vector<128x512xf32>
    %dot_general3A_244 = arith.constant dense<0.000000e+00> : vector<192x512xf32>
    %dot_general3A_245 = tpu.matmul %get3A_111, %squeeze3A_243, %dot_general3A_244 {dimension_numbers = #tpu.dot_dimension_numbers<[1], [0], [0], [1], [0, 0, 1, 1], [], []>, transpose_lhs_hint = false} : vector<192x128xf32>, vector<128x512xf32>, vector<192x512xf32> -> vector<192x512xf32>
    %add3A_246 = arith.addf %dot_general3A_241, %dot_general3A_245 : vector<192x512xf32>
    %slice3A_247 = vector.extract_strided_slice %max3A_98 {offsets = [15, 0, 0], sizes = [1, 64, 512], strides = [1, 1, 1]} : vector<16x64x512xf32> to vector<1x64x512xf32>
    %squeeze3A_248 = vector.shape_cast %slice3A_247 : vector<1x64x512xf32> to vector<64x512xf32>
    %dot_general3A_249 = arith.constant dense<0.000000e+00> : vector<192x512xf32>
    %dot_general3A_250 = tpu.matmul %get3A_101, %squeeze3A_248, %dot_general3A_249 {dimension_numbers = #tpu.dot_dimension_numbers<[1], [0], [0], [1], [0, 0, 1, 1], [], []>, transpose_lhs_hint = false} : vector<192x64xf32>, vector<64x512xf32>, vector<192x512xf32> -> vector<192x512xf32>
    %slice3A_251 = vector.extract_strided_slice %get3A_108 {offsets = [15, 0, 0], sizes = [1, 128, 512], strides = [1, 1, 1]} : vector<16x128x512xf32> to vector<1x128x512xf32>
    %squeeze3A_252 = vector.shape_cast %slice3A_251 : vector<1x128x512xf32> to vector<128x512xf32>
    %dot_general3A_253 = arith.constant dense<0.000000e+00> : vector<192x512xf32>
    %dot_general3A_254 = tpu.matmul %get3A_111, %squeeze3A_252, %dot_general3A_253 {dimension_numbers = #tpu.dot_dimension_numbers<[1], [0], [0], [1], [0, 0, 1, 1], [], []>, transpose_lhs_hint = false} : vector<192x128xf32>, vector<128x512xf32>, vector<192x512xf32> -> vector<192x512xf32>
    %add3A_255 = arith.addf %dot_general3A_250, %dot_general3A_254 : vector<192x512xf32>
    %concatenate3A_256 = tpu.concatenate %add3A_120, %add3A_129, %add3A_138, %add3A_147, %add3A_156, %add3A_165, %add3A_174, %add3A_183, %add3A_192, %add3A_201, %add3A_210, %add3A_219, %add3A_228, %add3A_237, %add3A_246, %add3A_255 in 0 : vector<192x512xf32>, vector<192x512xf32>, vector<192x512xf32>, vector<192x512xf32>, vector<192x512xf32>, vector<192x512xf32>, vector<192x512xf32>, vector<192x512xf32>, vector<192x512xf32>, vector<192x512xf32>, vector<192x512xf32>, vector<192x512xf32>, vector<192x512xf32>, vector<192x512xf32>, vector<192x512xf32>, vector<192x512xf32> -> vector<3072x512xf32>
    %reshape3A_257 = vector.shape_cast %concatenate3A_256 : vector<3072x512xf32> to vector<16x192x512xf32>
    %slice3A_258 = vector.extract_strided_slice %reshape3A_257 {offsets = [0, 0, 0], sizes = [16, 64, 512], strides = [1, 1, 1]} : vector<16x192x512xf32> to vector<16x64x512xf32>
    %reshape3A_259 = vector.shape_cast %slice3A_258 : vector<16x64x512xf32> to vector<1024x512xf32>
    %slice3A_260 = vector.extract_strided_slice %reshape3A_257 {offsets = [0, 64, 0], sizes = [16, 64, 512], strides = [1, 1, 1]} : vector<16x192x512xf32> to vector<16x64x512xf32>
    %reshape3A_261 = vector.shape_cast %slice3A_260 : vector<16x64x512xf32> to vector<1024x512xf32>
    %slice3A_262 = vector.extract_strided_slice %reshape3A_257 {offsets = [0, 128, 0], sizes = [16, 64, 512], strides = [1, 1, 1]} : vector<16x192x512xf32> to vector<16x64x512xf32>
    %reshape3A_263 = vector.shape_cast %slice3A_262 : vector<16x64x512xf32> to vector<1024x512xf32>
    %get3A_264 = arith.constant 0 : index
    %get3A_265 = arith.constant 0 : index
    %get3A_266 = vector.load %arg2[%get3A_264, %get3A_265] : memref<512x512xf32, #tpu.memory_space<vmem>>, vector<512x512xf32>
    %dot_general3A_267 = arith.constant dense<0.000000e+00> : vector<1024x512xf32>
    %dot_general3A_268 = tpu.matmul %reshape3A_263, %get3A_266, %dot_general3A_267 {dimension_numbers = #tpu.dot_dimension_numbers<[1], [0], [0], [1], [0, 0, 1, 1], [], []>, transpose_lhs_hint = false} : vector<1024x512xf32>, vector<512x512xf32>, vector<1024x512xf32> -> vector<1024x512xf32>
    %sub3A_269 = arith.subf %reshape3A_259, %reshape3A_263 : vector<1024x512xf32>
    %mul3A_270 = arith.constant 2.000000e+00 : f32
    %mul3A_271 = vector.broadcast %mul3A_270 : f32 to vector<1024x512xf32>
    %mul3A_272 = arith.mulf %mul3A_271, %dot_general3A_268 : vector<1024x512xf32>
    %add3A_273 = arith.addf %reshape3A_261, %mul3A_272 : vector<1024x512xf32>
    %get3A_274 = arith.constant 0 : index
    %get3A_275 = arith.constant 0 : index
    %get3A_276 = vector.load %arg2[%get3A_274, %get3A_275] : memref<512x512xf32, #tpu.memory_space<vmem>>, vector<512x512xf32>
    %dot_general3A_277 = arith.constant dense<0.000000e+00> : vector<1024x512xf32>
    %dot_general3A_278 = tpu.matmul %add3A_273, %get3A_276, %dot_general3A_277 {dimension_numbers = #tpu.dot_dimension_numbers<[1], [0], [0], [1], [0, 0, 1, 1], [], []>, transpose_lhs_hint = false} : vector<1024x512xf32>, vector<512x512xf32>, vector<1024x512xf32> -> vector<1024x512xf32>
    %add3A_279 = arith.addf %sub3A_269, %dot_general3A_278 : vector<1024x512xf32>
    %reshape3A_280 = vector.shape_cast %add3A_279 : vector<1024x512xf32> to vector<16x64x512xf32>
    %broadcast_in_dim3A_281 = vector.shape_cast %get3A_104 : vector<64x1xf32> to vector<1x64x1xf32>
    %add3A_282 = vector.broadcast %broadcast_in_dim3A_281 : vector<1x64x1xf32> to vector<16x64x512xf32>
    %add3A_283 = arith.addf %reshape3A_280, %add3A_282 : vector<16x64x512xf32>
    %max3A_284 = arith.constant 0.000000e+00 : f32
    %max3A_285 = vector.broadcast %max3A_284 : f32 to vector<16x64x512xf32>
    %max3A_286 = arith.maximumf %add3A_283, %max3A_285 : vector<16x64x512xf32>
    %swap3A = arith.constant 0 : index
    %swap3A_287 = arith.constant 0 : index
    %swap3A_288 = arith.constant 0 : index
    %swap3A_289 = vector.load %arg10[%swap3A, %swap3A_287, %swap3A_288] : memref<16x64x512xf32, #tpu.memory_space<vmem>>, vector<16x64x512xf32>
    tpu.vector_store %arg10[%swap3A, %swap3A_287, %swap3A_288], %max3A_286 {strides = array<i32>} : memref<16x64x512xf32, #tpu.memory_space<vmem>>, vector<16x64x512xf32>,
    return
  }
  func.func @transform_0(%arg0: i32) -> (i32, i32, i32) {
    %c0_i32 = arith.constant 0 : i32
    %c0_i32_0 = arith.constant 0 : i32
    %c0_i32_1 = arith.constant 0 : i32
    return %arg0, %c0_i32, %c0_i32_0 : i32, i32, i32
  }
  func.func @transform_1(%arg0: i32) -> (i32, i32) {
    %c0_i32 = arith.constant 0 : i32
    %c0_i32_0 = arith.constant 0 : i32
    %c0_i32_1 = arith.constant 0 : i32
    return %c0_i32, %c0_i32_0 : i32, i32
  }
  func.func @transform_2(%arg0: i32) -> (i32, i32) {
    %c0_i32 = arith.constant 0 : i32
    %c0_i32_0 = arith.constant 0 : i32
    %c0_i32_1 = arith.constant 0 : i32
    return %c0_i32, %c0_i32_0 : i32, i32
  }
  func.func @transform_3(%arg0: i32) -> (i32, i32, i32) {
    %c0_i32 = arith.constant 0 : i32
    %c0_i32_0 = arith.constant 0 : i32
    %c0_i32_1 = arith.constant 0 : i32
    return %arg0, %c0_i32, %c0_i32_0 : i32, i32, i32
  }
  func.func @transform_4(%arg0: i32) -> (i32, i32) {
    %c0_i32 = arith.constant 0 : i32
    %c0_i32_0 = arith.constant 0 : i32
    %c0_i32_1 = arith.constant 0 : i32
    return %c0_i32, %c0_i32_0 : i32, i32
  }
  func.func @transform_5(%arg0: i32) -> (i32, i32) {
    %c0_i32 = arith.constant 0 : i32
    %c0_i32_0 = arith.constant 0 : i32
    %c0_i32_1 = arith.constant 0 : i32
    return %c0_i32, %c0_i32_0 : i32, i32
  }
  func.func @transform_6(%arg0: i32) -> (i32, i32) {
    %c0_i32 = arith.constant 0 : i32
    %c0_i32_0 = arith.constant 0 : i32
    %c0_i32_1 = arith.constant 0 : i32
    return %c0_i32, %c0_i32_0 : i32, i32
  }
  func.func @transform_7(%arg0: i32) -> (i32, i32) {
    %c0_i32 = arith.constant 0 : i32
    %c0_i32_0 = arith.constant 0 : i32
    %c0_i32_1 = arith.constant 0 : i32
    return %c0_i32, %c0_i32_0 : i32, i32
  }
  func.func @transform_8(%arg0: i32) -> (i32, i32) {
    %c0_i32 = arith.constant 0 : i32
    %c0_i32_0 = arith.constant 0 : i32
    %c0_i32_1 = arith.constant 0 : i32
    return %c0_i32, %c0_i32_0 : i32, i32
  }
  func.func @transform_9(%arg0: i32) -> (i32, i32, i32) {
    %c0_i32 = arith.constant 0 : i32
    %c0_i32_0 = arith.constant 0 : i32
    %c0_i32_1 = arith.constant 0 : i32
    return %arg0, %c0_i32, %c0_i32_0 : i32, i32, i32
  }
}

module attributes {stable_mosaic.version = 14 : i64} {
  func.func @_dec5_pair_body(%arg0: i32, %arg1: memref<8x64x512xf32, #tpu.memory_space<vmem>>, %arg2: memref<8x512x256xf32, #tpu.memory_space<vmem>>, %arg3: memref<512x2048xf32, #tpu.memory_space<vmem>>, %arg4: memref<96x64xf32, #tpu.memory_space<vmem>>, %arg5: memref<32x1xf32, #tpu.memory_space<vmem>>, %arg6: memref<48x32xf32, #tpu.memory_space<vmem>>, %arg7: memref<16x1xf32, #tpu.memory_space<vmem>>, %arg8: memref<8x16x2048xf32, #tpu.memory_space<vmem>>) attributes {dimension_semantics = [#tpu.dimension_semantics<arbitrary>], iteration_bounds = array<i64: 4>, scalar_prefetch = 0 : i64, scratch_operands = 0 : i64, tpu.core_type = #tpu.core_type<tc>, window_params = [{transform_indices = @transform_0, window_bounds = array<i64: 8, 64, 512>}, {pipeline_mode = #tpu.pipeline_mode<synchronous>, transform_indices = @transform_1, window_bounds = array<i64: 8, 512, 256>}, {pipeline_mode = #tpu.pipeline_mode<synchronous>, transform_indices = @transform_2, window_bounds = array<i64: 512, 2048>}, {pipeline_mode = #tpu.pipeline_mode<synchronous>, transform_indices = @transform_3, window_bounds = array<i64: 96, 64>}, {pipeline_mode = #tpu.pipeline_mode<synchronous>, transform_indices = @transform_4, window_bounds = array<i64: 32, 1>}, {pipeline_mode = #tpu.pipeline_mode<synchronous>, transform_indices = @transform_5, window_bounds = array<i64: 48, 32>}, {pipeline_mode = #tpu.pipeline_mode<synchronous>, transform_indices = @transform_6, window_bounds = array<i64: 16, 1>}, {transform_indices = @transform_7, window_bounds = array<i64: 8, 16, 2048>}]} {
    %get3A = arith.constant 0 : index
    %get3A_0 = arith.constant 0 : index
    %get3A_1 = arith.constant 0 : index
    %get3A_2 = vector.load %arg1[%get3A, %get3A_0, %get3A_1] : memref<8x64x512xf32, #tpu.memory_space<vmem>>, vector<8x64x512xf32>
    %get3A_3 = arith.constant 0 : index
    %get3A_4 = arith.constant 0 : index
    %get3A_5 = vector.load %arg4[%get3A_3, %get3A_4] : memref<96x64xf32, #tpu.memory_space<vmem>>, vector<96x64xf32>
    %get3A_6 = arith.constant 0 : index
    %get3A_7 = arith.constant 0 : index
    %get3A_8 = vector.load %arg5[%get3A_6, %get3A_7] : memref<32x1xf32, #tpu.memory_space<vmem>>, vector<32x1xf32>
    %get3A_9 = arith.constant 0 : index
    %get3A_10 = arith.constant 0 : index
    %get3A_11 = vector.load %arg3[%get3A_9, %get3A_10] : memref<512x2048xf32, #tpu.memory_space<vmem>>, vector<512x2048xf32>
    %slice3A = vector.extract_strided_slice %get3A_2 {offsets = [0, 0, 0], sizes = [1, 64, 512], strides = [1, 1, 1]} : vector<8x64x512xf32> to vector<1x64x512xf32>
    %squeeze3A = vector.shape_cast %slice3A : vector<1x64x512xf32> to vector<64x512xf32>
    %dot_general3A = arith.constant dense<0.000000e+00> : vector<96x512xf32>
    %dot_general3A_12 = tpu.matmul %get3A_5, %squeeze3A, %dot_general3A {dimension_numbers = #tpu.dot_dimension_numbers<[1], [0], [0], [1], [0, 0, 1, 1], [], []>, transpose_lhs_hint = false} : vector<96x64xf32>, vector<64x512xf32>, vector<96x512xf32> -> vector<96x512xf32>
    %slice3A_13 = vector.extract_strided_slice %get3A_2 {offsets = [1, 0, 0], sizes = [1, 64, 512], strides = [1, 1, 1]} : vector<8x64x512xf32> to vector<1x64x512xf32>
    %squeeze3A_14 = vector.shape_cast %slice3A_13 : vector<1x64x512xf32> to vector<64x512xf32>
    %dot_general3A_15 = arith.constant dense<0.000000e+00> : vector<96x512xf32>
    %dot_general3A_16 = tpu.matmul %get3A_5, %squeeze3A_14, %dot_general3A_15 {dimension_numbers = #tpu.dot_dimension_numbers<[1], [0], [0], [1], [0, 0, 1, 1], [], []>, transpose_lhs_hint = false} : vector<96x64xf32>, vector<64x512xf32>, vector<96x512xf32> -> vector<96x512xf32>
    %slice3A_17 = vector.extract_strided_slice %get3A_2 {offsets = [2, 0, 0], sizes = [1, 64, 512], strides = [1, 1, 1]} : vector<8x64x512xf32> to vector<1x64x512xf32>
    %squeeze3A_18 = vector.shape_cast %slice3A_17 : vector<1x64x512xf32> to vector<64x512xf32>
    %dot_general3A_19 = arith.constant dense<0.000000e+00> : vector<96x512xf32>
    %dot_general3A_20 = tpu.matmul %get3A_5, %squeeze3A_18, %dot_general3A_19 {dimension_numbers = #tpu.dot_dimension_numbers<[1], [0], [0], [1], [0, 0, 1, 1], [], []>, transpose_lhs_hint = false} : vector<96x64xf32>, vector<64x512xf32>, vector<96x512xf32> -> vector<96x512xf32>
    %slice3A_21 = vector.extract_strided_slice %get3A_2 {offsets = [3, 0, 0], sizes = [1, 64, 512], strides = [1, 1, 1]} : vector<8x64x512xf32> to vector<1x64x512xf32>
    %squeeze3A_22 = vector.shape_cast %slice3A_21 : vector<1x64x512xf32> to vector<64x512xf32>
    %dot_general3A_23 = arith.constant dense<0.000000e+00> : vector<96x512xf32>
    %dot_general3A_24 = tpu.matmul %get3A_5, %squeeze3A_22, %dot_general3A_23 {dimension_numbers = #tpu.dot_dimension_numbers<[1], [0], [0], [1], [0, 0, 1, 1], [], []>, transpose_lhs_hint = false} : vector<96x64xf32>, vector<64x512xf32>, vector<96x512xf32> -> vector<96x512xf32>
    %slice3A_25 = vector.extract_strided_slice %get3A_2 {offsets = [4, 0, 0], sizes = [1, 64, 512], strides = [1, 1, 1]} : vector<8x64x512xf32> to vector<1x64x512xf32>
    %squeeze3A_26 = vector.shape_cast %slice3A_25 : vector<1x64x512xf32> to vector<64x512xf32>
    %dot_general3A_27 = arith.constant dense<0.000000e+00> : vector<96x512xf32>
    %dot_general3A_28 = tpu.matmul %get3A_5, %squeeze3A_26, %dot_general3A_27 {dimension_numbers = #tpu.dot_dimension_numbers<[1], [0], [0], [1], [0, 0, 1, 1], [], []>, transpose_lhs_hint = false} : vector<96x64xf32>, vector<64x512xf32>, vector<96x512xf32> -> vector<96x512xf32>
    %slice3A_29 = vector.extract_strided_slice %get3A_2 {offsets = [5, 0, 0], sizes = [1, 64, 512], strides = [1, 1, 1]} : vector<8x64x512xf32> to vector<1x64x512xf32>
    %squeeze3A_30 = vector.shape_cast %slice3A_29 : vector<1x64x512xf32> to vector<64x512xf32>
    %dot_general3A_31 = arith.constant dense<0.000000e+00> : vector<96x512xf32>
    %dot_general3A_32 = tpu.matmul %get3A_5, %squeeze3A_30, %dot_general3A_31 {dimension_numbers = #tpu.dot_dimension_numbers<[1], [0], [0], [1], [0, 0, 1, 1], [], []>, transpose_lhs_hint = false} : vector<96x64xf32>, vector<64x512xf32>, vector<96x512xf32> -> vector<96x512xf32>
    %slice3A_33 = vector.extract_strided_slice %get3A_2 {offsets = [6, 0, 0], sizes = [1, 64, 512], strides = [1, 1, 1]} : vector<8x64x512xf32> to vector<1x64x512xf32>
    %squeeze3A_34 = vector.shape_cast %slice3A_33 : vector<1x64x512xf32> to vector<64x512xf32>
    %dot_general3A_35 = arith.constant dense<0.000000e+00> : vector<96x512xf32>
    %dot_general3A_36 = tpu.matmul %get3A_5, %squeeze3A_34, %dot_general3A_35 {dimension_numbers = #tpu.dot_dimension_numbers<[1], [0], [0], [1], [0, 0, 1, 1], [], []>, transpose_lhs_hint = false} : vector<96x64xf32>, vector<64x512xf32>, vector<96x512xf32> -> vector<96x512xf32>
    %slice3A_37 = vector.extract_strided_slice %get3A_2 {offsets = [7, 0, 0], sizes = [1, 64, 512], strides = [1, 1, 1]} : vector<8x64x512xf32> to vector<1x64x512xf32>
    %squeeze3A_38 = vector.shape_cast %slice3A_37 : vector<1x64x512xf32> to vector<64x512xf32>
    %dot_general3A_39 = arith.constant dense<0.000000e+00> : vector<96x512xf32>
    %dot_general3A_40 = tpu.matmul %get3A_5, %squeeze3A_38, %dot_general3A_39 {dimension_numbers = #tpu.dot_dimension_numbers<[1], [0], [0], [1], [0, 0, 1, 1], [], []>, transpose_lhs_hint = false} : vector<96x64xf32>, vector<64x512xf32>, vector<96x512xf32> -> vector<96x512xf32>
    %concatenate3A = tpu.concatenate %dot_general3A_12, %dot_general3A_16, %dot_general3A_20, %dot_general3A_24, %dot_general3A_28, %dot_general3A_32, %dot_general3A_36, %dot_general3A_40 in 0 : vector<96x512xf32>, vector<96x512xf32>, vector<96x512xf32>, vector<96x512xf32>, vector<96x512xf32>, vector<96x512xf32>, vector<96x512xf32>, vector<96x512xf32> -> vector<768x512xf32>
    %dot_general3A_41 = arith.constant dense<0.000000e+00> : vector<768x2048xf32>
    %dot_general3A_42 = tpu.matmul %concatenate3A, %get3A_11, %dot_general3A_41 {dimension_numbers = #tpu.dot_dimension_numbers<[1], [0], [0], [1], [0, 0, 1, 1], [], []>, transpose_lhs_hint = false} : vector<768x512xf32>, vector<512x2048xf32>, vector<768x2048xf32> -> vector<768x2048xf32>
    %reshape3A = vector.shape_cast %dot_general3A_42 : vector<768x2048xf32> to vector<8x96x2048xf32>
    %slice3A_43 = vector.extract_strided_slice %reshape3A {offsets = [0, 0, 0], sizes = [8, 32, 2048], strides = [1, 1, 1]} : vector<8x96x2048xf32> to vector<8x32x2048xf32>
    %reshape3A_44 = vector.shape_cast %slice3A_43 : vector<8x32x2048xf32> to vector<256x2048xf32>
    %slice3A_45 = vector.extract_strided_slice %reshape3A {offsets = [0, 32, 0], sizes = [8, 32, 2048], strides = [1, 1, 1]} : vector<8x96x2048xf32> to vector<8x32x2048xf32>
    %reshape3A_46 = vector.shape_cast %slice3A_45 : vector<8x32x2048xf32> to vector<256x2048xf32>
    %slice3A_47 = vector.extract_strided_slice %reshape3A {offsets = [0, 64, 0], sizes = [8, 32, 2048], strides = [1, 1, 1]} : vector<8x96x2048xf32> to vector<8x32x2048xf32>
    %reshape3A_48 = vector.shape_cast %slice3A_47 : vector<8x32x2048xf32> to vector<256x2048xf32>
    %jit3A = arith.constant 0 : i32
    %convert_element_type3A = arith.sitofp %jit3A : i32 to f32
    %pad3A = vector.broadcast %convert_element_type3A : f32 to vector<256x128xf32>
    %pad3A_49 = tpu.concatenate %pad3A, %reshape3A_48 in 1 : vector<256x128xf32>, vector<256x2048xf32> -> vector<256x2176xf32>
    %pad3A_50 = vector.broadcast %convert_element_type3A : f32 to vector<256x128xf32>
    %pad3A_51 = tpu.concatenate %pad3A_49, %pad3A_50 in 1 : vector<256x2176xf32>, vector<256x128xf32> -> vector<256x2304xf32>
    %slice3A_52 = vector.extract_strided_slice %pad3A_51 {offsets = [0, 0], sizes = [256, 512], strides = [1, 1]} : vector<256x2304xf32> to vector<256x512xf32>
    %get3A_53 = arith.constant 0 : index
    %get3A_54 = arith.constant 0 : index
    %get3A_55 = arith.constant 0 : index
    %get3A_56 = vector.load %arg2[%get3A_53, %get3A_54, %get3A_55] : memref<8x512x256xf32, #tpu.memory_space<vmem>>, vector<1x512x256xf32>
    %get3A_57 = vector.shape_cast %get3A_56 : vector<1x512x256xf32> to vector<512x256xf32>
    %dot_general3A_58 = arith.constant dense<0.000000e+00> : vector<256x256xf32>
    %dot_general3A_59 = tpu.matmul %slice3A_52, %get3A_57, %dot_general3A_58 {dimension_numbers = #tpu.dot_dimension_numbers<[1], [0], [0], [1], [0, 0, 1, 1], [], []>, transpose_lhs_hint = false} : vector<256x512xf32>, vector<512x256xf32>, vector<256x256xf32> -> vector<256x256xf32>
    %slice3A_60 = vector.extract_strided_slice %pad3A_51 {offsets = [0, 256], sizes = [256, 512], strides = [1, 1]} : vector<256x2304xf32> to vector<256x512xf32>
    %get3A_61 = arith.constant 1 : index
    %get3A_62 = arith.constant 0 : index
    %get3A_63 = arith.constant 0 : index
    %get3A_64 = vector.load %arg2[%get3A_61, %get3A_62, %get3A_63] : memref<8x512x256xf32, #tpu.memory_space<vmem>>, vector<1x512x256xf32>
    %get3A_65 = vector.shape_cast %get3A_64 : vector<1x512x256xf32> to vector<512x256xf32>
    %dot_general3A_66 = arith.constant dense<0.000000e+00> : vector<256x256xf32>
    %dot_general3A_67 = tpu.matmul %slice3A_60, %get3A_65, %dot_general3A_66 {dimension_numbers = #tpu.dot_dimension_numbers<[1], [0], [0], [1], [0, 0, 1, 1], [], []>, transpose_lhs_hint = false} : vector<256x512xf32>, vector<512x256xf32>, vector<256x256xf32> -> vector<256x256xf32>
    %slice3A_68 = vector.extract_strided_slice %pad3A_51 {offsets = [0, 512], sizes = [256, 512], strides = [1, 1]} : vector<256x2304xf32> to vector<256x512xf32>
    %get3A_69 = arith.constant 2 : index
    %get3A_70 = arith.constant 0 : index
    %get3A_71 = arith.constant 0 : index
    %get3A_72 = vector.load %arg2[%get3A_69, %get3A_70, %get3A_71] : memref<8x512x256xf32, #tpu.memory_space<vmem>>, vector<1x512x256xf32>
    %get3A_73 = vector.shape_cast %get3A_72 : vector<1x512x256xf32> to vector<512x256xf32>
    %dot_general3A_74 = arith.constant dense<0.000000e+00> : vector<256x256xf32>
    %dot_general3A_75 = tpu.matmul %slice3A_68, %get3A_73, %dot_general3A_74 {dimension_numbers = #tpu.dot_dimension_numbers<[1], [0], [0], [1], [0, 0, 1, 1], [], []>, transpose_lhs_hint = false} : vector<256x512xf32>, vector<512x256xf32>, vector<256x256xf32> -> vector<256x256xf32>
    %slice3A_76 = vector.extract_strided_slice %pad3A_51 {offsets = [0, 768], sizes = [256, 512], strides = [1, 1]} : vector<256x2304xf32> to vector<256x512xf32>
    %get3A_77 = arith.constant 3 : index
    %get3A_78 = arith.constant 0 : index
    %get3A_79 = arith.constant 0 : index
    %get3A_80 = vector.load %arg2[%get3A_77, %get3A_78, %get3A_79] : memref<8x512x256xf32, #tpu.memory_space<vmem>>, vector<1x512x256xf32>
    %get3A_81 = vector.shape_cast %get3A_80 : vector<1x512x256xf32> to vector<512x256xf32>
    %dot_general3A_82 = arith.constant dense<0.000000e+00> : vector<256x256xf32>
    %dot_general3A_83 = tpu.matmul %slice3A_76, %get3A_81, %dot_general3A_82 {dimension_numbers = #tpu.dot_dimension_numbers<[1], [0], [0], [1], [0, 0, 1, 1], [], []>, transpose_lhs_hint = false} : vector<256x512xf32>, vector<512x256xf32>, vector<256x256xf32> -> vector<256x256xf32>
    %slice3A_84 = vector.extract_strided_slice %pad3A_51 {offsets = [0, 1024], sizes = [256, 512], strides = [1, 1]} : vector<256x2304xf32> to vector<256x512xf32>
    %get3A_85 = arith.constant 4 : index
    %get3A_86 = arith.constant 0 : index
    %get3A_87 = arith.constant 0 : index
    %get3A_88 = vector.load %arg2[%get3A_85, %get3A_86, %get3A_87] : memref<8x512x256xf32, #tpu.memory_space<vmem>>, vector<1x512x256xf32>
    %get3A_89 = vector.shape_cast %get3A_88 : vector<1x512x256xf32> to vector<512x256xf32>
    %dot_general3A_90 = arith.constant dense<0.000000e+00> : vector<256x256xf32>
    %dot_general3A_91 = tpu.matmul %slice3A_84, %get3A_89, %dot_general3A_90 {dimension_numbers = #tpu.dot_dimension_numbers<[1], [0], [0], [1], [0, 0, 1, 1], [], []>, transpose_lhs_hint = false} : vector<256x512xf32>, vector<512x256xf32>, vector<256x256xf32> -> vector<256x256xf32>
    %slice3A_92 = vector.extract_strided_slice %pad3A_51 {offsets = [0, 1280], sizes = [256, 512], strides = [1, 1]} : vector<256x2304xf32> to vector<256x512xf32>
    %get3A_93 = arith.constant 5 : index
    %get3A_94 = arith.constant 0 : index
    %get3A_95 = arith.constant 0 : index
    %get3A_96 = vector.load %arg2[%get3A_93, %get3A_94, %get3A_95] : memref<8x512x256xf32, #tpu.memory_space<vmem>>, vector<1x512x256xf32>
    %get3A_97 = vector.shape_cast %get3A_96 : vector<1x512x256xf32> to vector<512x256xf32>
    %dot_general3A_98 = arith.constant dense<0.000000e+00> : vector<256x256xf32>
    %dot_general3A_99 = tpu.matmul %slice3A_92, %get3A_97, %dot_general3A_98 {dimension_numbers = #tpu.dot_dimension_numbers<[1], [0], [0], [1], [0, 0, 1, 1], [], []>, transpose_lhs_hint = false} : vector<256x512xf32>, vector<512x256xf32>, vector<256x256xf32> -> vector<256x256xf32>
    %slice3A_100 = vector.extract_strided_slice %pad3A_51 {offsets = [0, 1536], sizes = [256, 512], strides = [1, 1]} : vector<256x2304xf32> to vector<256x512xf32>
    %get3A_101 = arith.constant 6 : index
    %get3A_102 = arith.constant 0 : index
    %get3A_103 = arith.constant 0 : index
    %get3A_104 = vector.load %arg2[%get3A_101, %get3A_102, %get3A_103] : memref<8x512x256xf32, #tpu.memory_space<vmem>>, vector<1x512x256xf32>
    %get3A_105 = vector.shape_cast %get3A_104 : vector<1x512x256xf32> to vector<512x256xf32>
    %dot_general3A_106 = arith.constant dense<0.000000e+00> : vector<256x256xf32>
    %dot_general3A_107 = tpu.matmul %slice3A_100, %get3A_105, %dot_general3A_106 {dimension_numbers = #tpu.dot_dimension_numbers<[1], [0], [0], [1], [0, 0, 1, 1], [], []>, transpose_lhs_hint = false} : vector<256x512xf32>, vector<512x256xf32>, vector<256x256xf32> -> vector<256x256xf32>
    %slice3A_108 = vector.extract_strided_slice %pad3A_51 {offsets = [0, 1792], sizes = [256, 512], strides = [1, 1]} : vector<256x2304xf32> to vector<256x512xf32>
    %get3A_109 = arith.constant 7 : index
    %get3A_110 = arith.constant 0 : index
    %get3A_111 = arith.constant 0 : index
    %get3A_112 = vector.load %arg2[%get3A_109, %get3A_110, %get3A_111] : memref<8x512x256xf32, #tpu.memory_space<vmem>>, vector<1x512x256xf32>
    %get3A_113 = vector.shape_cast %get3A_112 : vector<1x512x256xf32> to vector<512x256xf32>
    %dot_general3A_114 = arith.constant dense<0.000000e+00> : vector<256x256xf32>
    %dot_general3A_115 = tpu.matmul %slice3A_108, %get3A_113, %dot_general3A_114 {dimension_numbers = #tpu.dot_dimension_numbers<[1], [0], [0], [1], [0, 0, 1, 1], [], []>, transpose_lhs_hint = false} : vector<256x512xf32>, vector<512x256xf32>, vector<256x256xf32> -> vector<256x256xf32>
    %concatenate3A_116 = tpu.concatenate %dot_general3A_59, %dot_general3A_67, %dot_general3A_75, %dot_general3A_83, %dot_general3A_91, %dot_general3A_99, %dot_general3A_107, %dot_general3A_115 in 1 : vector<256x256xf32>, vector<256x256xf32>, vector<256x256xf32>, vector<256x256xf32>, vector<256x256xf32>, vector<256x256xf32>, vector<256x256xf32>, vector<256x256xf32> -> vector<256x2048xf32>
    %sub3A = arith.subf %reshape3A_44, %reshape3A_48 : vector<256x2048xf32>
    %mul3A = arith.constant 2.000000e+00 : f32
    %mul3A_117 = vector.broadcast %mul3A : f32 to vector<256x2048xf32>
    %mul3A_118 = arith.mulf %mul3A_117, %concatenate3A_116 : vector<256x2048xf32>
    %add3A = arith.addf %reshape3A_46, %mul3A_118 : vector<256x2048xf32>
    %jit3A_119 = arith.constant 0 : i32
    %convert_element_type3A_120 = arith.sitofp %jit3A_119 : i32 to f32
    %pad3A_121 = vector.broadcast %convert_element_type3A_120 : f32 to vector<256x128xf32>
    %pad3A_122 = tpu.concatenate %pad3A_121, %add3A in 1 : vector<256x128xf32>, vector<256x2048xf32> -> vector<256x2176xf32>
    %pad3A_123 = vector.broadcast %convert_element_type3A_120 : f32 to vector<256x128xf32>
    %pad3A_124 = tpu.concatenate %pad3A_122, %pad3A_123 in 1 : vector<256x2176xf32>, vector<256x128xf32> -> vector<256x2304xf32>
    %slice3A_125 = vector.extract_strided_slice %pad3A_124 {offsets = [0, 0], sizes = [256, 512], strides = [1, 1]} : vector<256x2304xf32> to vector<256x512xf32>
    %get3A_126 = arith.constant 0 : index
    %get3A_127 = arith.constant 0 : index
    %get3A_128 = arith.constant 0 : index
    %get3A_129 = vector.load %arg2[%get3A_126, %get3A_127, %get3A_128] : memref<8x512x256xf32, #tpu.memory_space<vmem>>, vector<1x512x256xf32>
    %get3A_130 = vector.shape_cast %get3A_129 : vector<1x512x256xf32> to vector<512x256xf32>
    %dot_general3A_131 = arith.constant dense<0.000000e+00> : vector<256x256xf32>
    %dot_general3A_132 = tpu.matmul %slice3A_125, %get3A_130, %dot_general3A_131 {dimension_numbers = #tpu.dot_dimension_numbers<[1], [0], [0], [1], [0, 0, 1, 1], [], []>, transpose_lhs_hint = false} : vector<256x512xf32>, vector<512x256xf32>, vector<256x256xf32> -> vector<256x256xf32>
    %slice3A_133 = vector.extract_strided_slice %pad3A_124 {offsets = [0, 256], sizes = [256, 512], strides = [1, 1]} : vector<256x2304xf32> to vector<256x512xf32>
    %get3A_134 = arith.constant 1 : index
    %get3A_135 = arith.constant 0 : index
    %get3A_136 = arith.constant 0 : index
    %get3A_137 = vector.load %arg2[%get3A_134, %get3A_135, %get3A_136] : memref<8x512x256xf32, #tpu.memory_space<vmem>>, vector<1x512x256xf32>
    %get3A_138 = vector.shape_cast %get3A_137 : vector<1x512x256xf32> to vector<512x256xf32>
    %dot_general3A_139 = arith.constant dense<0.000000e+00> : vector<256x256xf32>
    %dot_general3A_140 = tpu.matmul %slice3A_133, %get3A_138, %dot_general3A_139 {dimension_numbers = #tpu.dot_dimension_numbers<[1], [0], [0], [1], [0, 0, 1, 1], [], []>, transpose_lhs_hint = false} : vector<256x512xf32>, vector<512x256xf32>, vector<256x256xf32> -> vector<256x256xf32>
    %slice3A_141 = vector.extract_strided_slice %pad3A_124 {offsets = [0, 512], sizes = [256, 512], strides = [1, 1]} : vector<256x2304xf32> to vector<256x512xf32>
    %get3A_142 = arith.constant 2 : index
    %get3A_143 = arith.constant 0 : index
    %get3A_144 = arith.constant 0 : index
    %get3A_145 = vector.load %arg2[%get3A_142, %get3A_143, %get3A_144] : memref<8x512x256xf32, #tpu.memory_space<vmem>>, vector<1x512x256xf32>
    %get3A_146 = vector.shape_cast %get3A_145 : vector<1x512x256xf32> to vector<512x256xf32>
    %dot_general3A_147 = arith.constant dense<0.000000e+00> : vector<256x256xf32>
    %dot_general3A_148 = tpu.matmul %slice3A_141, %get3A_146, %dot_general3A_147 {dimension_numbers = #tpu.dot_dimension_numbers<[1], [0], [0], [1], [0, 0, 1, 1], [], []>, transpose_lhs_hint = false} : vector<256x512xf32>, vector<512x256xf32>, vector<256x256xf32> -> vector<256x256xf32>
    %slice3A_149 = vector.extract_strided_slice %pad3A_124 {offsets = [0, 768], sizes = [256, 512], strides = [1, 1]} : vector<256x2304xf32> to vector<256x512xf32>
    %get3A_150 = arith.constant 3 : index
    %get3A_151 = arith.constant 0 : index
    %get3A_152 = arith.constant 0 : index
    %get3A_153 = vector.load %arg2[%get3A_150, %get3A_151, %get3A_152] : memref<8x512x256xf32, #tpu.memory_space<vmem>>, vector<1x512x256xf32>
    %get3A_154 = vector.shape_cast %get3A_153 : vector<1x512x256xf32> to vector<512x256xf32>
    %dot_general3A_155 = arith.constant dense<0.000000e+00> : vector<256x256xf32>
    %dot_general3A_156 = tpu.matmul %slice3A_149, %get3A_154, %dot_general3A_155 {dimension_numbers = #tpu.dot_dimension_numbers<[1], [0], [0], [1], [0, 0, 1, 1], [], []>, transpose_lhs_hint = false} : vector<256x512xf32>, vector<512x256xf32>, vector<256x256xf32> -> vector<256x256xf32>
    %slice3A_157 = vector.extract_strided_slice %pad3A_124 {offsets = [0, 1024], sizes = [256, 512], strides = [1, 1]} : vector<256x2304xf32> to vector<256x512xf32>
    %get3A_158 = arith.constant 4 : index
    %get3A_159 = arith.constant 0 : index
    %get3A_160 = arith.constant 0 : index
    %get3A_161 = vector.load %arg2[%get3A_158, %get3A_159, %get3A_160] : memref<8x512x256xf32, #tpu.memory_space<vmem>>, vector<1x512x256xf32>
    %get3A_162 = vector.shape_cast %get3A_161 : vector<1x512x256xf32> to vector<512x256xf32>
    %dot_general3A_163 = arith.constant dense<0.000000e+00> : vector<256x256xf32>
    %dot_general3A_164 = tpu.matmul %slice3A_157, %get3A_162, %dot_general3A_163 {dimension_numbers = #tpu.dot_dimension_numbers<[1], [0], [0], [1], [0, 0, 1, 1], [], []>, transpose_lhs_hint = false} : vector<256x512xf32>, vector<512x256xf32>, vector<256x256xf32> -> vector<256x256xf32>
    %slice3A_165 = vector.extract_strided_slice %pad3A_124 {offsets = [0, 1280], sizes = [256, 512], strides = [1, 1]} : vector<256x2304xf32> to vector<256x512xf32>
    %get3A_166 = arith.constant 5 : index
    %get3A_167 = arith.constant 0 : index
    %get3A_168 = arith.constant 0 : index
    %get3A_169 = vector.load %arg2[%get3A_166, %get3A_167, %get3A_168] : memref<8x512x256xf32, #tpu.memory_space<vmem>>, vector<1x512x256xf32>
    %get3A_170 = vector.shape_cast %get3A_169 : vector<1x512x256xf32> to vector<512x256xf32>
    %dot_general3A_171 = arith.constant dense<0.000000e+00> : vector<256x256xf32>
    %dot_general3A_172 = tpu.matmul %slice3A_165, %get3A_170, %dot_general3A_171 {dimension_numbers = #tpu.dot_dimension_numbers<[1], [0], [0], [1], [0, 0, 1, 1], [], []>, transpose_lhs_hint = false} : vector<256x512xf32>, vector<512x256xf32>, vector<256x256xf32> -> vector<256x256xf32>
    %slice3A_173 = vector.extract_strided_slice %pad3A_124 {offsets = [0, 1536], sizes = [256, 512], strides = [1, 1]} : vector<256x2304xf32> to vector<256x512xf32>
    %get3A_174 = arith.constant 6 : index
    %get3A_175 = arith.constant 0 : index
    %get3A_176 = arith.constant 0 : index
    %get3A_177 = vector.load %arg2[%get3A_174, %get3A_175, %get3A_176] : memref<8x512x256xf32, #tpu.memory_space<vmem>>, vector<1x512x256xf32>
    %get3A_178 = vector.shape_cast %get3A_177 : vector<1x512x256xf32> to vector<512x256xf32>
    %dot_general3A_179 = arith.constant dense<0.000000e+00> : vector<256x256xf32>
    %dot_general3A_180 = tpu.matmul %slice3A_173, %get3A_178, %dot_general3A_179 {dimension_numbers = #tpu.dot_dimension_numbers<[1], [0], [0], [1], [0, 0, 1, 1], [], []>, transpose_lhs_hint = false} : vector<256x512xf32>, vector<512x256xf32>, vector<256x256xf32> -> vector<256x256xf32>
    %slice3A_181 = vector.extract_strided_slice %pad3A_124 {offsets = [0, 1792], sizes = [256, 512], strides = [1, 1]} : vector<256x2304xf32> to vector<256x512xf32>
    %get3A_182 = arith.constant 7 : index
    %get3A_183 = arith.constant 0 : index
    %get3A_184 = arith.constant 0 : index
    %get3A_185 = vector.load %arg2[%get3A_182, %get3A_183, %get3A_184] : memref<8x512x256xf32, #tpu.memory_space<vmem>>, vector<1x512x256xf32>
    %get3A_186 = vector.shape_cast %get3A_185 : vector<1x512x256xf32> to vector<512x256xf32>
    %dot_general3A_187 = arith.constant dense<0.000000e+00> : vector<256x256xf32>
    %dot_general3A_188 = tpu.matmul %slice3A_181, %get3A_186, %dot_general3A_187 {dimension_numbers = #tpu.dot_dimension_numbers<[1], [0], [0], [1], [0, 0, 1, 1], [], []>, transpose_lhs_hint = false} : vector<256x512xf32>, vector<512x256xf32>, vector<256x256xf32> -> vector<256x256xf32>
    %concatenate3A_189 = tpu.concatenate %dot_general3A_132, %dot_general3A_140, %dot_general3A_148, %dot_general3A_156, %dot_general3A_164, %dot_general3A_172, %dot_general3A_180, %dot_general3A_188 in 1 : vector<256x256xf32>, vector<256x256xf32>, vector<256x256xf32>, vector<256x256xf32>, vector<256x256xf32>, vector<256x256xf32>, vector<256x256xf32>, vector<256x256xf32> -> vector<256x2048xf32>
    %add3A_190 = arith.addf %sub3A, %concatenate3A_189 : vector<256x2048xf32>
    %reshape3A_191 = vector.shape_cast %add3A_190 : vector<256x2048xf32> to vector<8x32x2048xf32>
    %broadcast_in_dim3A = vector.shape_cast %get3A_8 : vector<32x1xf32> to vector<1x32x1xf32>
    %add3A_192 = vector.broadcast %broadcast_in_dim3A : vector<1x32x1xf32> to vector<8x32x2048xf32>
    %add3A_193 = arith.addf %reshape3A_191, %add3A_192 : vector<8x32x2048xf32>
    %get3A_194 = arith.constant 0 : index
    %get3A_195 = arith.constant 0 : index
    %get3A_196 = vector.load %arg6[%get3A_194, %get3A_195] : memref<48x32xf32, #tpu.memory_space<vmem>>, vector<48x32xf32>
    %get3A_197 = arith.constant 0 : index
    %get3A_198 = arith.constant 0 : index
    %get3A_199 = vector.load %arg7[%get3A_197, %get3A_198] : memref<16x1xf32, #tpu.memory_space<vmem>>, vector<16x1xf32>
    %slice3A_200 = vector.extract_strided_slice %add3A_193 {offsets = [0, 0, 0], sizes = [1, 32, 2048], strides = [1, 1, 1]} : vector<8x32x2048xf32> to vector<1x32x2048xf32>
    %squeeze3A_201 = vector.shape_cast %slice3A_200 : vector<1x32x2048xf32> to vector<32x2048xf32>
    %dot_general3A_202 = arith.constant dense<0.000000e+00> : vector<48x2048xf32>
    %dot_general3A_203 = tpu.matmul %get3A_196, %squeeze3A_201, %dot_general3A_202 {dimension_numbers = #tpu.dot_dimension_numbers<[1], [0], [0], [1], [0, 0, 1, 1], [], []>, transpose_lhs_hint = false} : vector<48x32xf32>, vector<32x2048xf32>, vector<48x2048xf32> -> vector<48x2048xf32>
    %slice3A_204 = vector.extract_strided_slice %add3A_193 {offsets = [1, 0, 0], sizes = [1, 32, 2048], strides = [1, 1, 1]} : vector<8x32x2048xf32> to vector<1x32x2048xf32>
    %squeeze3A_205 = vector.shape_cast %slice3A_204 : vector<1x32x2048xf32> to vector<32x2048xf32>
    %dot_general3A_206 = arith.constant dense<0.000000e+00> : vector<48x2048xf32>
    %dot_general3A_207 = tpu.matmul %get3A_196, %squeeze3A_205, %dot_general3A_206 {dimension_numbers = #tpu.dot_dimension_numbers<[1], [0], [0], [1], [0, 0, 1, 1], [], []>, transpose_lhs_hint = false} : vector<48x32xf32>, vector<32x2048xf32>, vector<48x2048xf32> -> vector<48x2048xf32>
    %slice3A_208 = vector.extract_strided_slice %add3A_193 {offsets = [2, 0, 0], sizes = [1, 32, 2048], strides = [1, 1, 1]} : vector<8x32x2048xf32> to vector<1x32x2048xf32>
    %squeeze3A_209 = vector.shape_cast %slice3A_208 : vector<1x32x2048xf32> to vector<32x2048xf32>
    %dot_general3A_210 = arith.constant dense<0.000000e+00> : vector<48x2048xf32>
    %dot_general3A_211 = tpu.matmul %get3A_196, %squeeze3A_209, %dot_general3A_210 {dimension_numbers = #tpu.dot_dimension_numbers<[1], [0], [0], [1], [0, 0, 1, 1], [], []>, transpose_lhs_hint = false} : vector<48x32xf32>, vector<32x2048xf32>, vector<48x2048xf32> -> vector<48x2048xf32>
    %slice3A_212 = vector.extract_strided_slice %add3A_193 {offsets = [3, 0, 0], sizes = [1, 32, 2048], strides = [1, 1, 1]} : vector<8x32x2048xf32> to vector<1x32x2048xf32>
    %squeeze3A_213 = vector.shape_cast %slice3A_212 : vector<1x32x2048xf32> to vector<32x2048xf32>
    %dot_general3A_214 = arith.constant dense<0.000000e+00> : vector<48x2048xf32>
    %dot_general3A_215 = tpu.matmul %get3A_196, %squeeze3A_213, %dot_general3A_214 {dimension_numbers = #tpu.dot_dimension_numbers<[1], [0], [0], [1], [0, 0, 1, 1], [], []>, transpose_lhs_hint = false} : vector<48x32xf32>, vector<32x2048xf32>, vector<48x2048xf32> -> vector<48x2048xf32>
    %slice3A_216 = vector.extract_strided_slice %add3A_193 {offsets = [4, 0, 0], sizes = [1, 32, 2048], strides = [1, 1, 1]} : vector<8x32x2048xf32> to vector<1x32x2048xf32>
    %squeeze3A_217 = vector.shape_cast %slice3A_216 : vector<1x32x2048xf32> to vector<32x2048xf32>
    %dot_general3A_218 = arith.constant dense<0.000000e+00> : vector<48x2048xf32>
    %dot_general3A_219 = tpu.matmul %get3A_196, %squeeze3A_217, %dot_general3A_218 {dimension_numbers = #tpu.dot_dimension_numbers<[1], [0], [0], [1], [0, 0, 1, 1], [], []>, transpose_lhs_hint = false} : vector<48x32xf32>, vector<32x2048xf32>, vector<48x2048xf32> -> vector<48x2048xf32>
    %slice3A_220 = vector.extract_strided_slice %add3A_193 {offsets = [5, 0, 0], sizes = [1, 32, 2048], strides = [1, 1, 1]} : vector<8x32x2048xf32> to vector<1x32x2048xf32>
    %squeeze3A_221 = vector.shape_cast %slice3A_220 : vector<1x32x2048xf32> to vector<32x2048xf32>
    %dot_general3A_222 = arith.constant dense<0.000000e+00> : vector<48x2048xf32>
    %dot_general3A_223 = tpu.matmul %get3A_196, %squeeze3A_221, %dot_general3A_222 {dimension_numbers = #tpu.dot_dimension_numbers<[1], [0], [0], [1], [0, 0, 1, 1], [], []>, transpose_lhs_hint = false} : vector<48x32xf32>, vector<32x2048xf32>, vector<48x2048xf32> -> vector<48x2048xf32>
    %slice3A_224 = vector.extract_strided_slice %add3A_193 {offsets = [6, 0, 0], sizes = [1, 32, 2048], strides = [1, 1, 1]} : vector<8x32x2048xf32> to vector<1x32x2048xf32>
    %squeeze3A_225 = vector.shape_cast %slice3A_224 : vector<1x32x2048xf32> to vector<32x2048xf32>
    %dot_general3A_226 = arith.constant dense<0.000000e+00> : vector<48x2048xf32>
    %dot_general3A_227 = tpu.matmul %get3A_196, %squeeze3A_225, %dot_general3A_226 {dimension_numbers = #tpu.dot_dimension_numbers<[1], [0], [0], [1], [0, 0, 1, 1], [], []>, transpose_lhs_hint = false} : vector<48x32xf32>, vector<32x2048xf32>, vector<48x2048xf32> -> vector<48x2048xf32>
    %slice3A_228 = vector.extract_strided_slice %add3A_193 {offsets = [7, 0, 0], sizes = [1, 32, 2048], strides = [1, 1, 1]} : vector<8x32x2048xf32> to vector<1x32x2048xf32>
    %squeeze3A_229 = vector.shape_cast %slice3A_228 : vector<1x32x2048xf32> to vector<32x2048xf32>
    %dot_general3A_230 = arith.constant dense<0.000000e+00> : vector<48x2048xf32>
    %dot_general3A_231 = tpu.matmul %get3A_196, %squeeze3A_229, %dot_general3A_230 {dimension_numbers = #tpu.dot_dimension_numbers<[1], [0], [0], [1], [0, 0, 1, 1], [], []>, transpose_lhs_hint = false} : vector<48x32xf32>, vector<32x2048xf32>, vector<48x2048xf32> -> vector<48x2048xf32>
    %concatenate3A_232 = tpu.concatenate %dot_general3A_203, %dot_general3A_207, %dot_general3A_211, %dot_general3A_215, %dot_general3A_219, %dot_general3A_223, %dot_general3A_227, %dot_general3A_231 in 0 : vector<48x2048xf32>, vector<48x2048xf32>, vector<48x2048xf32>, vector<48x2048xf32>, vector<48x2048xf32>, vector<48x2048xf32>, vector<48x2048xf32>, vector<48x2048xf32> -> vector<384x2048xf32>
    %reshape3A_233 = vector.shape_cast %concatenate3A_232 : vector<384x2048xf32> to vector<8x48x2048xf32>
    %slice3A_234 = vector.extract_strided_slice %reshape3A_233 {offsets = [0, 0, 0], sizes = [8, 16, 2048], strides = [1, 1, 1]} : vector<8x48x2048xf32> to vector<8x16x2048xf32>
    %reshape3A_235 = vector.shape_cast %slice3A_234 : vector<8x16x2048xf32> to vector<128x2048xf32>
    %slice3A_236 = vector.extract_strided_slice %reshape3A_233 {offsets = [0, 16, 0], sizes = [8, 16, 2048], strides = [1, 1, 1]} : vector<8x48x2048xf32> to vector<8x16x2048xf32>
    %reshape3A_237 = vector.shape_cast %slice3A_236 : vector<8x16x2048xf32> to vector<128x2048xf32>
    %slice3A_238 = vector.extract_strided_slice %reshape3A_233 {offsets = [0, 32, 0], sizes = [8, 16, 2048], strides = [1, 1, 1]} : vector<8x48x2048xf32> to vector<8x16x2048xf32>
    %reshape3A_239 = vector.shape_cast %slice3A_238 : vector<8x16x2048xf32> to vector<128x2048xf32>
    %jit3A_240 = arith.constant 0 : i32
    %convert_element_type3A_241 = arith.sitofp %jit3A_240 : i32 to f32
    %pad3A_242 = vector.broadcast %convert_element_type3A_241 : f32 to vector<128x128xf32>
    %pad3A_243 = tpu.concatenate %pad3A_242, %reshape3A_239 in 1 : vector<128x128xf32>, vector<128x2048xf32> -> vector<128x2176xf32>
    %pad3A_244 = vector.broadcast %convert_element_type3A_241 : f32 to vector<128x128xf32>
    %pad3A_245 = tpu.concatenate %pad3A_243, %pad3A_244 in 1 : vector<128x2176xf32>, vector<128x128xf32> -> vector<128x2304xf32>
    %slice3A_246 = vector.extract_strided_slice %pad3A_245 {offsets = [0, 0], sizes = [128, 512], strides = [1, 1]} : vector<128x2304xf32> to vector<128x512xf32>
    %get3A_247 = arith.constant 0 : index
    %get3A_248 = arith.constant 0 : index
    %get3A_249 = arith.constant 0 : index
    %get3A_250 = vector.load %arg2[%get3A_247, %get3A_248, %get3A_249] : memref<8x512x256xf32, #tpu.memory_space<vmem>>, vector<1x512x256xf32>
    %get3A_251 = vector.shape_cast %get3A_250 : vector<1x512x256xf32> to vector<512x256xf32>
    %dot_general3A_252 = arith.constant dense<0.000000e+00> : vector<128x256xf32>
    %dot_general3A_253 = tpu.matmul %slice3A_246, %get3A_251, %dot_general3A_252 {dimension_numbers = #tpu.dot_dimension_numbers<[1], [0], [0], [1], [0, 0, 1, 1], [], []>, transpose_lhs_hint = false} : vector<128x512xf32>, vector<512x256xf32>, vector<128x256xf32> -> vector<128x256xf32>
    %slice3A_254 = vector.extract_strided_slice %pad3A_245 {offsets = [0, 256], sizes = [128, 512], strides = [1, 1]} : vector<128x2304xf32> to vector<128x512xf32>
    %get3A_255 = arith.constant 1 : index
    %get3A_256 = arith.constant 0 : index
    %get3A_257 = arith.constant 0 : index
    %get3A_258 = vector.load %arg2[%get3A_255, %get3A_256, %get3A_257] : memref<8x512x256xf32, #tpu.memory_space<vmem>>, vector<1x512x256xf32>
    %get3A_259 = vector.shape_cast %get3A_258 : vector<1x512x256xf32> to vector<512x256xf32>
    %dot_general3A_260 = arith.constant dense<0.000000e+00> : vector<128x256xf32>
    %dot_general3A_261 = tpu.matmul %slice3A_254, %get3A_259, %dot_general3A_260 {dimension_numbers = #tpu.dot_dimension_numbers<[1], [0], [0], [1], [0, 0, 1, 1], [], []>, transpose_lhs_hint = false} : vector<128x512xf32>, vector<512x256xf32>, vector<128x256xf32> -> vector<128x256xf32>
    %slice3A_262 = vector.extract_strided_slice %pad3A_245 {offsets = [0, 512], sizes = [128, 512], strides = [1, 1]} : vector<128x2304xf32> to vector<128x512xf32>
    %get3A_263 = arith.constant 2 : index
    %get3A_264 = arith.constant 0 : index
    %get3A_265 = arith.constant 0 : index
    %get3A_266 = vector.load %arg2[%get3A_263, %get3A_264, %get3A_265] : memref<8x512x256xf32, #tpu.memory_space<vmem>>, vector<1x512x256xf32>
    %get3A_267 = vector.shape_cast %get3A_266 : vector<1x512x256xf32> to vector<512x256xf32>
    %dot_general3A_268 = arith.constant dense<0.000000e+00> : vector<128x256xf32>
    %dot_general3A_269 = tpu.matmul %slice3A_262, %get3A_267, %dot_general3A_268 {dimension_numbers = #tpu.dot_dimension_numbers<[1], [0], [0], [1], [0, 0, 1, 1], [], []>, transpose_lhs_hint = false} : vector<128x512xf32>, vector<512x256xf32>, vector<128x256xf32> -> vector<128x256xf32>
    %slice3A_270 = vector.extract_strided_slice %pad3A_245 {offsets = [0, 768], sizes = [128, 512], strides = [1, 1]} : vector<128x2304xf32> to vector<128x512xf32>
    %get3A_271 = arith.constant 3 : index
    %get3A_272 = arith.constant 0 : index
    %get3A_273 = arith.constant 0 : index
    %get3A_274 = vector.load %arg2[%get3A_271, %get3A_272, %get3A_273] : memref<8x512x256xf32, #tpu.memory_space<vmem>>, vector<1x512x256xf32>
    %get3A_275 = vector.shape_cast %get3A_274 : vector<1x512x256xf32> to vector<512x256xf32>
    %dot_general3A_276 = arith.constant dense<0.000000e+00> : vector<128x256xf32>
    %dot_general3A_277 = tpu.matmul %slice3A_270, %get3A_275, %dot_general3A_276 {dimension_numbers = #tpu.dot_dimension_numbers<[1], [0], [0], [1], [0, 0, 1, 1], [], []>, transpose_lhs_hint = false} : vector<128x512xf32>, vector<512x256xf32>, vector<128x256xf32> -> vector<128x256xf32>
    %slice3A_278 = vector.extract_strided_slice %pad3A_245 {offsets = [0, 1024], sizes = [128, 512], strides = [1, 1]} : vector<128x2304xf32> to vector<128x512xf32>
    %get3A_279 = arith.constant 4 : index
    %get3A_280 = arith.constant 0 : index
    %get3A_281 = arith.constant 0 : index
    %get3A_282 = vector.load %arg2[%get3A_279, %get3A_280, %get3A_281] : memref<8x512x256xf32, #tpu.memory_space<vmem>>, vector<1x512x256xf32>
    %get3A_283 = vector.shape_cast %get3A_282 : vector<1x512x256xf32> to vector<512x256xf32>
    %dot_general3A_284 = arith.constant dense<0.000000e+00> : vector<128x256xf32>
    %dot_general3A_285 = tpu.matmul %slice3A_278, %get3A_283, %dot_general3A_284 {dimension_numbers = #tpu.dot_dimension_numbers<[1], [0], [0], [1], [0, 0, 1, 1], [], []>, transpose_lhs_hint = false} : vector<128x512xf32>, vector<512x256xf32>, vector<128x256xf32> -> vector<128x256xf32>
    %slice3A_286 = vector.extract_strided_slice %pad3A_245 {offsets = [0, 1280], sizes = [128, 512], strides = [1, 1]} : vector<128x2304xf32> to vector<128x512xf32>
    %get3A_287 = arith.constant 5 : index
    %get3A_288 = arith.constant 0 : index
    %get3A_289 = arith.constant 0 : index
    %get3A_290 = vector.load %arg2[%get3A_287, %get3A_288, %get3A_289] : memref<8x512x256xf32, #tpu.memory_space<vmem>>, vector<1x512x256xf32>
    %get3A_291 = vector.shape_cast %get3A_290 : vector<1x512x256xf32> to vector<512x256xf32>
    %dot_general3A_292 = arith.constant dense<0.000000e+00> : vector<128x256xf32>
    %dot_general3A_293 = tpu.matmul %slice3A_286, %get3A_291, %dot_general3A_292 {dimension_numbers = #tpu.dot_dimension_numbers<[1], [0], [0], [1], [0, 0, 1, 1], [], []>, transpose_lhs_hint = false} : vector<128x512xf32>, vector<512x256xf32>, vector<128x256xf32> -> vector<128x256xf32>
    %slice3A_294 = vector.extract_strided_slice %pad3A_245 {offsets = [0, 1536], sizes = [128, 512], strides = [1, 1]} : vector<128x2304xf32> to vector<128x512xf32>
    %get3A_295 = arith.constant 6 : index
    %get3A_296 = arith.constant 0 : index
    %get3A_297 = arith.constant 0 : index
    %get3A_298 = vector.load %arg2[%get3A_295, %get3A_296, %get3A_297] : memref<8x512x256xf32, #tpu.memory_space<vmem>>, vector<1x512x256xf32>
    %get3A_299 = vector.shape_cast %get3A_298 : vector<1x512x256xf32> to vector<512x256xf32>
    %dot_general3A_300 = arith.constant dense<0.000000e+00> : vector<128x256xf32>
    %dot_general3A_301 = tpu.matmul %slice3A_294, %get3A_299, %dot_general3A_300 {dimension_numbers = #tpu.dot_dimension_numbers<[1], [0], [0], [1], [0, 0, 1, 1], [], []>, transpose_lhs_hint = false} : vector<128x512xf32>, vector<512x256xf32>, vector<128x256xf32> -> vector<128x256xf32>
    %slice3A_302 = vector.extract_strided_slice %pad3A_245 {offsets = [0, 1792], sizes = [128, 512], strides = [1, 1]} : vector<128x2304xf32> to vector<128x512xf32>
    %get3A_303 = arith.constant 7 : index
    %get3A_304 = arith.constant 0 : index
    %get3A_305 = arith.constant 0 : index
    %get3A_306 = vector.load %arg2[%get3A_303, %get3A_304, %get3A_305] : memref<8x512x256xf32, #tpu.memory_space<vmem>>, vector<1x512x256xf32>
    %get3A_307 = vector.shape_cast %get3A_306 : vector<1x512x256xf32> to vector<512x256xf32>
    %dot_general3A_308 = arith.constant dense<0.000000e+00> : vector<128x256xf32>
    %dot_general3A_309 = tpu.matmul %slice3A_302, %get3A_307, %dot_general3A_308 {dimension_numbers = #tpu.dot_dimension_numbers<[1], [0], [0], [1], [0, 0, 1, 1], [], []>, transpose_lhs_hint = false} : vector<128x512xf32>, vector<512x256xf32>, vector<128x256xf32> -> vector<128x256xf32>
    %concatenate3A_310 = tpu.concatenate %dot_general3A_253, %dot_general3A_261, %dot_general3A_269, %dot_general3A_277, %dot_general3A_285, %dot_general3A_293, %dot_general3A_301, %dot_general3A_309 in 1 : vector<128x256xf32>, vector<128x256xf32>, vector<128x256xf32>, vector<128x256xf32>, vector<128x256xf32>, vector<128x256xf32>, vector<128x256xf32>, vector<128x256xf32> -> vector<128x2048xf32>
    %sub3A_311 = arith.subf %reshape3A_235, %reshape3A_239 : vector<128x2048xf32>
    %mul3A_312 = arith.constant 2.000000e+00 : f32
    %mul3A_313 = vector.broadcast %mul3A_312 : f32 to vector<128x2048xf32>
    %mul3A_314 = arith.mulf %mul3A_313, %concatenate3A_310 : vector<128x2048xf32>
    %add3A_315 = arith.addf %reshape3A_237, %mul3A_314 : vector<128x2048xf32>
    %jit3A_316 = arith.constant 0 : i32
    %convert_element_type3A_317 = arith.sitofp %jit3A_316 : i32 to f32
    %pad3A_318 = vector.broadcast %convert_element_type3A_317 : f32 to vector<128x128xf32>
    %pad3A_319 = tpu.concatenate %pad3A_318, %add3A_315 in 1 : vector<128x128xf32>, vector<128x2048xf32> -> vector<128x2176xf32>
    %pad3A_320 = vector.broadcast %convert_element_type3A_317 : f32 to vector<128x128xf32>
    %pad3A_321 = tpu.concatenate %pad3A_319, %pad3A_320 in 1 : vector<128x2176xf32>, vector<128x128xf32> -> vector<128x2304xf32>
    %slice3A_322 = vector.extract_strided_slice %pad3A_321 {offsets = [0, 0], sizes = [128, 512], strides = [1, 1]} : vector<128x2304xf32> to vector<128x512xf32>
    %get3A_323 = arith.constant 0 : index
    %get3A_324 = arith.constant 0 : index
    %get3A_325 = arith.constant 0 : index
    %get3A_326 = vector.load %arg2[%get3A_323, %get3A_324, %get3A_325] : memref<8x512x256xf32, #tpu.memory_space<vmem>>, vector<1x512x256xf32>
    %get3A_327 = vector.shape_cast %get3A_326 : vector<1x512x256xf32> to vector<512x256xf32>
    %dot_general3A_328 = arith.constant dense<0.000000e+00> : vector<128x256xf32>
    %dot_general3A_329 = tpu.matmul %slice3A_322, %get3A_327, %dot_general3A_328 {dimension_numbers = #tpu.dot_dimension_numbers<[1], [0], [0], [1], [0, 0, 1, 1], [], []>, transpose_lhs_hint = false} : vector<128x512xf32>, vector<512x256xf32>, vector<128x256xf32> -> vector<128x256xf32>
    %slice3A_330 = vector.extract_strided_slice %pad3A_321 {offsets = [0, 256], sizes = [128, 512], strides = [1, 1]} : vector<128x2304xf32> to vector<128x512xf32>
    %get3A_331 = arith.constant 1 : index
    %get3A_332 = arith.constant 0 : index
    %get3A_333 = arith.constant 0 : index
    %get3A_334 = vector.load %arg2[%get3A_331, %get3A_332, %get3A_333] : memref<8x512x256xf32, #tpu.memory_space<vmem>>, vector<1x512x256xf32>
    %get3A_335 = vector.shape_cast %get3A_334 : vector<1x512x256xf32> to vector<512x256xf32>
    %dot_general3A_336 = arith.constant dense<0.000000e+00> : vector<128x256xf32>
    %dot_general3A_337 = tpu.matmul %slice3A_330, %get3A_335, %dot_general3A_336 {dimension_numbers = #tpu.dot_dimension_numbers<[1], [0], [0], [1], [0, 0, 1, 1], [], []>, transpose_lhs_hint = false} : vector<128x512xf32>, vector<512x256xf32>, vector<128x256xf32> -> vector<128x256xf32>
    %slice3A_338 = vector.extract_strided_slice %pad3A_321 {offsets = [0, 512], sizes = [128, 512], strides = [1, 1]} : vector<128x2304xf32> to vector<128x512xf32>
    %get3A_339 = arith.constant 2 : index
    %get3A_340 = arith.constant 0 : index
    %get3A_341 = arith.constant 0 : index
    %get3A_342 = vector.load %arg2[%get3A_339, %get3A_340, %get3A_341] : memref<8x512x256xf32, #tpu.memory_space<vmem>>, vector<1x512x256xf32>
    %get3A_343 = vector.shape_cast %get3A_342 : vector<1x512x256xf32> to vector<512x256xf32>
    %dot_general3A_344 = arith.constant dense<0.000000e+00> : vector<128x256xf32>
    %dot_general3A_345 = tpu.matmul %slice3A_338, %get3A_343, %dot_general3A_344 {dimension_numbers = #tpu.dot_dimension_numbers<[1], [0], [0], [1], [0, 0, 1, 1], [], []>, transpose_lhs_hint = false} : vector<128x512xf32>, vector<512x256xf32>, vector<128x256xf32> -> vector<128x256xf32>
    %slice3A_346 = vector.extract_strided_slice %pad3A_321 {offsets = [0, 768], sizes = [128, 512], strides = [1, 1]} : vector<128x2304xf32> to vector<128x512xf32>
    %get3A_347 = arith.constant 3 : index
    %get3A_348 = arith.constant 0 : index
    %get3A_349 = arith.constant 0 : index
    %get3A_350 = vector.load %arg2[%get3A_347, %get3A_348, %get3A_349] : memref<8x512x256xf32, #tpu.memory_space<vmem>>, vector<1x512x256xf32>
    %get3A_351 = vector.shape_cast %get3A_350 : vector<1x512x256xf32> to vector<512x256xf32>
    %dot_general3A_352 = arith.constant dense<0.000000e+00> : vector<128x256xf32>
    %dot_general3A_353 = tpu.matmul %slice3A_346, %get3A_351, %dot_general3A_352 {dimension_numbers = #tpu.dot_dimension_numbers<[1], [0], [0], [1], [0, 0, 1, 1], [], []>, transpose_lhs_hint = false} : vector<128x512xf32>, vector<512x256xf32>, vector<128x256xf32> -> vector<128x256xf32>
    %slice3A_354 = vector.extract_strided_slice %pad3A_321 {offsets = [0, 1024], sizes = [128, 512], strides = [1, 1]} : vector<128x2304xf32> to vector<128x512xf32>
    %get3A_355 = arith.constant 4 : index
    %get3A_356 = arith.constant 0 : index
    %get3A_357 = arith.constant 0 : index
    %get3A_358 = vector.load %arg2[%get3A_355, %get3A_356, %get3A_357] : memref<8x512x256xf32, #tpu.memory_space<vmem>>, vector<1x512x256xf32>
    %get3A_359 = vector.shape_cast %get3A_358 : vector<1x512x256xf32> to vector<512x256xf32>
    %dot_general3A_360 = arith.constant dense<0.000000e+00> : vector<128x256xf32>
    %dot_general3A_361 = tpu.matmul %slice3A_354, %get3A_359, %dot_general3A_360 {dimension_numbers = #tpu.dot_dimension_numbers<[1], [0], [0], [1], [0, 0, 1, 1], [], []>, transpose_lhs_hint = false} : vector<128x512xf32>, vector<512x256xf32>, vector<128x256xf32> -> vector<128x256xf32>
    %slice3A_362 = vector.extract_strided_slice %pad3A_321 {offsets = [0, 1280], sizes = [128, 512], strides = [1, 1]} : vector<128x2304xf32> to vector<128x512xf32>
    %get3A_363 = arith.constant 5 : index
    %get3A_364 = arith.constant 0 : index
    %get3A_365 = arith.constant 0 : index
    %get3A_366 = vector.load %arg2[%get3A_363, %get3A_364, %get3A_365] : memref<8x512x256xf32, #tpu.memory_space<vmem>>, vector<1x512x256xf32>
    %get3A_367 = vector.shape_cast %get3A_366 : vector<1x512x256xf32> to vector<512x256xf32>
    %dot_general3A_368 = arith.constant dense<0.000000e+00> : vector<128x256xf32>
    %dot_general3A_369 = tpu.matmul %slice3A_362, %get3A_367, %dot_general3A_368 {dimension_numbers = #tpu.dot_dimension_numbers<[1], [0], [0], [1], [0, 0, 1, 1], [], []>, transpose_lhs_hint = false} : vector<128x512xf32>, vector<512x256xf32>, vector<128x256xf32> -> vector<128x256xf32>
    %slice3A_370 = vector.extract_strided_slice %pad3A_321 {offsets = [0, 1536], sizes = [128, 512], strides = [1, 1]} : vector<128x2304xf32> to vector<128x512xf32>
    %get3A_371 = arith.constant 6 : index
    %get3A_372 = arith.constant 0 : index
    %get3A_373 = arith.constant 0 : index
    %get3A_374 = vector.load %arg2[%get3A_371, %get3A_372, %get3A_373] : memref<8x512x256xf32, #tpu.memory_space<vmem>>, vector<1x512x256xf32>
    %get3A_375 = vector.shape_cast %get3A_374 : vector<1x512x256xf32> to vector<512x256xf32>
    %dot_general3A_376 = arith.constant dense<0.000000e+00> : vector<128x256xf32>
    %dot_general3A_377 = tpu.matmul %slice3A_370, %get3A_375, %dot_general3A_376 {dimension_numbers = #tpu.dot_dimension_numbers<[1], [0], [0], [1], [0, 0, 1, 1], [], []>, transpose_lhs_hint = false} : vector<128x512xf32>, vector<512x256xf32>, vector<128x256xf32> -> vector<128x256xf32>
    %slice3A_378 = vector.extract_strided_slice %pad3A_321 {offsets = [0, 1792], sizes = [128, 512], strides = [1, 1]} : vector<128x2304xf32> to vector<128x512xf32>
    %get3A_379 = arith.constant 7 : index
    %get3A_380 = arith.constant 0 : index
    %get3A_381 = arith.constant 0 : index
    %get3A_382 = vector.load %arg2[%get3A_379, %get3A_380, %get3A_381] : memref<8x512x256xf32, #tpu.memory_space<vmem>>, vector<1x512x256xf32>
    %get3A_383 = vector.shape_cast %get3A_382 : vector<1x512x256xf32> to vector<512x256xf32>
    %dot_general3A_384 = arith.constant dense<0.000000e+00> : vector<128x256xf32>
    %dot_general3A_385 = tpu.matmul %slice3A_378, %get3A_383, %dot_general3A_384 {dimension_numbers = #tpu.dot_dimension_numbers<[1], [0], [0], [1], [0, 0, 1, 1], [], []>, transpose_lhs_hint = false} : vector<128x512xf32>, vector<512x256xf32>, vector<128x256xf32> -> vector<128x256xf32>
    %concatenate3A_386 = tpu.concatenate %dot_general3A_329, %dot_general3A_337, %dot_general3A_345, %dot_general3A_353, %dot_general3A_361, %dot_general3A_369, %dot_general3A_377, %dot_general3A_385 in 1 : vector<128x256xf32>, vector<128x256xf32>, vector<128x256xf32>, vector<128x256xf32>, vector<128x256xf32>, vector<128x256xf32>, vector<128x256xf32>, vector<128x256xf32> -> vector<128x2048xf32>
    %add3A_387 = arith.addf %sub3A_311, %concatenate3A_386 : vector<128x2048xf32>
    %reshape3A_388 = vector.shape_cast %add3A_387 : vector<128x2048xf32> to vector<8x16x2048xf32>
    %broadcast_in_dim3A_389 = vector.shape_cast %get3A_199 : vector<16x1xf32> to vector<1x16x1xf32>
    %add3A_390 = vector.broadcast %broadcast_in_dim3A_389 : vector<1x16x1xf32> to vector<8x16x2048xf32>
    %add3A_391 = arith.addf %reshape3A_388, %add3A_390 : vector<8x16x2048xf32>
    %swap3A = arith.constant 0 : index
    %swap3A_392 = arith.constant 0 : index
    %swap3A_393 = arith.constant 0 : index
    %swap3A_394 = vector.load %arg8[%swap3A, %swap3A_392, %swap3A_393] : memref<8x16x2048xf32, #tpu.memory_space<vmem>>, vector<8x16x2048xf32>
    tpu.vector_store %arg8[%swap3A, %swap3A_392, %swap3A_393], %add3A_391 {strides = array<i32>} : memref<8x16x2048xf32, #tpu.memory_space<vmem>>, vector<8x16x2048xf32>,
    return
  }
  func.func @transform_0(%arg0: i32) -> (i32, i32, i32) {
    %c0_i32 = arith.constant 0 : i32
    %c0_i32_0 = arith.constant 0 : i32
    %c0_i32_1 = arith.constant 0 : i32
    return %arg0, %c0_i32, %c0_i32_0 : i32, i32, i32
  }
  func.func @transform_1(%arg0: i32) -> (i32, i32, i32) {
    %c0_i32 = arith.constant 0 : i32
    %c0_i32_0 = arith.constant 0 : i32
    %c0_i32_1 = arith.constant 0 : i32
    %c0_i32_2 = arith.constant 0 : i32
    return %c0_i32, %c0_i32_0, %c0_i32_1 : i32, i32, i32
  }
  func.func @transform_2(%arg0: i32) -> (i32, i32) {
    %c0_i32 = arith.constant 0 : i32
    %c0_i32_0 = arith.constant 0 : i32
    %c0_i32_1 = arith.constant 0 : i32
    return %c0_i32, %c0_i32_0 : i32, i32
  }
  func.func @transform_3(%arg0: i32) -> (i32, i32) {
    %c0_i32 = arith.constant 0 : i32
    %c0_i32_0 = arith.constant 0 : i32
    %c0_i32_1 = arith.constant 0 : i32
    return %c0_i32, %c0_i32_0 : i32, i32
  }
  func.func @transform_4(%arg0: i32) -> (i32, i32) {
    %c0_i32 = arith.constant 0 : i32
    %c0_i32_0 = arith.constant 0 : i32
    %c0_i32_1 = arith.constant 0 : i32
    return %c0_i32, %c0_i32_0 : i32, i32
  }
  func.func @transform_5(%arg0: i32) -> (i32, i32) {
    %c0_i32 = arith.constant 0 : i32
    %c0_i32_0 = arith.constant 0 : i32
    %c0_i32_1 = arith.constant 0 : i32
    return %c0_i32, %c0_i32_0 : i32, i32
  }
  func.func @transform_6(%arg0: i32) -> (i32, i32) {
    %c0_i32 = arith.constant 0 : i32
    %c0_i32_0 = arith.constant 0 : i32
    %c0_i32_1 = arith.constant 0 : i32
    return %c0_i32, %c0_i32_0 : i32, i32
  }
  func.func @transform_7(%arg0: i32) -> (i32, i32, i32) {
    %c0_i32 = arith.constant 0 : i32
    %c0_i32_0 = arith.constant 0 : i32
    %c0_i32_1 = arith.constant 0 : i32
    return %arg0, %c0_i32, %c0_i32_0 : i32, i32, i32
  }
}

</mosaic_0001>

<sc_bundles>
// kernel: kernel.11.cloned.1.call-start
scs
__scs_entry_jumppad:
0x0: {  	(pc) =	sbr.rel $0x88, $3  }
0x1: {  	(tag) =	ssettag $0x0;
	lr =	simm.s32 $0x1  }
0x2: {  	[smem:$0x3F6F] =	sst lr;
	_ =	strace $0xD0000000  }
0x3: {  	_ = 	snop  }
0x4: {  	_ = 	snop  }
0x5: {  	_ = 	snop  }
0x6: {  	_ = 	snop  }
0x7: {  	_ = 	snop  }
__scs_overlays_trampoline_lowered:
0x8: {  	[smem:$0x3F7E] =	sst s0  }
0x9: {  	[smem:$0x3F7F] =	sst s1  }
0xa: {  	[smem:$0x3F80] =	sst s2  }
0xb: {  	[smem:$0x3F81] =	sst s3  }
0xc: {  	[smem:$0x3F82] =	sst s4  }
0xd: {  	[smem:$0x3F83] =	sst s5  }
0xe: {  	[smem:$0x3F84] =	sst s6  }
0xf: {  	[smem:$0x3F85] =	sst s7  }
0x10: {  	[smem:$0x3F86] =	sst s8  }
0x11: {  	[smem:$0x3F87] =	sst s9;
	s0 =	simm.s32 @!p0 $0x0  }
0x12: {  	s1 =	sld [smem:$0x3F6D];
	s0 =	simm.s32 @p0 $0x1  }
0x13: {  	[smem:$0x3F88] =	sst s0;
	s0 =	simm.s32 @!p1 $0x0  }
0x14: {  	s2 =	sld [smem:$0x3F6C];
	s0 =	simm.s32 @p1 $0x1  }
0x15: {  	[smem:$0x3F89] =	sst s0;
	s0 =	simm.s32 @!p2 $0x0  }
0x16: {  	s3 =	sld [smem:$0x3FDB];
	s0 =	simm.s32 @p2 $0x1  }
0x17: {  	s4 =	simm.s32 $0x1BF5;
	[smem:$0x3F8B] =	sst s0  }
0x18: {  	s0 =	sld [smem:$0x3F6E];
	_ =	swait.ge [sflag:s4], $0x0  }
0x19: {  	s7 =	sld [smem:$0x3F6F]  }
0x1a: {  	s8 =	sadd.s32 $0xFFFFE003, lr  }
0x1b: {  	s9 =	sadd.s32 $0xFFFFFEF7, lr;
	s5 =	simm.s32 $0xFFFFFFFF;
	p2 =	slt.u32 s8, $0xFFFFF086  }
0x1c: {  	p1 =	slt.u32 s9, $0xF7A;
	s5 =	simm.s32 @!p2 $0x0  }
0x1d: {  	s5 =	simm.s32 @p1 $0x1;
	p0 =	seq.s32 s7, s2  }
0x1e: {  	s7 =	smul.u32 @!p0 $0xF7A, s2;
	p2 =	seq.s32 @!p0 s5, $0x0  }
0x1f: {  	s9 =	smul.u32 $0xF7A, s1;
	s8 =	simm.s32 @!p0 $0x1BF5;
	p2 =	por !p2, p0  }
0x20: {  	[sflag:s8] =	ssyncset.s32 @!p0 $0xFFFFF086;
	s6 =	sadd.s32 @!p0 s3, s7;
	s7 =	simm.s32 @!p0 $0x108  }
0x21: {  	s3 =	sadd.s32 s3, s9;
	s6 =	sadd.s32 @!p0 $0x88, s6;
	s7 =	simm.s32 @p2 $0x1082  }
0x22: {  	[simem:s7], [sflag:s8] =	dma.local @!p0 [hbm:s6], $0xF7A  }
0x23: {  	s9 =	sor.u32 $0xD0000000, s2;
	s6 =	simm.s32 $0x108;
	_ =	swait.ge @!p0 [sflag:s8], $0x0  }
0x24: {  	s3 =	sadd.s32 $0x88, s3;
	s6 =	simm.s32 @!p1 $0x1082;
	[sflag:s4] =	ssyncset.s32 $0xFFFFF086  }
0x25: {  	[simem:s6], [sflag:s4] =	dma.local [hbm:s3], $0xF7A  }
0x26: {  	[smem:$0x3F6F] =	sst s1;
	(tag) =	ssettag s2;
	_ =	strace s9  }
0x27: {  	s1 =	sld [smem:$0x3F7F]  }
0x28: {  	s2 =	sld [smem:$0x3F80]  }
0x29: {  	s4 =	sld [smem:$0x3F82]  }
0x2a: {  	p0 =	seq.s32 s5, $0x0;
	s5 =	sld [smem:$0x3F83]  }
0x2b: {  	s6 =	sld [smem:$0x3F84]  }
0x2c: {  	s7 =	sld [smem:$0x3F85]  }
0x2d: {  	s3 =	simm.s32 $0x108;
	s8 =	sld [smem:$0x3F86]  }
0x2e: {  	s3 =	simm.s32 @!p0 $0x1082;
	s9 =	sld [smem:$0x3F87]  }
0x2f: {  	lr =	sadd.s32 s0, s3;
	s0 =	sld [smem:$0x3F7E]  }
0x30: {  	s3 =	sld [smem:$0x3F81]  }
0x31: {  	[smem:$0x3F8A] =	sst s10  }
0x32: {  	s10 =	sld [smem:$0x3F88];
	_ =	sdelay $0x3  }
0x33: {  	p0 =	seq.s32 s10, $0x1;
	s10 =	sld [smem:$0x3F8A];
	_ =	sdelay $0x3  }
0x34: {  	[smem:$0x3F8A] =	sst s10  }
0x35: {  	s10 =	sld [smem:$0x3F89];
	_ =	sdelay $0x3  }
0x36: {  	p1 =	seq.s32 s10, $0x1;
	s10 =	sld [smem:$0x3F8A];
	_ =	sdelay $0x3  }
0x37: {  	[smem:$0x3F8A] =	sst s10  }
0x38: {  	s10 =	sld [smem:$0x3F8B]  }
0x39: {  	_ = 	snop;
	(pc) =	sbr.ind lr, $3  }
0x3a: {  	_ = 	snop  }
0x3b: {  	_ = 	snop  }
0x3c: {  	p2 =	seq.s32 s10, $0x1;
	s10 =	sld [smem:$0x3F8A]  }
0x3d: {  	_ =	shalt  }
0x3e: {  	_ =	shalt  }
0x3f: {  	_ =	shalt  }
0x40: {  	_ =	shalt  }
0x41: {  	_ =	shalt  }
0x42: {  	_ =	shalt  }
0x43: {  	_ =	shalt  }
0x44: {  	_ =	shalt  }
0x45: {  	_ =	shalt  }
0x46: {  	_ =	shalt  }
0x47: {  	_ =	shalt  }
0x48: {  	_ =	shalt  }
0x49: {  	_ =	shalt  }
0x4a: {  	_ =	shalt  }
0x4b: {  	_ =	shalt  }
0x4c: {  	_ =	shalt  }
0x4d: {  	_ =	shalt  }
0x4e: {  	_ =	shalt  }
0x4f: {  	_ =	shalt  }
0x50: {  	_ =	shalt  }
0x51: {  	_ =	shalt  }
0x52: {  	_ =	shalt  }
0x53: {  	_ =	shalt  }
0x54: {  	_ =	shalt  }
0x55: {  	_ =	shalt  }
0x56: {  	_ =	shalt  }
0x57: {  	_ =	shalt  }
0x58: {  	_ =	shalt  }
0x59: {  	_ =	shalt  }
0x5a: {  	_ =	shalt  }
0x5b: {  	_ =	shalt  }
0x5c: {  	_ =	shalt  }
0x5d: {  	_ =	shalt  }
0x5e: {  	_ =	shalt  }
0x5f: {  	_ =	shalt  }
0x60: {  	_ =	shalt  }
0x61: {  	_ =	shalt  }
0x62: {  	_ =	shalt  }
0x63: {  	_ =	shalt  }
0x64: {  	_ =	shalt  }
0x65: {  	_ =	shalt  }
0x66: {  	_ =	shalt  }
0x67: {  	_ =	shalt  }
0x68: {  	_ =	shalt  }
0x69: {  	_ =	shalt  }
0x6a: {  	_ =	shalt  }
0x6b: {  	_ =	shalt  }
0x6c: {  	_ =	shalt  }
0x6d: {  	_ =	shalt  }
0x6e: {  	_ =	shalt  }
0x6f: {  	_ =	shalt  }
0x70: {  	_ =	shalt  }
0x71: {  	_ =	shalt  }
0x72: {  	_ =	shalt  }
0x73: {  	_ =	shalt  }
0x74: {  	_ =	shalt  }
0x75: {  	_ =	shalt  }
0x76: {  	_ =	shalt  }
0x77: {  	_ =	shalt  }
0x78: {  	_ =	shalt  }
0x79: {  	_ =	shalt  }
0x7a: {  	_ =	shalt  }
0x7b: {  	_ =	shalt  }
0x7c: {  	_ =	shalt  }
0x7d: {  	_ =	shalt  }
0x7e: {  	_ =	shalt  }
0x7f: {  	_ =	shalt  }
0x80: {  	_ =	shalt  }
0x81: {  	_ =	shalt  }
0x82: {  	_ =	shalt  }
0x83: {  	_ =	shalt  }
0x84: {  	_ =	shalt  }
0x85: {  	_ =	shalt  }
0x86: {  	_ =	shalt  }
0x87: {  	_ =	shalt  }
.Lfunc_end0:
.L_simem_size_0:
called_computation_lowered:
.L_overlay_start_0:
0x88: {  	s2 =	sld [smem:$0x3FD9]  }
0x89: {  	s3 =	sld [smem:$0x3FFE];
	_ =	sdelay $0x1  }
0x8a: {  	s1 =	srdreg.scid  }
0x8b: {  	s0 =	sand.u32 $0x1, s1  }
0x8c: {  	s17 =	sshll.u32 s0, $0xA;
	s2 =	sadd.s32 s3, s2  }
0x8d: {  	s2 =	sadd.s32 s2, s17  }
0x8e: {  	[smem:$0x3F96] =	sst s2  }
0x8f: {  	_ = 	snop  }
0x90: {  	s2 =	sld [smem:$0x3FD0];
	(tm) =	ssettm $0x1  }
0x91: {  	s18 =	sld [smem:$0x3FFB];
	_ =	sdelay $0x3  }
0x92: {  	_ =	strace s18  }
0x93: {  	s3 =	sld [smem:$0x3FFC];
	_ =	sdelay $0x3  }
0x94: {  	_ =	strace s3  }
0x95: {  	s3 =	sld [smem:$0x3FFD];
	_ =	sdelay $0x3  }
0x96: {  	_ =	strace s3  }
0x97: {  	_ =	strace $0x8FFFFFFF  }
0x98: {  	s19 =	sld [smem:$0x3FDB];
	_ =	sdelay $0x1  }
0x99: {  	s4 =	simm.s32 $_scs_section_size  }
0x9a: {  	s5 =	simm.s32 $_size__tile_overlayer_lowered;
	s6 =	simm.s32 $_tile_overlayer_lowered  }
0x9b: {  	s22 =	simm.s32 $0x1BFF;
	s21 =	sshll.u32 s6, $0x1;
	s3 =	sadd.s32 s4, s19  }
0x9c: {  	s7 =	simm.s32 $0x0;
	s20 =	sshll.u32 s5, $0x1;
	s5 =	sadd.s32 s21, s3  }
0x9d: {  	[timem:s7], [sflag:s22] =	dma.local [hbm:s5], s20  }
0x9e: {  	_ =	swait.ge [sflag:s22], s20  }
0x9f: {  	s4 =	ssub.s32 $0x0, s20;
	[sflag:s22] =	ssyncset.done $0x0  }
0xa0: {  	[sflag:s22] =	ssyncadd.s32 s4;
	_ =	sdelay $0x1  }
0xa1: {  	s23 =	simm.s32 $0x1B8B  }
0xa2: {  	_ =	swait.ge [sflag:s23], $0x1  }
0xa3: {  	[sflag:s23] =	ssyncset.done $0x0  }
0xa4: {  	s25 =	simm.s32 $0x1B8E;
	s24 =	sld [smem:$0x3FFE];
	[sflag:s23] =	ssyncadd.s32 $0xFFFFFFFF  }
0xa5: {  	s26 =	simm.s32 $execute0_lowered;
	[smem:$0x3FD2] =	sst s25  }
0xa6: {  	s5 =	sshll.u32 s26, $0x1;
	_ =	strace $0x80000046;
	[dreg:$0x1] =	wrdreg $0xFFFFFFFF  }
0xa7: {  	s28 =	simm.s32 $_size_execute0_lowered;
	s3 =	sadd.s32 s3, s5;
	[dreg:$0x0] =	wrdreg $0x0  }
0xa8: {  	s5 =	sshll.u32 s28, $0x1;
	[dreg:$0x2] =	wrdreg s3  }
0xa9: {  	[dreg:$0x3] =	wrdreg s5  }
0xaa: {  	[dreg:$0x4] =	wrdreg $0xC0  }
0xab: {  	_ =	task [dreg:s7], $0x5FFFF  }
0xac: {  	[dreg:$0x1] =	wrdreg $0xFFFFFFFF  }
0xad: {  	[dreg:$0x0] =	wrdreg $0x60  }
0xae: {  	[dreg:$0x2] =	wrdreg s2  }
0xaf: {  	[dreg:$0x3] =	wrdreg s24  }
0xb0: {  	[dreg:$0x4] =	wrdreg $0x9  }
0xb1: {  	_ =	task.clear_ibuf [dreg:s7], $0x5FFFF;
	_ =	strace $0x90000046  }
0xb2: {  	s29 =	simm.s32 $0x9;
	_ =	strace $0x80000048  }
0xb3: {  	_ =	swait.ge [sflag:s29], $0x1  }
0xb4: {  	[sflag:s29] =	ssyncadd.s32 $0xFFFFFFFF  }
0xb5: {  	_ =	strace $0x90000048  }
0xb6: {  	_ =	sfence  }
0xb7: {  	s30 =	sld [smem:$0x0];
	_ =	sdelay $0x2  }
0xb8: {  	s31 =	sshll.u32 s1, $0xD;
	s1 =	sshrl.u32 s1, $0x2  }
0xb9: {  	s3 =	sand.u32 $0x4000, s31;
	s1 =	sadd.s32 s1, s30  }
0xba: {  	s0 =	sor.u32 s3, s0;
	s1 =	sshll.u32 s1, $0x11  }
0xbb: {  	s0 =	sor.u32 s1, s0  }
0xbc: {  	s0 =	sadd.s32 $0x8F2B, s0  }
0xbd: {  	[sflag:s0] =	ssyncadd.remote.s32 $0x1  }
0xbe: {  	_ =	sfence.sel $0xFFFF  }
0xbf: {  	[dreg:$0x0] =	wrdreg $0xFFFFFFFF;
	(pc) =	sbr.abs _section_cstart, $3  }
0xc0: {  	[dreg:$0x1] =	wrdreg $0xFFFFFFFF  }
0xc1: {  	_ =	task.clear_ibuf [dreg:s7], $0x2FFFF;
	_ =	strace $0x9FFFFFFF  }
0xc2: {  	(tm) =	ssettm $0x7FFFFFFF  }
0xc3: {  	_ =	shalt  }
tec
execute0_lowered:
.L_overlay_start_1:
0x0: {  	(tag) =	ssettag $0x1  }
0x1: {  	s1 =	srdreg.scid  }
0x2: {  	s0 =	stileid.u32;
	s2 =	rddreg [dreg:$0x0]  }
0x3: {  	s5 =	rddreg [dreg:$0x1];
	s4 =	sand.u32 $0x1, s1;
	s30 =	sshll.u32 s0, $0x1  }
0x4: {  	s3 =	simm.s32 $0x0;
	s10 =	simm.s32 $0x0;
	s6 =	sor.u32 s4, s30  }
0x5: {  	[smem:$0x7FF] =	sst s3;
	s31 =	ssub.s32 $0x2, s4;
	s8 =	smul.u32 $0xA230, s6  }
0x6: {  	s1 =	rddreg [dreg:$0x2];
	_ =	strace $0x80000047;
	s9 =	sshrl.u32 s31, $0x1  }
0x7: {  	s4 =	sadd.s32 $0x9C00, s5;
	s6 =	ssub.s32 s31, s9;
	s7 =	sshrl.u32 s8, $0x3  }
0x8: {  	s9 =	simm.s32 $0xB600;
	s6 =	smax.u32 s6, $0x1;
	s5 =	sadd.s32 s7, s5  }
0x9: {  	v1 =	vimm.f32 $0.0e+00;
	v0 =	vmov s8;
	s8 =	simm.s32 $0x5B00;
	s7 =	simm.s32 $0x1;
	s5 =	sadd.s32 $0xA800, s5  }
.LBB2_1:
0xa: {  	[tilespmem:s3], [sflag:$0x1] =	stream.linear.gather [hbm4b:s2+s3], $0x5B00, $0x38;
	[tilespmem:$0x15880] =	vst v63  }
0xb: {  	_ =	swait.ge [sflag:s7], $0x5B00  }
0xc: {  	[sflag:s7] =	ssyncset.done $0x0  }
0xd: {  	[sflag:s7] =	ssyncadd.s32 $0xFFFFA500  }
0xe: {  	[tilespmem:s8], [sflag:$0x1] =	stream.linear.gather [hbm4b:s4+s3], $0x5B00, $0x38;
	[tilespmem:$0x15880] =	vst v63  }
0xf: {  	_ =	swait.ge [sflag:s7], $0x5B00  }
0x10: {  	[sflag:s7] =	ssyncset.done $0x0  }
0x11: {  	s11 =	simm.s32 $0x0;
	[sflag:s7] =	ssyncadd.s32 $0xFFFFA500  }
.LBB2_2:
0x12: {  	p0 =	sne.s32 s11, $0x28880  }
.Ltmp0:
0x13: {  	_ = 	snop;
	(pc) =	sbr.rel @p0 .LBB2_2-.Ltmp0, $3  }
0x14: {  	_ =	sdelay $0x1  }
0x15: {  	s12 =	sshra.s32 s11, $0x2  }
0x16: {  	s11 =	sadd.s32 $0x40, s11;
	[tilespmem:s12+$0xB600] =	vst v1  }
0x17: {  	s11 =	simm.s32 $0x0;
	s12 =	simm.s32 $0x40  }
.LBB2_4:
0x18: {  	p0 =	sne.s32 s12, $0x16AC0;
	v2 =	vld [tilespmem:s11+$0x0];
	_ =	sdelay $0x4  }
0x19: {  	v3 =	vsub.s32 v2, v0  }
0x1a: {  	vm0 =	vge.s32 v2, v0;
	vm1 =	vlt.s32 v3, $0xA230  }
0x1b: {  	vm0 =	vmand vm0, vm1  }
0x1c: {  	v2 =	vld [tilespmem:s11+$0x5B00]  }
.Ltmp1:
0x1d: {  	(pc) =	sbr.rel @p0 .LBB2_4-.Ltmp1, $2  }
0x1e: {  	_ =	sdelay $0x2  }
0x1f: {  	s11 =	sshra.s32 s12, $0x2;
	s12 =	sadd.s32 $0x40, s12;
	[tilespmem:v3+s9+$0x0] =	vst.idx.msk vm0, v2  }
0x20: {  	v2 =	vld [tilespmem:s11+$0x0];
	_ =	sdelay $0x4  }
0x21: {  	v3 =	vsub.s32 v2, v0  }
0x22: {  	vm0 =	vge.s32 v2, v0;
	vm1 =	vlt.s32 v3, $0xA230  }
0x23: {  	vm0 =	vmand vm0, vm1  }
0x24: {  	v2 =	vld [tilespmem:s11+$0x5B00];
	_ =	sdelay $0x2  }
0x25: {  	s10 =	sadd.s32 $0x1, s10  }
0x26: {  	p0 =	sne.s32 s10, s6  }
.Ltmp2:
0x27: {  	[tilespmem:v3+s9+$0x0] =	vst.idx.msk vm0, v2;
	(pc) =	sbr.rel @p0 .LBB2_1-.Ltmp2, $4  }
0x28: {  	[hbm4b:s5+s3] =	stream.linear.scatter [tilespmem:s9], [sflag:$0x1], $0xA230, $0x38;
	[tilespmem:$0x15880] =	vst v63  }
0x29: {  	_ =	swait.ge [sflag:s7], $0xA230  }
0x2a: {  	[sflag:s7] =	ssyncset.done $0x0  }
0x2b: {  	[sflag:s7] =	ssyncadd.s32 $0xFFFF5DD0  }
0x2c: {  	_ =	sfence.sel $0x180000  }
0x2d: {  	[bflag:$0x0] =	sbarrier.arrive $0xFFFF  }
0x2e: {  	p0 =	sne.s32 s0, $0x0;
	_ =	strace $0x90000047  }
0x2f: {  	s0 =	sadd.s32 @!p0 $0x100000, s1;
	[bflag:$0x2] =	sbarrier.arrive $0xFFFF  }
0x30: {  	[sflag:s0] =	ssyncadd.tile.s32 @!p0 $0x1;
	_ =	shalt  }
.Lfunc_end2:
_tile_overlayer_lowered:
.L_overlay_start_2:
0x31: {  	(tag) =	ssettag $0x2  }
0x32: {  	s0 =	rddreg [dreg:$0x0];
	s2 =	stileid.u32  }
0x33: {  	s1 =	rddreg [dreg:$0x1];
	p0 =	sne.s32 s2, $0x0  }
0x34: {  	s3 =	rddreg [dreg:$0x2];
	[bflag:$0x3] =	sbarrier.arrive $0xFFFF;
	s2 =	simm.s32 @!p0 $0x1C01  }
0x35: {  	[timem:s3], [sflag:s2] =	dma.local @!p0 [hbm:s0], s1  }
0x36: {  	s0 =	simm.s32 @!p0 $0x1  }
0x37: {  	_ =	swait.ge @!p0 [sflag:s0], s1  }
0x38: {  	s1 =	ssub.s32 @!p0 $0x0, s1;
	[sflag:s0] =	ssyncset.done @!p0 $0x0  }
0x39: {  	[sflag:s0] =	ssyncadd.s32 @!p0 s1  }
0x3a: {  	[bflag:$0x3] =	sbarrier.arrive $0xFFFF  }
0x3b: {  	_ =	shalt  }

</sc_bundles>
